<compile_context>
chip_gen: v7x
topology: tpu7x:2x2x1
jax: 0.10.2.dev20260603
libtpu: 0.0.44.dev20260713+nightly
codegen_flags: <defaults>
</compile_context>

<pallas_src>
import functools

import jax
import jax.numpy as jnp
from jax import lax
from jax.experimental import pallas as pl
from jax.experimental.pallas import tpu as pltpu
from jax.experimental.pallas import tpu_sc as plsc

_K = 8192
_D = 32
_NPAD = 800
_NW = 32
_RPW = 25
_BK = 1024
_NB = _K // _BK
_NCAND = 2 * _NB
_BIG = 2**31 - 1



def _cand_kernel(z2t_ref, cb_ref, i1_ref, i2_ref, cbp_ref):
    k_blk = pl.program_id(0)
    z2t = z2t_ref[...]
    cb = cb_ref[...]

    cbp_ref[:, : _D] = cb

    cn = jnp.sum(cb * cb, axis=1)
    cb_aug = jnp.concatenate([cb, cn[:, None]], axis=1)
    s = lax.dot_general(
        cb_aug, z2t, (((1,), (0,)), ((), ())),
        preferred_element_type=jnp.float32,
        precision=lax.Precision.HIGHEST)

    def lexlt(va, ia, vb, ib):
        return (va < vb) | ((va == vb) & (ia < ib))

    def merge(A, B):
        a1, ai1, a2, ai2 = A
        b1, bi1, b2, bi2 = B
        bwin = lexlt(b1, bi1, a1, ai1)
        n1 = jnp.where(bwin, b1, a1)
        ni1 = jnp.where(bwin, bi1, ai1)
        l1 = jnp.where(bwin, a1, b1)
        li1 = jnp.where(bwin, ai1, bi1)
        w2 = jnp.where(bwin, b2, a2)
        wi2 = jnp.where(bwin, bi2, ai2)
        s2w = lexlt(w2, wi2, l1, li1)
        return (n1, ni1,
                jnp.where(s2w, w2, l1), jnp.where(s2w, wi2, li1))

    idx8 = lax.broadcasted_iota(jnp.int32, (8, _NPAD), 0) + k_blk * _BK
    inf8 = jnp.full((8, _NPAD), jnp.inf, jnp.float32)
    zero8 = jnp.zeros((8, _NPAD), jnp.int32)
    accs = []
    for a in range(4):
        m1, i1, m2, i2 = inf8, zero8, inf8, zero8
        for m in range(_BK // 32):
            v = m * 4 + a
            sv = lax.slice(s, (8 * v, 0), (8 * v + 8, _NPAD))
            iv = idx8 + 8 * v
            c1 = sv < m1
            c2 = sv < m2
            m2 = jnp.where(c1, m1, jnp.where(c2, sv, m2))
            i2 = jnp.where(c1, i1, jnp.where(c2, iv, i2))
            m1 = jnp.where(c1, sv, m1)
            i1 = jnp.where(c1, iv, i1)
        accs.append((m1, i1, m2, i2))

    t = merge(merge(accs[0], accs[1]), merge(accs[2], accs[3]))
    r = tuple(lax.slice(x, (0, 0), (1, _NPAD)) for x in t)
    for u in range(1, 8):
        r = merge(r, tuple(lax.slice(x, (u, 0), (u + 1, _NPAD)) for x in t))

    i1_ref[...] = r[1][None]
    i2_ref[...] = r[3][None]


def _candidates(z2t, cb):
    return pl.pallas_call(
        _cand_kernel,
        grid=(_NB,),
        in_specs=[
            pl.BlockSpec((_D + 1, _NPAD), lambda k: (0, 0)),
            pl.BlockSpec((_BK, _D), lambda k: (k, 0)),
        ],
        out_specs=[
            pl.BlockSpec((1, 1, _NPAD), lambda k: (k, 0, 0)),
            pl.BlockSpec((1, 1, _NPAD), lambda k: (k, 0, 0)),
            pl.BlockSpec((_BK, 128), lambda k: (k, 0)),
        ],
        out_shape=[
            jax.ShapeDtypeStruct((_NB, 1, _NPAD), jnp.int32),
            jax.ShapeDtypeStruct((_NB, 1, _NPAD), jnp.int32),
            jax.ShapeDtypeStruct((_K, 128), jnp.float32),
        ],
    )(z2t, cb)



_GDN = lax.GatherDimensionNumbers(
    offset_dims=(), collapsed_slice_dims=(0,), start_index_map=(0,))


def _lperm(v, idx):
    return lax.gather(v, idx[:, None], _GDN, (1,),
                      mode=lax.GatherScatterMode.PROMISE_IN_BOUNDS)


def _sc_rescue_kernel(zw_hbm, cand_hbm, cbp_hbm, out_hbm,
                      zbuf, candbuf, crows, ansbuf, sem_in, sem_g):
    cid = lax.axis_index("c")
    sid = lax.axis_index("s")
    wid = sid * 2 + cid

    cp_z = pltpu.async_copy(zw_hbm.at[wid], zbuf, sem_in)
    cp_c = pltpu.async_copy(cand_hbm.at[wid], candbuf, sem_in)
    cp_z.wait()
    cp_c.wait()

    gathers = []
    for g in range(5):
        gathers.append(pltpu.async_copy(
            cbp_hbm.at[candbuf.at[pl.ds(g * 80, 80)]],
            crows.at[pl.ds(g * 80, 80)],
            sem_g))
    for g in gathers:
        g.wait()

    lanes = lax.iota(jnp.int32, 16)
    zeros = lanes * 0

    def row_body(r, acc):
        acc0, acc1 = acc
        z0 = zbuf[pl.ds(r * _D, 16)]
        z1 = zbuf[pl.ds(r * _D + 16, 16)]

        val = jnp.full((16,), jnp.inf, jnp.float32)
        for j in range(_NCAND):
            row = r * _NCAND + j
            c0 = crows[row, pl.ds(0, 16)]
            c1 = crows[row, pl.ds(16, 16)]
            t0 = z0 - c0
            t1 = z1 - c1
            b = t0 * t0 + t1 * t1
            for st in (8, 4, 2, 1):
                b = b + _lperm(b, (lanes + st) & 15)
            bs = _lperm(b, zeros)
            val = jnp.where(lanes == j, bs, val)

        bi = candbuf[pl.ds(r * _NCAND, _NCAND)]
        bv = val
        for st in (8, 4, 2, 1):
            perm = (lanes + st) & 15
            v2 = _lperm(bv, perm)
            i2v = _lperm(bi, perm)
            t2 = (v2 < bv) | ((v2 == bv) & (i2v < bi))
            bv = jnp.where(t2, v2, bv)
            bi = jnp.where(t2, i2v, bi)
        ans = _lperm(bi, zeros)

        acc0 = jnp.where(lanes == r, ans, acc0)
        acc1 = jnp.where(lanes == (r - 16), ans, acc1)
        return acc0, acc1

    zero = jnp.zeros((16,), jnp.int32)
    acc0, acc1 = lax.fori_loop(0, _RPW, row_body, (zero, zero))
    ansbuf[pl.ds(0, 16)] = acc0
    ansbuf[pl.ds(16, 16)] = acc1
    pltpu.sync_copy(ansbuf, out_hbm.at[wid])


def _sc_rescue(zw, candw, cbp):
    mesh = plsc.VectorSubcoreMesh(core_axis_name="c", subcore_axis_name="s")
    kern = functools.partial(
        pl.kernel,
        out_type=jax.ShapeDtypeStruct((_NW, 32), jnp.int32),
        mesh=mesh,
        scratch_types=[
            pltpu.VMEM((_RPW * _D,), jnp.float32),
            pltpu.VMEM((_RPW * _NCAND,), jnp.int32),
            pltpu.VMEM((_RPW * _NCAND, 128), jnp.float32),
            pltpu.VMEM((32,), jnp.int32),
            pltpu.SemaphoreType.DMA,
            pltpu.SemaphoreType.DMA,
        ],
    )(_sc_rescue_kernel)
    return kern(zw, candw, cbp)


def kernel(inputs, codebook):
    b, t, d = inputs.shape
    z = inputs.reshape(b * t, d)
    z = jnp.pad(z, ((0, _NPAD - b * t), (0, 0)))

    z2t = jnp.concatenate(
        [z.T * jnp.float32(-2), jnp.ones((1, _NPAD), jnp.float32)], axis=0)
    i1, i2, cbp = _candidates(z2t, codebook)

    cands = jnp.concatenate([i1[:, 0, :].T, i2[:, 0, :].T], axis=1)
    candw = cands.reshape(_NW, _RPW * _NCAND)
    zw = z.reshape(_NW, _RPW * _D)

    out = _sc_rescue(zw, candw, cbp)
    idx = out[:, :_RPW].reshape(_NW * _RPW)[: b * t]
    return idx.reshape(b, t)

# --- scband reference (transcript-rebuilt; emitter-appended) ---
"""Pipeline reference for scband-vector-quantizer-31834297598606 (READ-ONLY COPY).

The authoritative reference and input builder live on the scoring server;
editing this copy changes nothing except your own understanding.
"""

import jax, jax.numpy as jnp
import numpy as np

K = 8192
D = 32

def setup_inputs(seed: int = 0) -> dict:
    key = jax.random.key(seed)
    k1, k2 = jax.random.split(key)
    inputs = jax.random.normal(k1, (4, 196, D), dtype=jnp.float32)
    # Keras VarianceScaling(distribution='uniform'), scale=1.0, fan_in mode:
    # limit = sqrt(3 * scale / fan_in), fan_in = K for shape (K, D)
    limit = float(np.sqrt(3.0 / K))
    codebook = jax.random.uniform(k2, (K, D), dtype=jnp.float32, minval=-limit, maxval=limit)
    return {"inputs": inputs, "codebook": codebook}

def reference(inputs, codebook):
    # Faithful translation of VectorQuantizer.call
    lookup_ = jnp.reshape(codebook, (1, 1, K, D))
    z_e = jnp.expand_dims(inputs, -2)               # [B, T, 1, D]
    dist = jnp.linalg.norm(z_e - lookup_, axis=-1)  # [B, T, K]
    k_index = jnp.argmin(dist, axis=-1)             # [B, T]
    return k_index

if __name__ == "__main__":
    import jax
    _d = setup_inputs()
    print(jax.jit(kernel)(*tuple(_d.values())))

</pallas_src>

<mosaic_0001>
#map = affine_map<(d0, d1) -> (0, 0)>
module attributes {stable_mosaic.version = 14 : i64} {
  func.func @_sc_rescue_kernel(%arg0: i32, %arg1: i32, %arg2: memref<32x800xf32, #tpu.memory_space<hbm>>, %arg3: memref<32x400xi32, #tpu.memory_space<hbm>>, %arg4: memref<8192x128xf32, #tpu.memory_space<hbm>>, %arg5: memref<32x32xi32, #tpu.memory_space<hbm>>, %arg6: memref<800xf32, #tpu.memory_space<vmem>>, %arg7: memref<400xi32, #tpu.memory_space<vmem>>, %arg8: memref<400x128xf32, #tpu.memory_space<vmem>>, %arg9: memref<32xi32, #tpu.memory_space<vmem>>, %arg10: memref<!tpu.dma_semaphore, #tpu.memory_space<semaphore_mem>>, %arg11: memref<!tpu.dma_semaphore, #tpu.memory_space<semaphore_mem>>) attributes {dimension_semantics = [#tpu.dimension_semantics<core_parallel>, #tpu.dimension_semantics<subcore_parallel>], iteration_bounds = array<i64: 2, 16>, scalar_prefetch = 0 : i64, scratch_operands = 6 : i64, tpu.core_type = #tpu.core_type<sc_vector_subcore>, window_params = [{transform_indices = #map}, {transform_indices = #map}, {transform_indices = #map}, {transform_indices = #map}]} {
    %mul3A = arith.constant 2 : i32
    %mul3A_0 = arith.muli %arg1, %mul3A : i32
    %add3A = arith.addi %mul3A_0, %arg0 : i32
    %dma_start3A = arith.constant 0 : i32
    %dma_start3A_1 = tpu.memref_slice %arg2[%add3A, %dma_start3A] : memref<32x800xf32, #tpu.memory_space<hbm>> -> memref<1x800xf32, #tpu.memory_space<hbm>>
    %dma_start3A_2 = tpu.memref_squeeze %dma_start3A_1 : memref<1x800xf32, #tpu.memory_space<hbm>> -> memref<800xf32, #tpu.memory_space<hbm>>
    %dma_start3A_3 = arith.constant 0 : i32
    %dma_start3A_4 = tpu.memref_slice %arg2[%add3A, %dma_start3A_3] : memref<32x800xf32, #tpu.memory_space<hbm>> -> memref<1x800xf32, #tpu.memory_space<hbm>>
    %dma_start3A_5 = tpu.memref_squeeze %dma_start3A_4 : memref<1x800xf32, #tpu.memory_space<hbm>> -> memref<800xf32, #tpu.memory_space<hbm>>
    tpu.enqueue_dma source(%dma_start3A_5 : memref<800xf32, #tpu.memory_space<hbm>>) target(%arg6 : memref<800xf32, #tpu.memory_space<vmem>>) target_semaphore(%arg10 : memref<!tpu.dma_semaphore, #tpu.memory_space<semaphore_mem>>)
    %dma_start3A_6 = arith.constant 0 : i32
    %dma_start3A_7 = tpu.memref_slice %arg3[%add3A, %dma_start3A_6] : memref<32x400xi32, #tpu.memory_space<hbm>> -> memref<1x400xi32, #tpu.memory_space<hbm>>
    %dma_start3A_8 = tpu.memref_squeeze %dma_start3A_7 : memref<1x400xi32, #tpu.memory_space<hbm>> -> memref<400xi32, #tpu.memory_space<hbm>>
    %dma_start3A_9 = arith.constant 0 : i32
    %dma_start3A_10 = tpu.memref_slice %arg3[%add3A, %dma_start3A_9] : memref<32x400xi32, #tpu.memory_space<hbm>> -> memref<1x400xi32, #tpu.memory_space<hbm>>
    %dma_start3A_11 = tpu.memref_squeeze %dma_start3A_10 : memref<1x400xi32, #tpu.memory_space<hbm>> -> memref<400xi32, #tpu.memory_space<hbm>>
    tpu.enqueue_dma source(%dma_start3A_11 : memref<400xi32, #tpu.memory_space<hbm>>) target(%arg7 : memref<400xi32, #tpu.memory_space<vmem>>) target_semaphore(%arg10 : memref<!tpu.dma_semaphore, #tpu.memory_space<semaphore_mem>>)
    %dma_wait3A = arith.constant 0 : i32
    %dma_wait3A_12 = tpu.memref_slice %arg2[%add3A, %dma_wait3A] : memref<32x800xf32, #tpu.memory_space<hbm>> -> memref<1x800xf32, #tpu.memory_space<hbm>>
    %dma_wait3A_13 = tpu.memref_squeeze %dma_wait3A_12 : memref<1x800xf32, #tpu.memory_space<hbm>> -> memref<800xf32, #tpu.memory_space<hbm>>
    %dma_wait3A_14 = arith.constant 0 : i32
    %dma_wait3A_15 = tpu.memref_slice %arg2[%add3A, %dma_wait3A_14] : memref<32x800xf32, #tpu.memory_space<hbm>> -> memref<1x800xf32, #tpu.memory_space<hbm>>
    %dma_wait3A_16 = tpu.memref_squeeze %dma_wait3A_15 : memref<1x800xf32, #tpu.memory_space<hbm>> -> memref<800xf32, #tpu.memory_space<hbm>>
    tpu.wait_dma2 semaphore(%arg10 : memref<!tpu.dma_semaphore, #tpu.memory_space<semaphore_mem>>) src(%dma_wait3A_16 : memref<800xf32, #tpu.memory_space<hbm>>) dst(%arg6 : memref<800xf32, #tpu.memory_space<vmem>>)
    %dma_wait3A_17 = arith.constant 0 : i32
    %dma_wait3A_18 = tpu.memref_slice %arg3[%add3A, %dma_wait3A_17] : memref<32x400xi32, #tpu.memory_space<hbm>> -> memref<1x400xi32, #tpu.memory_space<hbm>>
    %dma_wait3A_19 = tpu.memref_squeeze %dma_wait3A_18 : memref<1x400xi32, #tpu.memory_space<hbm>> -> memref<400xi32, #tpu.memory_space<hbm>>
    %dma_wait3A_20 = arith.constant 0 : i32
    %dma_wait3A_21 = tpu.memref_slice %arg3[%add3A, %dma_wait3A_20] : memref<32x400xi32, #tpu.memory_space<hbm>> -> memref<1x400xi32, #tpu.memory_space<hbm>>
    %dma_wait3A_22 = tpu.memref_squeeze %dma_wait3A_21 : memref<1x400xi32, #tpu.memory_space<hbm>> -> memref<400xi32, #tpu.memory_space<hbm>>
    tpu.wait_dma2 semaphore(%arg10 : memref<!tpu.dma_semaphore, #tpu.memory_space<semaphore_mem>>) src(%dma_wait3A_22 : memref<400xi32, #tpu.memory_space<hbm>>) dst(%arg7 : memref<400xi32, #tpu.memory_space<vmem>>)
    %dma_start3A_23 = arith.constant 0 : i32
    %dma_start3A_24 = arith.constant 0 : i32
    %dma_start3A_25 = tpu.memref_slice %arg8[%dma_start3A_23, %dma_start3A_24] : memref<400x128xf32, #tpu.memory_space<vmem>> -> memref<80x128xf32, #tpu.memory_space<vmem>>
    %dma_start3A_26 = arith.constant 0 : i32
    %dma_start3A_27 = tpu.memref_slice %arg7[%dma_start3A_26] : memref<400xi32, #tpu.memory_space<vmem>> -> memref<80xi32, #tpu.memory_space<vmem>>
    %dma_start3A_28 = arith.constant 0 : i32
    %dma_start3A_29 = arith.constant 0 : i32
    %dma_start3A_30 = tpu.memref_slice %arg4[%dma_start3A_28, %dma_start3A_29] : memref<8192x128xf32, #tpu.memory_space<hbm>> -> memref<8192x128xf32, #tpu.memory_space<hbm>>
    tpu.enqueue_indirect_dma source(%dma_start3A_30 : memref<8192x128xf32, #tpu.memory_space<hbm>>) target(%dma_start3A_25 : memref<80x128xf32, #tpu.memory_space<vmem>>) offsets(%dma_start3A_27 : memref<80xi32, #tpu.memory_space<vmem>>) semaphore(%arg11 : memref<!tpu.dma_semaphore, #tpu.memory_space<semaphore_mem>>)
    %dma_start3A_31 = arith.constant 80 : i32
    %dma_start3A_32 = arith.constant 0 : i32
    %dma_start3A_33 = tpu.memref_slice %arg8[%dma_start3A_31, %dma_start3A_32] : memref<400x128xf32, #tpu.memory_space<vmem>> -> memref<80x128xf32, #tpu.memory_space<vmem>>
    %dma_start3A_34 = arith.constant 80 : i32
    %dma_start3A_35 = tpu.memref_slice %arg7[%dma_start3A_34] : memref<400xi32, #tpu.memory_space<vmem>> -> memref<80xi32, #tpu.memory_space<vmem>>
    %dma_start3A_36 = arith.constant 0 : i32
    %dma_start3A_37 = arith.constant 0 : i32
    %dma_start3A_38 = tpu.memref_slice %arg4[%dma_start3A_36, %dma_start3A_37] : memref<8192x128xf32, #tpu.memory_space<hbm>> -> memref<8192x128xf32, #tpu.memory_space<hbm>>
    tpu.enqueue_indirect_dma source(%dma_start3A_38 : memref<8192x128xf32, #tpu.memory_space<hbm>>) target(%dma_start3A_33 : memref<80x128xf32, #tpu.memory_space<vmem>>) offsets(%dma_start3A_35 : memref<80xi32, #tpu.memory_space<vmem>>) semaphore(%arg11 : memref<!tpu.dma_semaphore, #tpu.memory_space<semaphore_mem>>)
    %dma_start3A_39 = arith.constant 160 : i32
    %dma_start3A_40 = arith.constant 0 : i32
    %dma_start3A_41 = tpu.memref_slice %arg8[%dma_start3A_39, %dma_start3A_40] : memref<400x128xf32, #tpu.memory_space<vmem>> -> memref<80x128xf32, #tpu.memory_space<vmem>>
    %dma_start3A_42 = arith.constant 160 : i32
    %dma_start3A_43 = tpu.memref_slice %arg7[%dma_start3A_42] : memref<400xi32, #tpu.memory_space<vmem>> -> memref<80xi32, #tpu.memory_space<vmem>>
    %dma_start3A_44 = arith.constant 0 : i32
    %dma_start3A_45 = arith.constant 0 : i32
    %dma_start3A_46 = tpu.memref_slice %arg4[%dma_start3A_44, %dma_start3A_45] : memref<8192x128xf32, #tpu.memory_space<hbm>> -> memref<8192x128xf32, #tpu.memory_space<hbm>>
    tpu.enqueue_indirect_dma source(%dma_start3A_46 : memref<8192x128xf32, #tpu.memory_space<hbm>>) target(%dma_start3A_41 : memref<80x128xf32, #tpu.memory_space<vmem>>) offsets(%dma_start3A_43 : memref<80xi32, #tpu.memory_space<vmem>>) semaphore(%arg11 : memref<!tpu.dma_semaphore, #tpu.memory_space<semaphore_mem>>)
    %dma_start3A_47 = arith.constant 240 : i32
    %dma_start3A_48 = arith.constant 0 : i32
    %dma_start3A_49 = tpu.memref_slice %arg8[%dma_start3A_47, %dma_start3A_48] : memref<400x128xf32, #tpu.memory_space<vmem>> -> memref<80x128xf32, #tpu.memory_space<vmem>>
    %dma_start3A_50 = arith.constant 240 : i32
    %dma_start3A_51 = tpu.memref_slice %arg7[%dma_start3A_50] : memref<400xi32, #tpu.memory_space<vmem>> -> memref<80xi32, #tpu.memory_space<vmem>>
    %dma_start3A_52 = arith.constant 0 : i32
    %dma_start3A_53 = arith.constant 0 : i32
    %dma_start3A_54 = tpu.memref_slice %arg4[%dma_start3A_52, %dma_start3A_53] : memref<8192x128xf32, #tpu.memory_space<hbm>> -> memref<8192x128xf32, #tpu.memory_space<hbm>>
    tpu.enqueue_indirect_dma source(%dma_start3A_54 : memref<8192x128xf32, #tpu.memory_space<hbm>>) target(%dma_start3A_49 : memref<80x128xf32, #tpu.memory_space<vmem>>) offsets(%dma_start3A_51 : memref<80xi32, #tpu.memory_space<vmem>>) semaphore(%arg11 : memref<!tpu.dma_semaphore, #tpu.memory_space<semaphore_mem>>)
    %dma_start3A_55 = arith.constant 320 : i32
    %dma_start3A_56 = arith.constant 0 : i32
    %dma_start3A_57 = tpu.memref_slice %arg8[%dma_start3A_55, %dma_start3A_56] : memref<400x128xf32, #tpu.memory_space<vmem>> -> memref<80x128xf32, #tpu.memory_space<vmem>>
    %dma_start3A_58 = arith.constant 320 : i32
    %dma_start3A_59 = tpu.memref_slice %arg7[%dma_start3A_58] : memref<400xi32, #tpu.memory_space<vmem>> -> memref<80xi32, #tpu.memory_space<vmem>>
    %dma_start3A_60 = arith.constant 0 : i32
    %dma_start3A_61 = arith.constant 0 : i32
    %dma_start3A_62 = tpu.memref_slice %arg4[%dma_start3A_60, %dma_start3A_61] : memref<8192x128xf32, #tpu.memory_space<hbm>> -> memref<8192x128xf32, #tpu.memory_space<hbm>>
    tpu.enqueue_indirect_dma source(%dma_start3A_62 : memref<8192x128xf32, #tpu.memory_space<hbm>>) target(%dma_start3A_57 : memref<80x128xf32, #tpu.memory_space<vmem>>) offsets(%dma_start3A_59 : memref<80xi32, #tpu.memory_space<vmem>>) semaphore(%arg11 : memref<!tpu.dma_semaphore, #tpu.memory_space<semaphore_mem>>)
    %dma_wait3A_63 = arith.constant 0 : i32
    %dma_wait3A_64 = arith.constant 0 : i32
    %dma_wait3A_65 = tpu.memref_slice %arg8[%dma_wait3A_63, %dma_wait3A_64] : memref<400x128xf32, #tpu.memory_space<vmem>> -> memref<80x128xf32, #tpu.memory_space<vmem>>
    %dma_wait3A_66 = arith.constant 0 : i32
    %dma_wait3A_67 = tpu.memref_slice %arg7[%dma_wait3A_66] : memref<400xi32, #tpu.memory_space<vmem>> -> memref<80xi32, #tpu.memory_space<vmem>>
    %dma_wait3A_68 = arith.constant 0 : i32
    %dma_wait3A_69 = arith.constant 0 : i32
    %dma_wait3A_70 = tpu.memref_slice %arg4[%dma_wait3A_68, %dma_wait3A_69] : memref<8192x128xf32, #tpu.memory_space<hbm>> -> memref<8192x128xf32, #tpu.memory_space<hbm>>
    tpu.wait_indirect_dma semaphore(%arg11 : memref<!tpu.dma_semaphore, #tpu.memory_space<semaphore_mem>>) src(%dma_wait3A_70 : memref<8192x128xf32, #tpu.memory_space<hbm>>) dst(%dma_wait3A_65 : memref<80x128xf32, #tpu.memory_space<vmem>>)
    %dma_wait3A_71 = arith.constant 80 : i32
    %dma_wait3A_72 = arith.constant 0 : i32
    %dma_wait3A_73 = tpu.memref_slice %arg8[%dma_wait3A_71, %dma_wait3A_72] : memref<400x128xf32, #tpu.memory_space<vmem>> -> memref<80x128xf32, #tpu.memory_space<vmem>>
    %dma_wait3A_74 = arith.constant 80 : i32
    %dma_wait3A_75 = tpu.memref_slice %arg7[%dma_wait3A_74] : memref<400xi32, #tpu.memory_space<vmem>> -> memref<80xi32, #tpu.memory_space<vmem>>
    %dma_wait3A_76 = arith.constant 0 : i32
    %dma_wait3A_77 = arith.constant 0 : i32
    %dma_wait3A_78 = tpu.memref_slice %arg4[%dma_wait3A_76, %dma_wait3A_77] : memref<8192x128xf32, #tpu.memory_space<hbm>> -> memref<8192x128xf32, #tpu.memory_space<hbm>>
    tpu.wait_indirect_dma semaphore(%arg11 : memref<!tpu.dma_semaphore, #tpu.memory_space<semaphore_mem>>) src(%dma_wait3A_78 : memref<8192x128xf32, #tpu.memory_space<hbm>>) dst(%dma_wait3A_73 : memref<80x128xf32, #tpu.memory_space<vmem>>)
    %dma_wait3A_79 = arith.constant 160 : i32
    %dma_wait3A_80 = arith.constant 0 : i32
    %dma_wait3A_81 = tpu.memref_slice %arg8[%dma_wait3A_79, %dma_wait3A_80] : memref<400x128xf32, #tpu.memory_space<vmem>> -> memref<80x128xf32, #tpu.memory_space<vmem>>
    %dma_wait3A_82 = arith.constant 160 : i32
    %dma_wait3A_83 = tpu.memref_slice %arg7[%dma_wait3A_82] : memref<400xi32, #tpu.memory_space<vmem>> -> memref<80xi32, #tpu.memory_space<vmem>>
    %dma_wait3A_84 = arith.constant 0 : i32
    %dma_wait3A_85 = arith.constant 0 : i32
    %dma_wait3A_86 = tpu.memref_slice %arg4[%dma_wait3A_84, %dma_wait3A_85] : memref<8192x128xf32, #tpu.memory_space<hbm>> -> memref<8192x128xf32, #tpu.memory_space<hbm>>
    tpu.wait_indirect_dma semaphore(%arg11 : memref<!tpu.dma_semaphore, #tpu.memory_space<semaphore_mem>>) src(%dma_wait3A_86 : memref<8192x128xf32, #tpu.memory_space<hbm>>) dst(%dma_wait3A_81 : memref<80x128xf32, #tpu.memory_space<vmem>>)
    %dma_wait3A_87 = arith.constant 240 : i32
    %dma_wait3A_88 = arith.constant 0 : i32
    %dma_wait3A_89 = tpu.memref_slice %arg8[%dma_wait3A_87, %dma_wait3A_88] : memref<400x128xf32, #tpu.memory_space<vmem>> -> memref<80x128xf32, #tpu.memory_space<vmem>>
    %dma_wait3A_90 = arith.constant 240 : i32
    %dma_wait3A_91 = tpu.memref_slice %arg7[%dma_wait3A_90] : memref<400xi32, #tpu.memory_space<vmem>> -> memref<80xi32, #tpu.memory_space<vmem>>
    %dma_wait3A_92 = arith.constant 0 : i32
    %dma_wait3A_93 = arith.constant 0 : i32
    %dma_wait3A_94 = tpu.memref_slice %arg4[%dma_wait3A_92, %dma_wait3A_93] : memref<8192x128xf32, #tpu.memory_space<hbm>> -> memref<8192x128xf32, #tpu.memory_space<hbm>>
    tpu.wait_indirect_dma semaphore(%arg11 : memref<!tpu.dma_semaphore, #tpu.memory_space<semaphore_mem>>) src(%dma_wait3A_94 : memref<8192x128xf32, #tpu.memory_space<hbm>>) dst(%dma_wait3A_89 : memref<80x128xf32, #tpu.memory_space<vmem>>)
    %dma_wait3A_95 = arith.constant 320 : i32
    %dma_wait3A_96 = arith.constant 0 : i32
    %dma_wait3A_97 = tpu.memref_slice %arg8[%dma_wait3A_95, %dma_wait3A_96] : memref<400x128xf32, #tpu.memory_space<vmem>> -> memref<80x128xf32, #tpu.memory_space<vmem>>
    %dma_wait3A_98 = arith.constant 320 : i32
    %dma_wait3A_99 = tpu.memref_slice %arg7[%dma_wait3A_98] : memref<400xi32, #tpu.memory_space<vmem>> -> memref<80xi32, #tpu.memory_space<vmem>>
    %dma_wait3A_100 = arith.constant 0 : i32
    %dma_wait3A_101 = arith.constant 0 : i32
    %dma_wait3A_102 = tpu.memref_slice %arg4[%dma_wait3A_100, %dma_wait3A_101] : memref<8192x128xf32, #tpu.memory_space<hbm>> -> memref<8192x128xf32, #tpu.memory_space<hbm>>
    tpu.wait_indirect_dma semaphore(%arg11 : memref<!tpu.dma_semaphore, #tpu.memory_space<semaphore_mem>>) src(%dma_wait3A_102 : memref<8192x128xf32, #tpu.memory_space<hbm>>) dst(%dma_wait3A_97 : memref<80x128xf32, #tpu.memory_space<vmem>>)
    %iota3A = tpu.iota {dimensions = array<i32: 0>} : vector<16xi32>
    %mul3A_103 = arith.constant 0 : i32
    %mul3A_104 = vector.broadcast %mul3A_103 : i32 to vector<16xi32>
    %mul3A_105 = arith.muli %iota3A, %mul3A_104 : vector<16xi32>
    %broadcast_in_dim3A = arith.constant 0 : i32
    %broadcast_in_dim3A_106 = vector.broadcast %broadcast_in_dim3A : i32 to vector<16xi32>
    %scan3A = arith.constant 0 : i32
    %scan3A_107 = arith.constant 25 : i32
    %scan3A_108 = arith.addi %scan3A, %scan3A_107 : i32
    %scan3A_109 = arith.constant 1 : i32
    %scan3A_110:2 = scf.for %scan3A_119 = %scan3A to %scan3A_108 step %scan3A_109 iter_args(%scan3A_120 = %broadcast_in_dim3A_106, %scan3A_121 = %broadcast_in_dim3A_106) -> (vector<16xi32>, vector<16xi32>)  : i32 {
      %mul3A_122 = arith.constant 32 : i32
      %mul3A_123 = arith.muli %scan3A_119, %mul3A_122 : i32
      %get3A = arith.index_cast %mul3A_123 : i32 to index
      %get3A_124 = tpu.vector_load %arg6[%get3A] {strides = array<i32>} : memref<800xf32, #tpu.memory_space<vmem>>, vector<16xf32>,
      %get3A_125 = vector.shape_cast %get3A_124 : vector<16xf32> to vector<16xf32>
      %mul3A_126 = arith.constant 32 : i32
      %mul3A_127 = arith.muli %scan3A_119, %mul3A_126 : i32
      %add3A_128 = arith.constant 16 : i32
      %add3A_129 = arith.addi %mul3A_127, %add3A_128 : i32
      %get3A_130 = arith.index_cast %add3A_129 : i32 to index
      %get3A_131 = tpu.vector_load %arg6[%get3A_130] {strides = array<i32>} : memref<800xf32, #tpu.memory_space<vmem>>, vector<16xf32>,
      %get3A_132 = vector.shape_cast %get3A_131 : vector<16xf32> to vector<16xf32>
      %broadcast_in_dim3A_133 = arith.constant 0x7F800000 : f32
      %broadcast_in_dim3A_134 = vector.broadcast %broadcast_in_dim3A_133 : f32 to vector<16xf32>
      %mul3A_135 = arith.constant 16 : i32
      %mul3A_136 = arith.muli %scan3A_119, %mul3A_135 : i32
      %add3A_137 = arith.constant 0 : i32
      %add3A_138 = arith.addi %mul3A_136, %add3A_137 : i32
      %get3A_139 = arith.index_cast %add3A_138 : i32 to index
      %get3A_140 = arith.constant 0 : index
      %get3A_141 = tpu.vector_load %arg8[%get3A_139, %get3A_140] {strides = array<i32>} : memref<400x128xf32, #tpu.memory_space<vmem>>, vector<1x16xf32>,
      %get3A_142 = vector.shape_cast %get3A_141 : vector<1x16xf32> to vector<16xf32>
      %get3A_143 = arith.index_cast %add3A_138 : i32 to index
      %get3A_144 = arith.constant 16 : index
      %get3A_145 = tpu.vector_load %arg8[%get3A_143, %get3A_144] {strides = array<i32>} : memref<400x128xf32, #tpu.memory_space<vmem>>, vector<1x16xf32>,
      %get3A_146 = vector.shape_cast %get3A_145 : vector<1x16xf32> to vector<16xf32>
      %sub3A = arith.subf %get3A_125, %get3A_142 : vector<16xf32>
      %sub3A_147 = arith.subf %get3A_132, %get3A_146 : vector<16xf32>
      %mul3A_148 = arith.mulf %sub3A, %sub3A : vector<16xf32>
      %mul3A_149 = arith.mulf %sub3A_147, %sub3A_147 : vector<16xf32>
      %add3A_150 = arith.addf %mul3A_148, %mul3A_149 : vector<16xf32>
      %add3A_151 = arith.constant 8 : i32
      %add3A_152 = vector.broadcast %add3A_151 : i32 to vector<16xi32>
      %add3A_153 = arith.addi %iota3A, %add3A_152 : vector<16xi32>
      %and3A = arith.constant 15 : i32
      %and3A_154 = vector.broadcast %and3A : i32 to vector<16xi32>
      %and3A_155 = arith.andi %add3A_153, %and3A_154 : vector<16xi32>
      %broadcast_in_dim3A_156 = vector.shape_cast %and3A_155 : vector<16xi32> to vector<16x1xi32>
      %gather3A = vector.shape_cast %broadcast_in_dim3A_156 : vector<16x1xi32> to vector<16xi32>
      %gather3A_157 = tpu.dynamic_gather %add3A_150[%gather3A] in [0] : vector<16xf32>, vector<16xi32> -> vector<16xf32>
      %add3A_158 = arith.addf %add3A_150, %gather3A_157 : vector<16xf32>
      %add3A_159 = arith.constant 4 : i32
      %add3A_160 = vector.broadcast %add3A_159 : i32 to vector<16xi32>
      %add3A_161 = arith.addi %iota3A, %add3A_160 : vector<16xi32>
      %and3A_162 = arith.constant 15 : i32
      %and3A_163 = vector.broadcast %and3A_162 : i32 to vector<16xi32>
      %and3A_164 = arith.andi %add3A_161, %and3A_163 : vector<16xi32>
      %broadcast_in_dim3A_165 = vector.shape_cast %and3A_164 : vector<16xi32> to vector<16x1xi32>
      %gather3A_166 = vector.shape_cast %broadcast_in_dim3A_165 : vector<16x1xi32> to vector<16xi32>
      %gather3A_167 = tpu.dynamic_gather %add3A_158[%gather3A_166] in [0] : vector<16xf32>, vector<16xi32> -> vector<16xf32>
      %add3A_168 = arith.addf %add3A_158, %gather3A_167 : vector<16xf32>
      %add3A_169 = arith.constant 2 : i32
      %add3A_170 = vector.broadcast %add3A_169 : i32 to vector<16xi32>
      %add3A_171 = arith.addi %iota3A, %add3A_170 : vector<16xi32>
      %and3A_172 = arith.constant 15 : i32
      %and3A_173 = vector.broadcast %and3A_172 : i32 to vector<16xi32>
      %and3A_174 = arith.andi %add3A_171, %and3A_173 : vector<16xi32>
      %broadcast_in_dim3A_175 = vector.shape_cast %and3A_174 : vector<16xi32> to vector<16x1xi32>
      %gather3A_176 = vector.shape_cast %broadcast_in_dim3A_175 : vector<16x1xi32> to vector<16xi32>
      %gather3A_177 = tpu.dynamic_gather %add3A_168[%gather3A_176] in [0] : vector<16xf32>, vector<16xi32> -> vector<16xf32>
      %add3A_178 = arith.addf %add3A_168, %gather3A_177 : vector<16xf32>
      %add3A_179 = arith.constant 1 : i32
      %add3A_180 = vector.broadcast %add3A_179 : i32 to vector<16xi32>
      %add3A_181 = arith.addi %iota3A, %add3A_180 : vector<16xi32>
      %and3A_182 = arith.constant 15 : i32
      %and3A_183 = vector.broadcast %and3A_182 : i32 to vector<16xi32>
      %and3A_184 = arith.andi %add3A_181, %and3A_183 : vector<16xi32>
      %broadcast_in_dim3A_185 = vector.shape_cast %and3A_184 : vector<16xi32> to vector<16x1xi32>
      %gather3A_186 = vector.shape_cast %broadcast_in_dim3A_185 : vector<16x1xi32> to vector<16xi32>
      %gather3A_187 = tpu.dynamic_gather %add3A_178[%gather3A_186] in [0] : vector<16xf32>, vector<16xi32> -> vector<16xf32>
      %add3A_188 = arith.addf %add3A_178, %gather3A_187 : vector<16xf32>
      %broadcast_in_dim3A_189 = vector.shape_cast %mul3A_105 : vector<16xi32> to vector<16x1xi32>
      %gather3A_190 = vector.shape_cast %broadcast_in_dim3A_189 : vector<16x1xi32> to vector<16xi32>
      %gather3A_191 = tpu.dynamic_gather %add3A_188[%gather3A_190] in [0] : vector<16xf32>, vector<16xi32> -> vector<16xf32>
      %eq3A = arith.constant 0 : i32
      %eq3A_192 = vector.broadcast %eq3A : i32 to vector<16xi32>
      %eq3A_193 = arith.cmpi eq, %iota3A, %eq3A_192 : vector<16xi32>
      %select_n3A = arith.select %eq3A_193, %gather3A_191, %broadcast_in_dim3A_134 : vector<16xi1>, vector<16xf32>
      %mul3A_194 = arith.constant 16 : i32
      %mul3A_195 = arith.muli %scan3A_119, %mul3A_194 : i32
      %add3A_196 = arith.constant 1 : i32
      %add3A_197 = arith.addi %mul3A_195, %add3A_196 : i32
      %get3A_198 = arith.index_cast %add3A_197 : i32 to index
      %get3A_199 = arith.constant 0 : index
      %get3A_200 = tpu.vector_load %arg8[%get3A_198, %get3A_199] {strides = array<i32>} : memref<400x128xf32, #tpu.memory_space<vmem>>, vector<1x16xf32>,
      %get3A_201 = vector.shape_cast %get3A_200 : vector<1x16xf32> to vector<16xf32>
      %get3A_202 = arith.index_cast %add3A_197 : i32 to index
      %get3A_203 = arith.constant 16 : index
      %get3A_204 = tpu.vector_load %arg8[%get3A_202, %get3A_203] {strides = array<i32>} : memref<400x128xf32, #tpu.memory_space<vmem>>, vector<1x16xf32>,
      %get3A_205 = vector.shape_cast %get3A_204 : vector<1x16xf32> to vector<16xf32>
      %sub3A_206 = arith.subf %get3A_125, %get3A_201 : vector<16xf32>
      %sub3A_207 = arith.subf %get3A_132, %get3A_205 : vector<16xf32>
      %mul3A_208 = arith.mulf %sub3A_206, %sub3A_206 : vector<16xf32>
      %mul3A_209 = arith.mulf %sub3A_207, %sub3A_207 : vector<16xf32>
      %add3A_210 = arith.addf %mul3A_208, %mul3A_209 : vector<16xf32>
      %add3A_211 = arith.constant 8 : i32
      %add3A_212 = vector.broadcast %add3A_211 : i32 to vector<16xi32>
      %add3A_213 = arith.addi %iota3A, %add3A_212 : vector<16xi32>
      %and3A_214 = arith.constant 15 : i32
      %and3A_215 = vector.broadcast %and3A_214 : i32 to vector<16xi32>
      %and3A_216 = arith.andi %add3A_213, %and3A_215 : vector<16xi32>
      %broadcast_in_dim3A_217 = vector.shape_cast %and3A_216 : vector<16xi32> to vector<16x1xi32>
      %gather3A_218 = vector.shape_cast %broadcast_in_dim3A_217 : vector<16x1xi32> to vector<16xi32>
      %gather3A_219 = tpu.dynamic_gather %add3A_210[%gather3A_218] in [0] : vector<16xf32>, vector<16xi32> -> vector<16xf32>
      %add3A_220 = arith.addf %add3A_210, %gather3A_219 : vector<16xf32>
      %add3A_221 = arith.constant 4 : i32
      %add3A_222 = vector.broadcast %add3A_221 : i32 to vector<16xi32>
      %add3A_223 = arith.addi %iota3A, %add3A_222 : vector<16xi32>
      %and3A_224 = arith.constant 15 : i32
      %and3A_225 = vector.broadcast %and3A_224 : i32 to vector<16xi32>
      %and3A_226 = arith.andi %add3A_223, %and3A_225 : vector<16xi32>
      %broadcast_in_dim3A_227 = vector.shape_cast %and3A_226 : vector<16xi32> to vector<16x1xi32>
      %gather3A_228 = vector.shape_cast %broadcast_in_dim3A_227 : vector<16x1xi32> to vector<16xi32>
      %gather3A_229 = tpu.dynamic_gather %add3A_220[%gather3A_228] in [0] : vector<16xf32>, vector<16xi32> -> vector<16xf32>
      %add3A_230 = arith.addf %add3A_220, %gather3A_229 : vector<16xf32>
      %add3A_231 = arith.constant 2 : i32
      %add3A_232 = vector.broadcast %add3A_231 : i32 to vector<16xi32>
      %add3A_233 = arith.addi %iota3A, %add3A_232 : vector<16xi32>
      %and3A_234 = arith.constant 15 : i32
      %and3A_235 = vector.broadcast %and3A_234 : i32 to vector<16xi32>
      %and3A_236 = arith.andi %add3A_233, %and3A_235 : vector<16xi32>
      %broadcast_in_dim3A_237 = vector.shape_cast %and3A_236 : vector<16xi32> to vector<16x1xi32>
      %gather3A_238 = vector.shape_cast %broadcast_in_dim3A_237 : vector<16x1xi32> to vector<16xi32>
      %gather3A_239 = tpu.dynamic_gather %add3A_230[%gather3A_238] in [0] : vector<16xf32>, vector<16xi32> -> vector<16xf32>
      %add3A_240 = arith.addf %add3A_230, %gather3A_239 : vector<16xf32>
      %add3A_241 = arith.constant 1 : i32
      %add3A_242 = vector.broadcast %add3A_241 : i32 to vector<16xi32>
      %add3A_243 = arith.addi %iota3A, %add3A_242 : vector<16xi32>
      %and3A_244 = arith.constant 15 : i32
      %and3A_245 = vector.broadcast %and3A_244 : i32 to vector<16xi32>
      %and3A_246 = arith.andi %add3A_243, %and3A_245 : vector<16xi32>
      %broadcast_in_dim3A_247 = vector.shape_cast %and3A_246 : vector<16xi32> to vector<16x1xi32>
      %gather3A_248 = vector.shape_cast %broadcast_in_dim3A_247 : vector<16x1xi32> to vector<16xi32>
      %gather3A_249 = tpu.dynamic_gather %add3A_240[%gather3A_248] in [0] : vector<16xf32>, vector<16xi32> -> vector<16xf32>
      %add3A_250 = arith.addf %add3A_240, %gather3A_249 : vector<16xf32>
      %broadcast_in_dim3A_251 = vector.shape_cast %mul3A_105 : vector<16xi32> to vector<16x1xi32>
      %gather3A_252 = vector.shape_cast %broadcast_in_dim3A_251 : vector<16x1xi32> to vector<16xi32>
      %gather3A_253 = tpu.dynamic_gather %add3A_250[%gather3A_252] in [0] : vector<16xf32>, vector<16xi32> -> vector<16xf32>
      %eq3A_254 = arith.constant 1 : i32
      %eq3A_255 = vector.broadcast %eq3A_254 : i32 to vector<16xi32>
      %eq3A_256 = arith.cmpi eq, %iota3A, %eq3A_255 : vector<16xi32>
      %select_n3A_257 = arith.select %eq3A_256, %gather3A_253, %select_n3A : vector<16xi1>, vector<16xf32>
      %mul3A_258 = arith.constant 16 : i32
      %mul3A_259 = arith.muli %scan3A_119, %mul3A_258 : i32
      %add3A_260 = arith.constant 2 : i32
      %add3A_261 = arith.addi %mul3A_259, %add3A_260 : i32
      %get3A_262 = arith.index_cast %add3A_261 : i32 to index
      %get3A_263 = arith.constant 0 : index
      %get3A_264 = tpu.vector_load %arg8[%get3A_262, %get3A_263] {strides = array<i32>} : memref<400x128xf32, #tpu.memory_space<vmem>>, vector<1x16xf32>,
      %get3A_265 = vector.shape_cast %get3A_264 : vector<1x16xf32> to vector<16xf32>
      %get3A_266 = arith.index_cast %add3A_261 : i32 to index
      %get3A_267 = arith.constant 16 : index
      %get3A_268 = tpu.vector_load %arg8[%get3A_266, %get3A_267] {strides = array<i32>} : memref<400x128xf32, #tpu.memory_space<vmem>>, vector<1x16xf32>,
      %get3A_269 = vector.shape_cast %get3A_268 : vector<1x16xf32> to vector<16xf32>
      %sub3A_270 = arith.subf %get3A_125, %get3A_265 : vector<16xf32>
      %sub3A_271 = arith.subf %get3A_132, %get3A_269 : vector<16xf32>
      %mul3A_272 = arith.mulf %sub3A_270, %sub3A_270 : vector<16xf32>
      %mul3A_273 = arith.mulf %sub3A_271, %sub3A_271 : vector<16xf32>
      %add3A_274 = arith.addf %mul3A_272, %mul3A_273 : vector<16xf32>
      %add3A_275 = arith.constant 8 : i32
      %add3A_276 = vector.broadcast %add3A_275 : i32 to vector<16xi32>
      %add3A_277 = arith.addi %iota3A, %add3A_276 : vector<16xi32>
      %and3A_278 = arith.constant 15 : i32
      %and3A_279 = vector.broadcast %and3A_278 : i32 to vector<16xi32>
      %and3A_280 = arith.andi %add3A_277, %and3A_279 : vector<16xi32>
      %broadcast_in_dim3A_281 = vector.shape_cast %and3A_280 : vector<16xi32> to vector<16x1xi32>
      %gather3A_282 = vector.shape_cast %broadcast_in_dim3A_281 : vector<16x1xi32> to vector<16xi32>
      %gather3A_283 = tpu.dynamic_gather %add3A_274[%gather3A_282] in [0] : vector<16xf32>, vector<16xi32> -> vector<16xf32>
      %add3A_284 = arith.addf %add3A_274, %gather3A_283 : vector<16xf32>
      %add3A_285 = arith.constant 4 : i32
      %add3A_286 = vector.broadcast %add3A_285 : i32 to vector<16xi32>
      %add3A_287 = arith.addi %iota3A, %add3A_286 : vector<16xi32>
      %and3A_288 = arith.constant 15 : i32
      %and3A_289 = vector.broadcast %and3A_288 : i32 to vector<16xi32>
      %and3A_290 = arith.andi %add3A_287, %and3A_289 : vector<16xi32>
      %broadcast_in_dim3A_291 = vector.shape_cast %and3A_290 : vector<16xi32> to vector<16x1xi32>
      %gather3A_292 = vector.shape_cast %broadcast_in_dim3A_291 : vector<16x1xi32> to vector<16xi32>
      %gather3A_293 = tpu.dynamic_gather %add3A_284[%gather3A_292] in [0] : vector<16xf32>, vector<16xi32> -> vector<16xf32>
      %add3A_294 = arith.addf %add3A_284, %gather3A_293 : vector<16xf32>
      %add3A_295 = arith.constant 2 : i32
      %add3A_296 = vector.broadcast %add3A_295 : i32 to vector<16xi32>
      %add3A_297 = arith.addi %iota3A, %add3A_296 : vector<16xi32>
      %and3A_298 = arith.constant 15 : i32
      %and3A_299 = vector.broadcast %and3A_298 : i32 to vector<16xi32>
      %and3A_300 = arith.andi %add3A_297, %and3A_299 : vector<16xi32>
      %broadcast_in_dim3A_301 = vector.shape_cast %and3A_300 : vector<16xi32> to vector<16x1xi32>
      %gather3A_302 = vector.shape_cast %broadcast_in_dim3A_301 : vector<16x1xi32> to vector<16xi32>
      %gather3A_303 = tpu.dynamic_gather %add3A_294[%gather3A_302] in [0] : vector<16xf32>, vector<16xi32> -> vector<16xf32>
      %add3A_304 = arith.addf %add3A_294, %gather3A_303 : vector<16xf32>
      %add3A_305 = arith.constant 1 : i32
      %add3A_306 = vector.broadcast %add3A_305 : i32 to vector<16xi32>
      %add3A_307 = arith.addi %iota3A, %add3A_306 : vector<16xi32>
      %and3A_308 = arith.constant 15 : i32
      %and3A_309 = vector.broadcast %and3A_308 : i32 to vector<16xi32>
      %and3A_310 = arith.andi %add3A_307, %and3A_309 : vector<16xi32>
      %broadcast_in_dim3A_311 = vector.shape_cast %and3A_310 : vector<16xi32> to vector<16x1xi32>
      %gather3A_312 = vector.shape_cast %broadcast_in_dim3A_311 : vector<16x1xi32> to vector<16xi32>
      %gather3A_313 = tpu.dynamic_gather %add3A_304[%gather3A_312] in [0] : vector<16xf32>, vector<16xi32> -> vector<16xf32>
      %add3A_314 = arith.addf %add3A_304, %gather3A_313 : vector<16xf32>
      %broadcast_in_dim3A_315 = vector.shape_cast %mul3A_105 : vector<16xi32> to vector<16x1xi32>
      %gather3A_316 = vector.shape_cast %broadcast_in_dim3A_315 : vector<16x1xi32> to vector<16xi32>
      %gather3A_317 = tpu.dynamic_gather %add3A_314[%gather3A_316] in [0] : vector<16xf32>, vector<16xi32> -> vector<16xf32>
      %eq3A_318 = arith.constant 2 : i32
      %eq3A_319 = vector.broadcast %eq3A_318 : i32 to vector<16xi32>
      %eq3A_320 = arith.cmpi eq, %iota3A, %eq3A_319 : vector<16xi32>
      %select_n3A_321 = arith.select %eq3A_320, %gather3A_317, %select_n3A_257 : vector<16xi1>, vector<16xf32>
      %mul3A_322 = arith.constant 16 : i32
      %mul3A_323 = arith.muli %scan3A_119, %mul3A_322 : i32
      %add3A_324 = arith.constant 3 : i32
      %add3A_325 = arith.addi %mul3A_323, %add3A_324 : i32
      %get3A_326 = arith.index_cast %add3A_325 : i32 to index
      %get3A_327 = arith.constant 0 : index
      %get3A_328 = tpu.vector_load %arg8[%get3A_326, %get3A_327] {strides = array<i32>} : memref<400x128xf32, #tpu.memory_space<vmem>>, vector<1x16xf32>,
      %get3A_329 = vector.shape_cast %get3A_328 : vector<1x16xf32> to vector<16xf32>
      %get3A_330 = arith.index_cast %add3A_325 : i32 to index
      %get3A_331 = arith.constant 16 : index
      %get3A_332 = tpu.vector_load %arg8[%get3A_330, %get3A_331] {strides = array<i32>} : memref<400x128xf32, #tpu.memory_space<vmem>>, vector<1x16xf32>,
      %get3A_333 = vector.shape_cast %get3A_332 : vector<1x16xf32> to vector<16xf32>
      %sub3A_334 = arith.subf %get3A_125, %get3A_329 : vector<16xf32>
      %sub3A_335 = arith.subf %get3A_132, %get3A_333 : vector<16xf32>
      %mul3A_336 = arith.mulf %sub3A_334, %sub3A_334 : vector<16xf32>
      %mul3A_337 = arith.mulf %sub3A_335, %sub3A_335 : vector<16xf32>
      %add3A_338 = arith.addf %mul3A_336, %mul3A_337 : vector<16xf32>
      %add3A_339 = arith.constant 8 : i32
      %add3A_340 = vector.broadcast %add3A_339 : i32 to vector<16xi32>
      %add3A_341 = arith.addi %iota3A, %add3A_340 : vector<16xi32>
      %and3A_342 = arith.constant 15 : i32
      %and3A_343 = vector.broadcast %and3A_342 : i32 to vector<16xi32>
      %and3A_344 = arith.andi %add3A_341, %and3A_343 : vector<16xi32>
      %broadcast_in_dim3A_345 = vector.shape_cast %and3A_344 : vector<16xi32> to vector<16x1xi32>
      %gather3A_346 = vector.shape_cast %broadcast_in_dim3A_345 : vector<16x1xi32> to vector<16xi32>
      %gather3A_347 = tpu.dynamic_gather %add3A_338[%gather3A_346] in [0] : vector<16xf32>, vector<16xi32> -> vector<16xf32>
      %add3A_348 = arith.addf %add3A_338, %gather3A_347 : vector<16xf32>
      %add3A_349 = arith.constant 4 : i32
      %add3A_350 = vector.broadcast %add3A_349 : i32 to vector<16xi32>
      %add3A_351 = arith.addi %iota3A, %add3A_350 : vector<16xi32>
      %and3A_352 = arith.constant 15 : i32
      %and3A_353 = vector.broadcast %and3A_352 : i32 to vector<16xi32>
      %and3A_354 = arith.andi %add3A_351, %and3A_353 : vector<16xi32>
      %broadcast_in_dim3A_355 = vector.shape_cast %and3A_354 : vector<16xi32> to vector<16x1xi32>
      %gather3A_356 = vector.shape_cast %broadcast_in_dim3A_355 : vector<16x1xi32> to vector<16xi32>
      %gather3A_357 = tpu.dynamic_gather %add3A_348[%gather3A_356] in [0] : vector<16xf32>, vector<16xi32> -> vector<16xf32>
      %add3A_358 = arith.addf %add3A_348, %gather3A_357 : vector<16xf32>
      %add3A_359 = arith.constant 2 : i32
      %add3A_360 = vector.broadcast %add3A_359 : i32 to vector<16xi32>
      %add3A_361 = arith.addi %iota3A, %add3A_360 : vector<16xi32>
      %and3A_362 = arith.constant 15 : i32
      %and3A_363 = vector.broadcast %and3A_362 : i32 to vector<16xi32>
      %and3A_364 = arith.andi %add3A_361, %and3A_363 : vector<16xi32>
      %broadcast_in_dim3A_365 = vector.shape_cast %and3A_364 : vector<16xi32> to vector<16x1xi32>
      %gather3A_366 = vector.shape_cast %broadcast_in_dim3A_365 : vector<16x1xi32> to vector<16xi32>
      %gather3A_367 = tpu.dynamic_gather %add3A_358[%gather3A_366] in [0] : vector<16xf32>, vector<16xi32> -> vector<16xf32>
      %add3A_368 = arith.addf %add3A_358, %gather3A_367 : vector<16xf32>
      %add3A_369 = arith.constant 1 : i32
      %add3A_370 = vector.broadcast %add3A_369 : i32 to vector<16xi32>
      %add3A_371 = arith.addi %iota3A, %add3A_370 : vector<16xi32>
      %and3A_372 = arith.constant 15 : i32
      %and3A_373 = vector.broadcast %and3A_372 : i32 to vector<16xi32>
      %and3A_374 = arith.andi %add3A_371, %and3A_373 : vector<16xi32>
      %broadcast_in_dim3A_375 = vector.shape_cast %and3A_374 : vector<16xi32> to vector<16x1xi32>
      %gather3A_376 = vector.shape_cast %broadcast_in_dim3A_375 : vector<16x1xi32> to vector<16xi32>
      %gather3A_377 = tpu.dynamic_gather %add3A_368[%gather3A_376] in [0] : vector<16xf32>, vector<16xi32> -> vector<16xf32>
      %add3A_378 = arith.addf %add3A_368, %gather3A_377 : vector<16xf32>
      %broadcast_in_dim3A_379 = vector.shape_cast %mul3A_105 : vector<16xi32> to vector<16x1xi32>
      %gather3A_380 = vector.shape_cast %broadcast_in_dim3A_379 : vector<16x1xi32> to vector<16xi32>
      %gather3A_381 = tpu.dynamic_gather %add3A_378[%gather3A_380] in [0] : vector<16xf32>, vector<16xi32> -> vector<16xf32>
      %eq3A_382 = arith.constant 3 : i32
      %eq3A_383 = vector.broadcast %eq3A_382 : i32 to vector<16xi32>
      %eq3A_384 = arith.cmpi eq, %iota3A, %eq3A_383 : vector<16xi32>
      %select_n3A_385 = arith.select %eq3A_384, %gather3A_381, %select_n3A_321 : vector<16xi1>, vector<16xf32>
      %mul3A_386 = arith.constant 16 : i32
      %mul3A_387 = arith.muli %scan3A_119, %mul3A_386 : i32
      %add3A_388 = arith.constant 4 : i32
      %add3A_389 = arith.addi %mul3A_387, %add3A_388 : i32
      %get3A_390 = arith.index_cast %add3A_389 : i32 to index
      %get3A_391 = arith.constant 0 : index
      %get3A_392 = tpu.vector_load %arg8[%get3A_390, %get3A_391] {strides = array<i32>} : memref<400x128xf32, #tpu.memory_space<vmem>>, vector<1x16xf32>,
      %get3A_393 = vector.shape_cast %get3A_392 : vector<1x16xf32> to vector<16xf32>
      %get3A_394 = arith.index_cast %add3A_389 : i32 to index
      %get3A_395 = arith.constant 16 : index
      %get3A_396 = tpu.vector_load %arg8[%get3A_394, %get3A_395] {strides = array<i32>} : memref<400x128xf32, #tpu.memory_space<vmem>>, vector<1x16xf32>,
      %get3A_397 = vector.shape_cast %get3A_396 : vector<1x16xf32> to vector<16xf32>
      %sub3A_398 = arith.subf %get3A_125, %get3A_393 : vector<16xf32>
      %sub3A_399 = arith.subf %get3A_132, %get3A_397 : vector<16xf32>
      %mul3A_400 = arith.mulf %sub3A_398, %sub3A_398 : vector<16xf32>
      %mul3A_401 = arith.mulf %sub3A_399, %sub3A_399 : vector<16xf32>
      %add3A_402 = arith.addf %mul3A_400, %mul3A_401 : vector<16xf32>
      %add3A_403 = arith.constant 8 : i32
      %add3A_404 = vector.broadcast %add3A_403 : i32 to vector<16xi32>
      %add3A_405 = arith.addi %iota3A, %add3A_404 : vector<16xi32>
      %and3A_406 = arith.constant 15 : i32
      %and3A_407 = vector.broadcast %and3A_406 : i32 to vector<16xi32>
      %and3A_408 = arith.andi %add3A_405, %and3A_407 : vector<16xi32>
      %broadcast_in_dim3A_409 = vector.shape_cast %and3A_408 : vector<16xi32> to vector<16x1xi32>
      %gather3A_410 = vector.shape_cast %broadcast_in_dim3A_409 : vector<16x1xi32> to vector<16xi32>
      %gather3A_411 = tpu.dynamic_gather %add3A_402[%gather3A_410] in [0] : vector<16xf32>, vector<16xi32> -> vector<16xf32>
      %add3A_412 = arith.addf %add3A_402, %gather3A_411 : vector<16xf32>
      %add3A_413 = arith.constant 4 : i32
      %add3A_414 = vector.broadcast %add3A_413 : i32 to vector<16xi32>
      %add3A_415 = arith.addi %iota3A, %add3A_414 : vector<16xi32>
      %and3A_416 = arith.constant 15 : i32
      %and3A_417 = vector.broadcast %and3A_416 : i32 to vector<16xi32>
      %and3A_418 = arith.andi %add3A_415, %and3A_417 : vector<16xi32>
      %broadcast_in_dim3A_419 = vector.shape_cast %and3A_418 : vector<16xi32> to vector<16x1xi32>
      %gather3A_420 = vector.shape_cast %broadcast_in_dim3A_419 : vector<16x1xi32> to vector<16xi32>
      %gather3A_421 = tpu.dynamic_gather %add3A_412[%gather3A_420] in [0] : vector<16xf32>, vector<16xi32> -> vector<16xf32>
      %add3A_422 = arith.addf %add3A_412, %gather3A_421 : vector<16xf32>
      %add3A_423 = arith.constant 2 : i32
      %add3A_424 = vector.broadcast %add3A_423 : i32 to vector<16xi32>
      %add3A_425 = arith.addi %iota3A, %add3A_424 : vector<16xi32>
      %and3A_426 = arith.constant 15 : i32
      %and3A_427 = vector.broadcast %and3A_426 : i32 to vector<16xi32>
      %and3A_428 = arith.andi %add3A_425, %and3A_427 : vector<16xi32>
      %broadcast_in_dim3A_429 = vector.shape_cast %and3A_428 : vector<16xi32> to vector<16x1xi32>
      %gather3A_430 = vector.shape_cast %broadcast_in_dim3A_429 : vector<16x1xi32> to vector<16xi32>
      %gather3A_431 = tpu.dynamic_gather %add3A_422[%gather3A_430] in [0] : vector<16xf32>, vector<16xi32> -> vector<16xf32>
      %add3A_432 = arith.addf %add3A_422, %gather3A_431 : vector<16xf32>
      %add3A_433 = arith.constant 1 : i32
      %add3A_434 = vector.broadcast %add3A_433 : i32 to vector<16xi32>
      %add3A_435 = arith.addi %iota3A, %add3A_434 : vector<16xi32>
      %and3A_436 = arith.constant 15 : i32
      %and3A_437 = vector.broadcast %and3A_436 : i32 to vector<16xi32>
      %and3A_438 = arith.andi %add3A_435, %and3A_437 : vector<16xi32>
      %broadcast_in_dim3A_439 = vector.shape_cast %and3A_438 : vector<16xi32> to vector<16x1xi32>
      %gather3A_440 = vector.shape_cast %broadcast_in_dim3A_439 : vector<16x1xi32> to vector<16xi32>
      %gather3A_441 = tpu.dynamic_gather %add3A_432[%gather3A_440] in [0] : vector<16xf32>, vector<16xi32> -> vector<16xf32>
      %add3A_442 = arith.addf %add3A_432, %gather3A_441 : vector<16xf32>
      %broadcast_in_dim3A_443 = vector.shape_cast %mul3A_105 : vector<16xi32> to vector<16x1xi32>
      %gather3A_444 = vector.shape_cast %broadcast_in_dim3A_443 : vector<16x1xi32> to vector<16xi32>
      %gather3A_445 = tpu.dynamic_gather %add3A_442[%gather3A_444] in [0] : vector<16xf32>, vector<16xi32> -> vector<16xf32>
      %eq3A_446 = arith.constant 4 : i32
      %eq3A_447 = vector.broadcast %eq3A_446 : i32 to vector<16xi32>
      %eq3A_448 = arith.cmpi eq, %iota3A, %eq3A_447 : vector<16xi32>
      %select_n3A_449 = arith.select %eq3A_448, %gather3A_445, %select_n3A_385 : vector<16xi1>, vector<16xf32>
      %mul3A_450 = arith.constant 16 : i32
      %mul3A_451 = arith.muli %scan3A_119, %mul3A_450 : i32
      %add3A_452 = arith.constant 5 : i32
      %add3A_453 = arith.addi %mul3A_451, %add3A_452 : i32
      %get3A_454 = arith.index_cast %add3A_453 : i32 to index
      %get3A_455 = arith.constant 0 : index
      %get3A_456 = tpu.vector_load %arg8[%get3A_454, %get3A_455] {strides = array<i32>} : memref<400x128xf32, #tpu.memory_space<vmem>>, vector<1x16xf32>,
      %get3A_457 = vector.shape_cast %get3A_456 : vector<1x16xf32> to vector<16xf32>
      %get3A_458 = arith.index_cast %add3A_453 : i32 to index
      %get3A_459 = arith.constant 16 : index
      %get3A_460 = tpu.vector_load %arg8[%get3A_458, %get3A_459] {strides = array<i32>} : memref<400x128xf32, #tpu.memory_space<vmem>>, vector<1x16xf32>,
      %get3A_461 = vector.shape_cast %get3A_460 : vector<1x16xf32> to vector<16xf32>
      %sub3A_462 = arith.subf %get3A_125, %get3A_457 : vector<16xf32>
      %sub3A_463 = arith.subf %get3A_132, %get3A_461 : vector<16xf32>
      %mul3A_464 = arith.mulf %sub3A_462, %sub3A_462 : vector<16xf32>
      %mul3A_465 = arith.mulf %sub3A_463, %sub3A_463 : vector<16xf32>
      %add3A_466 = arith.addf %mul3A_464, %mul3A_465 : vector<16xf32>
      %add3A_467 = arith.constant 8 : i32
      %add3A_468 = vector.broadcast %add3A_467 : i32 to vector<16xi32>
      %add3A_469 = arith.addi %iota3A, %add3A_468 : vector<16xi32>
      %and3A_470 = arith.constant 15 : i32
      %and3A_471 = vector.broadcast %and3A_470 : i32 to vector<16xi32>
      %and3A_472 = arith.andi %add3A_469, %and3A_471 : vector<16xi32>
      %broadcast_in_dim3A_473 = vector.shape_cast %and3A_472 : vector<16xi32> to vector<16x1xi32>
      %gather3A_474 = vector.shape_cast %broadcast_in_dim3A_473 : vector<16x1xi32> to vector<16xi32>
      %gather3A_475 = tpu.dynamic_gather %add3A_466[%gather3A_474] in [0] : vector<16xf32>, vector<16xi32> -> vector<16xf32>
      %add3A_476 = arith.addf %add3A_466, %gather3A_475 : vector<16xf32>
      %add3A_477 = arith.constant 4 : i32
      %add3A_478 = vector.broadcast %add3A_477 : i32 to vector<16xi32>
      %add3A_479 = arith.addi %iota3A, %add3A_478 : vector<16xi32>
      %and3A_480 = arith.constant 15 : i32
      %and3A_481 = vector.broadcast %and3A_480 : i32 to vector<16xi32>
      %and3A_482 = arith.andi %add3A_479, %and3A_481 : vector<16xi32>
      %broadcast_in_dim3A_483 = vector.shape_cast %and3A_482 : vector<16xi32> to vector<16x1xi32>
      %gather3A_484 = vector.shape_cast %broadcast_in_dim3A_483 : vector<16x1xi32> to vector<16xi32>
      %gather3A_485 = tpu.dynamic_gather %add3A_476[%gather3A_484] in [0] : vector<16xf32>, vector<16xi32> -> vector<16xf32>
      %add3A_486 = arith.addf %add3A_476, %gather3A_485 : vector<16xf32>
      %add3A_487 = arith.constant 2 : i32
      %add3A_488 = vector.broadcast %add3A_487 : i32 to vector<16xi32>
      %add3A_489 = arith.addi %iota3A, %add3A_488 : vector<16xi32>
      %and3A_490 = arith.constant 15 : i32
      %and3A_491 = vector.broadcast %and3A_490 : i32 to vector<16xi32>
      %and3A_492 = arith.andi %add3A_489, %and3A_491 : vector<16xi32>
      %broadcast_in_dim3A_493 = vector.shape_cast %and3A_492 : vector<16xi32> to vector<16x1xi32>
      %gather3A_494 = vector.shape_cast %broadcast_in_dim3A_493 : vector<16x1xi32> to vector<16xi32>
      %gather3A_495 = tpu.dynamic_gather %add3A_486[%gather3A_494] in [0] : vector<16xf32>, vector<16xi32> -> vector<16xf32>
      %add3A_496 = arith.addf %add3A_486, %gather3A_495 : vector<16xf32>
      %add3A_497 = arith.constant 1 : i32
      %add3A_498 = vector.broadcast %add3A_497 : i32 to vector<16xi32>
      %add3A_499 = arith.addi %iota3A, %add3A_498 : vector<16xi32>
      %and3A_500 = arith.constant 15 : i32
      %and3A_501 = vector.broadcast %and3A_500 : i32 to vector<16xi32>
      %and3A_502 = arith.andi %add3A_499, %and3A_501 : vector<16xi32>
      %broadcast_in_dim3A_503 = vector.shape_cast %and3A_502 : vector<16xi32> to vector<16x1xi32>
      %gather3A_504 = vector.shape_cast %broadcast_in_dim3A_503 : vector<16x1xi32> to vector<16xi32>
      %gather3A_505 = tpu.dynamic_gather %add3A_496[%gather3A_504] in [0] : vector<16xf32>, vector<16xi32> -> vector<16xf32>
      %add3A_506 = arith.addf %add3A_496, %gather3A_505 : vector<16xf32>
      %broadcast_in_dim3A_507 = vector.shape_cast %mul3A_105 : vector<16xi32> to vector<16x1xi32>
      %gather3A_508 = vector.shape_cast %broadcast_in_dim3A_507 : vector<16x1xi32> to vector<16xi32>
      %gather3A_509 = tpu.dynamic_gather %add3A_506[%gather3A_508] in [0] : vector<16xf32>, vector<16xi32> -> vector<16xf32>
      %eq3A_510 = arith.constant 5 : i32
      %eq3A_511 = vector.broadcast %eq3A_510 : i32 to vector<16xi32>
      %eq3A_512 = arith.cmpi eq, %iota3A, %eq3A_511 : vector<16xi32>
      %select_n3A_513 = arith.select %eq3A_512, %gather3A_509, %select_n3A_449 : vector<16xi1>, vector<16xf32>
      %mul3A_514 = arith.constant 16 : i32
      %mul3A_515 = arith.muli %scan3A_119, %mul3A_514 : i32
      %add3A_516 = arith.constant 6 : i32
      %add3A_517 = arith.addi %mul3A_515, %add3A_516 : i32
      %get3A_518 = arith.index_cast %add3A_517 : i32 to index
      %get3A_519 = arith.constant 0 : index
      %get3A_520 = tpu.vector_load %arg8[%get3A_518, %get3A_519] {strides = array<i32>} : memref<400x128xf32, #tpu.memory_space<vmem>>, vector<1x16xf32>,
      %get3A_521 = vector.shape_cast %get3A_520 : vector<1x16xf32> to vector<16xf32>
      %get3A_522 = arith.index_cast %add3A_517 : i32 to index
      %get3A_523 = arith.constant 16 : index
      %get3A_524 = tpu.vector_load %arg8[%get3A_522, %get3A_523] {strides = array<i32>} : memref<400x128xf32, #tpu.memory_space<vmem>>, vector<1x16xf32>,
      %get3A_525 = vector.shape_cast %get3A_524 : vector<1x16xf32> to vector<16xf32>
      %sub3A_526 = arith.subf %get3A_125, %get3A_521 : vector<16xf32>
      %sub3A_527 = arith.subf %get3A_132, %get3A_525 : vector<16xf32>
      %mul3A_528 = arith.mulf %sub3A_526, %sub3A_526 : vector<16xf32>
      %mul3A_529 = arith.mulf %sub3A_527, %sub3A_527 : vector<16xf32>
      %add3A_530 = arith.addf %mul3A_528, %mul3A_529 : vector<16xf32>
      %add3A_531 = arith.constant 8 : i32
      %add3A_532 = vector.broadcast %add3A_531 : i32 to vector<16xi32>
      %add3A_533 = arith.addi %iota3A, %add3A_532 : vector<16xi32>
      %and3A_534 = arith.constant 15 : i32
      %and3A_535 = vector.broadcast %and3A_534 : i32 to vector<16xi32>
      %and3A_536 = arith.andi %add3A_533, %and3A_535 : vector<16xi32>
      %broadcast_in_dim3A_537 = vector.shape_cast %and3A_536 : vector<16xi32> to vector<16x1xi32>
      %gather3A_538 = vector.shape_cast %broadcast_in_dim3A_537 : vector<16x1xi32> to vector<16xi32>
      %gather3A_539 = tpu.dynamic_gather %add3A_530[%gather3A_538] in [0] : vector<16xf32>, vector<16xi32> -> vector<16xf32>
      %add3A_540 = arith.addf %add3A_530, %gather3A_539 : vector<16xf32>
      %add3A_541 = arith.constant 4 : i32
      %add3A_542 = vector.broadcast %add3A_541 : i32 to vector<16xi32>
      %add3A_543 = arith.addi %iota3A, %add3A_542 : vector<16xi32>
      %and3A_544 = arith.constant 15 : i32
      %and3A_545 = vector.broadcast %and3A_544 : i32 to vector<16xi32>
      %and3A_546 = arith.andi %add3A_543, %and3A_545 : vector<16xi32>
      %broadcast_in_dim3A_547 = vector.shape_cast %and3A_546 : vector<16xi32> to vector<16x1xi32>
      %gather3A_548 = vector.shape_cast %broadcast_in_dim3A_547 : vector<16x1xi32> to vector<16xi32>
      %gather3A_549 = tpu.dynamic_gather %add3A_540[%gather3A_548] in [0] : vector<16xf32>, vector<16xi32> -> vector<16xf32>
      %add3A_550 = arith.addf %add3A_540, %gather3A_549 : vector<16xf32>
      %add3A_551 = arith.constant 2 : i32
      %add3A_552 = vector.broadcast %add3A_551 : i32 to vector<16xi32>
      %add3A_553 = arith.addi %iota3A, %add3A_552 : vector<16xi32>
      %and3A_554 = arith.constant 15 : i32
      %and3A_555 = vector.broadcast %and3A_554 : i32 to vector<16xi32>
      %and3A_556 = arith.andi %add3A_553, %and3A_555 : vector<16xi32>
      %broadcast_in_dim3A_557 = vector.shape_cast %and3A_556 : vector<16xi32> to vector<16x1xi32>
      %gather3A_558 = vector.shape_cast %broadcast_in_dim3A_557 : vector<16x1xi32> to vector<16xi32>
      %gather3A_559 = tpu.dynamic_gather %add3A_550[%gather3A_558] in [0] : vector<16xf32>, vector<16xi32> -> vector<16xf32>
      %add3A_560 = arith.addf %add3A_550, %gather3A_559 : vector<16xf32>
      %add3A_561 = arith.constant 1 : i32
      %add3A_562 = vector.broadcast %add3A_561 : i32 to vector<16xi32>
      %add3A_563 = arith.addi %iota3A, %add3A_562 : vector<16xi32>
      %and3A_564 = arith.constant 15 : i32
      %and3A_565 = vector.broadcast %and3A_564 : i32 to vector<16xi32>
      %and3A_566 = arith.andi %add3A_563, %and3A_565 : vector<16xi32>
      %broadcast_in_dim3A_567 = vector.shape_cast %and3A_566 : vector<16xi32> to vector<16x1xi32>
      %gather3A_568 = vector.shape_cast %broadcast_in_dim3A_567 : vector<16x1xi32> to vector<16xi32>
      %gather3A_569 = tpu.dynamic_gather %add3A_560[%gather3A_568] in [0] : vector<16xf32>, vector<16xi32> -> vector<16xf32>
      %add3A_570 = arith.addf %add3A_560, %gather3A_569 : vector<16xf32>
      %broadcast_in_dim3A_571 = vector.shape_cast %mul3A_105 : vector<16xi32> to vector<16x1xi32>
      %gather3A_572 = vector.shape_cast %broadcast_in_dim3A_571 : vector<16x1xi32> to vector<16xi32>
      %gather3A_573 = tpu.dynamic_gather %add3A_570[%gather3A_572] in [0] : vector<16xf32>, vector<16xi32> -> vector<16xf32>
      %eq3A_574 = arith.constant 6 : i32
      %eq3A_575 = vector.broadcast %eq3A_574 : i32 to vector<16xi32>
      %eq3A_576 = arith.cmpi eq, %iota3A, %eq3A_575 : vector<16xi32>
      %select_n3A_577 = arith.select %eq3A_576, %gather3A_573, %select_n3A_513 : vector<16xi1>, vector<16xf32>
      %mul3A_578 = arith.constant 16 : i32
      %mul3A_579 = arith.muli %scan3A_119, %mul3A_578 : i32
      %add3A_580 = arith.constant 7 : i32
      %add3A_581 = arith.addi %mul3A_579, %add3A_580 : i32
      %get3A_582 = arith.index_cast %add3A_581 : i32 to index
      %get3A_583 = arith.constant 0 : index
      %get3A_584 = tpu.vector_load %arg8[%get3A_582, %get3A_583] {strides = array<i32>} : memref<400x128xf32, #tpu.memory_space<vmem>>, vector<1x16xf32>,
      %get3A_585 = vector.shape_cast %get3A_584 : vector<1x16xf32> to vector<16xf32>
      %get3A_586 = arith.index_cast %add3A_581 : i32 to index
      %get3A_587 = arith.constant 16 : index
      %get3A_588 = tpu.vector_load %arg8[%get3A_586, %get3A_587] {strides = array<i32>} : memref<400x128xf32, #tpu.memory_space<vmem>>, vector<1x16xf32>,
      %get3A_589 = vector.shape_cast %get3A_588 : vector<1x16xf32> to vector<16xf32>
      %sub3A_590 = arith.subf %get3A_125, %get3A_585 : vector<16xf32>
      %sub3A_591 = arith.subf %get3A_132, %get3A_589 : vector<16xf32>
      %mul3A_592 = arith.mulf %sub3A_590, %sub3A_590 : vector<16xf32>
      %mul3A_593 = arith.mulf %sub3A_591, %sub3A_591 : vector<16xf32>
      %add3A_594 = arith.addf %mul3A_592, %mul3A_593 : vector<16xf32>
      %add3A_595 = arith.constant 8 : i32
      %add3A_596 = vector.broadcast %add3A_595 : i32 to vector<16xi32>
      %add3A_597 = arith.addi %iota3A, %add3A_596 : vector<16xi32>
      %and3A_598 = arith.constant 15 : i32
      %and3A_599 = vector.broadcast %and3A_598 : i32 to vector<16xi32>
      %and3A_600 = arith.andi %add3A_597, %and3A_599 : vector<16xi32>
      %broadcast_in_dim3A_601 = vector.shape_cast %and3A_600 : vector<16xi32> to vector<16x1xi32>
      %gather3A_602 = vector.shape_cast %broadcast_in_dim3A_601 : vector<16x1xi32> to vector<16xi32>
      %gather3A_603 = tpu.dynamic_gather %add3A_594[%gather3A_602] in [0] : vector<16xf32>, vector<16xi32> -> vector<16xf32>
      %add3A_604 = arith.addf %add3A_594, %gather3A_603 : vector<16xf32>
      %add3A_605 = arith.constant 4 : i32
      %add3A_606 = vector.broadcast %add3A_605 : i32 to vector<16xi32>
      %add3A_607 = arith.addi %iota3A, %add3A_606 : vector<16xi32>
      %and3A_608 = arith.constant 15 : i32
      %and3A_609 = vector.broadcast %and3A_608 : i32 to vector<16xi32>
      %and3A_610 = arith.andi %add3A_607, %and3A_609 : vector<16xi32>
      %broadcast_in_dim3A_611 = vector.shape_cast %and3A_610 : vector<16xi32> to vector<16x1xi32>
      %gather3A_612 = vector.shape_cast %broadcast_in_dim3A_611 : vector<16x1xi32> to vector<16xi32>
      %gather3A_613 = tpu.dynamic_gather %add3A_604[%gather3A_612] in [0] : vector<16xf32>, vector<16xi32> -> vector<16xf32>
      %add3A_614 = arith.addf %add3A_604, %gather3A_613 : vector<16xf32>
      %add3A_615 = arith.constant 2 : i32
      %add3A_616 = vector.broadcast %add3A_615 : i32 to vector<16xi32>
      %add3A_617 = arith.addi %iota3A, %add3A_616 : vector<16xi32>
      %and3A_618 = arith.constant 15 : i32
      %and3A_619 = vector.broadcast %and3A_618 : i32 to vector<16xi32>
      %and3A_620 = arith.andi %add3A_617, %and3A_619 : vector<16xi32>
      %broadcast_in_dim3A_621 = vector.shape_cast %and3A_620 : vector<16xi32> to vector<16x1xi32>
      %gather3A_622 = vector.shape_cast %broadcast_in_dim3A_621 : vector<16x1xi32> to vector<16xi32>
      %gather3A_623 = tpu.dynamic_gather %add3A_614[%gather3A_622] in [0] : vector<16xf32>, vector<16xi32> -> vector<16xf32>
      %add3A_624 = arith.addf %add3A_614, %gather3A_623 : vector<16xf32>
      %add3A_625 = arith.constant 1 : i32
      %add3A_626 = vector.broadcast %add3A_625 : i32 to vector<16xi32>
      %add3A_627 = arith.addi %iota3A, %add3A_626 : vector<16xi32>
      %and3A_628 = arith.constant 15 : i32
      %and3A_629 = vector.broadcast %and3A_628 : i32 to vector<16xi32>
      %and3A_630 = arith.andi %add3A_627, %and3A_629 : vector<16xi32>
      %broadcast_in_dim3A_631 = vector.shape_cast %and3A_630 : vector<16xi32> to vector<16x1xi32>
      %gather3A_632 = vector.shape_cast %broadcast_in_dim3A_631 : vector<16x1xi32> to vector<16xi32>
      %gather3A_633 = tpu.dynamic_gather %add3A_624[%gather3A_632] in [0] : vector<16xf32>, vector<16xi32> -> vector<16xf32>
      %add3A_634 = arith.addf %add3A_624, %gather3A_633 : vector<16xf32>
      %broadcast_in_dim3A_635 = vector.shape_cast %mul3A_105 : vector<16xi32> to vector<16x1xi32>
      %gather3A_636 = vector.shape_cast %broadcast_in_dim3A_635 : vector<16x1xi32> to vector<16xi32>
      %gather3A_637 = tpu.dynamic_gather %add3A_634[%gather3A_636] in [0] : vector<16xf32>, vector<16xi32> -> vector<16xf32>
      %eq3A_638 = arith.constant 7 : i32
      %eq3A_639 = vector.broadcast %eq3A_638 : i32 to vector<16xi32>
      %eq3A_640 = arith.cmpi eq, %iota3A, %eq3A_639 : vector<16xi32>
      %select_n3A_641 = arith.select %eq3A_640, %gather3A_637, %select_n3A_577 : vector<16xi1>, vector<16xf32>
      %mul3A_642 = arith.constant 16 : i32
      %mul3A_643 = arith.muli %scan3A_119, %mul3A_642 : i32
      %add3A_644 = arith.constant 8 : i32
      %add3A_645 = arith.addi %mul3A_643, %add3A_644 : i32
      %get3A_646 = arith.index_cast %add3A_645 : i32 to index
      %get3A_647 = arith.constant 0 : index
      %get3A_648 = tpu.vector_load %arg8[%get3A_646, %get3A_647] {strides = array<i32>} : memref<400x128xf32, #tpu.memory_space<vmem>>, vector<1x16xf32>,
      %get3A_649 = vector.shape_cast %get3A_648 : vector<1x16xf32> to vector<16xf32>
      %get3A_650 = arith.index_cast %add3A_645 : i32 to index
      %get3A_651 = arith.constant 16 : index
      %get3A_652 = tpu.vector_load %arg8[%get3A_650, %get3A_651] {strides = array<i32>} : memref<400x128xf32, #tpu.memory_space<vmem>>, vector<1x16xf32>,
      %get3A_653 = vector.shape_cast %get3A_652 : vector<1x16xf32> to vector<16xf32>
      %sub3A_654 = arith.subf %get3A_125, %get3A_649 : vector<16xf32>
      %sub3A_655 = arith.subf %get3A_132, %get3A_653 : vector<16xf32>
      %mul3A_656 = arith.mulf %sub3A_654, %sub3A_654 : vector<16xf32>
      %mul3A_657 = arith.mulf %sub3A_655, %sub3A_655 : vector<16xf32>
      %add3A_658 = arith.addf %mul3A_656, %mul3A_657 : vector<16xf32>
      %add3A_659 = arith.constant 8 : i32
      %add3A_660 = vector.broadcast %add3A_659 : i32 to vector<16xi32>
      %add3A_661 = arith.addi %iota3A, %add3A_660 : vector<16xi32>
      %and3A_662 = arith.constant 15 : i32
      %and3A_663 = vector.broadcast %and3A_662 : i32 to vector<16xi32>
      %and3A_664 = arith.andi %add3A_661, %and3A_663 : vector<16xi32>
      %broadcast_in_dim3A_665 = vector.shape_cast %and3A_664 : vector<16xi32> to vector<16x1xi32>
      %gather3A_666 = vector.shape_cast %broadcast_in_dim3A_665 : vector<16x1xi32> to vector<16xi32>
      %gather3A_667 = tpu.dynamic_gather %add3A_658[%gather3A_666] in [0] : vector<16xf32>, vector<16xi32> -> vector<16xf32>
      %add3A_668 = arith.addf %add3A_658, %gather3A_667 : vector<16xf32>
      %add3A_669 = arith.constant 4 : i32
      %add3A_670 = vector.broadcast %add3A_669 : i32 to vector<16xi32>
      %add3A_671 = arith.addi %iota3A, %add3A_670 : vector<16xi32>
      %and3A_672 = arith.constant 15 : i32
      %and3A_673 = vector.broadcast %and3A_672 : i32 to vector<16xi32>
      %and3A_674 = arith.andi %add3A_671, %and3A_673 : vector<16xi32>
      %broadcast_in_dim3A_675 = vector.shape_cast %and3A_674 : vector<16xi32> to vector<16x1xi32>
      %gather3A_676 = vector.shape_cast %broadcast_in_dim3A_675 : vector<16x1xi32> to vector<16xi32>
      %gather3A_677 = tpu.dynamic_gather %add3A_668[%gather3A_676] in [0] : vector<16xf32>, vector<16xi32> -> vector<16xf32>
      %add3A_678 = arith.addf %add3A_668, %gather3A_677 : vector<16xf32>
      %add3A_679 = arith.constant 2 : i32
      %add3A_680 = vector.broadcast %add3A_679 : i32 to vector<16xi32>
      %add3A_681 = arith.addi %iota3A, %add3A_680 : vector<16xi32>
      %and3A_682 = arith.constant 15 : i32
      %and3A_683 = vector.broadcast %and3A_682 : i32 to vector<16xi32>
      %and3A_684 = arith.andi %add3A_681, %and3A_683 : vector<16xi32>
      %broadcast_in_dim3A_685 = vector.shape_cast %and3A_684 : vector<16xi32> to vector<16x1xi32>
      %gather3A_686 = vector.shape_cast %broadcast_in_dim3A_685 : vector<16x1xi32> to vector<16xi32>
      %gather3A_687 = tpu.dynamic_gather %add3A_678[%gather3A_686] in [0] : vector<16xf32>, vector<16xi32> -> vector<16xf32>
      %add3A_688 = arith.addf %add3A_678, %gather3A_687 : vector<16xf32>
      %add3A_689 = arith.constant 1 : i32
      %add3A_690 = vector.broadcast %add3A_689 : i32 to vector<16xi32>
      %add3A_691 = arith.addi %iota3A, %add3A_690 : vector<16xi32>
      %and3A_692 = arith.constant 15 : i32
      %and3A_693 = vector.broadcast %and3A_692 : i32 to vector<16xi32>
      %and3A_694 = arith.andi %add3A_691, %and3A_693 : vector<16xi32>
      %broadcast_in_dim3A_695 = vector.shape_cast %and3A_694 : vector<16xi32> to vector<16x1xi32>
      %gather3A_696 = vector.shape_cast %broadcast_in_dim3A_695 : vector<16x1xi32> to vector<16xi32>
      %gather3A_697 = tpu.dynamic_gather %add3A_688[%gather3A_696] in [0] : vector<16xf32>, vector<16xi32> -> vector<16xf32>
      %add3A_698 = arith.addf %add3A_688, %gather3A_697 : vector<16xf32>
      %broadcast_in_dim3A_699 = vector.shape_cast %mul3A_105 : vector<16xi32> to vector<16x1xi32>
      %gather3A_700 = vector.shape_cast %broadcast_in_dim3A_699 : vector<16x1xi32> to vector<16xi32>
      %gather3A_701 = tpu.dynamic_gather %add3A_698[%gather3A_700] in [0] : vector<16xf32>, vector<16xi32> -> vector<16xf32>
      %eq3A_702 = arith.constant 8 : i32
      %eq3A_703 = vector.broadcast %eq3A_702 : i32 to vector<16xi32>
      %eq3A_704 = arith.cmpi eq, %iota3A, %eq3A_703 : vector<16xi32>
      %select_n3A_705 = arith.select %eq3A_704, %gather3A_701, %select_n3A_641 : vector<16xi1>, vector<16xf32>
      %mul3A_706 = arith.constant 16 : i32
      %mul3A_707 = arith.muli %scan3A_119, %mul3A_706 : i32
      %add3A_708 = arith.constant 9 : i32
      %add3A_709 = arith.addi %mul3A_707, %add3A_708 : i32
      %get3A_710 = arith.index_cast %add3A_709 : i32 to index
      %get3A_711 = arith.constant 0 : index
      %get3A_712 = tpu.vector_load %arg8[%get3A_710, %get3A_711] {strides = array<i32>} : memref<400x128xf32, #tpu.memory_space<vmem>>, vector<1x16xf32>,
      %get3A_713 = vector.shape_cast %get3A_712 : vector<1x16xf32> to vector<16xf32>
      %get3A_714 = arith.index_cast %add3A_709 : i32 to index
      %get3A_715 = arith.constant 16 : index
      %get3A_716 = tpu.vector_load %arg8[%get3A_714, %get3A_715] {strides = array<i32>} : memref<400x128xf32, #tpu.memory_space<vmem>>, vector<1x16xf32>,
      %get3A_717 = vector.shape_cast %get3A_716 : vector<1x16xf32> to vector<16xf32>
      %sub3A_718 = arith.subf %get3A_125, %get3A_713 : vector<16xf32>
      %sub3A_719 = arith.subf %get3A_132, %get3A_717 : vector<16xf32>
      %mul3A_720 = arith.mulf %sub3A_718, %sub3A_718 : vector<16xf32>
      %mul3A_721 = arith.mulf %sub3A_719, %sub3A_719 : vector<16xf32>
      %add3A_722 = arith.addf %mul3A_720, %mul3A_721 : vector<16xf32>
      %add3A_723 = arith.constant 8 : i32
      %add3A_724 = vector.broadcast %add3A_723 : i32 to vector<16xi32>
      %add3A_725 = arith.addi %iota3A, %add3A_724 : vector<16xi32>
      %and3A_726 = arith.constant 15 : i32
      %and3A_727 = vector.broadcast %and3A_726 : i32 to vector<16xi32>
      %and3A_728 = arith.andi %add3A_725, %and3A_727 : vector<16xi32>
      %broadcast_in_dim3A_729 = vector.shape_cast %and3A_728 : vector<16xi32> to vector<16x1xi32>
      %gather3A_730 = vector.shape_cast %broadcast_in_dim3A_729 : vector<16x1xi32> to vector<16xi32>
      %gather3A_731 = tpu.dynamic_gather %add3A_722[%gather3A_730] in [0] : vector<16xf32>, vector<16xi32> -> vector<16xf32>
      %add3A_732 = arith.addf %add3A_722, %gather3A_731 : vector<16xf32>
      %add3A_733 = arith.constant 4 : i32
      %add3A_734 = vector.broadcast %add3A_733 : i32 to vector<16xi32>
      %add3A_735 = arith.addi %iota3A, %add3A_734 : vector<16xi32>
      %and3A_736 = arith.constant 15 : i32
      %and3A_737 = vector.broadcast %and3A_736 : i32 to vector<16xi32>
      %and3A_738 = arith.andi %add3A_735, %and3A_737 : vector<16xi32>
      %broadcast_in_dim3A_739 = vector.shape_cast %and3A_738 : vector<16xi32> to vector<16x1xi32>
      %gather3A_740 = vector.shape_cast %broadcast_in_dim3A_739 : vector<16x1xi32> to vector<16xi32>
      %gather3A_741 = tpu.dynamic_gather %add3A_732[%gather3A_740] in [0] : vector<16xf32>, vector<16xi32> -> vector<16xf32>
      %add3A_742 = arith.addf %add3A_732, %gather3A_741 : vector<16xf32>
      %add3A_743 = arith.constant 2 : i32
      %add3A_744 = vector.broadcast %add3A_743 : i32 to vector<16xi32>
      %add3A_745 = arith.addi %iota3A, %add3A_744 : vector<16xi32>
      %and3A_746 = arith.constant 15 : i32
      %and3A_747 = vector.broadcast %and3A_746 : i32 to vector<16xi32>
      %and3A_748 = arith.andi %add3A_745, %and3A_747 : vector<16xi32>
      %broadcast_in_dim3A_749 = vector.shape_cast %and3A_748 : vector<16xi32> to vector<16x1xi32>
      %gather3A_750 = vector.shape_cast %broadcast_in_dim3A_749 : vector<16x1xi32> to vector<16xi32>
      %gather3A_751 = tpu.dynamic_gather %add3A_742[%gather3A_750] in [0] : vector<16xf32>, vector<16xi32> -> vector<16xf32>
      %add3A_752 = arith.addf %add3A_742, %gather3A_751 : vector<16xf32>
      %add3A_753 = arith.constant 1 : i32
      %add3A_754 = vector.broadcast %add3A_753 : i32 to vector<16xi32>
      %add3A_755 = arith.addi %iota3A, %add3A_754 : vector<16xi32>
      %and3A_756 = arith.constant 15 : i32
      %and3A_757 = vector.broadcast %and3A_756 : i32 to vector<16xi32>
      %and3A_758 = arith.andi %add3A_755, %and3A_757 : vector<16xi32>
      %broadcast_in_dim3A_759 = vector.shape_cast %and3A_758 : vector<16xi32> to vector<16x1xi32>
      %gather3A_760 = vector.shape_cast %broadcast_in_dim3A_759 : vector<16x1xi32> to vector<16xi32>
      %gather3A_761 = tpu.dynamic_gather %add3A_752[%gather3A_760] in [0] : vector<16xf32>, vector<16xi32> -> vector<16xf32>
      %add3A_762 = arith.addf %add3A_752, %gather3A_761 : vector<16xf32>
      %broadcast_in_dim3A_763 = vector.shape_cast %mul3A_105 : vector<16xi32> to vector<16x1xi32>
      %gather3A_764 = vector.shape_cast %broadcast_in_dim3A_763 : vector<16x1xi32> to vector<16xi32>
      %gather3A_765 = tpu.dynamic_gather %add3A_762[%gather3A_764] in [0] : vector<16xf32>, vector<16xi32> -> vector<16xf32>
      %eq3A_766 = arith.constant 9 : i32
      %eq3A_767 = vector.broadcast %eq3A_766 : i32 to vector<16xi32>
      %eq3A_768 = arith.cmpi eq, %iota3A, %eq3A_767 : vector<16xi32>
      %select_n3A_769 = arith.select %eq3A_768, %gather3A_765, %select_n3A_705 : vector<16xi1>, vector<16xf32>
      %mul3A_770 = arith.constant 16 : i32
      %mul3A_771 = arith.muli %scan3A_119, %mul3A_770 : i32
      %add3A_772 = arith.constant 10 : i32
      %add3A_773 = arith.addi %mul3A_771, %add3A_772 : i32
      %get3A_774 = arith.index_cast %add3A_773 : i32 to index
      %get3A_775 = arith.constant 0 : index
      %get3A_776 = tpu.vector_load %arg8[%get3A_774, %get3A_775] {strides = array<i32>} : memref<400x128xf32, #tpu.memory_space<vmem>>, vector<1x16xf32>,
      %get3A_777 = vector.shape_cast %get3A_776 : vector<1x16xf32> to vector<16xf32>
      %get3A_778 = arith.index_cast %add3A_773 : i32 to index
      %get3A_779 = arith.constant 16 : index
      %get3A_780 = tpu.vector_load %arg8[%get3A_778, %get3A_779] {strides = array<i32>} : memref<400x128xf32, #tpu.memory_space<vmem>>, vector<1x16xf32>,
      %get3A_781 = vector.shape_cast %get3A_780 : vector<1x16xf32> to vector<16xf32>
      %sub3A_782 = arith.subf %get3A_125, %get3A_777 : vector<16xf32>
      %sub3A_783 = arith.subf %get3A_132, %get3A_781 : vector<16xf32>
      %mul3A_784 = arith.mulf %sub3A_782, %sub3A_782 : vector<16xf32>
      %mul3A_785 = arith.mulf %sub3A_783, %sub3A_783 : vector<16xf32>
      %add3A_786 = arith.addf %mul3A_784, %mul3A_785 : vector<16xf32>
      %add3A_787 = arith.constant 8 : i32
      %add3A_788 = vector.broadcast %add3A_787 : i32 to vector<16xi32>
      %add3A_789 = arith.addi %iota3A, %add3A_788 : vector<16xi32>
      %and3A_790 = arith.constant 15 : i32
      %and3A_791 = vector.broadcast %and3A_790 : i32 to vector<16xi32>
      %and3A_792 = arith.andi %add3A_789, %and3A_791 : vector<16xi32>
      %broadcast_in_dim3A_793 = vector.shape_cast %and3A_792 : vector<16xi32> to vector<16x1xi32>
      %gather3A_794 = vector.shape_cast %broadcast_in_dim3A_793 : vector<16x1xi32> to vector<16xi32>
      %gather3A_795 = tpu.dynamic_gather %add3A_786[%gather3A_794] in [0] : vector<16xf32>, vector<16xi32> -> vector<16xf32>
      %add3A_796 = arith.addf %add3A_786, %gather3A_795 : vector<16xf32>
      %add3A_797 = arith.constant 4 : i32
      %add3A_798 = vector.broadcast %add3A_797 : i32 to vector<16xi32>
      %add3A_799 = arith.addi %iota3A, %add3A_798 : vector<16xi32>
      %and3A_800 = arith.constant 15 : i32
      %and3A_801 = vector.broadcast %and3A_800 : i32 to vector<16xi32>
      %and3A_802 = arith.andi %add3A_799, %and3A_801 : vector<16xi32>
      %broadcast_in_dim3A_803 = vector.shape_cast %and3A_802 : vector<16xi32> to vector<16x1xi32>
      %gather3A_804 = vector.shape_cast %broadcast_in_dim3A_803 : vector<16x1xi32> to vector<16xi32>
      %gather3A_805 = tpu.dynamic_gather %add3A_796[%gather3A_804] in [0] : vector<16xf32>, vector<16xi32> -> vector<16xf32>
      %add3A_806 = arith.addf %add3A_796, %gather3A_805 : vector<16xf32>
      %add3A_807 = arith.constant 2 : i32
      %add3A_808 = vector.broadcast %add3A_807 : i32 to vector<16xi32>
      %add3A_809 = arith.addi %iota3A, %add3A_808 : vector<16xi32>
      %and3A_810 = arith.constant 15 : i32
      %and3A_811 = vector.broadcast %and3A_810 : i32 to vector<16xi32>
      %and3A_812 = arith.andi %add3A_809, %and3A_811 : vector<16xi32>
      %broadcast_in_dim3A_813 = vector.shape_cast %and3A_812 : vector<16xi32> to vector<16x1xi32>
      %gather3A_814 = vector.shape_cast %broadcast_in_dim3A_813 : vector<16x1xi32> to vector<16xi32>
      %gather3A_815 = tpu.dynamic_gather %add3A_806[%gather3A_814] in [0] : vector<16xf32>, vector<16xi32> -> vector<16xf32>
      %add3A_816 = arith.addf %add3A_806, %gather3A_815 : vector<16xf32>
      %add3A_817 = arith.constant 1 : i32
      %add3A_818 = vector.broadcast %add3A_817 : i32 to vector<16xi32>
      %add3A_819 = arith.addi %iota3A, %add3A_818 : vector<16xi32>
      %and3A_820 = arith.constant 15 : i32
      %and3A_821 = vector.broadcast %and3A_820 : i32 to vector<16xi32>
      %and3A_822 = arith.andi %add3A_819, %and3A_821 : vector<16xi32>
      %broadcast_in_dim3A_823 = vector.shape_cast %and3A_822 : vector<16xi32> to vector<16x1xi32>
      %gather3A_824 = vector.shape_cast %broadcast_in_dim3A_823 : vector<16x1xi32> to vector<16xi32>
      %gather3A_825 = tpu.dynamic_gather %add3A_816[%gather3A_824] in [0] : vector<16xf32>, vector<16xi32> -> vector<16xf32>
      %add3A_826 = arith.addf %add3A_816, %gather3A_825 : vector<16xf32>
      %broadcast_in_dim3A_827 = vector.shape_cast %mul3A_105 : vector<16xi32> to vector<16x1xi32>
      %gather3A_828 = vector.shape_cast %broadcast_in_dim3A_827 : vector<16x1xi32> to vector<16xi32>
      %gather3A_829 = tpu.dynamic_gather %add3A_826[%gather3A_828] in [0] : vector<16xf32>, vector<16xi32> -> vector<16xf32>
      %eq3A_830 = arith.constant 10 : i32
      %eq3A_831 = vector.broadcast %eq3A_830 : i32 to vector<16xi32>
      %eq3A_832 = arith.cmpi eq, %iota3A, %eq3A_831 : vector<16xi32>
      %select_n3A_833 = arith.select %eq3A_832, %gather3A_829, %select_n3A_769 : vector<16xi1>, vector<16xf32>
      %mul3A_834 = arith.constant 16 : i32
      %mul3A_835 = arith.muli %scan3A_119, %mul3A_834 : i32
      %add3A_836 = arith.constant 11 : i32
      %add3A_837 = arith.addi %mul3A_835, %add3A_836 : i32
      %get3A_838 = arith.index_cast %add3A_837 : i32 to index
      %get3A_839 = arith.constant 0 : index
      %get3A_840 = tpu.vector_load %arg8[%get3A_838, %get3A_839] {strides = array<i32>} : memref<400x128xf32, #tpu.memory_space<vmem>>, vector<1x16xf32>,
      %get3A_841 = vector.shape_cast %get3A_840 : vector<1x16xf32> to vector<16xf32>
      %get3A_842 = arith.index_cast %add3A_837 : i32 to index
      %get3A_843 = arith.constant 16 : index
      %get3A_844 = tpu.vector_load %arg8[%get3A_842, %get3A_843] {strides = array<i32>} : memref<400x128xf32, #tpu.memory_space<vmem>>, vector<1x16xf32>,
      %get3A_845 = vector.shape_cast %get3A_844 : vector<1x16xf32> to vector<16xf32>
      %sub3A_846 = arith.subf %get3A_125, %get3A_841 : vector<16xf32>
      %sub3A_847 = arith.subf %get3A_132, %get3A_845 : vector<16xf32>
      %mul3A_848 = arith.mulf %sub3A_846, %sub3A_846 : vector<16xf32>
      %mul3A_849 = arith.mulf %sub3A_847, %sub3A_847 : vector<16xf32>
      %add3A_850 = arith.addf %mul3A_848, %mul3A_849 : vector<16xf32>
      %add3A_851 = arith.constant 8 : i32
      %add3A_852 = vector.broadcast %add3A_851 : i32 to vector<16xi32>
      %add3A_853 = arith.addi %iota3A, %add3A_852 : vector<16xi32>
      %and3A_854 = arith.constant 15 : i32
      %and3A_855 = vector.broadcast %and3A_854 : i32 to vector<16xi32>
      %and3A_856 = arith.andi %add3A_853, %and3A_855 : vector<16xi32>
      %broadcast_in_dim3A_857 = vector.shape_cast %and3A_856 : vector<16xi32> to vector<16x1xi32>
      %gather3A_858 = vector.shape_cast %broadcast_in_dim3A_857 : vector<16x1xi32> to vector<16xi32>
      %gather3A_859 = tpu.dynamic_gather %add3A_850[%gather3A_858] in [0] : vector<16xf32>, vector<16xi32> -> vector<16xf32>
      %add3A_860 = arith.addf %add3A_850, %gather3A_859 : vector<16xf32>
      %add3A_861 = arith.constant 4 : i32
      %add3A_862 = vector.broadcast %add3A_861 : i32 to vector<16xi32>
      %add3A_863 = arith.addi %iota3A, %add3A_862 : vector<16xi32>
      %and3A_864 = arith.constant 15 : i32
      %and3A_865 = vector.broadcast %and3A_864 : i32 to vector<16xi32>
      %and3A_866 = arith.andi %add3A_863, %and3A_865 : vector<16xi32>
      %broadcast_in_dim3A_867 = vector.shape_cast %and3A_866 : vector<16xi32> to vector<16x1xi32>
      %gather3A_868 = vector.shape_cast %broadcast_in_dim3A_867 : vector<16x1xi32> to vector<16xi32>
      %gather3A_869 = tpu.dynamic_gather %add3A_860[%gather3A_868] in [0] : vector<16xf32>, vector<16xi32> -> vector<16xf32>
      %add3A_870 = arith.addf %add3A_860, %gather3A_869 : vector<16xf32>
      %add3A_871 = arith.constant 2 : i32
      %add3A_872 = vector.broadcast %add3A_871 : i32 to vector<16xi32>
      %add3A_873 = arith.addi %iota3A, %add3A_872 : vector<16xi32>
      %and3A_874 = arith.constant 15 : i32
      %and3A_875 = vector.broadcast %and3A_874 : i32 to vector<16xi32>
      %and3A_876 = arith.andi %add3A_873, %and3A_875 : vector<16xi32>
      %broadcast_in_dim3A_877 = vector.shape_cast %and3A_876 : vector<16xi32> to vector<16x1xi32>
      %gather3A_878 = vector.shape_cast %broadcast_in_dim3A_877 : vector<16x1xi32> to vector<16xi32>
      %gather3A_879 = tpu.dynamic_gather %add3A_870[%gather3A_878] in [0] : vector<16xf32>, vector<16xi32> -> vector<16xf32>
      %add3A_880 = arith.addf %add3A_870, %gather3A_879 : vector<16xf32>
      %add3A_881 = arith.constant 1 : i32
      %add3A_882 = vector.broadcast %add3A_881 : i32 to vector<16xi32>
      %add3A_883 = arith.addi %iota3A, %add3A_882 : vector<16xi32>
      %and3A_884 = arith.constant 15 : i32
      %and3A_885 = vector.broadcast %and3A_884 : i32 to vector<16xi32>
      %and3A_886 = arith.andi %add3A_883, %and3A_885 : vector<16xi32>
      %broadcast_in_dim3A_887 = vector.shape_cast %and3A_886 : vector<16xi32> to vector<16x1xi32>
      %gather3A_888 = vector.shape_cast %broadcast_in_dim3A_887 : vector<16x1xi32> to vector<16xi32>
      %gather3A_889 = tpu.dynamic_gather %add3A_880[%gather3A_888] in [0] : vector<16xf32>, vector<16xi32> -> vector<16xf32>
      %add3A_890 = arith.addf %add3A_880, %gather3A_889 : vector<16xf32>
      %broadcast_in_dim3A_891 = vector.shape_cast %mul3A_105 : vector<16xi32> to vector<16x1xi32>
      %gather3A_892 = vector.shape_cast %broadcast_in_dim3A_891 : vector<16x1xi32> to vector<16xi32>
      %gather3A_893 = tpu.dynamic_gather %add3A_890[%gather3A_892] in [0] : vector<16xf32>, vector<16xi32> -> vector<16xf32>
      %eq3A_894 = arith.constant 11 : i32
      %eq3A_895 = vector.broadcast %eq3A_894 : i32 to vector<16xi32>
      %eq3A_896 = arith.cmpi eq, %iota3A, %eq3A_895 : vector<16xi32>
      %select_n3A_897 = arith.select %eq3A_896, %gather3A_893, %select_n3A_833 : vector<16xi1>, vector<16xf32>
      %mul3A_898 = arith.constant 16 : i32
      %mul3A_899 = arith.muli %scan3A_119, %mul3A_898 : i32
      %add3A_900 = arith.constant 12 : i32
      %add3A_901 = arith.addi %mul3A_899, %add3A_900 : i32
      %get3A_902 = arith.index_cast %add3A_901 : i32 to index
      %get3A_903 = arith.constant 0 : index
      %get3A_904 = tpu.vector_load %arg8[%get3A_902, %get3A_903] {strides = array<i32>} : memref<400x128xf32, #tpu.memory_space<vmem>>, vector<1x16xf32>,
      %get3A_905 = vector.shape_cast %get3A_904 : vector<1x16xf32> to vector<16xf32>
      %get3A_906 = arith.index_cast %add3A_901 : i32 to index
      %get3A_907 = arith.constant 16 : index
      %get3A_908 = tpu.vector_load %arg8[%get3A_906, %get3A_907] {strides = array<i32>} : memref<400x128xf32, #tpu.memory_space<vmem>>, vector<1x16xf32>,
      %get3A_909 = vector.shape_cast %get3A_908 : vector<1x16xf32> to vector<16xf32>
      %sub3A_910 = arith.subf %get3A_125, %get3A_905 : vector<16xf32>
      %sub3A_911 = arith.subf %get3A_132, %get3A_909 : vector<16xf32>
      %mul3A_912 = arith.mulf %sub3A_910, %sub3A_910 : vector<16xf32>
      %mul3A_913 = arith.mulf %sub3A_911, %sub3A_911 : vector<16xf32>
      %add3A_914 = arith.addf %mul3A_912, %mul3A_913 : vector<16xf32>
      %add3A_915 = arith.constant 8 : i32
      %add3A_916 = vector.broadcast %add3A_915 : i32 to vector<16xi32>
      %add3A_917 = arith.addi %iota3A, %add3A_916 : vector<16xi32>
      %and3A_918 = arith.constant 15 : i32
      %and3A_919 = vector.broadcast %and3A_918 : i32 to vector<16xi32>
      %and3A_920 = arith.andi %add3A_917, %and3A_919 : vector<16xi32>
      %broadcast_in_dim3A_921 = vector.shape_cast %and3A_920 : vector<16xi32> to vector<16x1xi32>
      %gather3A_922 = vector.shape_cast %broadcast_in_dim3A_921 : vector<16x1xi32> to vector<16xi32>
      %gather3A_923 = tpu.dynamic_gather %add3A_914[%gather3A_922] in [0] : vector<16xf32>, vector<16xi32> -> vector<16xf32>
      %add3A_924 = arith.addf %add3A_914, %gather3A_923 : vector<16xf32>
      %add3A_925 = arith.constant 4 : i32
      %add3A_926 = vector.broadcast %add3A_925 : i32 to vector<16xi32>
      %add3A_927 = arith.addi %iota3A, %add3A_926 : vector<16xi32>
      %and3A_928 = arith.constant 15 : i32
      %and3A_929 = vector.broadcast %and3A_928 : i32 to vector<16xi32>
      %and3A_930 = arith.andi %add3A_927, %and3A_929 : vector<16xi32>
      %broadcast_in_dim3A_931 = vector.shape_cast %and3A_930 : vector<16xi32> to vector<16x1xi32>
      %gather3A_932 = vector.shape_cast %broadcast_in_dim3A_931 : vector<16x1xi32> to vector<16xi32>
      %gather3A_933 = tpu.dynamic_gather %add3A_924[%gather3A_932] in [0] : vector<16xf32>, vector<16xi32> -> vector<16xf32>
      %add3A_934 = arith.addf %add3A_924, %gather3A_933 : vector<16xf32>
      %add3A_935 = arith.constant 2 : i32
      %add3A_936 = vector.broadcast %add3A_935 : i32 to vector<16xi32>
      %add3A_937 = arith.addi %iota3A, %add3A_936 : vector<16xi32>
      %and3A_938 = arith.constant 15 : i32
      %and3A_939 = vector.broadcast %and3A_938 : i32 to vector<16xi32>
      %and3A_940 = arith.andi %add3A_937, %and3A_939 : vector<16xi32>
      %broadcast_in_dim3A_941 = vector.shape_cast %and3A_940 : vector<16xi32> to vector<16x1xi32>
      %gather3A_942 = vector.shape_cast %broadcast_in_dim3A_941 : vector<16x1xi32> to vector<16xi32>
      %gather3A_943 = tpu.dynamic_gather %add3A_934[%gather3A_942] in [0] : vector<16xf32>, vector<16xi32> -> vector<16xf32>
      %add3A_944 = arith.addf %add3A_934, %gather3A_943 : vector<16xf32>
      %add3A_945 = arith.constant 1 : i32
      %add3A_946 = vector.broadcast %add3A_945 : i32 to vector<16xi32>
      %add3A_947 = arith.addi %iota3A, %add3A_946 : vector<16xi32>
      %and3A_948 = arith.constant 15 : i32
      %and3A_949 = vector.broadcast %and3A_948 : i32 to vector<16xi32>
      %and3A_950 = arith.andi %add3A_947, %and3A_949 : vector<16xi32>
      %broadcast_in_dim3A_951 = vector.shape_cast %and3A_950 : vector<16xi32> to vector<16x1xi32>
      %gather3A_952 = vector.shape_cast %broadcast_in_dim3A_951 : vector<16x1xi32> to vector<16xi32>
      %gather3A_953 = tpu.dynamic_gather %add3A_944[%gather3A_952] in [0] : vector<16xf32>, vector<16xi32> -> vector<16xf32>
      %add3A_954 = arith.addf %add3A_944, %gather3A_953 : vector<16xf32>
      %broadcast_in_dim3A_955 = vector.shape_cast %mul3A_105 : vector<16xi32> to vector<16x1xi32>
      %gather3A_956 = vector.shape_cast %broadcast_in_dim3A_955 : vector<16x1xi32> to vector<16xi32>
      %gather3A_957 = tpu.dynamic_gather %add3A_954[%gather3A_956] in [0] : vector<16xf32>, vector<16xi32> -> vector<16xf32>
      %eq3A_958 = arith.constant 12 : i32
      %eq3A_959 = vector.broadcast %eq3A_958 : i32 to vector<16xi32>
      %eq3A_960 = arith.cmpi eq, %iota3A, %eq3A_959 : vector<16xi32>
      %select_n3A_961 = arith.select %eq3A_960, %gather3A_957, %select_n3A_897 : vector<16xi1>, vector<16xf32>
      %mul3A_962 = arith.constant 16 : i32
      %mul3A_963 = arith.muli %scan3A_119, %mul3A_962 : i32
      %add3A_964 = arith.constant 13 : i32
      %add3A_965 = arith.addi %mul3A_963, %add3A_964 : i32
      %get3A_966 = arith.index_cast %add3A_965 : i32 to index
      %get3A_967 = arith.constant 0 : index
      %get3A_968 = tpu.vector_load %arg8[%get3A_966, %get3A_967] {strides = array<i32>} : memref<400x128xf32, #tpu.memory_space<vmem>>, vector<1x16xf32>,
      %get3A_969 = vector.shape_cast %get3A_968 : vector<1x16xf32> to vector<16xf32>
      %get3A_970 = arith.index_cast %add3A_965 : i32 to index
      %get3A_971 = arith.constant 16 : index
      %get3A_972 = tpu.vector_load %arg8[%get3A_970, %get3A_971] {strides = array<i32>} : memref<400x128xf32, #tpu.memory_space<vmem>>, vector<1x16xf32>,
      %get3A_973 = vector.shape_cast %get3A_972 : vector<1x16xf32> to vector<16xf32>
      %sub3A_974 = arith.subf %get3A_125, %get3A_969 : vector<16xf32>
      %sub3A_975 = arith.subf %get3A_132, %get3A_973 : vector<16xf32>
      %mul3A_976 = arith.mulf %sub3A_974, %sub3A_974 : vector<16xf32>
      %mul3A_977 = arith.mulf %sub3A_975, %sub3A_975 : vector<16xf32>
      %add3A_978 = arith.addf %mul3A_976, %mul3A_977 : vector<16xf32>
      %add3A_979 = arith.constant 8 : i32
      %add3A_980 = vector.broadcast %add3A_979 : i32 to vector<16xi32>
      %add3A_981 = arith.addi %iota3A, %add3A_980 : vector<16xi32>
      %and3A_982 = arith.constant 15 : i32
      %and3A_983 = vector.broadcast %and3A_982 : i32 to vector<16xi32>
      %and3A_984 = arith.andi %add3A_981, %and3A_983 : vector<16xi32>
      %broadcast_in_dim3A_985 = vector.shape_cast %and3A_984 : vector<16xi32> to vector<16x1xi32>
      %gather3A_986 = vector.shape_cast %broadcast_in_dim3A_985 : vector<16x1xi32> to vector<16xi32>
      %gather3A_987 = tpu.dynamic_gather %add3A_978[%gather3A_986] in [0] : vector<16xf32>, vector<16xi32> -> vector<16xf32>
      %add3A_988 = arith.addf %add3A_978, %gather3A_987 : vector<16xf32>
      %add3A_989 = arith.constant 4 : i32
      %add3A_990 = vector.broadcast %add3A_989 : i32 to vector<16xi32>
      %add3A_991 = arith.addi %iota3A, %add3A_990 : vector<16xi32>
      %and3A_992 = arith.constant 15 : i32
      %and3A_993 = vector.broadcast %and3A_992 : i32 to vector<16xi32>
      %and3A_994 = arith.andi %add3A_991, %and3A_993 : vector<16xi32>
      %broadcast_in_dim3A_995 = vector.shape_cast %and3A_994 : vector<16xi32> to vector<16x1xi32>
      %gather3A_996 = vector.shape_cast %broadcast_in_dim3A_995 : vector<16x1xi32> to vector<16xi32>
      %gather3A_997 = tpu.dynamic_gather %add3A_988[%gather3A_996] in [0] : vector<16xf32>, vector<16xi32> -> vector<16xf32>
      %add3A_998 = arith.addf %add3A_988, %gather3A_997 : vector<16xf32>
      %add3A_999 = arith.constant 2 : i32
      %add3A_1000 = vector.broadcast %add3A_999 : i32 to vector<16xi32>
      %add3A_1001 = arith.addi %iota3A, %add3A_1000 : vector<16xi32>
      %and3A_1002 = arith.constant 15 : i32
      %and3A_1003 = vector.broadcast %and3A_1002 : i32 to vector<16xi32>
      %and3A_1004 = arith.andi %add3A_1001, %and3A_1003 : vector<16xi32>
      %broadcast_in_dim3A_1005 = vector.shape_cast %and3A_1004 : vector<16xi32> to vector<16x1xi32>
      %gather3A_1006 = vector.shape_cast %broadcast_in_dim3A_1005 : vector<16x1xi32> to vector<16xi32>
      %gather3A_1007 = tpu.dynamic_gather %add3A_998[%gather3A_1006] in [0] : vector<16xf32>, vector<16xi32> -> vector<16xf32>
      %add3A_1008 = arith.addf %add3A_998, %gather3A_1007 : vector<16xf32>
      %add3A_1009 = arith.constant 1 : i32
      %add3A_1010 = vector.broadcast %add3A_1009 : i32 to vector<16xi32>
      %add3A_1011 = arith.addi %iota3A, %add3A_1010 : vector<16xi32>
      %and3A_1012 = arith.constant 15 : i32
      %and3A_1013 = vector.broadcast %and3A_1012 : i32 to vector<16xi32>
      %and3A_1014 = arith.andi %add3A_1011, %and3A_1013 : vector<16xi32>
      %broadcast_in_dim3A_1015 = vector.shape_cast %and3A_1014 : vector<16xi32> to vector<16x1xi32>
      %gather3A_1016 = vector.shape_cast %broadcast_in_dim3A_1015 : vector<16x1xi32> to vector<16xi32>
      %gather3A_1017 = tpu.dynamic_gather %add3A_1008[%gather3A_1016] in [0] : vector<16xf32>, vector<16xi32> -> vector<16xf32>
      %add3A_1018 = arith.addf %add3A_1008, %gather3A_1017 : vector<16xf32>
      %broadcast_in_dim3A_1019 = vector.shape_cast %mul3A_105 : vector<16xi32> to vector<16x1xi32>
      %gather3A_1020 = vector.shape_cast %broadcast_in_dim3A_1019 : vector<16x1xi32> to vector<16xi32>
      %gather3A_1021 = tpu.dynamic_gather %add3A_1018[%gather3A_1020] in [0] : vector<16xf32>, vector<16xi32> -> vector<16xf32>
      %eq3A_1022 = arith.constant 13 : i32
      %eq3A_1023 = vector.broadcast %eq3A_1022 : i32 to vector<16xi32>
      %eq3A_1024 = arith.cmpi eq, %iota3A, %eq3A_1023 : vector<16xi32>
      %select_n3A_1025 = arith.select %eq3A_1024, %gather3A_1021, %select_n3A_961 : vector<16xi1>, vector<16xf32>
      %mul3A_1026 = arith.constant 16 : i32
      %mul3A_1027 = arith.muli %scan3A_119, %mul3A_1026 : i32
      %add3A_1028 = arith.constant 14 : i32
      %add3A_1029 = arith.addi %mul3A_1027, %add3A_1028 : i32
      %get3A_1030 = arith.index_cast %add3A_1029 : i32 to index
      %get3A_1031 = arith.constant 0 : index
      %get3A_1032 = tpu.vector_load %arg8[%get3A_1030, %get3A_1031] {strides = array<i32>} : memref<400x128xf32, #tpu.memory_space<vmem>>, vector<1x16xf32>,
      %get3A_1033 = vector.shape_cast %get3A_1032 : vector<1x16xf32> to vector<16xf32>
      %get3A_1034 = arith.index_cast %add3A_1029 : i32 to index
      %get3A_1035 = arith.constant 16 : index
      %get3A_1036 = tpu.vector_load %arg8[%get3A_1034, %get3A_1035] {strides = array<i32>} : memref<400x128xf32, #tpu.memory_space<vmem>>, vector<1x16xf32>,
      %get3A_1037 = vector.shape_cast %get3A_1036 : vector<1x16xf32> to vector<16xf32>
      %sub3A_1038 = arith.subf %get3A_125, %get3A_1033 : vector<16xf32>
      %sub3A_1039 = arith.subf %get3A_132, %get3A_1037 : vector<16xf32>
      %mul3A_1040 = arith.mulf %sub3A_1038, %sub3A_1038 : vector<16xf32>
      %mul3A_1041 = arith.mulf %sub3A_1039, %sub3A_1039 : vector<16xf32>
      %add3A_1042 = arith.addf %mul3A_1040, %mul3A_1041 : vector<16xf32>
      %add3A_1043 = arith.constant 8 : i32
      %add3A_1044 = vector.broadcast %add3A_1043 : i32 to vector<16xi32>
      %add3A_1045 = arith.addi %iota3A, %add3A_1044 : vector<16xi32>
      %and3A_1046 = arith.constant 15 : i32
      %and3A_1047 = vector.broadcast %and3A_1046 : i32 to vector<16xi32>
      %and3A_1048 = arith.andi %add3A_1045, %and3A_1047 : vector<16xi32>
      %broadcast_in_dim3A_1049 = vector.shape_cast %and3A_1048 : vector<16xi32> to vector<16x1xi32>
      %gather3A_1050 = vector.shape_cast %broadcast_in_dim3A_1049 : vector<16x1xi32> to vector<16xi32>
      %gather3A_1051 = tpu.dynamic_gather %add3A_1042[%gather3A_1050] in [0] : vector<16xf32>, vector<16xi32> -> vector<16xf32>
      %add3A_1052 = arith.addf %add3A_1042, %gather3A_1051 : vector<16xf32>
      %add3A_1053 = arith.constant 4 : i32
      %add3A_1054 = vector.broadcast %add3A_1053 : i32 to vector<16xi32>
      %add3A_1055 = arith.addi %iota3A, %add3A_1054 : vector<16xi32>
      %and3A_1056 = arith.constant 15 : i32
      %and3A_1057 = vector.broadcast %and3A_1056 : i32 to vector<16xi32>
      %and3A_1058 = arith.andi %add3A_1055, %and3A_1057 : vector<16xi32>
      %broadcast_in_dim3A_1059 = vector.shape_cast %and3A_1058 : vector<16xi32> to vector<16x1xi32>
      %gather3A_1060 = vector.shape_cast %broadcast_in_dim3A_1059 : vector<16x1xi32> to vector<16xi32>
      %gather3A_1061 = tpu.dynamic_gather %add3A_1052[%gather3A_1060] in [0] : vector<16xf32>, vector<16xi32> -> vector<16xf32>
      %add3A_1062 = arith.addf %add3A_1052, %gather3A_1061 : vector<16xf32>
      %add3A_1063 = arith.constant 2 : i32
      %add3A_1064 = vector.broadcast %add3A_1063 : i32 to vector<16xi32>
      %add3A_1065 = arith.addi %iota3A, %add3A_1064 : vector<16xi32>
      %and3A_1066 = arith.constant 15 : i32
      %and3A_1067 = vector.broadcast %and3A_1066 : i32 to vector<16xi32>
      %and3A_1068 = arith.andi %add3A_1065, %and3A_1067 : vector<16xi32>
      %broadcast_in_dim3A_1069 = vector.shape_cast %and3A_1068 : vector<16xi32> to vector<16x1xi32>
      %gather3A_1070 = vector.shape_cast %broadcast_in_dim3A_1069 : vector<16x1xi32> to vector<16xi32>
      %gather3A_1071 = tpu.dynamic_gather %add3A_1062[%gather3A_1070] in [0] : vector<16xf32>, vector<16xi32> -> vector<16xf32>
      %add3A_1072 = arith.addf %add3A_1062, %gather3A_1071 : vector<16xf32>
      %add3A_1073 = arith.constant 1 : i32
      %add3A_1074 = vector.broadcast %add3A_1073 : i32 to vector<16xi32>
      %add3A_1075 = arith.addi %iota3A, %add3A_1074 : vector<16xi32>
      %and3A_1076 = arith.constant 15 : i32
      %and3A_1077 = vector.broadcast %and3A_1076 : i32 to vector<16xi32>
      %and3A_1078 = arith.andi %add3A_1075, %and3A_1077 : vector<16xi32>
      %broadcast_in_dim3A_1079 = vector.shape_cast %and3A_1078 : vector<16xi32> to vector<16x1xi32>
      %gather3A_1080 = vector.shape_cast %broadcast_in_dim3A_1079 : vector<16x1xi32> to vector<16xi32>
      %gather3A_1081 = tpu.dynamic_gather %add3A_1072[%gather3A_1080] in [0] : vector<16xf32>, vector<16xi32> -> vector<16xf32>
      %add3A_1082 = arith.addf %add3A_1072, %gather3A_1081 : vector<16xf32>
      %broadcast_in_dim3A_1083 = vector.shape_cast %mul3A_105 : vector<16xi32> to vector<16x1xi32>
      %gather3A_1084 = vector.shape_cast %broadcast_in_dim3A_1083 : vector<16x1xi32> to vector<16xi32>
      %gather3A_1085 = tpu.dynamic_gather %add3A_1082[%gather3A_1084] in [0] : vector<16xf32>, vector<16xi32> -> vector<16xf32>
      %eq3A_1086 = arith.constant 14 : i32
      %eq3A_1087 = vector.broadcast %eq3A_1086 : i32 to vector<16xi32>
      %eq3A_1088 = arith.cmpi eq, %iota3A, %eq3A_1087 : vector<16xi32>
      %select_n3A_1089 = arith.select %eq3A_1088, %gather3A_1085, %select_n3A_1025 : vector<16xi1>, vector<16xf32>
      %mul3A_1090 = arith.constant 16 : i32
      %mul3A_1091 = arith.muli %scan3A_119, %mul3A_1090 : i32
      %add3A_1092 = arith.constant 15 : i32
      %add3A_1093 = arith.addi %mul3A_1091, %add3A_1092 : i32
      %get3A_1094 = arith.index_cast %add3A_1093 : i32 to index
      %get3A_1095 = arith.constant 0 : index
      %get3A_1096 = tpu.vector_load %arg8[%get3A_1094, %get3A_1095] {strides = array<i32>} : memref<400x128xf32, #tpu.memory_space<vmem>>, vector<1x16xf32>,
      %get3A_1097 = vector.shape_cast %get3A_1096 : vector<1x16xf32> to vector<16xf32>
      %get3A_1098 = arith.index_cast %add3A_1093 : i32 to index
      %get3A_1099 = arith.constant 16 : index
      %get3A_1100 = tpu.vector_load %arg8[%get3A_1098, %get3A_1099] {strides = array<i32>} : memref<400x128xf32, #tpu.memory_space<vmem>>, vector<1x16xf32>,
      %get3A_1101 = vector.shape_cast %get3A_1100 : vector<1x16xf32> to vector<16xf32>
      %sub3A_1102 = arith.subf %get3A_125, %get3A_1097 : vector<16xf32>
      %sub3A_1103 = arith.subf %get3A_132, %get3A_1101 : vector<16xf32>
      %mul3A_1104 = arith.mulf %sub3A_1102, %sub3A_1102 : vector<16xf32>
      %mul3A_1105 = arith.mulf %sub3A_1103, %sub3A_1103 : vector<16xf32>
      %add3A_1106 = arith.addf %mul3A_1104, %mul3A_1105 : vector<16xf32>
      %add3A_1107 = arith.constant 8 : i32
      %add3A_1108 = vector.broadcast %add3A_1107 : i32 to vector<16xi32>
      %add3A_1109 = arith.addi %iota3A, %add3A_1108 : vector<16xi32>
      %and3A_1110 = arith.constant 15 : i32
      %and3A_1111 = vector.broadcast %and3A_1110 : i32 to vector<16xi32>
      %and3A_1112 = arith.andi %add3A_1109, %and3A_1111 : vector<16xi32>
      %broadcast_in_dim3A_1113 = vector.shape_cast %and3A_1112 : vector<16xi32> to vector<16x1xi32>
      %gather3A_1114 = vector.shape_cast %broadcast_in_dim3A_1113 : vector<16x1xi32> to vector<16xi32>
      %gather3A_1115 = tpu.dynamic_gather %add3A_1106[%gather3A_1114] in [0] : vector<16xf32>, vector<16xi32> -> vector<16xf32>
      %add3A_1116 = arith.addf %add3A_1106, %gather3A_1115 : vector<16xf32>
      %add3A_1117 = arith.constant 4 : i32
      %add3A_1118 = vector.broadcast %add3A_1117 : i32 to vector<16xi32>
      %add3A_1119 = arith.addi %iota3A, %add3A_1118 : vector<16xi32>
      %and3A_1120 = arith.constant 15 : i32
      %and3A_1121 = vector.broadcast %and3A_1120 : i32 to vector<16xi32>
      %and3A_1122 = arith.andi %add3A_1119, %and3A_1121 : vector<16xi32>
      %broadcast_in_dim3A_1123 = vector.shape_cast %and3A_1122 : vector<16xi32> to vector<16x1xi32>
      %gather3A_1124 = vector.shape_cast %broadcast_in_dim3A_1123 : vector<16x1xi32> to vector<16xi32>
      %gather3A_1125 = tpu.dynamic_gather %add3A_1116[%gather3A_1124] in [0] : vector<16xf32>, vector<16xi32> -> vector<16xf32>
      %add3A_1126 = arith.addf %add3A_1116, %gather3A_1125 : vector<16xf32>
      %add3A_1127 = arith.constant 2 : i32
      %add3A_1128 = vector.broadcast %add3A_1127 : i32 to vector<16xi32>
      %add3A_1129 = arith.addi %iota3A, %add3A_1128 : vector<16xi32>
      %and3A_1130 = arith.constant 15 : i32
      %and3A_1131 = vector.broadcast %and3A_1130 : i32 to vector<16xi32>
      %and3A_1132 = arith.andi %add3A_1129, %and3A_1131 : vector<16xi32>
      %broadcast_in_dim3A_1133 = vector.shape_cast %and3A_1132 : vector<16xi32> to vector<16x1xi32>
      %gather3A_1134 = vector.shape_cast %broadcast_in_dim3A_1133 : vector<16x1xi32> to vector<16xi32>
      %gather3A_1135 = tpu.dynamic_gather %add3A_1126[%gather3A_1134] in [0] : vector<16xf32>, vector<16xi32> -> vector<16xf32>
      %add3A_1136 = arith.addf %add3A_1126, %gather3A_1135 : vector<16xf32>
      %add3A_1137 = arith.constant 1 : i32
      %add3A_1138 = vector.broadcast %add3A_1137 : i32 to vector<16xi32>
      %add3A_1139 = arith.addi %iota3A, %add3A_1138 : vector<16xi32>
      %and3A_1140 = arith.constant 15 : i32
      %and3A_1141 = vector.broadcast %and3A_1140 : i32 to vector<16xi32>
      %and3A_1142 = arith.andi %add3A_1139, %and3A_1141 : vector<16xi32>
      %broadcast_in_dim3A_1143 = vector.shape_cast %and3A_1142 : vector<16xi32> to vector<16x1xi32>
      %gather3A_1144 = vector.shape_cast %broadcast_in_dim3A_1143 : vector<16x1xi32> to vector<16xi32>
      %gather3A_1145 = tpu.dynamic_gather %add3A_1136[%gather3A_1144] in [0] : vector<16xf32>, vector<16xi32> -> vector<16xf32>
      %add3A_1146 = arith.addf %add3A_1136, %gather3A_1145 : vector<16xf32>
      %broadcast_in_dim3A_1147 = vector.shape_cast %mul3A_105 : vector<16xi32> to vector<16x1xi32>
      %gather3A_1148 = vector.shape_cast %broadcast_in_dim3A_1147 : vector<16x1xi32> to vector<16xi32>
      %gather3A_1149 = tpu.dynamic_gather %add3A_1146[%gather3A_1148] in [0] : vector<16xf32>, vector<16xi32> -> vector<16xf32>
      %eq3A_1150 = arith.constant 15 : i32
      %eq3A_1151 = vector.broadcast %eq3A_1150 : i32 to vector<16xi32>
      %eq3A_1152 = arith.cmpi eq, %iota3A, %eq3A_1151 : vector<16xi32>
      %select_n3A_1153 = arith.select %eq3A_1152, %gather3A_1149, %select_n3A_1089 : vector<16xi1>, vector<16xf32>
      %mul3A_1154 = arith.constant 16 : i32
      %mul3A_1155 = arith.muli %scan3A_119, %mul3A_1154 : i32
      %get3A_1156 = arith.index_cast %mul3A_1155 : i32 to index
      %get3A_1157 = tpu.vector_load %arg7[%get3A_1156] {strides = array<i32>} : memref<400xi32, #tpu.memory_space<vmem>>, vector<16xi32>,
      %get3A_1158 = vector.shape_cast %get3A_1157 : vector<16xi32> to vector<16xi32>
      %add3A_1159 = arith.constant 8 : i32
      %add3A_1160 = vector.broadcast %add3A_1159 : i32 to vector<16xi32>
      %add3A_1161 = arith.addi %iota3A, %add3A_1160 : vector<16xi32>
      %and3A_1162 = arith.constant 15 : i32
      %and3A_1163 = vector.broadcast %and3A_1162 : i32 to vector<16xi32>
      %and3A_1164 = arith.andi %add3A_1161, %and3A_1163 : vector<16xi32>
      %broadcast_in_dim3A_1165 = vector.shape_cast %and3A_1164 : vector<16xi32> to vector<16x1xi32>
      %gather3A_1166 = vector.shape_cast %broadcast_in_dim3A_1165 : vector<16x1xi32> to vector<16xi32>
      %gather3A_1167 = tpu.dynamic_gather %select_n3A_1153[%gather3A_1166] in [0] : vector<16xf32>, vector<16xi32> -> vector<16xf32>
      %broadcast_in_dim3A_1168 = vector.shape_cast %and3A_1164 : vector<16xi32> to vector<16x1xi32>
      %gather3A_1169 = vector.shape_cast %broadcast_in_dim3A_1168 : vector<16x1xi32> to vector<16xi32>
      %gather3A_1170 = tpu.dynamic_gather %get3A_1158[%gather3A_1169] in [0] : vector<16xi32>, vector<16xi32> -> vector<16xi32>
      %lt3A = arith.cmpf olt, %gather3A_1167, %select_n3A_1153 : vector<16xf32>
      %eq3A_1171 = arith.cmpf oeq, %gather3A_1167, %select_n3A_1153 : vector<16xf32>
      %lt3A_1172 = arith.cmpi slt, %gather3A_1170, %get3A_1158 : vector<16xi32>
      %and3A_1173 = arith.andi %eq3A_1171, %lt3A_1172 : vector<16xi1>
      %or3A = arith.ori %lt3A, %and3A_1173 : vector<16xi1>
      %select_n3A_1174 = arith.select %or3A, %gather3A_1167, %select_n3A_1153 : vector<16xi1>, vector<16xf32>
      %select_n3A_1175 = arith.select %or3A, %gather3A_1170, %get3A_1158 : vector<16xi1>, vector<16xi32>
      %add3A_1176 = arith.constant 4 : i32
      %add3A_1177 = vector.broadcast %add3A_1176 : i32 to vector<16xi32>
      %add3A_1178 = arith.addi %iota3A, %add3A_1177 : vector<16xi32>
      %and3A_1179 = arith.constant 15 : i32
      %and3A_1180 = vector.broadcast %and3A_1179 : i32 to vector<16xi32>
      %and3A_1181 = arith.andi %add3A_1178, %and3A_1180 : vector<16xi32>
      %broadcast_in_dim3A_1182 = vector.shape_cast %and3A_1181 : vector<16xi32> to vector<16x1xi32>
      %gather3A_1183 = vector.shape_cast %broadcast_in_dim3A_1182 : vector<16x1xi32> to vector<16xi32>
      %gather3A_1184 = tpu.dynamic_gather %select_n3A_1174[%gather3A_1183] in [0] : vector<16xf32>, vector<16xi32> -> vector<16xf32>
      %broadcast_in_dim3A_1185 = vector.shape_cast %and3A_1181 : vector<16xi32> to vector<16x1xi32>
      %gather3A_1186 = vector.shape_cast %broadcast_in_dim3A_1185 : vector<16x1xi32> to vector<16xi32>
      %gather3A_1187 = tpu.dynamic_gather %select_n3A_1175[%gather3A_1186] in [0] : vector<16xi32>, vector<16xi32> -> vector<16xi32>
      %lt3A_1188 = arith.cmpf olt, %gather3A_1184, %select_n3A_1174 : vector<16xf32>
      %eq3A_1189 = arith.cmpf oeq, %gather3A_1184, %select_n3A_1174 : vector<16xf32>
      %lt3A_1190 = arith.cmpi slt, %gather3A_1187, %select_n3A_1175 : vector<16xi32>
      %and3A_1191 = arith.andi %eq3A_1189, %lt3A_1190 : vector<16xi1>
      %or3A_1192 = arith.ori %lt3A_1188, %and3A_1191 : vector<16xi1>
      %select_n3A_1193 = arith.select %or3A_1192, %gather3A_1184, %select_n3A_1174 : vector<16xi1>, vector<16xf32>
      %select_n3A_1194 = arith.select %or3A_1192, %gather3A_1187, %select_n3A_1175 : vector<16xi1>, vector<16xi32>
      %add3A_1195 = arith.constant 2 : i32
      %add3A_1196 = vector.broadcast %add3A_1195 : i32 to vector<16xi32>
      %add3A_1197 = arith.addi %iota3A, %add3A_1196 : vector<16xi32>
      %and3A_1198 = arith.constant 15 : i32
      %and3A_1199 = vector.broadcast %and3A_1198 : i32 to vector<16xi32>
      %and3A_1200 = arith.andi %add3A_1197, %and3A_1199 : vector<16xi32>
      %broadcast_in_dim3A_1201 = vector.shape_cast %and3A_1200 : vector<16xi32> to vector<16x1xi32>
      %gather3A_1202 = vector.shape_cast %broadcast_in_dim3A_1201 : vector<16x1xi32> to vector<16xi32>
      %gather3A_1203 = tpu.dynamic_gather %select_n3A_1193[%gather3A_1202] in [0] : vector<16xf32>, vector<16xi32> -> vector<16xf32>
      %broadcast_in_dim3A_1204 = vector.shape_cast %and3A_1200 : vector<16xi32> to vector<16x1xi32>
      %gather3A_1205 = vector.shape_cast %broadcast_in_dim3A_1204 : vector<16x1xi32> to vector<16xi32>
      %gather3A_1206 = tpu.dynamic_gather %select_n3A_1194[%gather3A_1205] in [0] : vector<16xi32>, vector<16xi32> -> vector<16xi32>
      %lt3A_1207 = arith.cmpf olt, %gather3A_1203, %select_n3A_1193 : vector<16xf32>
      %eq3A_1208 = arith.cmpf oeq, %gather3A_1203, %select_n3A_1193 : vector<16xf32>
      %lt3A_1209 = arith.cmpi slt, %gather3A_1206, %select_n3A_1194 : vector<16xi32>
      %and3A_1210 = arith.andi %eq3A_1208, %lt3A_1209 : vector<16xi1>
      %or3A_1211 = arith.ori %lt3A_1207, %and3A_1210 : vector<16xi1>
      %select_n3A_1212 = arith.select %or3A_1211, %gather3A_1203, %select_n3A_1193 : vector<16xi1>, vector<16xf32>
      %select_n3A_1213 = arith.select %or3A_1211, %gather3A_1206, %select_n3A_1194 : vector<16xi1>, vector<16xi32>
      %add3A_1214 = arith.constant 1 : i32
      %add3A_1215 = vector.broadcast %add3A_1214 : i32 to vector<16xi32>
      %add3A_1216 = arith.addi %iota3A, %add3A_1215 : vector<16xi32>
      %and3A_1217 = arith.constant 15 : i32
      %and3A_1218 = vector.broadcast %and3A_1217 : i32 to vector<16xi32>
      %and3A_1219 = arith.andi %add3A_1216, %and3A_1218 : vector<16xi32>
      %broadcast_in_dim3A_1220 = vector.shape_cast %and3A_1219 : vector<16xi32> to vector<16x1xi32>
      %gather3A_1221 = vector.shape_cast %broadcast_in_dim3A_1220 : vector<16x1xi32> to vector<16xi32>
      %gather3A_1222 = tpu.dynamic_gather %select_n3A_1212[%gather3A_1221] in [0] : vector<16xf32>, vector<16xi32> -> vector<16xf32>
      %broadcast_in_dim3A_1223 = vector.shape_cast %and3A_1219 : vector<16xi32> to vector<16x1xi32>
      %gather3A_1224 = vector.shape_cast %broadcast_in_dim3A_1223 : vector<16x1xi32> to vector<16xi32>
      %gather3A_1225 = tpu.dynamic_gather %select_n3A_1213[%gather3A_1224] in [0] : vector<16xi32>, vector<16xi32> -> vector<16xi32>
      %lt3A_1226 = arith.cmpf olt, %gather3A_1222, %select_n3A_1212 : vector<16xf32>
      %eq3A_1227 = arith.cmpf oeq, %gather3A_1222, %select_n3A_1212 : vector<16xf32>
      %lt3A_1228 = arith.cmpi slt, %gather3A_1225, %select_n3A_1213 : vector<16xi32>
      %and3A_1229 = arith.andi %eq3A_1227, %lt3A_1228 : vector<16xi1>
      %or3A_1230 = arith.ori %lt3A_1226, %and3A_1229 : vector<16xi1>
      %select_n3A_1231 = arith.select %or3A_1230, %gather3A_1222, %select_n3A_1212 : vector<16xi1>, vector<16xf32>
      %select_n3A_1232 = arith.select %or3A_1230, %gather3A_1225, %select_n3A_1213 : vector<16xi1>, vector<16xi32>
      %broadcast_in_dim3A_1233 = vector.shape_cast %mul3A_105 : vector<16xi32> to vector<16x1xi32>
      %gather3A_1234 = vector.shape_cast %broadcast_in_dim3A_1233 : vector<16x1xi32> to vector<16xi32>
      %gather3A_1235 = tpu.dynamic_gather %select_n3A_1232[%gather3A_1234] in [0] : vector<16xi32>, vector<16xi32> -> vector<16xi32>
      %eq3A_1236 = vector.broadcast %scan3A_119 : i32 to vector<16xi32>
      %eq3A_1237 = arith.cmpi eq, %iota3A, %eq3A_1236 : vector<16xi32>
      %select_n3A_1238 = arith.select %eq3A_1237, %gather3A_1235, %scan3A_120 : vector<16xi1>, vector<16xi32>
      %sub3A_1239 = arith.constant 16 : i32
      %sub3A_1240 = arith.subi %scan3A_119, %sub3A_1239 : i32
      %eq3A_1241 = vector.broadcast %sub3A_1240 : i32 to vector<16xi32>
      %eq3A_1242 = arith.cmpi eq, %iota3A, %eq3A_1241 : vector<16xi32>
      %select_n3A_1243 = arith.select %eq3A_1242, %gather3A_1235, %scan3A_121 : vector<16xi1>, vector<16xi32>
      scf.yield %select_n3A_1238, %select_n3A_1243 : vector<16xi32>, vector<16xi32>
    }
    %scan3A_111 = arith.constant 25 : i32
    %swap3A = arith.constant 0 : index
    %swap3A_112 = tpu.vector_load %arg9[%swap3A] {strides = array<i32>} : memref<32xi32, #tpu.memory_space<vmem>>, vector<16xi32>,
    %swap3A_113 = vector.shape_cast %swap3A_112 : vector<16xi32> to vector<16xi32>
    %swap3A_114 = vector.shape_cast %scan3A_110#0 : vector<16xi32> to vector<16xi32>
    tpu.vector_store %arg9[%swap3A], %swap3A_114 {strides = array<i32>} : memref<32xi32, #tpu.memory_space<vmem>>, vector<16xi32>,
    %swap3A_115 = arith.constant 16 : index
    %swap3A_116 = tpu.vector_load %arg9[%swap3A_115] {strides = array<i32>} : memref<32xi32, #tpu.memory_space<vmem>>, vector<16xi32>,
    %swap3A_117 = vector.shape_cast %swap3A_116 : vector<16xi32> to vector<16xi32>
    %swap3A_118 = vector.shape_cast %scan3A_110#1 : vector<16xi32> to vector<16xi32>
    tpu.vector_store %arg9[%swap3A_115], %swap3A_118 {strides = array<i32>} : memref<32xi32, #tpu.memory_space<vmem>>, vector<16xi32>,
    "tpu.region"() ({
      %run_scoped3A = tpu.sem_alloc : memref<!tpu.dma_semaphore, #tpu.memory_space<semaphore_mem>>
      %dma_start3A_119 = arith.constant 0 : i32
      %dma_start3A_120 = tpu.memref_slice %arg5[%add3A, %dma_start3A_119] : memref<32x32xi32, #tpu.memory_space<hbm>> -> memref<1x32xi32, #tpu.memory_space<hbm>>
      %dma_start3A_121 = tpu.memref_squeeze %dma_start3A_120 : memref<1x32xi32, #tpu.memory_space<hbm>> -> memref<32xi32, #tpu.memory_space<hbm>>
      %dma_start3A_122 = arith.constant 0 : i32
      %dma_start3A_123 = tpu.memref_slice %arg5[%add3A, %dma_start3A_122] : memref<32x32xi32, #tpu.memory_space<hbm>> -> memref<1x32xi32, #tpu.memory_space<hbm>>
      %dma_start3A_124 = tpu.memref_squeeze %dma_start3A_123 : memref<1x32xi32, #tpu.memory_space<hbm>> -> memref<32xi32, #tpu.memory_space<hbm>>
      tpu.enqueue_dma source(%arg9 : memref<32xi32, #tpu.memory_space<vmem>>) target(%dma_start3A_124 : memref<32xi32, #tpu.memory_space<hbm>>) target_semaphore(%run_scoped3A : memref<!tpu.dma_semaphore, #tpu.memory_space<semaphore_mem>>)
      %dma_wait3A_125 = arith.constant 0 : i32
      %dma_wait3A_126 = tpu.memref_slice %arg5[%add3A, %dma_wait3A_125] : memref<32x32xi32, #tpu.memory_space<hbm>> -> memref<1x32xi32, #tpu.memory_space<hbm>>
      %dma_wait3A_127 = tpu.memref_squeeze %dma_wait3A_126 : memref<1x32xi32, #tpu.memory_space<hbm>> -> memref<32xi32, #tpu.memory_space<hbm>>
      %dma_wait3A_128 = arith.constant 0 : i32
      %dma_wait3A_129 = tpu.memref_slice %arg5[%add3A, %dma_wait3A_128] : memref<32x32xi32, #tpu.memory_space<hbm>> -> memref<1x32xi32, #tpu.memory_space<hbm>>
      %dma_wait3A_130 = tpu.memref_squeeze %dma_wait3A_129 : memref<1x32xi32, #tpu.memory_space<hbm>> -> memref<32xi32, #tpu.memory_space<hbm>>
      tpu.wait_dma2 semaphore(%run_scoped3A : memref<!tpu.dma_semaphore, #tpu.memory_space<semaphore_mem>>) src(%arg9 : memref<32xi32, #tpu.memory_space<vmem>>) dst(%dma_wait3A_130 : memref<32xi32, #tpu.memory_space<hbm>>)
      tpu.yield
    }) : () -> ()
    return
  }
}

module attributes {stable_mosaic.version = 14 : i64} {
  func.func @_cand_kernel(%arg0: i32, %arg1: memref<33x800xf32, #tpu.memory_space<vmem>>, %arg2: memref<1024x32xf32, #tpu.memory_space<vmem>>, %arg3: memref<1x1x800xi32, #tpu.memory_space<vmem>>, %arg4: memref<1x1x800xi32, #tpu.memory_space<vmem>>, %arg5: memref<1024x128xf32, #tpu.memory_space<vmem>>) attributes {dimension_semantics = [#tpu.dimension_semantics<arbitrary>], iteration_bounds = array<i64: 8>, scalar_prefetch = 0 : i64, scratch_operands = 0 : i64, tpu.core_type = #tpu.core_type<tc>, window_params = [{pipeline_mode = #tpu.pipeline_mode<synchronous>, transform_indices = @transform_0, window_bounds = array<i64: 33, 800>}, {transform_indices = @transform_1, window_bounds = array<i64: 1024, 32>}, {transform_indices = @transform_2, window_bounds = array<i64: 1, 1, 800>}, {transform_indices = @transform_3, window_bounds = array<i64: 1, 1, 800>}, {transform_indices = @transform_4, window_bounds = array<i64: 1024, 128>}]} {
    %get3A = arith.constant 0 : index
    %get3A_0 = arith.constant 0 : index
    %get3A_1 = vector.load %arg1[%get3A, %get3A_0] : memref<33x800xf32, #tpu.memory_space<vmem>>, vector<33x800xf32>
    %get3A_2 = arith.constant 0 : index
    %get3A_3 = arith.constant 0 : index
    %get3A_4 = vector.load %arg2[%get3A_2, %get3A_3] : memref<1024x32xf32, #tpu.memory_space<vmem>>, vector<1024x32xf32>
    %swap3A = arith.constant 0 : index
    %swap3A_5 = arith.constant 0 : index
    %swap3A_6 = vector.load %arg5[%swap3A, %swap3A_5] : memref<1024x128xf32, #tpu.memory_space<vmem>>, vector<1024x32xf32>
    tpu.vector_store %arg5[%swap3A, %swap3A_5], %get3A_4 {strides = array<i32>} : memref<1024x128xf32, #tpu.memory_space<vmem>>, vector<1024x32xf32>,
    %mul3A = arith.mulf %get3A_4, %get3A_4 : vector<1024x32xf32>
    %reduce_sum3A = arith.constant dense<0.000000e+00> : vector<1024xf32>
    %reduce_sum3A_7 = vector.multi_reduction <add>, %mul3A, %reduce_sum3A [1] : vector<1024x32xf32> to vector<1024xf32>
    %broadcast_in_dim3A = vector.shape_cast %reduce_sum3A_7 : vector<1024xf32> to vector<1024x1xf32>
    %concatenate3A = tpu.concatenate %get3A_4, %broadcast_in_dim3A in 1 : vector<1024x32xf32>, vector<1024x1xf32> -> vector<1024x33xf32>
    %dot_general3A = arith.constant dense<0.000000e+00> : vector<1024x800xf32>
    %dot_general3A_8 = tpu.matmul %concatenate3A, %get3A_1, %dot_general3A {dimension_numbers = #tpu.dot_dimension_numbers<[1], [0], [0], [1], [0, 0, 1, 1], [], []>, precision = #tpu.contract_precision<fp32>, transpose_lhs_hint = false} : vector<1024x33xf32>, vector<33x800xf32>, vector<1024x800xf32> -> vector<1024x800xf32>
    %iota3A = tpu.iota {dimensions = array<i32: 0>} : vector<8x800xi32>
    %mul3A_9 = arith.constant 1024 : i32
    %mul3A_10 = arith.muli %arg0, %mul3A_9 : i32
    %add3A = vector.broadcast %mul3A_10 : i32 to vector<8x800xi32>
    %add3A_11 = arith.addi %iota3A, %add3A : vector<8x800xi32>
    %broadcast_in_dim3A_12 = arith.constant 0x7F800000 : f32
    %broadcast_in_dim3A_13 = vector.broadcast %broadcast_in_dim3A_12 : f32 to vector<8x800xf32>
    %broadcast_in_dim3A_14 = arith.constant 0 : i32
    %broadcast_in_dim3A_15 = vector.broadcast %broadcast_in_dim3A_14 : i32 to vector<8x800xi32>
    %slice3A = vector.extract_strided_slice %dot_general3A_8 {offsets = [0, 0], sizes = [8, 800], strides = [1, 1]} : vector<1024x800xf32> to vector<8x800xf32>
    %add3A_16 = arith.constant 0 : i32
    %add3A_17 = vector.broadcast %add3A_16 : i32 to vector<8x800xi32>
    %add3A_18 = arith.addi %add3A_11, %add3A_17 : vector<8x800xi32>
    %lt3A = arith.cmpf olt, %slice3A, %broadcast_in_dim3A_13 : vector<8x800xf32>
    %lt3A_19 = arith.cmpf olt, %slice3A, %broadcast_in_dim3A_13 : vector<8x800xf32>
    %select_n3A = arith.select %lt3A_19, %slice3A, %broadcast_in_dim3A_13 : vector<8x800xi1>, vector<8x800xf32>
    %select_n3A_20 = arith.select %lt3A, %broadcast_in_dim3A_13, %select_n3A : vector<8x800xi1>, vector<8x800xf32>
    %select_n3A_21 = arith.select %lt3A_19, %add3A_18, %broadcast_in_dim3A_15 : vector<8x800xi1>, vector<8x800xi32>
    %select_n3A_22 = arith.select %lt3A, %broadcast_in_dim3A_15, %select_n3A_21 : vector<8x800xi1>, vector<8x800xi32>
    %select_n3A_23 = arith.select %lt3A, %slice3A, %broadcast_in_dim3A_13 : vector<8x800xi1>, vector<8x800xf32>
    %select_n3A_24 = arith.select %lt3A, %add3A_18, %broadcast_in_dim3A_15 : vector<8x800xi1>, vector<8x800xi32>
    %slice3A_25 = vector.extract_strided_slice %dot_general3A_8 {offsets = [32, 0], sizes = [8, 800], strides = [1, 1]} : vector<1024x800xf32> to vector<8x800xf32>
    %add3A_26 = arith.constant 32 : i32
    %add3A_27 = vector.broadcast %add3A_26 : i32 to vector<8x800xi32>
    %add3A_28 = arith.addi %add3A_11, %add3A_27 : vector<8x800xi32>
    %lt3A_29 = arith.cmpf olt, %slice3A_25, %select_n3A_23 : vector<8x800xf32>
    %lt3A_30 = arith.cmpf olt, %slice3A_25, %select_n3A_20 : vector<8x800xf32>
    %select_n3A_31 = arith.select %lt3A_30, %slice3A_25, %select_n3A_20 : vector<8x800xi1>, vector<8x800xf32>
    %select_n3A_32 = arith.select %lt3A_29, %select_n3A_23, %select_n3A_31 : vector<8x800xi1>, vector<8x800xf32>
    %select_n3A_33 = arith.select %lt3A_30, %add3A_28, %select_n3A_22 : vector<8x800xi1>, vector<8x800xi32>
    %select_n3A_34 = arith.select %lt3A_29, %select_n3A_24, %select_n3A_33 : vector<8x800xi1>, vector<8x800xi32>
    %select_n3A_35 = arith.select %lt3A_29, %slice3A_25, %select_n3A_23 : vector<8x800xi1>, vector<8x800xf32>
    %select_n3A_36 = arith.select %lt3A_29, %add3A_28, %select_n3A_24 : vector<8x800xi1>, vector<8x800xi32>
    %slice3A_37 = vector.extract_strided_slice %dot_general3A_8 {offsets = [64, 0], sizes = [8, 800], strides = [1, 1]} : vector<1024x800xf32> to vector<8x800xf32>
    %add3A_38 = arith.constant 64 : i32
    %add3A_39 = vector.broadcast %add3A_38 : i32 to vector<8x800xi32>
    %add3A_40 = arith.addi %add3A_11, %add3A_39 : vector<8x800xi32>
    %lt3A_41 = arith.cmpf olt, %slice3A_37, %select_n3A_35 : vector<8x800xf32>
    %lt3A_42 = arith.cmpf olt, %slice3A_37, %select_n3A_32 : vector<8x800xf32>
    %select_n3A_43 = arith.select %lt3A_42, %slice3A_37, %select_n3A_32 : vector<8x800xi1>, vector<8x800xf32>
    %select_n3A_44 = arith.select %lt3A_41, %select_n3A_35, %select_n3A_43 : vector<8x800xi1>, vector<8x800xf32>
    %select_n3A_45 = arith.select %lt3A_42, %add3A_40, %select_n3A_34 : vector<8x800xi1>, vector<8x800xi32>
    %select_n3A_46 = arith.select %lt3A_41, %select_n3A_36, %select_n3A_45 : vector<8x800xi1>, vector<8x800xi32>
    %select_n3A_47 = arith.select %lt3A_41, %slice3A_37, %select_n3A_35 : vector<8x800xi1>, vector<8x800xf32>
    %select_n3A_48 = arith.select %lt3A_41, %add3A_40, %select_n3A_36 : vector<8x800xi1>, vector<8x800xi32>
    %slice3A_49 = vector.extract_strided_slice %dot_general3A_8 {offsets = [96, 0], sizes = [8, 800], strides = [1, 1]} : vector<1024x800xf32> to vector<8x800xf32>
    %add3A_50 = arith.constant 96 : i32
    %add3A_51 = vector.broadcast %add3A_50 : i32 to vector<8x800xi32>
    %add3A_52 = arith.addi %add3A_11, %add3A_51 : vector<8x800xi32>
    %lt3A_53 = arith.cmpf olt, %slice3A_49, %select_n3A_47 : vector<8x800xf32>
    %lt3A_54 = arith.cmpf olt, %slice3A_49, %select_n3A_44 : vector<8x800xf32>
    %select_n3A_55 = arith.select %lt3A_54, %slice3A_49, %select_n3A_44 : vector<8x800xi1>, vector<8x800xf32>
    %select_n3A_56 = arith.select %lt3A_53, %select_n3A_47, %select_n3A_55 : vector<8x800xi1>, vector<8x800xf32>
    %select_n3A_57 = arith.select %lt3A_54, %add3A_52, %select_n3A_46 : vector<8x800xi1>, vector<8x800xi32>
    %select_n3A_58 = arith.select %lt3A_53, %select_n3A_48, %select_n3A_57 : vector<8x800xi1>, vector<8x800xi32>
    %select_n3A_59 = arith.select %lt3A_53, %slice3A_49, %select_n3A_47 : vector<8x800xi1>, vector<8x800xf32>
    %select_n3A_60 = arith.select %lt3A_53, %add3A_52, %select_n3A_48 : vector<8x800xi1>, vector<8x800xi32>
    %slice3A_61 = vector.extract_strided_slice %dot_general3A_8 {offsets = [128, 0], sizes = [8, 800], strides = [1, 1]} : vector<1024x800xf32> to vector<8x800xf32>
    %add3A_62 = arith.constant 128 : i32
    %add3A_63 = vector.broadcast %add3A_62 : i32 to vector<8x800xi32>
    %add3A_64 = arith.addi %add3A_11, %add3A_63 : vector<8x800xi32>
    %lt3A_65 = arith.cmpf olt, %slice3A_61, %select_n3A_59 : vector<8x800xf32>
    %lt3A_66 = arith.cmpf olt, %slice3A_61, %select_n3A_56 : vector<8x800xf32>
    %select_n3A_67 = arith.select %lt3A_66, %slice3A_61, %select_n3A_56 : vector<8x800xi1>, vector<8x800xf32>
    %select_n3A_68 = arith.select %lt3A_65, %select_n3A_59, %select_n3A_67 : vector<8x800xi1>, vector<8x800xf32>
    %select_n3A_69 = arith.select %lt3A_66, %add3A_64, %select_n3A_58 : vector<8x800xi1>, vector<8x800xi32>
    %select_n3A_70 = arith.select %lt3A_65, %select_n3A_60, %select_n3A_69 : vector<8x800xi1>, vector<8x800xi32>
    %select_n3A_71 = arith.select %lt3A_65, %slice3A_61, %select_n3A_59 : vector<8x800xi1>, vector<8x800xf32>
    %select_n3A_72 = arith.select %lt3A_65, %add3A_64, %select_n3A_60 : vector<8x800xi1>, vector<8x800xi32>
    %slice3A_73 = vector.extract_strided_slice %dot_general3A_8 {offsets = [160, 0], sizes = [8, 800], strides = [1, 1]} : vector<1024x800xf32> to vector<8x800xf32>
    %add3A_74 = arith.constant 160 : i32
    %add3A_75 = vector.broadcast %add3A_74 : i32 to vector<8x800xi32>
    %add3A_76 = arith.addi %add3A_11, %add3A_75 : vector<8x800xi32>
    %lt3A_77 = arith.cmpf olt, %slice3A_73, %select_n3A_71 : vector<8x800xf32>
    %lt3A_78 = arith.cmpf olt, %slice3A_73, %select_n3A_68 : vector<8x800xf32>
    %select_n3A_79 = arith.select %lt3A_78, %slice3A_73, %select_n3A_68 : vector<8x800xi1>, vector<8x800xf32>
    %select_n3A_80 = arith.select %lt3A_77, %select_n3A_71, %select_n3A_79 : vector<8x800xi1>, vector<8x800xf32>
    %select_n3A_81 = arith.select %lt3A_78, %add3A_76, %select_n3A_70 : vector<8x800xi1>, vector<8x800xi32>
    %select_n3A_82 = arith.select %lt3A_77, %select_n3A_72, %select_n3A_81 : vector<8x800xi1>, vector<8x800xi32>
    %select_n3A_83 = arith.select %lt3A_77, %slice3A_73, %select_n3A_71 : vector<8x800xi1>, vector<8x800xf32>
    %select_n3A_84 = arith.select %lt3A_77, %add3A_76, %select_n3A_72 : vector<8x800xi1>, vector<8x800xi32>
    %slice3A_85 = vector.extract_strided_slice %dot_general3A_8 {offsets = [192, 0], sizes = [8, 800], strides = [1, 1]} : vector<1024x800xf32> to vector<8x800xf32>
    %add3A_86 = arith.constant 192 : i32
    %add3A_87 = vector.broadcast %add3A_86 : i32 to vector<8x800xi32>
    %add3A_88 = arith.addi %add3A_11, %add3A_87 : vector<8x800xi32>
    %lt3A_89 = arith.cmpf olt, %slice3A_85, %select_n3A_83 : vector<8x800xf32>
    %lt3A_90 = arith.cmpf olt, %slice3A_85, %select_n3A_80 : vector<8x800xf32>
    %select_n3A_91 = arith.select %lt3A_90, %slice3A_85, %select_n3A_80 : vector<8x800xi1>, vector<8x800xf32>
    %select_n3A_92 = arith.select %lt3A_89, %select_n3A_83, %select_n3A_91 : vector<8x800xi1>, vector<8x800xf32>
    %select_n3A_93 = arith.select %lt3A_90, %add3A_88, %select_n3A_82 : vector<8x800xi1>, vector<8x800xi32>
    %select_n3A_94 = arith.select %lt3A_89, %select_n3A_84, %select_n3A_93 : vector<8x800xi1>, vector<8x800xi32>
    %select_n3A_95 = arith.select %lt3A_89, %slice3A_85, %select_n3A_83 : vector<8x800xi1>, vector<8x800xf32>
    %select_n3A_96 = arith.select %lt3A_89, %add3A_88, %select_n3A_84 : vector<8x800xi1>, vector<8x800xi32>
    %slice3A_97 = vector.extract_strided_slice %dot_general3A_8 {offsets = [224, 0], sizes = [8, 800], strides = [1, 1]} : vector<1024x800xf32> to vector<8x800xf32>
    %add3A_98 = arith.constant 224 : i32
    %add3A_99 = vector.broadcast %add3A_98 : i32 to vector<8x800xi32>
    %add3A_100 = arith.addi %add3A_11, %add3A_99 : vector<8x800xi32>
    %lt3A_101 = arith.cmpf olt, %slice3A_97, %select_n3A_95 : vector<8x800xf32>
    %lt3A_102 = arith.cmpf olt, %slice3A_97, %select_n3A_92 : vector<8x800xf32>
    %select_n3A_103 = arith.select %lt3A_102, %slice3A_97, %select_n3A_92 : vector<8x800xi1>, vector<8x800xf32>
    %select_n3A_104 = arith.select %lt3A_101, %select_n3A_95, %select_n3A_103 : vector<8x800xi1>, vector<8x800xf32>
    %select_n3A_105 = arith.select %lt3A_102, %add3A_100, %select_n3A_94 : vector<8x800xi1>, vector<8x800xi32>
    %select_n3A_106 = arith.select %lt3A_101, %select_n3A_96, %select_n3A_105 : vector<8x800xi1>, vector<8x800xi32>
    %select_n3A_107 = arith.select %lt3A_101, %slice3A_97, %select_n3A_95 : vector<8x800xi1>, vector<8x800xf32>
    %select_n3A_108 = arith.select %lt3A_101, %add3A_100, %select_n3A_96 : vector<8x800xi1>, vector<8x800xi32>
    %slice3A_109 = vector.extract_strided_slice %dot_general3A_8 {offsets = [256, 0], sizes = [8, 800], strides = [1, 1]} : vector<1024x800xf32> to vector<8x800xf32>
    %add3A_110 = arith.constant 256 : i32
    %add3A_111 = vector.broadcast %add3A_110 : i32 to vector<8x800xi32>
    %add3A_112 = arith.addi %add3A_11, %add3A_111 : vector<8x800xi32>
    %lt3A_113 = arith.cmpf olt, %slice3A_109, %select_n3A_107 : vector<8x800xf32>
    %lt3A_114 = arith.cmpf olt, %slice3A_109, %select_n3A_104 : vector<8x800xf32>
    %select_n3A_115 = arith.select %lt3A_114, %slice3A_109, %select_n3A_104 : vector<8x800xi1>, vector<8x800xf32>
    %select_n3A_116 = arith.select %lt3A_113, %select_n3A_107, %select_n3A_115 : vector<8x800xi1>, vector<8x800xf32>
    %select_n3A_117 = arith.select %lt3A_114, %add3A_112, %select_n3A_106 : vector<8x800xi1>, vector<8x800xi32>
    %select_n3A_118 = arith.select %lt3A_113, %select_n3A_108, %select_n3A_117 : vector<8x800xi1>, vector<8x800xi32>
    %select_n3A_119 = arith.select %lt3A_113, %slice3A_109, %select_n3A_107 : vector<8x800xi1>, vector<8x800xf32>
    %select_n3A_120 = arith.select %lt3A_113, %add3A_112, %select_n3A_108 : vector<8x800xi1>, vector<8x800xi32>
    %slice3A_121 = vector.extract_strided_slice %dot_general3A_8 {offsets = [288, 0], sizes = [8, 800], strides = [1, 1]} : vector<1024x800xf32> to vector<8x800xf32>
    %add3A_122 = arith.constant 288 : i32
    %add3A_123 = vector.broadcast %add3A_122 : i32 to vector<8x800xi32>
    %add3A_124 = arith.addi %add3A_11, %add3A_123 : vector<8x800xi32>
    %lt3A_125 = arith.cmpf olt, %slice3A_121, %select_n3A_119 : vector<8x800xf32>
    %lt3A_126 = arith.cmpf olt, %slice3A_121, %select_n3A_116 : vector<8x800xf32>
    %select_n3A_127 = arith.select %lt3A_126, %slice3A_121, %select_n3A_116 : vector<8x800xi1>, vector<8x800xf32>
    %select_n3A_128 = arith.select %lt3A_125, %select_n3A_119, %select_n3A_127 : vector<8x800xi1>, vector<8x800xf32>
    %select_n3A_129 = arith.select %lt3A_126, %add3A_124, %select_n3A_118 : vector<8x800xi1>, vector<8x800xi32>
    %select_n3A_130 = arith.select %lt3A_125, %select_n3A_120, %select_n3A_129 : vector<8x800xi1>, vector<8x800xi32>
    %select_n3A_131 = arith.select %lt3A_125, %slice3A_121, %select_n3A_119 : vector<8x800xi1>, vector<8x800xf32>
    %select_n3A_132 = arith.select %lt3A_125, %add3A_124, %select_n3A_120 : vector<8x800xi1>, vector<8x800xi32>
    %slice3A_133 = vector.extract_strided_slice %dot_general3A_8 {offsets = [320, 0], sizes = [8, 800], strides = [1, 1]} : vector<1024x800xf32> to vector<8x800xf32>
    %add3A_134 = arith.constant 320 : i32
    %add3A_135 = vector.broadcast %add3A_134 : i32 to vector<8x800xi32>
    %add3A_136 = arith.addi %add3A_11, %add3A_135 : vector<8x800xi32>
    %lt3A_137 = arith.cmpf olt, %slice3A_133, %select_n3A_131 : vector<8x800xf32>
    %lt3A_138 = arith.cmpf olt, %slice3A_133, %select_n3A_128 : vector<8x800xf32>
    %select_n3A_139 = arith.select %lt3A_138, %slice3A_133, %select_n3A_128 : vector<8x800xi1>, vector<8x800xf32>
    %select_n3A_140 = arith.select %lt3A_137, %select_n3A_131, %select_n3A_139 : vector<8x800xi1>, vector<8x800xf32>
    %select_n3A_141 = arith.select %lt3A_138, %add3A_136, %select_n3A_130 : vector<8x800xi1>, vector<8x800xi32>
    %select_n3A_142 = arith.select %lt3A_137, %select_n3A_132, %select_n3A_141 : vector<8x800xi1>, vector<8x800xi32>
    %select_n3A_143 = arith.select %lt3A_137, %slice3A_133, %select_n3A_131 : vector<8x800xi1>, vector<8x800xf32>
    %select_n3A_144 = arith.select %lt3A_137, %add3A_136, %select_n3A_132 : vector<8x800xi1>, vector<8x800xi32>
    %slice3A_145 = vector.extract_strided_slice %dot_general3A_8 {offsets = [352, 0], sizes = [8, 800], strides = [1, 1]} : vector<1024x800xf32> to vector<8x800xf32>
    %add3A_146 = arith.constant 352 : i32
    %add3A_147 = vector.broadcast %add3A_146 : i32 to vector<8x800xi32>
    %add3A_148 = arith.addi %add3A_11, %add3A_147 : vector<8x800xi32>
    %lt3A_149 = arith.cmpf olt, %slice3A_145, %select_n3A_143 : vector<8x800xf32>
    %lt3A_150 = arith.cmpf olt, %slice3A_145, %select_n3A_140 : vector<8x800xf32>
    %select_n3A_151 = arith.select %lt3A_150, %slice3A_145, %select_n3A_140 : vector<8x800xi1>, vector<8x800xf32>
    %select_n3A_152 = arith.select %lt3A_149, %select_n3A_143, %select_n3A_151 : vector<8x800xi1>, vector<8x800xf32>
    %select_n3A_153 = arith.select %lt3A_150, %add3A_148, %select_n3A_142 : vector<8x800xi1>, vector<8x800xi32>
    %select_n3A_154 = arith.select %lt3A_149, %select_n3A_144, %select_n3A_153 : vector<8x800xi1>, vector<8x800xi32>
    %select_n3A_155 = arith.select %lt3A_149, %slice3A_145, %select_n3A_143 : vector<8x800xi1>, vector<8x800xf32>
    %select_n3A_156 = arith.select %lt3A_149, %add3A_148, %select_n3A_144 : vector<8x800xi1>, vector<8x800xi32>
    %slice3A_157 = vector.extract_strided_slice %dot_general3A_8 {offsets = [384, 0], sizes = [8, 800], strides = [1, 1]} : vector<1024x800xf32> to vector<8x800xf32>
    %add3A_158 = arith.constant 384 : i32
    %add3A_159 = vector.broadcast %add3A_158 : i32 to vector<8x800xi32>
    %add3A_160 = arith.addi %add3A_11, %add3A_159 : vector<8x800xi32>
    %lt3A_161 = arith.cmpf olt, %slice3A_157, %select_n3A_155 : vector<8x800xf32>
    %lt3A_162 = arith.cmpf olt, %slice3A_157, %select_n3A_152 : vector<8x800xf32>
    %select_n3A_163 = arith.select %lt3A_162, %slice3A_157, %select_n3A_152 : vector<8x800xi1>, vector<8x800xf32>
    %select_n3A_164 = arith.select %lt3A_161, %select_n3A_155, %select_n3A_163 : vector<8x800xi1>, vector<8x800xf32>
    %select_n3A_165 = arith.select %lt3A_162, %add3A_160, %select_n3A_154 : vector<8x800xi1>, vector<8x800xi32>
    %select_n3A_166 = arith.select %lt3A_161, %select_n3A_156, %select_n3A_165 : vector<8x800xi1>, vector<8x800xi32>
    %select_n3A_167 = arith.select %lt3A_161, %slice3A_157, %select_n3A_155 : vector<8x800xi1>, vector<8x800xf32>
    %select_n3A_168 = arith.select %lt3A_161, %add3A_160, %select_n3A_156 : vector<8x800xi1>, vector<8x800xi32>
    %slice3A_169 = vector.extract_strided_slice %dot_general3A_8 {offsets = [416, 0], sizes = [8, 800], strides = [1, 1]} : vector<1024x800xf32> to vector<8x800xf32>
    %add3A_170 = arith.constant 416 : i32
    %add3A_171 = vector.broadcast %add3A_170 : i32 to vector<8x800xi32>
    %add3A_172 = arith.addi %add3A_11, %add3A_171 : vector<8x800xi32>
    %lt3A_173 = arith.cmpf olt, %slice3A_169, %select_n3A_167 : vector<8x800xf32>
    %lt3A_174 = arith.cmpf olt, %slice3A_169, %select_n3A_164 : vector<8x800xf32>
    %select_n3A_175 = arith.select %lt3A_174, %slice3A_169, %select_n3A_164 : vector<8x800xi1>, vector<8x800xf32>
    %select_n3A_176 = arith.select %lt3A_173, %select_n3A_167, %select_n3A_175 : vector<8x800xi1>, vector<8x800xf32>
    %select_n3A_177 = arith.select %lt3A_174, %add3A_172, %select_n3A_166 : vector<8x800xi1>, vector<8x800xi32>
    %select_n3A_178 = arith.select %lt3A_173, %select_n3A_168, %select_n3A_177 : vector<8x800xi1>, vector<8x800xi32>
    %select_n3A_179 = arith.select %lt3A_173, %slice3A_169, %select_n3A_167 : vector<8x800xi1>, vector<8x800xf32>
    %select_n3A_180 = arith.select %lt3A_173, %add3A_172, %select_n3A_168 : vector<8x800xi1>, vector<8x800xi32>
    %slice3A_181 = vector.extract_strided_slice %dot_general3A_8 {offsets = [448, 0], sizes = [8, 800], strides = [1, 1]} : vector<1024x800xf32> to vector<8x800xf32>
    %add3A_182 = arith.constant 448 : i32
    %add3A_183 = vector.broadcast %add3A_182 : i32 to vector<8x800xi32>
    %add3A_184 = arith.addi %add3A_11, %add3A_183 : vector<8x800xi32>
    %lt3A_185 = arith.cmpf olt, %slice3A_181, %select_n3A_179 : vector<8x800xf32>
    %lt3A_186 = arith.cmpf olt, %slice3A_181, %select_n3A_176 : vector<8x800xf32>
    %select_n3A_187 = arith.select %lt3A_186, %slice3A_181, %select_n3A_176 : vector<8x800xi1>, vector<8x800xf32>
    %select_n3A_188 = arith.select %lt3A_185, %select_n3A_179, %select_n3A_187 : vector<8x800xi1>, vector<8x800xf32>
    %select_n3A_189 = arith.select %lt3A_186, %add3A_184, %select_n3A_178 : vector<8x800xi1>, vector<8x800xi32>
    %select_n3A_190 = arith.select %lt3A_185, %select_n3A_180, %select_n3A_189 : vector<8x800xi1>, vector<8x800xi32>
    %select_n3A_191 = arith.select %lt3A_185, %slice3A_181, %select_n3A_179 : vector<8x800xi1>, vector<8x800xf32>
    %select_n3A_192 = arith.select %lt3A_185, %add3A_184, %select_n3A_180 : vector<8x800xi1>, vector<8x800xi32>
    %slice3A_193 = vector.extract_strided_slice %dot_general3A_8 {offsets = [480, 0], sizes = [8, 800], strides = [1, 1]} : vector<1024x800xf32> to vector<8x800xf32>
    %add3A_194 = arith.constant 480 : i32
    %add3A_195 = vector.broadcast %add3A_194 : i32 to vector<8x800xi32>
    %add3A_196 = arith.addi %add3A_11, %add3A_195 : vector<8x800xi32>
    %lt3A_197 = arith.cmpf olt, %slice3A_193, %select_n3A_191 : vector<8x800xf32>
    %lt3A_198 = arith.cmpf olt, %slice3A_193, %select_n3A_188 : vector<8x800xf32>
    %select_n3A_199 = arith.select %lt3A_198, %slice3A_193, %select_n3A_188 : vector<8x800xi1>, vector<8x800xf32>
    %select_n3A_200 = arith.select %lt3A_197, %select_n3A_191, %select_n3A_199 : vector<8x800xi1>, vector<8x800xf32>
    %select_n3A_201 = arith.select %lt3A_198, %add3A_196, %select_n3A_190 : vector<8x800xi1>, vector<8x800xi32>
    %select_n3A_202 = arith.select %lt3A_197, %select_n3A_192, %select_n3A_201 : vector<8x800xi1>, vector<8x800xi32>
    %select_n3A_203 = arith.select %lt3A_197, %slice3A_193, %select_n3A_191 : vector<8x800xi1>, vector<8x800xf32>
    %select_n3A_204 = arith.select %lt3A_197, %add3A_196, %select_n3A_192 : vector<8x800xi1>, vector<8x800xi32>
    %slice3A_205 = vector.extract_strided_slice %dot_general3A_8 {offsets = [512, 0], sizes = [8, 800], strides = [1, 1]} : vector<1024x800xf32> to vector<8x800xf32>
    %add3A_206 = arith.constant 512 : i32
    %add3A_207 = vector.broadcast %add3A_206 : i32 to vector<8x800xi32>
    %add3A_208 = arith.addi %add3A_11, %add3A_207 : vector<8x800xi32>
    %lt3A_209 = arith.cmpf olt, %slice3A_205, %select_n3A_203 : vector<8x800xf32>
    %lt3A_210 = arith.cmpf olt, %slice3A_205, %select_n3A_200 : vector<8x800xf32>
    %select_n3A_211 = arith.select %lt3A_210, %slice3A_205, %select_n3A_200 : vector<8x800xi1>, vector<8x800xf32>
    %select_n3A_212 = arith.select %lt3A_209, %select_n3A_203, %select_n3A_211 : vector<8x800xi1>, vector<8x800xf32>
    %select_n3A_213 = arith.select %lt3A_210, %add3A_208, %select_n3A_202 : vector<8x800xi1>, vector<8x800xi32>
    %select_n3A_214 = arith.select %lt3A_209, %select_n3A_204, %select_n3A_213 : vector<8x800xi1>, vector<8x800xi32>
    %select_n3A_215 = arith.select %lt3A_209, %slice3A_205, %select_n3A_203 : vector<8x800xi1>, vector<8x800xf32>
    %select_n3A_216 = arith.select %lt3A_209, %add3A_208, %select_n3A_204 : vector<8x800xi1>, vector<8x800xi32>
    %slice3A_217 = vector.extract_strided_slice %dot_general3A_8 {offsets = [544, 0], sizes = [8, 800], strides = [1, 1]} : vector<1024x800xf32> to vector<8x800xf32>
    %add3A_218 = arith.constant 544 : i32
    %add3A_219 = vector.broadcast %add3A_218 : i32 to vector<8x800xi32>
    %add3A_220 = arith.addi %add3A_11, %add3A_219 : vector<8x800xi32>
    %lt3A_221 = arith.cmpf olt, %slice3A_217, %select_n3A_215 : vector<8x800xf32>
    %lt3A_222 = arith.cmpf olt, %slice3A_217, %select_n3A_212 : vector<8x800xf32>
    %select_n3A_223 = arith.select %lt3A_222, %slice3A_217, %select_n3A_212 : vector<8x800xi1>, vector<8x800xf32>
    %select_n3A_224 = arith.select %lt3A_221, %select_n3A_215, %select_n3A_223 : vector<8x800xi1>, vector<8x800xf32>
    %select_n3A_225 = arith.select %lt3A_222, %add3A_220, %select_n3A_214 : vector<8x800xi1>, vector<8x800xi32>
    %select_n3A_226 = arith.select %lt3A_221, %select_n3A_216, %select_n3A_225 : vector<8x800xi1>, vector<8x800xi32>
    %select_n3A_227 = arith.select %lt3A_221, %slice3A_217, %select_n3A_215 : vector<8x800xi1>, vector<8x800xf32>
    %select_n3A_228 = arith.select %lt3A_221, %add3A_220, %select_n3A_216 : vector<8x800xi1>, vector<8x800xi32>
    %slice3A_229 = vector.extract_strided_slice %dot_general3A_8 {offsets = [576, 0], sizes = [8, 800], strides = [1, 1]} : vector<1024x800xf32> to vector<8x800xf32>
    %add3A_230 = arith.constant 576 : i32
    %add3A_231 = vector.broadcast %add3A_230 : i32 to vector<8x800xi32>
    %add3A_232 = arith.addi %add3A_11, %add3A_231 : vector<8x800xi32>
    %lt3A_233 = arith.cmpf olt, %slice3A_229, %select_n3A_227 : vector<8x800xf32>
    %lt3A_234 = arith.cmpf olt, %slice3A_229, %select_n3A_224 : vector<8x800xf32>
    %select_n3A_235 = arith.select %lt3A_234, %slice3A_229, %select_n3A_224 : vector<8x800xi1>, vector<8x800xf32>
    %select_n3A_236 = arith.select %lt3A_233, %select_n3A_227, %select_n3A_235 : vector<8x800xi1>, vector<8x800xf32>
    %select_n3A_237 = arith.select %lt3A_234, %add3A_232, %select_n3A_226 : vector<8x800xi1>, vector<8x800xi32>
    %select_n3A_238 = arith.select %lt3A_233, %select_n3A_228, %select_n3A_237 : vector<8x800xi1>, vector<8x800xi32>
    %select_n3A_239 = arith.select %lt3A_233, %slice3A_229, %select_n3A_227 : vector<8x800xi1>, vector<8x800xf32>
    %select_n3A_240 = arith.select %lt3A_233, %add3A_232, %select_n3A_228 : vector<8x800xi1>, vector<8x800xi32>
    %slice3A_241 = vector.extract_strided_slice %dot_general3A_8 {offsets = [608, 0], sizes = [8, 800], strides = [1, 1]} : vector<1024x800xf32> to vector<8x800xf32>
    %add3A_242 = arith.constant 608 : i32
    %add3A_243 = vector.broadcast %add3A_242 : i32 to vector<8x800xi32>
    %add3A_244 = arith.addi %add3A_11, %add3A_243 : vector<8x800xi32>
    %lt3A_245 = arith.cmpf olt, %slice3A_241, %select_n3A_239 : vector<8x800xf32>
    %lt3A_246 = arith.cmpf olt, %slice3A_241, %select_n3A_236 : vector<8x800xf32>
    %select_n3A_247 = arith.select %lt3A_246, %slice3A_241, %select_n3A_236 : vector<8x800xi1>, vector<8x800xf32>
    %select_n3A_248 = arith.select %lt3A_245, %select_n3A_239, %select_n3A_247 : vector<8x800xi1>, vector<8x800xf32>
    %select_n3A_249 = arith.select %lt3A_246, %add3A_244, %select_n3A_238 : vector<8x800xi1>, vector<8x800xi32>
    %select_n3A_250 = arith.select %lt3A_245, %select_n3A_240, %select_n3A_249 : vector<8x800xi1>, vector<8x800xi32>
    %select_n3A_251 = arith.select %lt3A_245, %slice3A_241, %select_n3A_239 : vector<8x800xi1>, vector<8x800xf32>
    %select_n3A_252 = arith.select %lt3A_245, %add3A_244, %select_n3A_240 : vector<8x800xi1>, vector<8x800xi32>
    %slice3A_253 = vector.extract_strided_slice %dot_general3A_8 {offsets = [640, 0], sizes = [8, 800], strides = [1, 1]} : vector<1024x800xf32> to vector<8x800xf32>
    %add3A_254 = arith.constant 640 : i32
    %add3A_255 = vector.broadcast %add3A_254 : i32 to vector<8x800xi32>
    %add3A_256 = arith.addi %add3A_11, %add3A_255 : vector<8x800xi32>
    %lt3A_257 = arith.cmpf olt, %slice3A_253, %select_n3A_251 : vector<8x800xf32>
    %lt3A_258 = arith.cmpf olt, %slice3A_253, %select_n3A_248 : vector<8x800xf32>
    %select_n3A_259 = arith.select %lt3A_258, %slice3A_253, %select_n3A_248 : vector<8x800xi1>, vector<8x800xf32>
    %select_n3A_260 = arith.select %lt3A_257, %select_n3A_251, %select_n3A_259 : vector<8x800xi1>, vector<8x800xf32>
    %select_n3A_261 = arith.select %lt3A_258, %add3A_256, %select_n3A_250 : vector<8x800xi1>, vector<8x800xi32>
    %select_n3A_262 = arith.select %lt3A_257, %select_n3A_252, %select_n3A_261 : vector<8x800xi1>, vector<8x800xi32>
    %select_n3A_263 = arith.select %lt3A_257, %slice3A_253, %select_n3A_251 : vector<8x800xi1>, vector<8x800xf32>
    %select_n3A_264 = arith.select %lt3A_257, %add3A_256, %select_n3A_252 : vector<8x800xi1>, vector<8x800xi32>
    %slice3A_265 = vector.extract_strided_slice %dot_general3A_8 {offsets = [672, 0], sizes = [8, 800], strides = [1, 1]} : vector<1024x800xf32> to vector<8x800xf32>
    %add3A_266 = arith.constant 672 : i32
    %add3A_267 = vector.broadcast %add3A_266 : i32 to vector<8x800xi32>
    %add3A_268 = arith.addi %add3A_11, %add3A_267 : vector<8x800xi32>
    %lt3A_269 = arith.cmpf olt, %slice3A_265, %select_n3A_263 : vector<8x800xf32>
    %lt3A_270 = arith.cmpf olt, %slice3A_265, %select_n3A_260 : vector<8x800xf32>
    %select_n3A_271 = arith.select %lt3A_270, %slice3A_265, %select_n3A_260 : vector<8x800xi1>, vector<8x800xf32>
    %select_n3A_272 = arith.select %lt3A_269, %select_n3A_263, %select_n3A_271 : vector<8x800xi1>, vector<8x800xf32>
    %select_n3A_273 = arith.select %lt3A_270, %add3A_268, %select_n3A_262 : vector<8x800xi1>, vector<8x800xi32>
    %select_n3A_274 = arith.select %lt3A_269, %select_n3A_264, %select_n3A_273 : vector<8x800xi1>, vector<8x800xi32>
    %select_n3A_275 = arith.select %lt3A_269, %slice3A_265, %select_n3A_263 : vector<8x800xi1>, vector<8x800xf32>
    %select_n3A_276 = arith.select %lt3A_269, %add3A_268, %select_n3A_264 : vector<8x800xi1>, vector<8x800xi32>
    %slice3A_277 = vector.extract_strided_slice %dot_general3A_8 {offsets = [704, 0], sizes = [8, 800], strides = [1, 1]} : vector<1024x800xf32> to vector<8x800xf32>
    %add3A_278 = arith.constant 704 : i32
    %add3A_279 = vector.broadcast %add3A_278 : i32 to vector<8x800xi32>
    %add3A_280 = arith.addi %add3A_11, %add3A_279 : vector<8x800xi32>
    %lt3A_281 = arith.cmpf olt, %slice3A_277, %select_n3A_275 : vector<8x800xf32>
    %lt3A_282 = arith.cmpf olt, %slice3A_277, %select_n3A_272 : vector<8x800xf32>
    %select_n3A_283 = arith.select %lt3A_282, %slice3A_277, %select_n3A_272 : vector<8x800xi1>, vector<8x800xf32>
    %select_n3A_284 = arith.select %lt3A_281, %select_n3A_275, %select_n3A_283 : vector<8x800xi1>, vector<8x800xf32>
    %select_n3A_285 = arith.select %lt3A_282, %add3A_280, %select_n3A_274 : vector<8x800xi1>, vector<8x800xi32>
    %select_n3A_286 = arith.select %lt3A_281, %select_n3A_276, %select_n3A_285 : vector<8x800xi1>, vector<8x800xi32>
    %select_n3A_287 = arith.select %lt3A_281, %slice3A_277, %select_n3A_275 : vector<8x800xi1>, vector<8x800xf32>
    %select_n3A_288 = arith.select %lt3A_281, %add3A_280, %select_n3A_276 : vector<8x800xi1>, vector<8x800xi32>
    %slice3A_289 = vector.extract_strided_slice %dot_general3A_8 {offsets = [736, 0], sizes = [8, 800], strides = [1, 1]} : vector<1024x800xf32> to vector<8x800xf32>
    %add3A_290 = arith.constant 736 : i32
    %add3A_291 = vector.broadcast %add3A_290 : i32 to vector<8x800xi32>
    %add3A_292 = arith.addi %add3A_11, %add3A_291 : vector<8x800xi32>
    %lt3A_293 = arith.cmpf olt, %slice3A_289, %select_n3A_287 : vector<8x800xf32>
    %lt3A_294 = arith.cmpf olt, %slice3A_289, %select_n3A_284 : vector<8x800xf32>
    %select_n3A_295 = arith.select %lt3A_294, %slice3A_289, %select_n3A_284 : vector<8x800xi1>, vector<8x800xf32>
    %select_n3A_296 = arith.select %lt3A_293, %select_n3A_287, %select_n3A_295 : vector<8x800xi1>, vector<8x800xf32>
    %select_n3A_297 = arith.select %lt3A_294, %add3A_292, %select_n3A_286 : vector<8x800xi1>, vector<8x800xi32>
    %select_n3A_298 = arith.select %lt3A_293, %select_n3A_288, %select_n3A_297 : vector<8x800xi1>, vector<8x800xi32>
    %select_n3A_299 = arith.select %lt3A_293, %slice3A_289, %select_n3A_287 : vector<8x800xi1>, vector<8x800xf32>
    %select_n3A_300 = arith.select %lt3A_293, %add3A_292, %select_n3A_288 : vector<8x800xi1>, vector<8x800xi32>
    %slice3A_301 = vector.extract_strided_slice %dot_general3A_8 {offsets = [768, 0], sizes = [8, 800], strides = [1, 1]} : vector<1024x800xf32> to vector<8x800xf32>
    %add3A_302 = arith.constant 768 : i32
    %add3A_303 = vector.broadcast %add3A_302 : i32 to vector<8x800xi32>
    %add3A_304 = arith.addi %add3A_11, %add3A_303 : vector<8x800xi32>
    %lt3A_305 = arith.cmpf olt, %slice3A_301, %select_n3A_299 : vector<8x800xf32>
    %lt3A_306 = arith.cmpf olt, %slice3A_301, %select_n3A_296 : vector<8x800xf32>
    %select_n3A_307 = arith.select %lt3A_306, %slice3A_301, %select_n3A_296 : vector<8x800xi1>, vector<8x800xf32>
    %select_n3A_308 = arith.select %lt3A_305, %select_n3A_299, %select_n3A_307 : vector<8x800xi1>, vector<8x800xf32>
    %select_n3A_309 = arith.select %lt3A_306, %add3A_304, %select_n3A_298 : vector<8x800xi1>, vector<8x800xi32>
    %select_n3A_310 = arith.select %lt3A_305, %select_n3A_300, %select_n3A_309 : vector<8x800xi1>, vector<8x800xi32>
    %select_n3A_311 = arith.select %lt3A_305, %slice3A_301, %select_n3A_299 : vector<8x800xi1>, vector<8x800xf32>
    %select_n3A_312 = arith.select %lt3A_305, %add3A_304, %select_n3A_300 : vector<8x800xi1>, vector<8x800xi32>
    %slice3A_313 = vector.extract_strided_slice %dot_general3A_8 {offsets = [800, 0], sizes = [8, 800], strides = [1, 1]} : vector<1024x800xf32> to vector<8x800xf32>
    %add3A_314 = arith.constant 800 : i32
    %add3A_315 = vector.broadcast %add3A_314 : i32 to vector<8x800xi32>
    %add3A_316 = arith.addi %add3A_11, %add3A_315 : vector<8x800xi32>
    %lt3A_317 = arith.cmpf olt, %slice3A_313, %select_n3A_311 : vector<8x800xf32>
    %lt3A_318 = arith.cmpf olt, %slice3A_313, %select_n3A_308 : vector<8x800xf32>
    %select_n3A_319 = arith.select %lt3A_318, %slice3A_313, %select_n3A_308 : vector<8x800xi1>, vector<8x800xf32>
    %select_n3A_320 = arith.select %lt3A_317, %select_n3A_311, %select_n3A_319 : vector<8x800xi1>, vector<8x800xf32>
    %select_n3A_321 = arith.select %lt3A_318, %add3A_316, %select_n3A_310 : vector<8x800xi1>, vector<8x800xi32>
    %select_n3A_322 = arith.select %lt3A_317, %select_n3A_312, %select_n3A_321 : vector<8x800xi1>, vector<8x800xi32>
    %select_n3A_323 = arith.select %lt3A_317, %slice3A_313, %select_n3A_311 : vector<8x800xi1>, vector<8x800xf32>
    %select_n3A_324 = arith.select %lt3A_317, %add3A_316, %select_n3A_312 : vector<8x800xi1>, vector<8x800xi32>
    %slice3A_325 = vector.extract_strided_slice %dot_general3A_8 {offsets = [832, 0], sizes = [8, 800], strides = [1, 1]} : vector<1024x800xf32> to vector<8x800xf32>
    %add3A_326 = arith.constant 832 : i32
    %add3A_327 = vector.broadcast %add3A_326 : i32 to vector<8x800xi32>
    %add3A_328 = arith.addi %add3A_11, %add3A_327 : vector<8x800xi32>
    %lt3A_329 = arith.cmpf olt, %slice3A_325, %select_n3A_323 : vector<8x800xf32>
    %lt3A_330 = arith.cmpf olt, %slice3A_325, %select_n3A_320 : vector<8x800xf32>
    %select_n3A_331 = arith.select %lt3A_330, %slice3A_325, %select_n3A_320 : vector<8x800xi1>, vector<8x800xf32>
    %select_n3A_332 = arith.select %lt3A_329, %select_n3A_323, %select_n3A_331 : vector<8x800xi1>, vector<8x800xf32>
    %select_n3A_333 = arith.select %lt3A_330, %add3A_328, %select_n3A_322 : vector<8x800xi1>, vector<8x800xi32>
    %select_n3A_334 = arith.select %lt3A_329, %select_n3A_324, %select_n3A_333 : vector<8x800xi1>, vector<8x800xi32>
    %select_n3A_335 = arith.select %lt3A_329, %slice3A_325, %select_n3A_323 : vector<8x800xi1>, vector<8x800xf32>
    %select_n3A_336 = arith.select %lt3A_329, %add3A_328, %select_n3A_324 : vector<8x800xi1>, vector<8x800xi32>
    %slice3A_337 = vector.extract_strided_slice %dot_general3A_8 {offsets = [864, 0], sizes = [8, 800], strides = [1, 1]} : vector<1024x800xf32> to vector<8x800xf32>
    %add3A_338 = arith.constant 864 : i32
    %add3A_339 = vector.broadcast %add3A_338 : i32 to vector<8x800xi32>
    %add3A_340 = arith.addi %add3A_11, %add3A_339 : vector<8x800xi32>
    %lt3A_341 = arith.cmpf olt, %slice3A_337, %select_n3A_335 : vector<8x800xf32>
    %lt3A_342 = arith.cmpf olt, %slice3A_337, %select_n3A_332 : vector<8x800xf32>
    %select_n3A_343 = arith.select %lt3A_342, %slice3A_337, %select_n3A_332 : vector<8x800xi1>, vector<8x800xf32>
    %select_n3A_344 = arith.select %lt3A_341, %select_n3A_335, %select_n3A_343 : vector<8x800xi1>, vector<8x800xf32>
    %select_n3A_345 = arith.select %lt3A_342, %add3A_340, %select_n3A_334 : vector<8x800xi1>, vector<8x800xi32>
    %select_n3A_346 = arith.select %lt3A_341, %select_n3A_336, %select_n3A_345 : vector<8x800xi1>, vector<8x800xi32>
    %select_n3A_347 = arith.select %lt3A_341, %slice3A_337, %select_n3A_335 : vector<8x800xi1>, vector<8x800xf32>
    %select_n3A_348 = arith.select %lt3A_341, %add3A_340, %select_n3A_336 : vector<8x800xi1>, vector<8x800xi32>
    %slice3A_349 = vector.extract_strided_slice %dot_general3A_8 {offsets = [896, 0], sizes = [8, 800], strides = [1, 1]} : vector<1024x800xf32> to vector<8x800xf32>
    %add3A_350 = arith.constant 896 : i32
    %add3A_351 = vector.broadcast %add3A_350 : i32 to vector<8x800xi32>
    %add3A_352 = arith.addi %add3A_11, %add3A_351 : vector<8x800xi32>
    %lt3A_353 = arith.cmpf olt, %slice3A_349, %select_n3A_347 : vector<8x800xf32>
    %lt3A_354 = arith.cmpf olt, %slice3A_349, %select_n3A_344 : vector<8x800xf32>
    %select_n3A_355 = arith.select %lt3A_354, %slice3A_349, %select_n3A_344 : vector<8x800xi1>, vector<8x800xf32>
    %select_n3A_356 = arith.select %lt3A_353, %select_n3A_347, %select_n3A_355 : vector<8x800xi1>, vector<8x800xf32>
    %select_n3A_357 = arith.select %lt3A_354, %add3A_352, %select_n3A_346 : vector<8x800xi1>, vector<8x800xi32>
    %select_n3A_358 = arith.select %lt3A_353, %select_n3A_348, %select_n3A_357 : vector<8x800xi1>, vector<8x800xi32>
    %select_n3A_359 = arith.select %lt3A_353, %slice3A_349, %select_n3A_347 : vector<8x800xi1>, vector<8x800xf32>
    %select_n3A_360 = arith.select %lt3A_353, %add3A_352, %select_n3A_348 : vector<8x800xi1>, vector<8x800xi32>
    %slice3A_361 = vector.extract_strided_slice %dot_general3A_8 {offsets = [928, 0], sizes = [8, 800], strides = [1, 1]} : vector<1024x800xf32> to vector<8x800xf32>
    %add3A_362 = arith.constant 928 : i32
    %add3A_363 = vector.broadcast %add3A_362 : i32 to vector<8x800xi32>
    %add3A_364 = arith.addi %add3A_11, %add3A_363 : vector<8x800xi32>
    %lt3A_365 = arith.cmpf olt, %slice3A_361, %select_n3A_359 : vector<8x800xf32>
    %lt3A_366 = arith.cmpf olt, %slice3A_361, %select_n3A_356 : vector<8x800xf32>
    %select_n3A_367 = arith.select %lt3A_366, %slice3A_361, %select_n3A_356 : vector<8x800xi1>, vector<8x800xf32>
    %select_n3A_368 = arith.select %lt3A_365, %select_n3A_359, %select_n3A_367 : vector<8x800xi1>, vector<8x800xf32>
    %select_n3A_369 = arith.select %lt3A_366, %add3A_364, %select_n3A_358 : vector<8x800xi1>, vector<8x800xi32>
    %select_n3A_370 = arith.select %lt3A_365, %select_n3A_360, %select_n3A_369 : vector<8x800xi1>, vector<8x800xi32>
    %select_n3A_371 = arith.select %lt3A_365, %slice3A_361, %select_n3A_359 : vector<8x800xi1>, vector<8x800xf32>
    %select_n3A_372 = arith.select %lt3A_365, %add3A_364, %select_n3A_360 : vector<8x800xi1>, vector<8x800xi32>
    %slice3A_373 = vector.extract_strided_slice %dot_general3A_8 {offsets = [960, 0], sizes = [8, 800], strides = [1, 1]} : vector<1024x800xf32> to vector<8x800xf32>
    %add3A_374 = arith.constant 960 : i32
    %add3A_375 = vector.broadcast %add3A_374 : i32 to vector<8x800xi32>
    %add3A_376 = arith.addi %add3A_11, %add3A_375 : vector<8x800xi32>
    %lt3A_377 = arith.cmpf olt, %slice3A_373, %select_n3A_371 : vector<8x800xf32>
    %lt3A_378 = arith.cmpf olt, %slice3A_373, %select_n3A_368 : vector<8x800xf32>
    %select_n3A_379 = arith.select %lt3A_378, %slice3A_373, %select_n3A_368 : vector<8x800xi1>, vector<8x800xf32>
    %select_n3A_380 = arith.select %lt3A_377, %select_n3A_371, %select_n3A_379 : vector<8x800xi1>, vector<8x800xf32>
    %select_n3A_381 = arith.select %lt3A_378, %add3A_376, %select_n3A_370 : vector<8x800xi1>, vector<8x800xi32>
    %select_n3A_382 = arith.select %lt3A_377, %select_n3A_372, %select_n3A_381 : vector<8x800xi1>, vector<8x800xi32>
    %select_n3A_383 = arith.select %lt3A_377, %slice3A_373, %select_n3A_371 : vector<8x800xi1>, vector<8x800xf32>
    %select_n3A_384 = arith.select %lt3A_377, %add3A_376, %select_n3A_372 : vector<8x800xi1>, vector<8x800xi32>
    %slice3A_385 = vector.extract_strided_slice %dot_general3A_8 {offsets = [992, 0], sizes = [8, 800], strides = [1, 1]} : vector<1024x800xf32> to vector<8x800xf32>
    %add3A_386 = arith.constant 992 : i32
    %add3A_387 = vector.broadcast %add3A_386 : i32 to vector<8x800xi32>
    %add3A_388 = arith.addi %add3A_11, %add3A_387 : vector<8x800xi32>
    %lt3A_389 = arith.cmpf olt, %slice3A_385, %select_n3A_383 : vector<8x800xf32>
    %lt3A_390 = arith.cmpf olt, %slice3A_385, %select_n3A_380 : vector<8x800xf32>
    %select_n3A_391 = arith.select %lt3A_390, %slice3A_385, %select_n3A_380 : vector<8x800xi1>, vector<8x800xf32>
    %select_n3A_392 = arith.select %lt3A_389, %select_n3A_383, %select_n3A_391 : vector<8x800xi1>, vector<8x800xf32>
    %select_n3A_393 = arith.select %lt3A_390, %add3A_388, %select_n3A_382 : vector<8x800xi1>, vector<8x800xi32>
    %select_n3A_394 = arith.select %lt3A_389, %select_n3A_384, %select_n3A_393 : vector<8x800xi1>, vector<8x800xi32>
    %select_n3A_395 = arith.select %lt3A_389, %slice3A_385, %select_n3A_383 : vector<8x800xi1>, vector<8x800xf32>
    %select_n3A_396 = arith.select %lt3A_389, %add3A_388, %select_n3A_384 : vector<8x800xi1>, vector<8x800xi32>
    %slice3A_397 = vector.extract_strided_slice %dot_general3A_8 {offsets = [8, 0], sizes = [8, 800], strides = [1, 1]} : vector<1024x800xf32> to vector<8x800xf32>
    %add3A_398 = arith.constant 8 : i32
    %add3A_399 = vector.broadcast %add3A_398 : i32 to vector<8x800xi32>
    %add3A_400 = arith.addi %add3A_11, %add3A_399 : vector<8x800xi32>
    %lt3A_401 = arith.cmpf olt, %slice3A_397, %broadcast_in_dim3A_13 : vector<8x800xf32>
    %lt3A_402 = arith.cmpf olt, %slice3A_397, %broadcast_in_dim3A_13 : vector<8x800xf32>
    %select_n3A_403 = arith.select %lt3A_402, %slice3A_397, %broadcast_in_dim3A_13 : vector<8x800xi1>, vector<8x800xf32>
    %select_n3A_404 = arith.select %lt3A_401, %broadcast_in_dim3A_13, %select_n3A_403 : vector<8x800xi1>, vector<8x800xf32>
    %select_n3A_405 = arith.select %lt3A_402, %add3A_400, %broadcast_in_dim3A_15 : vector<8x800xi1>, vector<8x800xi32>
    %select_n3A_406 = arith.select %lt3A_401, %broadcast_in_dim3A_15, %select_n3A_405 : vector<8x800xi1>, vector<8x800xi32>
    %select_n3A_407 = arith.select %lt3A_401, %slice3A_397, %broadcast_in_dim3A_13 : vector<8x800xi1>, vector<8x800xf32>
    %select_n3A_408 = arith.select %lt3A_401, %add3A_400, %broadcast_in_dim3A_15 : vector<8x800xi1>, vector<8x800xi32>
    %slice3A_409 = vector.extract_strided_slice %dot_general3A_8 {offsets = [40, 0], sizes = [8, 800], strides = [1, 1]} : vector<1024x800xf32> to vector<8x800xf32>
    %add3A_410 = arith.constant 40 : i32
    %add3A_411 = vector.broadcast %add3A_410 : i32 to vector<8x800xi32>
    %add3A_412 = arith.addi %add3A_11, %add3A_411 : vector<8x800xi32>
    %lt3A_413 = arith.cmpf olt, %slice3A_409, %select_n3A_407 : vector<8x800xf32>
    %lt3A_414 = arith.cmpf olt, %slice3A_409, %select_n3A_404 : vector<8x800xf32>
    %select_n3A_415 = arith.select %lt3A_414, %slice3A_409, %select_n3A_404 : vector<8x800xi1>, vector<8x800xf32>
    %select_n3A_416 = arith.select %lt3A_413, %select_n3A_407, %select_n3A_415 : vector<8x800xi1>, vector<8x800xf32>
    %select_n3A_417 = arith.select %lt3A_414, %add3A_412, %select_n3A_406 : vector<8x800xi1>, vector<8x800xi32>
    %select_n3A_418 = arith.select %lt3A_413, %select_n3A_408, %select_n3A_417 : vector<8x800xi1>, vector<8x800xi32>
    %select_n3A_419 = arith.select %lt3A_413, %slice3A_409, %select_n3A_407 : vector<8x800xi1>, vector<8x800xf32>
    %select_n3A_420 = arith.select %lt3A_413, %add3A_412, %select_n3A_408 : vector<8x800xi1>, vector<8x800xi32>
    %slice3A_421 = vector.extract_strided_slice %dot_general3A_8 {offsets = [72, 0], sizes = [8, 800], strides = [1, 1]} : vector<1024x800xf32> to vector<8x800xf32>
    %add3A_422 = arith.constant 72 : i32
    %add3A_423 = vector.broadcast %add3A_422 : i32 to vector<8x800xi32>
    %add3A_424 = arith.addi %add3A_11, %add3A_423 : vector<8x800xi32>
    %lt3A_425 = arith.cmpf olt, %slice3A_421, %select_n3A_419 : vector<8x800xf32>
    %lt3A_426 = arith.cmpf olt, %slice3A_421, %select_n3A_416 : vector<8x800xf32>
    %select_n3A_427 = arith.select %lt3A_426, %slice3A_421, %select_n3A_416 : vector<8x800xi1>, vector<8x800xf32>
    %select_n3A_428 = arith.select %lt3A_425, %select_n3A_419, %select_n3A_427 : vector<8x800xi1>, vector<8x800xf32>
    %select_n3A_429 = arith.select %lt3A_426, %add3A_424, %select_n3A_418 : vector<8x800xi1>, vector<8x800xi32>
    %select_n3A_430 = arith.select %lt3A_425, %select_n3A_420, %select_n3A_429 : vector<8x800xi1>, vector<8x800xi32>
    %select_n3A_431 = arith.select %lt3A_425, %slice3A_421, %select_n3A_419 : vector<8x800xi1>, vector<8x800xf32>
    %select_n3A_432 = arith.select %lt3A_425, %add3A_424, %select_n3A_420 : vector<8x800xi1>, vector<8x800xi32>
    %slice3A_433 = vector.extract_strided_slice %dot_general3A_8 {offsets = [104, 0], sizes = [8, 800], strides = [1, 1]} : vector<1024x800xf32> to vector<8x800xf32>
    %add3A_434 = arith.constant 104 : i32
    %add3A_435 = vector.broadcast %add3A_434 : i32 to vector<8x800xi32>
    %add3A_436 = arith.addi %add3A_11, %add3A_435 : vector<8x800xi32>
    %lt3A_437 = arith.cmpf olt, %slice3A_433, %select_n3A_431 : vector<8x800xf32>
    %lt3A_438 = arith.cmpf olt, %slice3A_433, %select_n3A_428 : vector<8x800xf32>
    %select_n3A_439 = arith.select %lt3A_438, %slice3A_433, %select_n3A_428 : vector<8x800xi1>, vector<8x800xf32>
    %select_n3A_440 = arith.select %lt3A_437, %select_n3A_431, %select_n3A_439 : vector<8x800xi1>, vector<8x800xf32>
    %select_n3A_441 = arith.select %lt3A_438, %add3A_436, %select_n3A_430 : vector<8x800xi1>, vector<8x800xi32>
    %select_n3A_442 = arith.select %lt3A_437, %select_n3A_432, %select_n3A_441 : vector<8x800xi1>, vector<8x800xi32>
    %select_n3A_443 = arith.select %lt3A_437, %slice3A_433, %select_n3A_431 : vector<8x800xi1>, vector<8x800xf32>
    %select_n3A_444 = arith.select %lt3A_437, %add3A_436, %select_n3A_432 : vector<8x800xi1>, vector<8x800xi32>
    %slice3A_445 = vector.extract_strided_slice %dot_general3A_8 {offsets = [136, 0], sizes = [8, 800], strides = [1, 1]} : vector<1024x800xf32> to vector<8x800xf32>
    %add3A_446 = arith.constant 136 : i32
    %add3A_447 = vector.broadcast %add3A_446 : i32 to vector<8x800xi32>
    %add3A_448 = arith.addi %add3A_11, %add3A_447 : vector<8x800xi32>
    %lt3A_449 = arith.cmpf olt, %slice3A_445, %select_n3A_443 : vector<8x800xf32>
    %lt3A_450 = arith.cmpf olt, %slice3A_445, %select_n3A_440 : vector<8x800xf32>
    %select_n3A_451 = arith.select %lt3A_450, %slice3A_445, %select_n3A_440 : vector<8x800xi1>, vector<8x800xf32>
    %select_n3A_452 = arith.select %lt3A_449, %select_n3A_443, %select_n3A_451 : vector<8x800xi1>, vector<8x800xf32>
    %select_n3A_453 = arith.select %lt3A_450, %add3A_448, %select_n3A_442 : vector<8x800xi1>, vector<8x800xi32>
    %select_n3A_454 = arith.select %lt3A_449, %select_n3A_444, %select_n3A_453 : vector<8x800xi1>, vector<8x800xi32>
    %select_n3A_455 = arith.select %lt3A_449, %slice3A_445, %select_n3A_443 : vector<8x800xi1>, vector<8x800xf32>
    %select_n3A_456 = arith.select %lt3A_449, %add3A_448, %select_n3A_444 : vector<8x800xi1>, vector<8x800xi32>
    %slice3A_457 = vector.extract_strided_slice %dot_general3A_8 {offsets = [168, 0], sizes = [8, 800], strides = [1, 1]} : vector<1024x800xf32> to vector<8x800xf32>
    %add3A_458 = arith.constant 168 : i32
    %add3A_459 = vector.broadcast %add3A_458 : i32 to vector<8x800xi32>
    %add3A_460 = arith.addi %add3A_11, %add3A_459 : vector<8x800xi32>
    %lt3A_461 = arith.cmpf olt, %slice3A_457, %select_n3A_455 : vector<8x800xf32>
    %lt3A_462 = arith.cmpf olt, %slice3A_457, %select_n3A_452 : vector<8x800xf32>
    %select_n3A_463 = arith.select %lt3A_462, %slice3A_457, %select_n3A_452 : vector<8x800xi1>, vector<8x800xf32>
    %select_n3A_464 = arith.select %lt3A_461, %select_n3A_455, %select_n3A_463 : vector<8x800xi1>, vector<8x800xf32>
    %select_n3A_465 = arith.select %lt3A_462, %add3A_460, %select_n3A_454 : vector<8x800xi1>, vector<8x800xi32>
    %select_n3A_466 = arith.select %lt3A_461, %select_n3A_456, %select_n3A_465 : vector<8x800xi1>, vector<8x800xi32>
    %select_n3A_467 = arith.select %lt3A_461, %slice3A_457, %select_n3A_455 : vector<8x800xi1>, vector<8x800xf32>
    %select_n3A_468 = arith.select %lt3A_461, %add3A_460, %select_n3A_456 : vector<8x800xi1>, vector<8x800xi32>
    %slice3A_469 = vector.extract_strided_slice %dot_general3A_8 {offsets = [200, 0], sizes = [8, 800], strides = [1, 1]} : vector<1024x800xf32> to vector<8x800xf32>
    %add3A_470 = arith.constant 200 : i32
    %add3A_471 = vector.broadcast %add3A_470 : i32 to vector<8x800xi32>
    %add3A_472 = arith.addi %add3A_11, %add3A_471 : vector<8x800xi32>
    %lt3A_473 = arith.cmpf olt, %slice3A_469, %select_n3A_467 : vector<8x800xf32>
    %lt3A_474 = arith.cmpf olt, %slice3A_469, %select_n3A_464 : vector<8x800xf32>
    %select_n3A_475 = arith.select %lt3A_474, %slice3A_469, %select_n3A_464 : vector<8x800xi1>, vector<8x800xf32>
    %select_n3A_476 = arith.select %lt3A_473, %select_n3A_467, %select_n3A_475 : vector<8x800xi1>, vector<8x800xf32>
    %select_n3A_477 = arith.select %lt3A_474, %add3A_472, %select_n3A_466 : vector<8x800xi1>, vector<8x800xi32>
    %select_n3A_478 = arith.select %lt3A_473, %select_n3A_468, %select_n3A_477 : vector<8x800xi1>, vector<8x800xi32>
    %select_n3A_479 = arith.select %lt3A_473, %slice3A_469, %select_n3A_467 : vector<8x800xi1>, vector<8x800xf32>
    %select_n3A_480 = arith.select %lt3A_473, %add3A_472, %select_n3A_468 : vector<8x800xi1>, vector<8x800xi32>
    %slice3A_481 = vector.extract_strided_slice %dot_general3A_8 {offsets = [232, 0], sizes = [8, 800], strides = [1, 1]} : vector<1024x800xf32> to vector<8x800xf32>
    %add3A_482 = arith.constant 232 : i32
    %add3A_483 = vector.broadcast %add3A_482 : i32 to vector<8x800xi32>
    %add3A_484 = arith.addi %add3A_11, %add3A_483 : vector<8x800xi32>
    %lt3A_485 = arith.cmpf olt, %slice3A_481, %select_n3A_479 : vector<8x800xf32>
    %lt3A_486 = arith.cmpf olt, %slice3A_481, %select_n3A_476 : vector<8x800xf32>
    %select_n3A_487 = arith.select %lt3A_486, %slice3A_481, %select_n3A_476 : vector<8x800xi1>, vector<8x800xf32>
    %select_n3A_488 = arith.select %lt3A_485, %select_n3A_479, %select_n3A_487 : vector<8x800xi1>, vector<8x800xf32>
    %select_n3A_489 = arith.select %lt3A_486, %add3A_484, %select_n3A_478 : vector<8x800xi1>, vector<8x800xi32>
    %select_n3A_490 = arith.select %lt3A_485, %select_n3A_480, %select_n3A_489 : vector<8x800xi1>, vector<8x800xi32>
    %select_n3A_491 = arith.select %lt3A_485, %slice3A_481, %select_n3A_479 : vector<8x800xi1>, vector<8x800xf32>
    %select_n3A_492 = arith.select %lt3A_485, %add3A_484, %select_n3A_480 : vector<8x800xi1>, vector<8x800xi32>
    %slice3A_493 = vector.extract_strided_slice %dot_general3A_8 {offsets = [264, 0], sizes = [8, 800], strides = [1, 1]} : vector<1024x800xf32> to vector<8x800xf32>
    %add3A_494 = arith.constant 264 : i32
    %add3A_495 = vector.broadcast %add3A_494 : i32 to vector<8x800xi32>
    %add3A_496 = arith.addi %add3A_11, %add3A_495 : vector<8x800xi32>
    %lt3A_497 = arith.cmpf olt, %slice3A_493, %select_n3A_491 : vector<8x800xf32>
    %lt3A_498 = arith.cmpf olt, %slice3A_493, %select_n3A_488 : vector<8x800xf32>
    %select_n3A_499 = arith.select %lt3A_498, %slice3A_493, %select_n3A_488 : vector<8x800xi1>, vector<8x800xf32>
    %select_n3A_500 = arith.select %lt3A_497, %select_n3A_491, %select_n3A_499 : vector<8x800xi1>, vector<8x800xf32>
    %select_n3A_501 = arith.select %lt3A_498, %add3A_496, %select_n3A_490 : vector<8x800xi1>, vector<8x800xi32>
    %select_n3A_502 = arith.select %lt3A_497, %select_n3A_492, %select_n3A_501 : vector<8x800xi1>, vector<8x800xi32>
    %select_n3A_503 = arith.select %lt3A_497, %slice3A_493, %select_n3A_491 : vector<8x800xi1>, vector<8x800xf32>
    %select_n3A_504 = arith.select %lt3A_497, %add3A_496, %select_n3A_492 : vector<8x800xi1>, vector<8x800xi32>
    %slice3A_505 = vector.extract_strided_slice %dot_general3A_8 {offsets = [296, 0], sizes = [8, 800], strides = [1, 1]} : vector<1024x800xf32> to vector<8x800xf32>
    %add3A_506 = arith.constant 296 : i32
    %add3A_507 = vector.broadcast %add3A_506 : i32 to vector<8x800xi32>
    %add3A_508 = arith.addi %add3A_11, %add3A_507 : vector<8x800xi32>
    %lt3A_509 = arith.cmpf olt, %slice3A_505, %select_n3A_503 : vector<8x800xf32>
    %lt3A_510 = arith.cmpf olt, %slice3A_505, %select_n3A_500 : vector<8x800xf32>
    %select_n3A_511 = arith.select %lt3A_510, %slice3A_505, %select_n3A_500 : vector<8x800xi1>, vector<8x800xf32>
    %select_n3A_512 = arith.select %lt3A_509, %select_n3A_503, %select_n3A_511 : vector<8x800xi1>, vector<8x800xf32>
    %select_n3A_513 = arith.select %lt3A_510, %add3A_508, %select_n3A_502 : vector<8x800xi1>, vector<8x800xi32>
    %select_n3A_514 = arith.select %lt3A_509, %select_n3A_504, %select_n3A_513 : vector<8x800xi1>, vector<8x800xi32>
    %select_n3A_515 = arith.select %lt3A_509, %slice3A_505, %select_n3A_503 : vector<8x800xi1>, vector<8x800xf32>
    %select_n3A_516 = arith.select %lt3A_509, %add3A_508, %select_n3A_504 : vector<8x800xi1>, vector<8x800xi32>
    %slice3A_517 = vector.extract_strided_slice %dot_general3A_8 {offsets = [328, 0], sizes = [8, 800], strides = [1, 1]} : vector<1024x800xf32> to vector<8x800xf32>
    %add3A_518 = arith.constant 328 : i32
    %add3A_519 = vector.broadcast %add3A_518 : i32 to vector<8x800xi32>
    %add3A_520 = arith.addi %add3A_11, %add3A_519 : vector<8x800xi32>
    %lt3A_521 = arith.cmpf olt, %slice3A_517, %select_n3A_515 : vector<8x800xf32>
    %lt3A_522 = arith.cmpf olt, %slice3A_517, %select_n3A_512 : vector<8x800xf32>
    %select_n3A_523 = arith.select %lt3A_522, %slice3A_517, %select_n3A_512 : vector<8x800xi1>, vector<8x800xf32>
    %select_n3A_524 = arith.select %lt3A_521, %select_n3A_515, %select_n3A_523 : vector<8x800xi1>, vector<8x800xf32>
    %select_n3A_525 = arith.select %lt3A_522, %add3A_520, %select_n3A_514 : vector<8x800xi1>, vector<8x800xi32>
    %select_n3A_526 = arith.select %lt3A_521, %select_n3A_516, %select_n3A_525 : vector<8x800xi1>, vector<8x800xi32>
    %select_n3A_527 = arith.select %lt3A_521, %slice3A_517, %select_n3A_515 : vector<8x800xi1>, vector<8x800xf32>
    %select_n3A_528 = arith.select %lt3A_521, %add3A_520, %select_n3A_516 : vector<8x800xi1>, vector<8x800xi32>
    %slice3A_529 = vector.extract_strided_slice %dot_general3A_8 {offsets = [360, 0], sizes = [8, 800], strides = [1, 1]} : vector<1024x800xf32> to vector<8x800xf32>
    %add3A_530 = arith.constant 360 : i32
    %add3A_531 = vector.broadcast %add3A_530 : i32 to vector<8x800xi32>
    %add3A_532 = arith.addi %add3A_11, %add3A_531 : vector<8x800xi32>
    %lt3A_533 = arith.cmpf olt, %slice3A_529, %select_n3A_527 : vector<8x800xf32>
    %lt3A_534 = arith.cmpf olt, %slice3A_529, %select_n3A_524 : vector<8x800xf32>
    %select_n3A_535 = arith.select %lt3A_534, %slice3A_529, %select_n3A_524 : vector<8x800xi1>, vector<8x800xf32>
    %select_n3A_536 = arith.select %lt3A_533, %select_n3A_527, %select_n3A_535 : vector<8x800xi1>, vector<8x800xf32>
    %select_n3A_537 = arith.select %lt3A_534, %add3A_532, %select_n3A_526 : vector<8x800xi1>, vector<8x800xi32>
    %select_n3A_538 = arith.select %lt3A_533, %select_n3A_528, %select_n3A_537 : vector<8x800xi1>, vector<8x800xi32>
    %select_n3A_539 = arith.select %lt3A_533, %slice3A_529, %select_n3A_527 : vector<8x800xi1>, vector<8x800xf32>
    %select_n3A_540 = arith.select %lt3A_533, %add3A_532, %select_n3A_528 : vector<8x800xi1>, vector<8x800xi32>
    %slice3A_541 = vector.extract_strided_slice %dot_general3A_8 {offsets = [392, 0], sizes = [8, 800], strides = [1, 1]} : vector<1024x800xf32> to vector<8x800xf32>
    %add3A_542 = arith.constant 392 : i32
    %add3A_543 = vector.broadcast %add3A_542 : i32 to vector<8x800xi32>
    %add3A_544 = arith.addi %add3A_11, %add3A_543 : vector<8x800xi32>
    %lt3A_545 = arith.cmpf olt, %slice3A_541, %select_n3A_539 : vector<8x800xf32>
    %lt3A_546 = arith.cmpf olt, %slice3A_541, %select_n3A_536 : vector<8x800xf32>
    %select_n3A_547 = arith.select %lt3A_546, %slice3A_541, %select_n3A_536 : vector<8x800xi1>, vector<8x800xf32>
    %select_n3A_548 = arith.select %lt3A_545, %select_n3A_539, %select_n3A_547 : vector<8x800xi1>, vector<8x800xf32>
    %select_n3A_549 = arith.select %lt3A_546, %add3A_544, %select_n3A_538 : vector<8x800xi1>, vector<8x800xi32>
    %select_n3A_550 = arith.select %lt3A_545, %select_n3A_540, %select_n3A_549 : vector<8x800xi1>, vector<8x800xi32>
    %select_n3A_551 = arith.select %lt3A_545, %slice3A_541, %select_n3A_539 : vector<8x800xi1>, vector<8x800xf32>
    %select_n3A_552 = arith.select %lt3A_545, %add3A_544, %select_n3A_540 : vector<8x800xi1>, vector<8x800xi32>
    %slice3A_553 = vector.extract_strided_slice %dot_general3A_8 {offsets = [424, 0], sizes = [8, 800], strides = [1, 1]} : vector<1024x800xf32> to vector<8x800xf32>
    %add3A_554 = arith.constant 424 : i32
    %add3A_555 = vector.broadcast %add3A_554 : i32 to vector<8x800xi32>
    %add3A_556 = arith.addi %add3A_11, %add3A_555 : vector<8x800xi32>
    %lt3A_557 = arith.cmpf olt, %slice3A_553, %select_n3A_551 : vector<8x800xf32>
    %lt3A_558 = arith.cmpf olt, %slice3A_553, %select_n3A_548 : vector<8x800xf32>
    %select_n3A_559 = arith.select %lt3A_558, %slice3A_553, %select_n3A_548 : vector<8x800xi1>, vector<8x800xf32>
    %select_n3A_560 = arith.select %lt3A_557, %select_n3A_551, %select_n3A_559 : vector<8x800xi1>, vector<8x800xf32>
    %select_n3A_561 = arith.select %lt3A_558, %add3A_556, %select_n3A_550 : vector<8x800xi1>, vector<8x800xi32>
    %select_n3A_562 = arith.select %lt3A_557, %select_n3A_552, %select_n3A_561 : vector<8x800xi1>, vector<8x800xi32>
    %select_n3A_563 = arith.select %lt3A_557, %slice3A_553, %select_n3A_551 : vector<8x800xi1>, vector<8x800xf32>
    %select_n3A_564 = arith.select %lt3A_557, %add3A_556, %select_n3A_552 : vector<8x800xi1>, vector<8x800xi32>
    %slice3A_565 = vector.extract_strided_slice %dot_general3A_8 {offsets = [456, 0], sizes = [8, 800], strides = [1, 1]} : vector<1024x800xf32> to vector<8x800xf32>
    %add3A_566 = arith.constant 456 : i32
    %add3A_567 = vector.broadcast %add3A_566 : i32 to vector<8x800xi32>
    %add3A_568 = arith.addi %add3A_11, %add3A_567 : vector<8x800xi32>
    %lt3A_569 = arith.cmpf olt, %slice3A_565, %select_n3A_563 : vector<8x800xf32>
    %lt3A_570 = arith.cmpf olt, %slice3A_565, %select_n3A_560 : vector<8x800xf32>
    %select_n3A_571 = arith.select %lt3A_570, %slice3A_565, %select_n3A_560 : vector<8x800xi1>, vector<8x800xf32>
    %select_n3A_572 = arith.select %lt3A_569, %select_n3A_563, %select_n3A_571 : vector<8x800xi1>, vector<8x800xf32>
    %select_n3A_573 = arith.select %lt3A_570, %add3A_568, %select_n3A_562 : vector<8x800xi1>, vector<8x800xi32>
    %select_n3A_574 = arith.select %lt3A_569, %select_n3A_564, %select_n3A_573 : vector<8x800xi1>, vector<8x800xi32>
    %select_n3A_575 = arith.select %lt3A_569, %slice3A_565, %select_n3A_563 : vector<8x800xi1>, vector<8x800xf32>
    %select_n3A_576 = arith.select %lt3A_569, %add3A_568, %select_n3A_564 : vector<8x800xi1>, vector<8x800xi32>
    %slice3A_577 = vector.extract_strided_slice %dot_general3A_8 {offsets = [488, 0], sizes = [8, 800], strides = [1, 1]} : vector<1024x800xf32> to vector<8x800xf32>
    %add3A_578 = arith.constant 488 : i32
    %add3A_579 = vector.broadcast %add3A_578 : i32 to vector<8x800xi32>
    %add3A_580 = arith.addi %add3A_11, %add3A_579 : vector<8x800xi32>
    %lt3A_581 = arith.cmpf olt, %slice3A_577, %select_n3A_575 : vector<8x800xf32>
    %lt3A_582 = arith.cmpf olt, %slice3A_577, %select_n3A_572 : vector<8x800xf32>
    %select_n3A_583 = arith.select %lt3A_582, %slice3A_577, %select_n3A_572 : vector<8x800xi1>, vector<8x800xf32>
    %select_n3A_584 = arith.select %lt3A_581, %select_n3A_575, %select_n3A_583 : vector<8x800xi1>, vector<8x800xf32>
    %select_n3A_585 = arith.select %lt3A_582, %add3A_580, %select_n3A_574 : vector<8x800xi1>, vector<8x800xi32>
    %select_n3A_586 = arith.select %lt3A_581, %select_n3A_576, %select_n3A_585 : vector<8x800xi1>, vector<8x800xi32>
    %select_n3A_587 = arith.select %lt3A_581, %slice3A_577, %select_n3A_575 : vector<8x800xi1>, vector<8x800xf32>
    %select_n3A_588 = arith.select %lt3A_581, %add3A_580, %select_n3A_576 : vector<8x800xi1>, vector<8x800xi32>
    %slice3A_589 = vector.extract_strided_slice %dot_general3A_8 {offsets = [520, 0], sizes = [8, 800], strides = [1, 1]} : vector<1024x800xf32> to vector<8x800xf32>
    %add3A_590 = arith.constant 520 : i32
    %add3A_591 = vector.broadcast %add3A_590 : i32 to vector<8x800xi32>
    %add3A_592 = arith.addi %add3A_11, %add3A_591 : vector<8x800xi32>
    %lt3A_593 = arith.cmpf olt, %slice3A_589, %select_n3A_587 : vector<8x800xf32>
    %lt3A_594 = arith.cmpf olt, %slice3A_589, %select_n3A_584 : vector<8x800xf32>
    %select_n3A_595 = arith.select %lt3A_594, %slice3A_589, %select_n3A_584 : vector<8x800xi1>, vector<8x800xf32>
    %select_n3A_596 = arith.select %lt3A_593, %select_n3A_587, %select_n3A_595 : vector<8x800xi1>, vector<8x800xf32>
    %select_n3A_597 = arith.select %lt3A_594, %add3A_592, %select_n3A_586 : vector<8x800xi1>, vector<8x800xi32>
    %select_n3A_598 = arith.select %lt3A_593, %select_n3A_588, %select_n3A_597 : vector<8x800xi1>, vector<8x800xi32>
    %select_n3A_599 = arith.select %lt3A_593, %slice3A_589, %select_n3A_587 : vector<8x800xi1>, vector<8x800xf32>
    %select_n3A_600 = arith.select %lt3A_593, %add3A_592, %select_n3A_588 : vector<8x800xi1>, vector<8x800xi32>
    %slice3A_601 = vector.extract_strided_slice %dot_general3A_8 {offsets = [552, 0], sizes = [8, 800], strides = [1, 1]} : vector<1024x800xf32> to vector<8x800xf32>
    %add3A_602 = arith.constant 552 : i32
    %add3A_603 = vector.broadcast %add3A_602 : i32 to vector<8x800xi32>
    %add3A_604 = arith.addi %add3A_11, %add3A_603 : vector<8x800xi32>
    %lt3A_605 = arith.cmpf olt, %slice3A_601, %select_n3A_599 : vector<8x800xf32>
    %lt3A_606 = arith.cmpf olt, %slice3A_601, %select_n3A_596 : vector<8x800xf32>
    %select_n3A_607 = arith.select %lt3A_606, %slice3A_601, %select_n3A_596 : vector<8x800xi1>, vector<8x800xf32>
    %select_n3A_608 = arith.select %lt3A_605, %select_n3A_599, %select_n3A_607 : vector<8x800xi1>, vector<8x800xf32>
    %select_n3A_609 = arith.select %lt3A_606, %add3A_604, %select_n3A_598 : vector<8x800xi1>, vector<8x800xi32>
    %select_n3A_610 = arith.select %lt3A_605, %select_n3A_600, %select_n3A_609 : vector<8x800xi1>, vector<8x800xi32>
    %select_n3A_611 = arith.select %lt3A_605, %slice3A_601, %select_n3A_599 : vector<8x800xi1>, vector<8x800xf32>
    %select_n3A_612 = arith.select %lt3A_605, %add3A_604, %select_n3A_600 : vector<8x800xi1>, vector<8x800xi32>
    %slice3A_613 = vector.extract_strided_slice %dot_general3A_8 {offsets = [584, 0], sizes = [8, 800], strides = [1, 1]} : vector<1024x800xf32> to vector<8x800xf32>
    %add3A_614 = arith.constant 584 : i32
    %add3A_615 = vector.broadcast %add3A_614 : i32 to vector<8x800xi32>
    %add3A_616 = arith.addi %add3A_11, %add3A_615 : vector<8x800xi32>
    %lt3A_617 = arith.cmpf olt, %slice3A_613, %select_n3A_611 : vector<8x800xf32>
    %lt3A_618 = arith.cmpf olt, %slice3A_613, %select_n3A_608 : vector<8x800xf32>
    %select_n3A_619 = arith.select %lt3A_618, %slice3A_613, %select_n3A_608 : vector<8x800xi1>, vector<8x800xf32>
    %select_n3A_620 = arith.select %lt3A_617, %select_n3A_611, %select_n3A_619 : vector<8x800xi1>, vector<8x800xf32>
    %select_n3A_621 = arith.select %lt3A_618, %add3A_616, %select_n3A_610 : vector<8x800xi1>, vector<8x800xi32>
    %select_n3A_622 = arith.select %lt3A_617, %select_n3A_612, %select_n3A_621 : vector<8x800xi1>, vector<8x800xi32>
    %select_n3A_623 = arith.select %lt3A_617, %slice3A_613, %select_n3A_611 : vector<8x800xi1>, vector<8x800xf32>
    %select_n3A_624 = arith.select %lt3A_617, %add3A_616, %select_n3A_612 : vector<8x800xi1>, vector<8x800xi32>
    %slice3A_625 = vector.extract_strided_slice %dot_general3A_8 {offsets = [616, 0], sizes = [8, 800], strides = [1, 1]} : vector<1024x800xf32> to vector<8x800xf32>
    %add3A_626 = arith.constant 616 : i32
    %add3A_627 = vector.broadcast %add3A_626 : i32 to vector<8x800xi32>
    %add3A_628 = arith.addi %add3A_11, %add3A_627 : vector<8x800xi32>
    %lt3A_629 = arith.cmpf olt, %slice3A_625, %select_n3A_623 : vector<8x800xf32>
    %lt3A_630 = arith.cmpf olt, %slice3A_625, %select_n3A_620 : vector<8x800xf32>
    %select_n3A_631 = arith.select %lt3A_630, %slice3A_625, %select_n3A_620 : vector<8x800xi1>, vector<8x800xf32>
    %select_n3A_632 = arith.select %lt3A_629, %select_n3A_623, %select_n3A_631 : vector<8x800xi1>, vector<8x800xf32>
    %select_n3A_633 = arith.select %lt3A_630, %add3A_628, %select_n3A_622 : vector<8x800xi1>, vector<8x800xi32>
    %select_n3A_634 = arith.select %lt3A_629, %select_n3A_624, %select_n3A_633 : vector<8x800xi1>, vector<8x800xi32>
    %select_n3A_635 = arith.select %lt3A_629, %slice3A_625, %select_n3A_623 : vector<8x800xi1>, vector<8x800xf32>
    %select_n3A_636 = arith.select %lt3A_629, %add3A_628, %select_n3A_624 : vector<8x800xi1>, vector<8x800xi32>
    %slice3A_637 = vector.extract_strided_slice %dot_general3A_8 {offsets = [648, 0], sizes = [8, 800], strides = [1, 1]} : vector<1024x800xf32> to vector<8x800xf32>
    %add3A_638 = arith.constant 648 : i32
    %add3A_639 = vector.broadcast %add3A_638 : i32 to vector<8x800xi32>
    %add3A_640 = arith.addi %add3A_11, %add3A_639 : vector<8x800xi32>
    %lt3A_641 = arith.cmpf olt, %slice3A_637, %select_n3A_635 : vector<8x800xf32>
    %lt3A_642 = arith.cmpf olt, %slice3A_637, %select_n3A_632 : vector<8x800xf32>
    %select_n3A_643 = arith.select %lt3A_642, %slice3A_637, %select_n3A_632 : vector<8x800xi1>, vector<8x800xf32>
    %select_n3A_644 = arith.select %lt3A_641, %select_n3A_635, %select_n3A_643 : vector<8x800xi1>, vector<8x800xf32>
    %select_n3A_645 = arith.select %lt3A_642, %add3A_640, %select_n3A_634 : vector<8x800xi1>, vector<8x800xi32>
    %select_n3A_646 = arith.select %lt3A_641, %select_n3A_636, %select_n3A_645 : vector<8x800xi1>, vector<8x800xi32>
    %select_n3A_647 = arith.select %lt3A_641, %slice3A_637, %select_n3A_635 : vector<8x800xi1>, vector<8x800xf32>
    %select_n3A_648 = arith.select %lt3A_641, %add3A_640, %select_n3A_636 : vector<8x800xi1>, vector<8x800xi32>
    %slice3A_649 = vector.extract_strided_slice %dot_general3A_8 {offsets = [680, 0], sizes = [8, 800], strides = [1, 1]} : vector<1024x800xf32> to vector<8x800xf32>
    %add3A_650 = arith.constant 680 : i32
    %add3A_651 = vector.broadcast %add3A_650 : i32 to vector<8x800xi32>
    %add3A_652 = arith.addi %add3A_11, %add3A_651 : vector<8x800xi32>
    %lt3A_653 = arith.cmpf olt, %slice3A_649, %select_n3A_647 : vector<8x800xf32>
    %lt3A_654 = arith.cmpf olt, %slice3A_649, %select_n3A_644 : vector<8x800xf32>
    %select_n3A_655 = arith.select %lt3A_654, %slice3A_649, %select_n3A_644 : vector<8x800xi1>, vector<8x800xf32>
    %select_n3A_656 = arith.select %lt3A_653, %select_n3A_647, %select_n3A_655 : vector<8x800xi1>, vector<8x800xf32>
    %select_n3A_657 = arith.select %lt3A_654, %add3A_652, %select_n3A_646 : vector<8x800xi1>, vector<8x800xi32>
    %select_n3A_658 = arith.select %lt3A_653, %select_n3A_648, %select_n3A_657 : vector<8x800xi1>, vector<8x800xi32>
    %select_n3A_659 = arith.select %lt3A_653, %slice3A_649, %select_n3A_647 : vector<8x800xi1>, vector<8x800xf32>
    %select_n3A_660 = arith.select %lt3A_653, %add3A_652, %select_n3A_648 : vector<8x800xi1>, vector<8x800xi32>
    %slice3A_661 = vector.extract_strided_slice %dot_general3A_8 {offsets = [712, 0], sizes = [8, 800], strides = [1, 1]} : vector<1024x800xf32> to vector<8x800xf32>
    %add3A_662 = arith.constant 712 : i32
    %add3A_663 = vector.broadcast %add3A_662 : i32 to vector<8x800xi32>
    %add3A_664 = arith.addi %add3A_11, %add3A_663 : vector<8x800xi32>
    %lt3A_665 = arith.cmpf olt, %slice3A_661, %select_n3A_659 : vector<8x800xf32>
    %lt3A_666 = arith.cmpf olt, %slice3A_661, %select_n3A_656 : vector<8x800xf32>
    %select_n3A_667 = arith.select %lt3A_666, %slice3A_661, %select_n3A_656 : vector<8x800xi1>, vector<8x800xf32>
    %select_n3A_668 = arith.select %lt3A_665, %select_n3A_659, %select_n3A_667 : vector<8x800xi1>, vector<8x800xf32>
    %select_n3A_669 = arith.select %lt3A_666, %add3A_664, %select_n3A_658 : vector<8x800xi1>, vector<8x800xi32>
    %select_n3A_670 = arith.select %lt3A_665, %select_n3A_660, %select_n3A_669 : vector<8x800xi1>, vector<8x800xi32>
    %select_n3A_671 = arith.select %lt3A_665, %slice3A_661, %select_n3A_659 : vector<8x800xi1>, vector<8x800xf32>
    %select_n3A_672 = arith.select %lt3A_665, %add3A_664, %select_n3A_660 : vector<8x800xi1>, vector<8x800xi32>
    %slice3A_673 = vector.extract_strided_slice %dot_general3A_8 {offsets = [744, 0], sizes = [8, 800], strides = [1, 1]} : vector<1024x800xf32> to vector<8x800xf32>
    %add3A_674 = arith.constant 744 : i32
    %add3A_675 = vector.broadcast %add3A_674 : i32 to vector<8x800xi32>
    %add3A_676 = arith.addi %add3A_11, %add3A_675 : vector<8x800xi32>
    %lt3A_677 = arith.cmpf olt, %slice3A_673, %select_n3A_671 : vector<8x800xf32>
    %lt3A_678 = arith.cmpf olt, %slice3A_673, %select_n3A_668 : vector<8x800xf32>
    %select_n3A_679 = arith.select %lt3A_678, %slice3A_673, %select_n3A_668 : vector<8x800xi1>, vector<8x800xf32>
    %select_n3A_680 = arith.select %lt3A_677, %select_n3A_671, %select_n3A_679 : vector<8x800xi1>, vector<8x800xf32>
    %select_n3A_681 = arith.select %lt3A_678, %add3A_676, %select_n3A_670 : vector<8x800xi1>, vector<8x800xi32>
    %select_n3A_682 = arith.select %lt3A_677, %select_n3A_672, %select_n3A_681 : vector<8x800xi1>, vector<8x800xi32>
    %select_n3A_683 = arith.select %lt3A_677, %slice3A_673, %select_n3A_671 : vector<8x800xi1>, vector<8x800xf32>
    %select_n3A_684 = arith.select %lt3A_677, %add3A_676, %select_n3A_672 : vector<8x800xi1>, vector<8x800xi32>
    %slice3A_685 = vector.extract_strided_slice %dot_general3A_8 {offsets = [776, 0], sizes = [8, 800], strides = [1, 1]} : vector<1024x800xf32> to vector<8x800xf32>
    %add3A_686 = arith.constant 776 : i32
    %add3A_687 = vector.broadcast %add3A_686 : i32 to vector<8x800xi32>
    %add3A_688 = arith.addi %add3A_11, %add3A_687 : vector<8x800xi32>
    %lt3A_689 = arith.cmpf olt, %slice3A_685, %select_n3A_683 : vector<8x800xf32>
    %lt3A_690 = arith.cmpf olt, %slice3A_685, %select_n3A_680 : vector<8x800xf32>
    %select_n3A_691 = arith.select %lt3A_690, %slice3A_685, %select_n3A_680 : vector<8x800xi1>, vector<8x800xf32>
    %select_n3A_692 = arith.select %lt3A_689, %select_n3A_683, %select_n3A_691 : vector<8x800xi1>, vector<8x800xf32>
    %select_n3A_693 = arith.select %lt3A_690, %add3A_688, %select_n3A_682 : vector<8x800xi1>, vector<8x800xi32>
    %select_n3A_694 = arith.select %lt3A_689, %select_n3A_684, %select_n3A_693 : vector<8x800xi1>, vector<8x800xi32>
    %select_n3A_695 = arith.select %lt3A_689, %slice3A_685, %select_n3A_683 : vector<8x800xi1>, vector<8x800xf32>
    %select_n3A_696 = arith.select %lt3A_689, %add3A_688, %select_n3A_684 : vector<8x800xi1>, vector<8x800xi32>
    %slice3A_697 = vector.extract_strided_slice %dot_general3A_8 {offsets = [808, 0], sizes = [8, 800], strides = [1, 1]} : vector<1024x800xf32> to vector<8x800xf32>
    %add3A_698 = arith.constant 808 : i32
    %add3A_699 = vector.broadcast %add3A_698 : i32 to vector<8x800xi32>
    %add3A_700 = arith.addi %add3A_11, %add3A_699 : vector<8x800xi32>
    %lt3A_701 = arith.cmpf olt, %slice3A_697, %select_n3A_695 : vector<8x800xf32>
    %lt3A_702 = arith.cmpf olt, %slice3A_697, %select_n3A_692 : vector<8x800xf32>
    %select_n3A_703 = arith.select %lt3A_702, %slice3A_697, %select_n3A_692 : vector<8x800xi1>, vector<8x800xf32>
    %select_n3A_704 = arith.select %lt3A_701, %select_n3A_695, %select_n3A_703 : vector<8x800xi1>, vector<8x800xf32>
    %select_n3A_705 = arith.select %lt3A_702, %add3A_700, %select_n3A_694 : vector<8x800xi1>, vector<8x800xi32>
    %select_n3A_706 = arith.select %lt3A_701, %select_n3A_696, %select_n3A_705 : vector<8x800xi1>, vector<8x800xi32>
    %select_n3A_707 = arith.select %lt3A_701, %slice3A_697, %select_n3A_695 : vector<8x800xi1>, vector<8x800xf32>
    %select_n3A_708 = arith.select %lt3A_701, %add3A_700, %select_n3A_696 : vector<8x800xi1>, vector<8x800xi32>
    %slice3A_709 = vector.extract_strided_slice %dot_general3A_8 {offsets = [840, 0], sizes = [8, 800], strides = [1, 1]} : vector<1024x800xf32> to vector<8x800xf32>
    %add3A_710 = arith.constant 840 : i32
    %add3A_711 = vector.broadcast %add3A_710 : i32 to vector<8x800xi32>
    %add3A_712 = arith.addi %add3A_11, %add3A_711 : vector<8x800xi32>
    %lt3A_713 = arith.cmpf olt, %slice3A_709, %select_n3A_707 : vector<8x800xf32>
    %lt3A_714 = arith.cmpf olt, %slice3A_709, %select_n3A_704 : vector<8x800xf32>
    %select_n3A_715 = arith.select %lt3A_714, %slice3A_709, %select_n3A_704 : vector<8x800xi1>, vector<8x800xf32>
    %select_n3A_716 = arith.select %lt3A_713, %select_n3A_707, %select_n3A_715 : vector<8x800xi1>, vector<8x800xf32>
    %select_n3A_717 = arith.select %lt3A_714, %add3A_712, %select_n3A_706 : vector<8x800xi1>, vector<8x800xi32>
    %select_n3A_718 = arith.select %lt3A_713, %select_n3A_708, %select_n3A_717 : vector<8x800xi1>, vector<8x800xi32>
    %select_n3A_719 = arith.select %lt3A_713, %slice3A_709, %select_n3A_707 : vector<8x800xi1>, vector<8x800xf32>
    %select_n3A_720 = arith.select %lt3A_713, %add3A_712, %select_n3A_708 : vector<8x800xi1>, vector<8x800xi32>
    %slice3A_721 = vector.extract_strided_slice %dot_general3A_8 {offsets = [872, 0], sizes = [8, 800], strides = [1, 1]} : vector<1024x800xf32> to vector<8x800xf32>
    %add3A_722 = arith.constant 872 : i32
    %add3A_723 = vector.broadcast %add3A_722 : i32 to vector<8x800xi32>
    %add3A_724 = arith.addi %add3A_11, %add3A_723 : vector<8x800xi32>
    %lt3A_725 = arith.cmpf olt, %slice3A_721, %select_n3A_719 : vector<8x800xf32>
    %lt3A_726 = arith.cmpf olt, %slice3A_721, %select_n3A_716 : vector<8x800xf32>
    %select_n3A_727 = arith.select %lt3A_726, %slice3A_721, %select_n3A_716 : vector<8x800xi1>, vector<8x800xf32>
    %select_n3A_728 = arith.select %lt3A_725, %select_n3A_719, %select_n3A_727 : vector<8x800xi1>, vector<8x800xf32>
    %select_n3A_729 = arith.select %lt3A_726, %add3A_724, %select_n3A_718 : vector<8x800xi1>, vector<8x800xi32>
    %select_n3A_730 = arith.select %lt3A_725, %select_n3A_720, %select_n3A_729 : vector<8x800xi1>, vector<8x800xi32>
    %select_n3A_731 = arith.select %lt3A_725, %slice3A_721, %select_n3A_719 : vector<8x800xi1>, vector<8x800xf32>
    %select_n3A_732 = arith.select %lt3A_725, %add3A_724, %select_n3A_720 : vector<8x800xi1>, vector<8x800xi32>
    %slice3A_733 = vector.extract_strided_slice %dot_general3A_8 {offsets = [904, 0], sizes = [8, 800], strides = [1, 1]} : vector<1024x800xf32> to vector<8x800xf32>
    %add3A_734 = arith.constant 904 : i32
    %add3A_735 = vector.broadcast %add3A_734 : i32 to vector<8x800xi32>
    %add3A_736 = arith.addi %add3A_11, %add3A_735 : vector<8x800xi32>
    %lt3A_737 = arith.cmpf olt, %slice3A_733, %select_n3A_731 : vector<8x800xf32>
    %lt3A_738 = arith.cmpf olt, %slice3A_733, %select_n3A_728 : vector<8x800xf32>
    %select_n3A_739 = arith.select %lt3A_738, %slice3A_733, %select_n3A_728 : vector<8x800xi1>, vector<8x800xf32>
    %select_n3A_740 = arith.select %lt3A_737, %select_n3A_731, %select_n3A_739 : vector<8x800xi1>, vector<8x800xf32>
    %select_n3A_741 = arith.select %lt3A_738, %add3A_736, %select_n3A_730 : vector<8x800xi1>, vector<8x800xi32>
    %select_n3A_742 = arith.select %lt3A_737, %select_n3A_732, %select_n3A_741 : vector<8x800xi1>, vector<8x800xi32>
    %select_n3A_743 = arith.select %lt3A_737, %slice3A_733, %select_n3A_731 : vector<8x800xi1>, vector<8x800xf32>
    %select_n3A_744 = arith.select %lt3A_737, %add3A_736, %select_n3A_732 : vector<8x800xi1>, vector<8x800xi32>
    %slice3A_745 = vector.extract_strided_slice %dot_general3A_8 {offsets = [936, 0], sizes = [8, 800], strides = [1, 1]} : vector<1024x800xf32> to vector<8x800xf32>
    %add3A_746 = arith.constant 936 : i32
    %add3A_747 = vector.broadcast %add3A_746 : i32 to vector<8x800xi32>
    %add3A_748 = arith.addi %add3A_11, %add3A_747 : vector<8x800xi32>
    %lt3A_749 = arith.cmpf olt, %slice3A_745, %select_n3A_743 : vector<8x800xf32>
    %lt3A_750 = arith.cmpf olt, %slice3A_745, %select_n3A_740 : vector<8x800xf32>
    %select_n3A_751 = arith.select %lt3A_750, %slice3A_745, %select_n3A_740 : vector<8x800xi1>, vector<8x800xf32>
    %select_n3A_752 = arith.select %lt3A_749, %select_n3A_743, %select_n3A_751 : vector<8x800xi1>, vector<8x800xf32>
    %select_n3A_753 = arith.select %lt3A_750, %add3A_748, %select_n3A_742 : vector<8x800xi1>, vector<8x800xi32>
    %select_n3A_754 = arith.select %lt3A_749, %select_n3A_744, %select_n3A_753 : vector<8x800xi1>, vector<8x800xi32>
    %select_n3A_755 = arith.select %lt3A_749, %slice3A_745, %select_n3A_743 : vector<8x800xi1>, vector<8x800xf32>
    %select_n3A_756 = arith.select %lt3A_749, %add3A_748, %select_n3A_744 : vector<8x800xi1>, vector<8x800xi32>
    %slice3A_757 = vector.extract_strided_slice %dot_general3A_8 {offsets = [968, 0], sizes = [8, 800], strides = [1, 1]} : vector<1024x800xf32> to vector<8x800xf32>
    %add3A_758 = arith.constant 968 : i32
    %add3A_759 = vector.broadcast %add3A_758 : i32 to vector<8x800xi32>
    %add3A_760 = arith.addi %add3A_11, %add3A_759 : vector<8x800xi32>
    %lt3A_761 = arith.cmpf olt, %slice3A_757, %select_n3A_755 : vector<8x800xf32>
    %lt3A_762 = arith.cmpf olt, %slice3A_757, %select_n3A_752 : vector<8x800xf32>
    %select_n3A_763 = arith.select %lt3A_762, %slice3A_757, %select_n3A_752 : vector<8x800xi1>, vector<8x800xf32>
    %select_n3A_764 = arith.select %lt3A_761, %select_n3A_755, %select_n3A_763 : vector<8x800xi1>, vector<8x800xf32>
    %select_n3A_765 = arith.select %lt3A_762, %add3A_760, %select_n3A_754 : vector<8x800xi1>, vector<8x800xi32>
    %select_n3A_766 = arith.select %lt3A_761, %select_n3A_756, %select_n3A_765 : vector<8x800xi1>, vector<8x800xi32>
    %select_n3A_767 = arith.select %lt3A_761, %slice3A_757, %select_n3A_755 : vector<8x800xi1>, vector<8x800xf32>
    %select_n3A_768 = arith.select %lt3A_761, %add3A_760, %select_n3A_756 : vector<8x800xi1>, vector<8x800xi32>
    %slice3A_769 = vector.extract_strided_slice %dot_general3A_8 {offsets = [1000, 0], sizes = [8, 800], strides = [1, 1]} : vector<1024x800xf32> to vector<8x800xf32>
    %add3A_770 = arith.constant 1000 : i32
    %add3A_771 = vector.broadcast %add3A_770 : i32 to vector<8x800xi32>
    %add3A_772 = arith.addi %add3A_11, %add3A_771 : vector<8x800xi32>
    %lt3A_773 = arith.cmpf olt, %slice3A_769, %select_n3A_767 : vector<8x800xf32>
    %lt3A_774 = arith.cmpf olt, %slice3A_769, %select_n3A_764 : vector<8x800xf32>
    %select_n3A_775 = arith.select %lt3A_774, %slice3A_769, %select_n3A_764 : vector<8x800xi1>, vector<8x800xf32>
    %select_n3A_776 = arith.select %lt3A_773, %select_n3A_767, %select_n3A_775 : vector<8x800xi1>, vector<8x800xf32>
    %select_n3A_777 = arith.select %lt3A_774, %add3A_772, %select_n3A_766 : vector<8x800xi1>, vector<8x800xi32>
    %select_n3A_778 = arith.select %lt3A_773, %select_n3A_768, %select_n3A_777 : vector<8x800xi1>, vector<8x800xi32>
    %select_n3A_779 = arith.select %lt3A_773, %slice3A_769, %select_n3A_767 : vector<8x800xi1>, vector<8x800xf32>
    %select_n3A_780 = arith.select %lt3A_773, %add3A_772, %select_n3A_768 : vector<8x800xi1>, vector<8x800xi32>
    %slice3A_781 = vector.extract_strided_slice %dot_general3A_8 {offsets = [16, 0], sizes = [8, 800], strides = [1, 1]} : vector<1024x800xf32> to vector<8x800xf32>
    %add3A_782 = arith.constant 16 : i32
    %add3A_783 = vector.broadcast %add3A_782 : i32 to vector<8x800xi32>
    %add3A_784 = arith.addi %add3A_11, %add3A_783 : vector<8x800xi32>
    %lt3A_785 = arith.cmpf olt, %slice3A_781, %broadcast_in_dim3A_13 : vector<8x800xf32>
    %lt3A_786 = arith.cmpf olt, %slice3A_781, %broadcast_in_dim3A_13 : vector<8x800xf32>
    %select_n3A_787 = arith.select %lt3A_786, %slice3A_781, %broadcast_in_dim3A_13 : vector<8x800xi1>, vector<8x800xf32>
    %select_n3A_788 = arith.select %lt3A_785, %broadcast_in_dim3A_13, %select_n3A_787 : vector<8x800xi1>, vector<8x800xf32>
    %select_n3A_789 = arith.select %lt3A_786, %add3A_784, %broadcast_in_dim3A_15 : vector<8x800xi1>, vector<8x800xi32>
    %select_n3A_790 = arith.select %lt3A_785, %broadcast_in_dim3A_15, %select_n3A_789 : vector<8x800xi1>, vector<8x800xi32>
    %select_n3A_791 = arith.select %lt3A_785, %slice3A_781, %broadcast_in_dim3A_13 : vector<8x800xi1>, vector<8x800xf32>
    %select_n3A_792 = arith.select %lt3A_785, %add3A_784, %broadcast_in_dim3A_15 : vector<8x800xi1>, vector<8x800xi32>
    %slice3A_793 = vector.extract_strided_slice %dot_general3A_8 {offsets = [48, 0], sizes = [8, 800], strides = [1, 1]} : vector<1024x800xf32> to vector<8x800xf32>
    %add3A_794 = arith.constant 48 : i32
    %add3A_795 = vector.broadcast %add3A_794 : i32 to vector<8x800xi32>
    %add3A_796 = arith.addi %add3A_11, %add3A_795 : vector<8x800xi32>
    %lt3A_797 = arith.cmpf olt, %slice3A_793, %select_n3A_791 : vector<8x800xf32>
    %lt3A_798 = arith.cmpf olt, %slice3A_793, %select_n3A_788 : vector<8x800xf32>
    %select_n3A_799 = arith.select %lt3A_798, %slice3A_793, %select_n3A_788 : vector<8x800xi1>, vector<8x800xf32>
    %select_n3A_800 = arith.select %lt3A_797, %select_n3A_791, %select_n3A_799 : vector<8x800xi1>, vector<8x800xf32>
    %select_n3A_801 = arith.select %lt3A_798, %add3A_796, %select_n3A_790 : vector<8x800xi1>, vector<8x800xi32>
    %select_n3A_802 = arith.select %lt3A_797, %select_n3A_792, %select_n3A_801 : vector<8x800xi1>, vector<8x800xi32>
    %select_n3A_803 = arith.select %lt3A_797, %slice3A_793, %select_n3A_791 : vector<8x800xi1>, vector<8x800xf32>
    %select_n3A_804 = arith.select %lt3A_797, %add3A_796, %select_n3A_792 : vector<8x800xi1>, vector<8x800xi32>
    %slice3A_805 = vector.extract_strided_slice %dot_general3A_8 {offsets = [80, 0], sizes = [8, 800], strides = [1, 1]} : vector<1024x800xf32> to vector<8x800xf32>
    %add3A_806 = arith.constant 80 : i32
    %add3A_807 = vector.broadcast %add3A_806 : i32 to vector<8x800xi32>
    %add3A_808 = arith.addi %add3A_11, %add3A_807 : vector<8x800xi32>
    %lt3A_809 = arith.cmpf olt, %slice3A_805, %select_n3A_803 : vector<8x800xf32>
    %lt3A_810 = arith.cmpf olt, %slice3A_805, %select_n3A_800 : vector<8x800xf32>
    %select_n3A_811 = arith.select %lt3A_810, %slice3A_805, %select_n3A_800 : vector<8x800xi1>, vector<8x800xf32>
    %select_n3A_812 = arith.select %lt3A_809, %select_n3A_803, %select_n3A_811 : vector<8x800xi1>, vector<8x800xf32>
    %select_n3A_813 = arith.select %lt3A_810, %add3A_808, %select_n3A_802 : vector<8x800xi1>, vector<8x800xi32>
    %select_n3A_814 = arith.select %lt3A_809, %select_n3A_804, %select_n3A_813 : vector<8x800xi1>, vector<8x800xi32>
    %select_n3A_815 = arith.select %lt3A_809, %slice3A_805, %select_n3A_803 : vector<8x800xi1>, vector<8x800xf32>
    %select_n3A_816 = arith.select %lt3A_809, %add3A_808, %select_n3A_804 : vector<8x800xi1>, vector<8x800xi32>
    %slice3A_817 = vector.extract_strided_slice %dot_general3A_8 {offsets = [112, 0], sizes = [8, 800], strides = [1, 1]} : vector<1024x800xf32> to vector<8x800xf32>
    %add3A_818 = arith.constant 112 : i32
    %add3A_819 = vector.broadcast %add3A_818 : i32 to vector<8x800xi32>
    %add3A_820 = arith.addi %add3A_11, %add3A_819 : vector<8x800xi32>
    %lt3A_821 = arith.cmpf olt, %slice3A_817, %select_n3A_815 : vector<8x800xf32>
    %lt3A_822 = arith.cmpf olt, %slice3A_817, %select_n3A_812 : vector<8x800xf32>
    %select_n3A_823 = arith.select %lt3A_822, %slice3A_817, %select_n3A_812 : vector<8x800xi1>, vector<8x800xf32>
    %select_n3A_824 = arith.select %lt3A_821, %select_n3A_815, %select_n3A_823 : vector<8x800xi1>, vector<8x800xf32>
    %select_n3A_825 = arith.select %lt3A_822, %add3A_820, %select_n3A_814 : vector<8x800xi1>, vector<8x800xi32>
    %select_n3A_826 = arith.select %lt3A_821, %select_n3A_816, %select_n3A_825 : vector<8x800xi1>, vector<8x800xi32>
    %select_n3A_827 = arith.select %lt3A_821, %slice3A_817, %select_n3A_815 : vector<8x800xi1>, vector<8x800xf32>
    %select_n3A_828 = arith.select %lt3A_821, %add3A_820, %select_n3A_816 : vector<8x800xi1>, vector<8x800xi32>
    %slice3A_829 = vector.extract_strided_slice %dot_general3A_8 {offsets = [144, 0], sizes = [8, 800], strides = [1, 1]} : vector<1024x800xf32> to vector<8x800xf32>
    %add3A_830 = arith.constant 144 : i32
    %add3A_831 = vector.broadcast %add3A_830 : i32 to vector<8x800xi32>
    %add3A_832 = arith.addi %add3A_11, %add3A_831 : vector<8x800xi32>
    %lt3A_833 = arith.cmpf olt, %slice3A_829, %select_n3A_827 : vector<8x800xf32>
    %lt3A_834 = arith.cmpf olt, %slice3A_829, %select_n3A_824 : vector<8x800xf32>
    %select_n3A_835 = arith.select %lt3A_834, %slice3A_829, %select_n3A_824 : vector<8x800xi1>, vector<8x800xf32>
    %select_n3A_836 = arith.select %lt3A_833, %select_n3A_827, %select_n3A_835 : vector<8x800xi1>, vector<8x800xf32>
    %select_n3A_837 = arith.select %lt3A_834, %add3A_832, %select_n3A_826 : vector<8x800xi1>, vector<8x800xi32>
    %select_n3A_838 = arith.select %lt3A_833, %select_n3A_828, %select_n3A_837 : vector<8x800xi1>, vector<8x800xi32>
    %select_n3A_839 = arith.select %lt3A_833, %slice3A_829, %select_n3A_827 : vector<8x800xi1>, vector<8x800xf32>
    %select_n3A_840 = arith.select %lt3A_833, %add3A_832, %select_n3A_828 : vector<8x800xi1>, vector<8x800xi32>
    %slice3A_841 = vector.extract_strided_slice %dot_general3A_8 {offsets = [176, 0], sizes = [8, 800], strides = [1, 1]} : vector<1024x800xf32> to vector<8x800xf32>
    %add3A_842 = arith.constant 176 : i32
    %add3A_843 = vector.broadcast %add3A_842 : i32 to vector<8x800xi32>
    %add3A_844 = arith.addi %add3A_11, %add3A_843 : vector<8x800xi32>
    %lt3A_845 = arith.cmpf olt, %slice3A_841, %select_n3A_839 : vector<8x800xf32>
    %lt3A_846 = arith.cmpf olt, %slice3A_841, %select_n3A_836 : vector<8x800xf32>
    %select_n3A_847 = arith.select %lt3A_846, %slice3A_841, %select_n3A_836 : vector<8x800xi1>, vector<8x800xf32>
    %select_n3A_848 = arith.select %lt3A_845, %select_n3A_839, %select_n3A_847 : vector<8x800xi1>, vector<8x800xf32>
    %select_n3A_849 = arith.select %lt3A_846, %add3A_844, %select_n3A_838 : vector<8x800xi1>, vector<8x800xi32>
    %select_n3A_850 = arith.select %lt3A_845, %select_n3A_840, %select_n3A_849 : vector<8x800xi1>, vector<8x800xi32>
    %select_n3A_851 = arith.select %lt3A_845, %slice3A_841, %select_n3A_839 : vector<8x800xi1>, vector<8x800xf32>
    %select_n3A_852 = arith.select %lt3A_845, %add3A_844, %select_n3A_840 : vector<8x800xi1>, vector<8x800xi32>
    %slice3A_853 = vector.extract_strided_slice %dot_general3A_8 {offsets = [208, 0], sizes = [8, 800], strides = [1, 1]} : vector<1024x800xf32> to vector<8x800xf32>
    %add3A_854 = arith.constant 208 : i32
    %add3A_855 = vector.broadcast %add3A_854 : i32 to vector<8x800xi32>
    %add3A_856 = arith.addi %add3A_11, %add3A_855 : vector<8x800xi32>
    %lt3A_857 = arith.cmpf olt, %slice3A_853, %select_n3A_851 : vector<8x800xf32>
    %lt3A_858 = arith.cmpf olt, %slice3A_853, %select_n3A_848 : vector<8x800xf32>
    %select_n3A_859 = arith.select %lt3A_858, %slice3A_853, %select_n3A_848 : vector<8x800xi1>, vector<8x800xf32>
    %select_n3A_860 = arith.select %lt3A_857, %select_n3A_851, %select_n3A_859 : vector<8x800xi1>, vector<8x800xf32>
    %select_n3A_861 = arith.select %lt3A_858, %add3A_856, %select_n3A_850 : vector<8x800xi1>, vector<8x800xi32>
    %select_n3A_862 = arith.select %lt3A_857, %select_n3A_852, %select_n3A_861 : vector<8x800xi1>, vector<8x800xi32>
    %select_n3A_863 = arith.select %lt3A_857, %slice3A_853, %select_n3A_851 : vector<8x800xi1>, vector<8x800xf32>
    %select_n3A_864 = arith.select %lt3A_857, %add3A_856, %select_n3A_852 : vector<8x800xi1>, vector<8x800xi32>
    %slice3A_865 = vector.extract_strided_slice %dot_general3A_8 {offsets = [240, 0], sizes = [8, 800], strides = [1, 1]} : vector<1024x800xf32> to vector<8x800xf32>
    %add3A_866 = arith.constant 240 : i32
    %add3A_867 = vector.broadcast %add3A_866 : i32 to vector<8x800xi32>
    %add3A_868 = arith.addi %add3A_11, %add3A_867 : vector<8x800xi32>
    %lt3A_869 = arith.cmpf olt, %slice3A_865, %select_n3A_863 : vector<8x800xf32>
    %lt3A_870 = arith.cmpf olt, %slice3A_865, %select_n3A_860 : vector<8x800xf32>
    %select_n3A_871 = arith.select %lt3A_870, %slice3A_865, %select_n3A_860 : vector<8x800xi1>, vector<8x800xf32>
    %select_n3A_872 = arith.select %lt3A_869, %select_n3A_863, %select_n3A_871 : vector<8x800xi1>, vector<8x800xf32>
    %select_n3A_873 = arith.select %lt3A_870, %add3A_868, %select_n3A_862 : vector<8x800xi1>, vector<8x800xi32>
    %select_n3A_874 = arith.select %lt3A_869, %select_n3A_864, %select_n3A_873 : vector<8x800xi1>, vector<8x800xi32>
    %select_n3A_875 = arith.select %lt3A_869, %slice3A_865, %select_n3A_863 : vector<8x800xi1>, vector<8x800xf32>
    %select_n3A_876 = arith.select %lt3A_869, %add3A_868, %select_n3A_864 : vector<8x800xi1>, vector<8x800xi32>
    %slice3A_877 = vector.extract_strided_slice %dot_general3A_8 {offsets = [272, 0], sizes = [8, 800], strides = [1, 1]} : vector<1024x800xf32> to vector<8x800xf32>
    %add3A_878 = arith.constant 272 : i32
    %add3A_879 = vector.broadcast %add3A_878 : i32 to vector<8x800xi32>
    %add3A_880 = arith.addi %add3A_11, %add3A_879 : vector<8x800xi32>
    %lt3A_881 = arith.cmpf olt, %slice3A_877, %select_n3A_875 : vector<8x800xf32>
    %lt3A_882 = arith.cmpf olt, %slice3A_877, %select_n3A_872 : vector<8x800xf32>
    %select_n3A_883 = arith.select %lt3A_882, %slice3A_877, %select_n3A_872 : vector<8x800xi1>, vector<8x800xf32>
    %select_n3A_884 = arith.select %lt3A_881, %select_n3A_875, %select_n3A_883 : vector<8x800xi1>, vector<8x800xf32>
    %select_n3A_885 = arith.select %lt3A_882, %add3A_880, %select_n3A_874 : vector<8x800xi1>, vector<8x800xi32>
    %select_n3A_886 = arith.select %lt3A_881, %select_n3A_876, %select_n3A_885 : vector<8x800xi1>, vector<8x800xi32>
    %select_n3A_887 = arith.select %lt3A_881, %slice3A_877, %select_n3A_875 : vector<8x800xi1>, vector<8x800xf32>
    %select_n3A_888 = arith.select %lt3A_881, %add3A_880, %select_n3A_876 : vector<8x800xi1>, vector<8x800xi32>
    %slice3A_889 = vector.extract_strided_slice %dot_general3A_8 {offsets = [304, 0], sizes = [8, 800], strides = [1, 1]} : vector<1024x800xf32> to vector<8x800xf32>
    %add3A_890 = arith.constant 304 : i32
    %add3A_891 = vector.broadcast %add3A_890 : i32 to vector<8x800xi32>
    %add3A_892 = arith.addi %add3A_11, %add3A_891 : vector<8x800xi32>
    %lt3A_893 = arith.cmpf olt, %slice3A_889, %select_n3A_887 : vector<8x800xf32>
    %lt3A_894 = arith.cmpf olt, %slice3A_889, %select_n3A_884 : vector<8x800xf32>
    %select_n3A_895 = arith.select %lt3A_894, %slice3A_889, %select_n3A_884 : vector<8x800xi1>, vector<8x800xf32>
    %select_n3A_896 = arith.select %lt3A_893, %select_n3A_887, %select_n3A_895 : vector<8x800xi1>, vector<8x800xf32>
    %select_n3A_897 = arith.select %lt3A_894, %add3A_892, %select_n3A_886 : vector<8x800xi1>, vector<8x800xi32>
    %select_n3A_898 = arith.select %lt3A_893, %select_n3A_888, %select_n3A_897 : vector<8x800xi1>, vector<8x800xi32>
    %select_n3A_899 = arith.select %lt3A_893, %slice3A_889, %select_n3A_887 : vector<8x800xi1>, vector<8x800xf32>
    %select_n3A_900 = arith.select %lt3A_893, %add3A_892, %select_n3A_888 : vector<8x800xi1>, vector<8x800xi32>
    %slice3A_901 = vector.extract_strided_slice %dot_general3A_8 {offsets = [336, 0], sizes = [8, 800], strides = [1, 1]} : vector<1024x800xf32> to vector<8x800xf32>
    %add3A_902 = arith.constant 336 : i32
    %add3A_903 = vector.broadcast %add3A_902 : i32 to vector<8x800xi32>
    %add3A_904 = arith.addi %add3A_11, %add3A_903 : vector<8x800xi32>
    %lt3A_905 = arith.cmpf olt, %slice3A_901, %select_n3A_899 : vector<8x800xf32>
    %lt3A_906 = arith.cmpf olt, %slice3A_901, %select_n3A_896 : vector<8x800xf32>
    %select_n3A_907 = arith.select %lt3A_906, %slice3A_901, %select_n3A_896 : vector<8x800xi1>, vector<8x800xf32>
    %select_n3A_908 = arith.select %lt3A_905, %select_n3A_899, %select_n3A_907 : vector<8x800xi1>, vector<8x800xf32>
    %select_n3A_909 = arith.select %lt3A_906, %add3A_904, %select_n3A_898 : vector<8x800xi1>, vector<8x800xi32>
    %select_n3A_910 = arith.select %lt3A_905, %select_n3A_900, %select_n3A_909 : vector<8x800xi1>, vector<8x800xi32>
    %select_n3A_911 = arith.select %lt3A_905, %slice3A_901, %select_n3A_899 : vector<8x800xi1>, vector<8x800xf32>
    %select_n3A_912 = arith.select %lt3A_905, %add3A_904, %select_n3A_900 : vector<8x800xi1>, vector<8x800xi32>
    %slice3A_913 = vector.extract_strided_slice %dot_general3A_8 {offsets = [368, 0], sizes = [8, 800], strides = [1, 1]} : vector<1024x800xf32> to vector<8x800xf32>
    %add3A_914 = arith.constant 368 : i32
    %add3A_915 = vector.broadcast %add3A_914 : i32 to vector<8x800xi32>
    %add3A_916 = arith.addi %add3A_11, %add3A_915 : vector<8x800xi32>
    %lt3A_917 = arith.cmpf olt, %slice3A_913, %select_n3A_911 : vector<8x800xf32>
    %lt3A_918 = arith.cmpf olt, %slice3A_913, %select_n3A_908 : vector<8x800xf32>
    %select_n3A_919 = arith.select %lt3A_918, %slice3A_913, %select_n3A_908 : vector<8x800xi1>, vector<8x800xf32>
    %select_n3A_920 = arith.select %lt3A_917, %select_n3A_911, %select_n3A_919 : vector<8x800xi1>, vector<8x800xf32>
    %select_n3A_921 = arith.select %lt3A_918, %add3A_916, %select_n3A_910 : vector<8x800xi1>, vector<8x800xi32>
    %select_n3A_922 = arith.select %lt3A_917, %select_n3A_912, %select_n3A_921 : vector<8x800xi1>, vector<8x800xi32>
    %select_n3A_923 = arith.select %lt3A_917, %slice3A_913, %select_n3A_911 : vector<8x800xi1>, vector<8x800xf32>
    %select_n3A_924 = arith.select %lt3A_917, %add3A_916, %select_n3A_912 : vector<8x800xi1>, vector<8x800xi32>
    %slice3A_925 = vector.extract_strided_slice %dot_general3A_8 {offsets = [400, 0], sizes = [8, 800], strides = [1, 1]} : vector<1024x800xf32> to vector<8x800xf32>
    %add3A_926 = arith.constant 400 : i32
    %add3A_927 = vector.broadcast %add3A_926 : i32 to vector<8x800xi32>
    %add3A_928 = arith.addi %add3A_11, %add3A_927 : vector<8x800xi32>
    %lt3A_929 = arith.cmpf olt, %slice3A_925, %select_n3A_923 : vector<8x800xf32>
    %lt3A_930 = arith.cmpf olt, %slice3A_925, %select_n3A_920 : vector<8x800xf32>
    %select_n3A_931 = arith.select %lt3A_930, %slice3A_925, %select_n3A_920 : vector<8x800xi1>, vector<8x800xf32>
    %select_n3A_932 = arith.select %lt3A_929, %select_n3A_923, %select_n3A_931 : vector<8x800xi1>, vector<8x800xf32>
    %select_n3A_933 = arith.select %lt3A_930, %add3A_928, %select_n3A_922 : vector<8x800xi1>, vector<8x800xi32>
    %select_n3A_934 = arith.select %lt3A_929, %select_n3A_924, %select_n3A_933 : vector<8x800xi1>, vector<8x800xi32>
    %select_n3A_935 = arith.select %lt3A_929, %slice3A_925, %select_n3A_923 : vector<8x800xi1>, vector<8x800xf32>
    %select_n3A_936 = arith.select %lt3A_929, %add3A_928, %select_n3A_924 : vector<8x800xi1>, vector<8x800xi32>
    %slice3A_937 = vector.extract_strided_slice %dot_general3A_8 {offsets = [432, 0], sizes = [8, 800], strides = [1, 1]} : vector<1024x800xf32> to vector<8x800xf32>
    %add3A_938 = arith.constant 432 : i32
    %add3A_939 = vector.broadcast %add3A_938 : i32 to vector<8x800xi32>
    %add3A_940 = arith.addi %add3A_11, %add3A_939 : vector<8x800xi32>
    %lt3A_941 = arith.cmpf olt, %slice3A_937, %select_n3A_935 : vector<8x800xf32>
    %lt3A_942 = arith.cmpf olt, %slice3A_937, %select_n3A_932 : vector<8x800xf32>
    %select_n3A_943 = arith.select %lt3A_942, %slice3A_937, %select_n3A_932 : vector<8x800xi1>, vector<8x800xf32>
    %select_n3A_944 = arith.select %lt3A_941, %select_n3A_935, %select_n3A_943 : vector<8x800xi1>, vector<8x800xf32>
    %select_n3A_945 = arith.select %lt3A_942, %add3A_940, %select_n3A_934 : vector<8x800xi1>, vector<8x800xi32>
    %select_n3A_946 = arith.select %lt3A_941, %select_n3A_936, %select_n3A_945 : vector<8x800xi1>, vector<8x800xi32>
    %select_n3A_947 = arith.select %lt3A_941, %slice3A_937, %select_n3A_935 : vector<8x800xi1>, vector<8x800xf32>
    %select_n3A_948 = arith.select %lt3A_941, %add3A_940, %select_n3A_936 : vector<8x800xi1>, vector<8x800xi32>
    %slice3A_949 = vector.extract_strided_slice %dot_general3A_8 {offsets = [464, 0], sizes = [8, 800], strides = [1, 1]} : vector<1024x800xf32> to vector<8x800xf32>
    %add3A_950 = arith.constant 464 : i32
    %add3A_951 = vector.broadcast %add3A_950 : i32 to vector<8x800xi32>
    %add3A_952 = arith.addi %add3A_11, %add3A_951 : vector<8x800xi32>
    %lt3A_953 = arith.cmpf olt, %slice3A_949, %select_n3A_947 : vector<8x800xf32>
    %lt3A_954 = arith.cmpf olt, %slice3A_949, %select_n3A_944 : vector<8x800xf32>
    %select_n3A_955 = arith.select %lt3A_954, %slice3A_949, %select_n3A_944 : vector<8x800xi1>, vector<8x800xf32>
    %select_n3A_956 = arith.select %lt3A_953, %select_n3A_947, %select_n3A_955 : vector<8x800xi1>, vector<8x800xf32>
    %select_n3A_957 = arith.select %lt3A_954, %add3A_952, %select_n3A_946 : vector<8x800xi1>, vector<8x800xi32>
    %select_n3A_958 = arith.select %lt3A_953, %select_n3A_948, %select_n3A_957 : vector<8x800xi1>, vector<8x800xi32>
    %select_n3A_959 = arith.select %lt3A_953, %slice3A_949, %select_n3A_947 : vector<8x800xi1>, vector<8x800xf32>
    %select_n3A_960 = arith.select %lt3A_953, %add3A_952, %select_n3A_948 : vector<8x800xi1>, vector<8x800xi32>
    %slice3A_961 = vector.extract_strided_slice %dot_general3A_8 {offsets = [496, 0], sizes = [8, 800], strides = [1, 1]} : vector<1024x800xf32> to vector<8x800xf32>
    %add3A_962 = arith.constant 496 : i32
    %add3A_963 = vector.broadcast %add3A_962 : i32 to vector<8x800xi32>
    %add3A_964 = arith.addi %add3A_11, %add3A_963 : vector<8x800xi32>
    %lt3A_965 = arith.cmpf olt, %slice3A_961, %select_n3A_959 : vector<8x800xf32>
    %lt3A_966 = arith.cmpf olt, %slice3A_961, %select_n3A_956 : vector<8x800xf32>
    %select_n3A_967 = arith.select %lt3A_966, %slice3A_961, %select_n3A_956 : vector<8x800xi1>, vector<8x800xf32>
    %select_n3A_968 = arith.select %lt3A_965, %select_n3A_959, %select_n3A_967 : vector<8x800xi1>, vector<8x800xf32>
    %select_n3A_969 = arith.select %lt3A_966, %add3A_964, %select_n3A_958 : vector<8x800xi1>, vector<8x800xi32>
    %select_n3A_970 = arith.select %lt3A_965, %select_n3A_960, %select_n3A_969 : vector<8x800xi1>, vector<8x800xi32>
    %select_n3A_971 = arith.select %lt3A_965, %slice3A_961, %select_n3A_959 : vector<8x800xi1>, vector<8x800xf32>
    %select_n3A_972 = arith.select %lt3A_965, %add3A_964, %select_n3A_960 : vector<8x800xi1>, vector<8x800xi32>
    %slice3A_973 = vector.extract_strided_slice %dot_general3A_8 {offsets = [528, 0], sizes = [8, 800], strides = [1, 1]} : vector<1024x800xf32> to vector<8x800xf32>
    %add3A_974 = arith.constant 528 : i32
    %add3A_975 = vector.broadcast %add3A_974 : i32 to vector<8x800xi32>
    %add3A_976 = arith.addi %add3A_11, %add3A_975 : vector<8x800xi32>
    %lt3A_977 = arith.cmpf olt, %slice3A_973, %select_n3A_971 : vector<8x800xf32>
    %lt3A_978 = arith.cmpf olt, %slice3A_973, %select_n3A_968 : vector<8x800xf32>
    %select_n3A_979 = arith.select %lt3A_978, %slice3A_973, %select_n3A_968 : vector<8x800xi1>, vector<8x800xf32>
    %select_n3A_980 = arith.select %lt3A_977, %select_n3A_971, %select_n3A_979 : vector<8x800xi1>, vector<8x800xf32>
    %select_n3A_981 = arith.select %lt3A_978, %add3A_976, %select_n3A_970 : vector<8x800xi1>, vector<8x800xi32>
    %select_n3A_982 = arith.select %lt3A_977, %select_n3A_972, %select_n3A_981 : vector<8x800xi1>, vector<8x800xi32>
    %select_n3A_983 = arith.select %lt3A_977, %slice3A_973, %select_n3A_971 : vector<8x800xi1>, vector<8x800xf32>
    %select_n3A_984 = arith.select %lt3A_977, %add3A_976, %select_n3A_972 : vector<8x800xi1>, vector<8x800xi32>
    %slice3A_985 = vector.extract_strided_slice %dot_general3A_8 {offsets = [560, 0], sizes = [8, 800], strides = [1, 1]} : vector<1024x800xf32> to vector<8x800xf32>
    %add3A_986 = arith.constant 560 : i32
    %add3A_987 = vector.broadcast %add3A_986 : i32 to vector<8x800xi32>
    %add3A_988 = arith.addi %add3A_11, %add3A_987 : vector<8x800xi32>
    %lt3A_989 = arith.cmpf olt, %slice3A_985, %select_n3A_983 : vector<8x800xf32>
    %lt3A_990 = arith.cmpf olt, %slice3A_985, %select_n3A_980 : vector<8x800xf32>
    %select_n3A_991 = arith.select %lt3A_990, %slice3A_985, %select_n3A_980 : vector<8x800xi1>, vector<8x800xf32>
    %select_n3A_992 = arith.select %lt3A_989, %select_n3A_983, %select_n3A_991 : vector<8x800xi1>, vector<8x800xf32>
    %select_n3A_993 = arith.select %lt3A_990, %add3A_988, %select_n3A_982 : vector<8x800xi1>, vector<8x800xi32>
    %select_n3A_994 = arith.select %lt3A_989, %select_n3A_984, %select_n3A_993 : vector<8x800xi1>, vector<8x800xi32>
    %select_n3A_995 = arith.select %lt3A_989, %slice3A_985, %select_n3A_983 : vector<8x800xi1>, vector<8x800xf32>
    %select_n3A_996 = arith.select %lt3A_989, %add3A_988, %select_n3A_984 : vector<8x800xi1>, vector<8x800xi32>
    %slice3A_997 = vector.extract_strided_slice %dot_general3A_8 {offsets = [592, 0], sizes = [8, 800], strides = [1, 1]} : vector<1024x800xf32> to vector<8x800xf32>
    %add3A_998 = arith.constant 592 : i32
    %add3A_999 = vector.broadcast %add3A_998 : i32 to vector<8x800xi32>
    %add3A_1000 = arith.addi %add3A_11, %add3A_999 : vector<8x800xi32>
    %lt3A_1001 = arith.cmpf olt, %slice3A_997, %select_n3A_995 : vector<8x800xf32>
    %lt3A_1002 = arith.cmpf olt, %slice3A_997, %select_n3A_992 : vector<8x800xf32>
    %select_n3A_1003 = arith.select %lt3A_1002, %slice3A_997, %select_n3A_992 : vector<8x800xi1>, vector<8x800xf32>
    %select_n3A_1004 = arith.select %lt3A_1001, %select_n3A_995, %select_n3A_1003 : vector<8x800xi1>, vector<8x800xf32>
    %select_n3A_1005 = arith.select %lt3A_1002, %add3A_1000, %select_n3A_994 : vector<8x800xi1>, vector<8x800xi32>
    %select_n3A_1006 = arith.select %lt3A_1001, %select_n3A_996, %select_n3A_1005 : vector<8x800xi1>, vector<8x800xi32>
    %select_n3A_1007 = arith.select %lt3A_1001, %slice3A_997, %select_n3A_995 : vector<8x800xi1>, vector<8x800xf32>
    %select_n3A_1008 = arith.select %lt3A_1001, %add3A_1000, %select_n3A_996 : vector<8x800xi1>, vector<8x800xi32>
    %slice3A_1009 = vector.extract_strided_slice %dot_general3A_8 {offsets = [624, 0], sizes = [8, 800], strides = [1, 1]} : vector<1024x800xf32> to vector<8x800xf32>
    %add3A_1010 = arith.constant 624 : i32
    %add3A_1011 = vector.broadcast %add3A_1010 : i32 to vector<8x800xi32>
    %add3A_1012 = arith.addi %add3A_11, %add3A_1011 : vector<8x800xi32>
    %lt3A_1013 = arith.cmpf olt, %slice3A_1009, %select_n3A_1007 : vector<8x800xf32>
    %lt3A_1014 = arith.cmpf olt, %slice3A_1009, %select_n3A_1004 : vector<8x800xf32>
    %select_n3A_1015 = arith.select %lt3A_1014, %slice3A_1009, %select_n3A_1004 : vector<8x800xi1>, vector<8x800xf32>
    %select_n3A_1016 = arith.select %lt3A_1013, %select_n3A_1007, %select_n3A_1015 : vector<8x800xi1>, vector<8x800xf32>
    %select_n3A_1017 = arith.select %lt3A_1014, %add3A_1012, %select_n3A_1006 : vector<8x800xi1>, vector<8x800xi32>
    %select_n3A_1018 = arith.select %lt3A_1013, %select_n3A_1008, %select_n3A_1017 : vector<8x800xi1>, vector<8x800xi32>
    %select_n3A_1019 = arith.select %lt3A_1013, %slice3A_1009, %select_n3A_1007 : vector<8x800xi1>, vector<8x800xf32>
    %select_n3A_1020 = arith.select %lt3A_1013, %add3A_1012, %select_n3A_1008 : vector<8x800xi1>, vector<8x800xi32>
    %slice3A_1021 = vector.extract_strided_slice %dot_general3A_8 {offsets = [656, 0], sizes = [8, 800], strides = [1, 1]} : vector<1024x800xf32> to vector<8x800xf32>
    %add3A_1022 = arith.constant 656 : i32
    %add3A_1023 = vector.broadcast %add3A_1022 : i32 to vector<8x800xi32>
    %add3A_1024 = arith.addi %add3A_11, %add3A_1023 : vector<8x800xi32>
    %lt3A_1025 = arith.cmpf olt, %slice3A_1021, %select_n3A_1019 : vector<8x800xf32>
    %lt3A_1026 = arith.cmpf olt, %slice3A_1021, %select_n3A_1016 : vector<8x800xf32>
    %select_n3A_1027 = arith.select %lt3A_1026, %slice3A_1021, %select_n3A_1016 : vector<8x800xi1>, vector<8x800xf32>
    %select_n3A_1028 = arith.select %lt3A_1025, %select_n3A_1019, %select_n3A_1027 : vector<8x800xi1>, vector<8x800xf32>
    %select_n3A_1029 = arith.select %lt3A_1026, %add3A_1024, %select_n3A_1018 : vector<8x800xi1>, vector<8x800xi32>
    %select_n3A_1030 = arith.select %lt3A_1025, %select_n3A_1020, %select_n3A_1029 : vector<8x800xi1>, vector<8x800xi32>
    %select_n3A_1031 = arith.select %lt3A_1025, %slice3A_1021, %select_n3A_1019 : vector<8x800xi1>, vector<8x800xf32>
    %select_n3A_1032 = arith.select %lt3A_1025, %add3A_1024, %select_n3A_1020 : vector<8x800xi1>, vector<8x800xi32>
    %slice3A_1033 = vector.extract_strided_slice %dot_general3A_8 {offsets = [688, 0], sizes = [8, 800], strides = [1, 1]} : vector<1024x800xf32> to vector<8x800xf32>
    %add3A_1034 = arith.constant 688 : i32
    %add3A_1035 = vector.broadcast %add3A_1034 : i32 to vector<8x800xi32>
    %add3A_1036 = arith.addi %add3A_11, %add3A_1035 : vector<8x800xi32>
    %lt3A_1037 = arith.cmpf olt, %slice3A_1033, %select_n3A_1031 : vector<8x800xf32>
    %lt3A_1038 = arith.cmpf olt, %slice3A_1033, %select_n3A_1028 : vector<8x800xf32>
    %select_n3A_1039 = arith.select %lt3A_1038, %slice3A_1033, %select_n3A_1028 : vector<8x800xi1>, vector<8x800xf32>
    %select_n3A_1040 = arith.select %lt3A_1037, %select_n3A_1031, %select_n3A_1039 : vector<8x800xi1>, vector<8x800xf32>
    %select_n3A_1041 = arith.select %lt3A_1038, %add3A_1036, %select_n3A_1030 : vector<8x800xi1>, vector<8x800xi32>
    %select_n3A_1042 = arith.select %lt3A_1037, %select_n3A_1032, %select_n3A_1041 : vector<8x800xi1>, vector<8x800xi32>
    %select_n3A_1043 = arith.select %lt3A_1037, %slice3A_1033, %select_n3A_1031 : vector<8x800xi1>, vector<8x800xf32>
    %select_n3A_1044 = arith.select %lt3A_1037, %add3A_1036, %select_n3A_1032 : vector<8x800xi1>, vector<8x800xi32>
    %slice3A_1045 = vector.extract_strided_slice %dot_general3A_8 {offsets = [720, 0], sizes = [8, 800], strides = [1, 1]} : vector<1024x800xf32> to vector<8x800xf32>
    %add3A_1046 = arith.constant 720 : i32
    %add3A_1047 = vector.broadcast %add3A_1046 : i32 to vector<8x800xi32>
    %add3A_1048 = arith.addi %add3A_11, %add3A_1047 : vector<8x800xi32>
    %lt3A_1049 = arith.cmpf olt, %slice3A_1045, %select_n3A_1043 : vector<8x800xf32>
    %lt3A_1050 = arith.cmpf olt, %slice3A_1045, %select_n3A_1040 : vector<8x800xf32>
    %select_n3A_1051 = arith.select %lt3A_1050, %slice3A_1045, %select_n3A_1040 : vector<8x800xi1>, vector<8x800xf32>
    %select_n3A_1052 = arith.select %lt3A_1049, %select_n3A_1043, %select_n3A_1051 : vector<8x800xi1>, vector<8x800xf32>
    %select_n3A_1053 = arith.select %lt3A_1050, %add3A_1048, %select_n3A_1042 : vector<8x800xi1>, vector<8x800xi32>
    %select_n3A_1054 = arith.select %lt3A_1049, %select_n3A_1044, %select_n3A_1053 : vector<8x800xi1>, vector<8x800xi32>
    %select_n3A_1055 = arith.select %lt3A_1049, %slice3A_1045, %select_n3A_1043 : vector<8x800xi1>, vector<8x800xf32>
    %select_n3A_1056 = arith.select %lt3A_1049, %add3A_1048, %select_n3A_1044 : vector<8x800xi1>, vector<8x800xi32>
    %slice3A_1057 = vector.extract_strided_slice %dot_general3A_8 {offsets = [752, 0], sizes = [8, 800], strides = [1, 1]} : vector<1024x800xf32> to vector<8x800xf32>
    %add3A_1058 = arith.constant 752 : i32
    %add3A_1059 = vector.broadcast %add3A_1058 : i32 to vector<8x800xi32>
    %add3A_1060 = arith.addi %add3A_11, %add3A_1059 : vector<8x800xi32>
    %lt3A_1061 = arith.cmpf olt, %slice3A_1057, %select_n3A_1055 : vector<8x800xf32>
    %lt3A_1062 = arith.cmpf olt, %slice3A_1057, %select_n3A_1052 : vector<8x800xf32>
    %select_n3A_1063 = arith.select %lt3A_1062, %slice3A_1057, %select_n3A_1052 : vector<8x800xi1>, vector<8x800xf32>
    %select_n3A_1064 = arith.select %lt3A_1061, %select_n3A_1055, %select_n3A_1063 : vector<8x800xi1>, vector<8x800xf32>
    %select_n3A_1065 = arith.select %lt3A_1062, %add3A_1060, %select_n3A_1054 : vector<8x800xi1>, vector<8x800xi32>
    %select_n3A_1066 = arith.select %lt3A_1061, %select_n3A_1056, %select_n3A_1065 : vector<8x800xi1>, vector<8x800xi32>
    %select_n3A_1067 = arith.select %lt3A_1061, %slice3A_1057, %select_n3A_1055 : vector<8x800xi1>, vector<8x800xf32>
    %select_n3A_1068 = arith.select %lt3A_1061, %add3A_1060, %select_n3A_1056 : vector<8x800xi1>, vector<8x800xi32>
    %slice3A_1069 = vector.extract_strided_slice %dot_general3A_8 {offsets = [784, 0], sizes = [8, 800], strides = [1, 1]} : vector<1024x800xf32> to vector<8x800xf32>
    %add3A_1070 = arith.constant 784 : i32
    %add3A_1071 = vector.broadcast %add3A_1070 : i32 to vector<8x800xi32>
    %add3A_1072 = arith.addi %add3A_11, %add3A_1071 : vector<8x800xi32>
    %lt3A_1073 = arith.cmpf olt, %slice3A_1069, %select_n3A_1067 : vector<8x800xf32>
    %lt3A_1074 = arith.cmpf olt, %slice3A_1069, %select_n3A_1064 : vector<8x800xf32>
    %select_n3A_1075 = arith.select %lt3A_1074, %slice3A_1069, %select_n3A_1064 : vector<8x800xi1>, vector<8x800xf32>
    %select_n3A_1076 = arith.select %lt3A_1073, %select_n3A_1067, %select_n3A_1075 : vector<8x800xi1>, vector<8x800xf32>
    %select_n3A_1077 = arith.select %lt3A_1074, %add3A_1072, %select_n3A_1066 : vector<8x800xi1>, vector<8x800xi32>
    %select_n3A_1078 = arith.select %lt3A_1073, %select_n3A_1068, %select_n3A_1077 : vector<8x800xi1>, vector<8x800xi32>
    %select_n3A_1079 = arith.select %lt3A_1073, %slice3A_1069, %select_n3A_1067 : vector<8x800xi1>, vector<8x800xf32>
    %select_n3A_1080 = arith.select %lt3A_1073, %add3A_1072, %select_n3A_1068 : vector<8x800xi1>, vector<8x800xi32>
    %slice3A_1081 = vector.extract_strided_slice %dot_general3A_8 {offsets = [816, 0], sizes = [8, 800], strides = [1, 1]} : vector<1024x800xf32> to vector<8x800xf32>
    %add3A_1082 = arith.constant 816 : i32
    %add3A_1083 = vector.broadcast %add3A_1082 : i32 to vector<8x800xi32>
    %add3A_1084 = arith.addi %add3A_11, %add3A_1083 : vector<8x800xi32>
    %lt3A_1085 = arith.cmpf olt, %slice3A_1081, %select_n3A_1079 : vector<8x800xf32>
    %lt3A_1086 = arith.cmpf olt, %slice3A_1081, %select_n3A_1076 : vector<8x800xf32>
    %select_n3A_1087 = arith.select %lt3A_1086, %slice3A_1081, %select_n3A_1076 : vector<8x800xi1>, vector<8x800xf32>
    %select_n3A_1088 = arith.select %lt3A_1085, %select_n3A_1079, %select_n3A_1087 : vector<8x800xi1>, vector<8x800xf32>
    %select_n3A_1089 = arith.select %lt3A_1086, %add3A_1084, %select_n3A_1078 : vector<8x800xi1>, vector<8x800xi32>
    %select_n3A_1090 = arith.select %lt3A_1085, %select_n3A_1080, %select_n3A_1089 : vector<8x800xi1>, vector<8x800xi32>
    %select_n3A_1091 = arith.select %lt3A_1085, %slice3A_1081, %select_n3A_1079 : vector<8x800xi1>, vector<8x800xf32>
    %select_n3A_1092 = arith.select %lt3A_1085, %add3A_1084, %select_n3A_1080 : vector<8x800xi1>, vector<8x800xi32>
    %slice3A_1093 = vector.extract_strided_slice %dot_general3A_8 {offsets = [848, 0], sizes = [8, 800], strides = [1, 1]} : vector<1024x800xf32> to vector<8x800xf32>
    %add3A_1094 = arith.constant 848 : i32
    %add3A_1095 = vector.broadcast %add3A_1094 : i32 to vector<8x800xi32>
    %add3A_1096 = arith.addi %add3A_11, %add3A_1095 : vector<8x800xi32>
    %lt3A_1097 = arith.cmpf olt, %slice3A_1093, %select_n3A_1091 : vector<8x800xf32>
    %lt3A_1098 = arith.cmpf olt, %slice3A_1093, %select_n3A_1088 : vector<8x800xf32>
    %select_n3A_1099 = arith.select %lt3A_1098, %slice3A_1093, %select_n3A_1088 : vector<8x800xi1>, vector<8x800xf32>
    %select_n3A_1100 = arith.select %lt3A_1097, %select_n3A_1091, %select_n3A_1099 : vector<8x800xi1>, vector<8x800xf32>
    %select_n3A_1101 = arith.select %lt3A_1098, %add3A_1096, %select_n3A_1090 : vector<8x800xi1>, vector<8x800xi32>
    %select_n3A_1102 = arith.select %lt3A_1097, %select_n3A_1092, %select_n3A_1101 : vector<8x800xi1>, vector<8x800xi32>
    %select_n3A_1103 = arith.select %lt3A_1097, %slice3A_1093, %select_n3A_1091 : vector<8x800xi1>, vector<8x800xf32>
    %select_n3A_1104 = arith.select %lt3A_1097, %add3A_1096, %select_n3A_1092 : vector<8x800xi1>, vector<8x800xi32>
    %slice3A_1105 = vector.extract_strided_slice %dot_general3A_8 {offsets = [880, 0], sizes = [8, 800], strides = [1, 1]} : vector<1024x800xf32> to vector<8x800xf32>
    %add3A_1106 = arith.constant 880 : i32
    %add3A_1107 = vector.broadcast %add3A_1106 : i32 to vector<8x800xi32>
    %add3A_1108 = arith.addi %add3A_11, %add3A_1107 : vector<8x800xi32>
    %lt3A_1109 = arith.cmpf olt, %slice3A_1105, %select_n3A_1103 : vector<8x800xf32>
    %lt3A_1110 = arith.cmpf olt, %slice3A_1105, %select_n3A_1100 : vector<8x800xf32>
    %select_n3A_1111 = arith.select %lt3A_1110, %slice3A_1105, %select_n3A_1100 : vector<8x800xi1>, vector<8x800xf32>
    %select_n3A_1112 = arith.select %lt3A_1109, %select_n3A_1103, %select_n3A_1111 : vector<8x800xi1>, vector<8x800xf32>
    %select_n3A_1113 = arith.select %lt3A_1110, %add3A_1108, %select_n3A_1102 : vector<8x800xi1>, vector<8x800xi32>
    %select_n3A_1114 = arith.select %lt3A_1109, %select_n3A_1104, %select_n3A_1113 : vector<8x800xi1>, vector<8x800xi32>
    %select_n3A_1115 = arith.select %lt3A_1109, %slice3A_1105, %select_n3A_1103 : vector<8x800xi1>, vector<8x800xf32>
    %select_n3A_1116 = arith.select %lt3A_1109, %add3A_1108, %select_n3A_1104 : vector<8x800xi1>, vector<8x800xi32>
    %slice3A_1117 = vector.extract_strided_slice %dot_general3A_8 {offsets = [912, 0], sizes = [8, 800], strides = [1, 1]} : vector<1024x800xf32> to vector<8x800xf32>
    %add3A_1118 = arith.constant 912 : i32
    %add3A_1119 = vector.broadcast %add3A_1118 : i32 to vector<8x800xi32>
    %add3A_1120 = arith.addi %add3A_11, %add3A_1119 : vector<8x800xi32>
    %lt3A_1121 = arith.cmpf olt, %slice3A_1117, %select_n3A_1115 : vector<8x800xf32>
    %lt3A_1122 = arith.cmpf olt, %slice3A_1117, %select_n3A_1112 : vector<8x800xf32>
    %select_n3A_1123 = arith.select %lt3A_1122, %slice3A_1117, %select_n3A_1112 : vector<8x800xi1>, vector<8x800xf32>
    %select_n3A_1124 = arith.select %lt3A_1121, %select_n3A_1115, %select_n3A_1123 : vector<8x800xi1>, vector<8x800xf32>
    %select_n3A_1125 = arith.select %lt3A_1122, %add3A_1120, %select_n3A_1114 : vector<8x800xi1>, vector<8x800xi32>
    %select_n3A_1126 = arith.select %lt3A_1121, %select_n3A_1116, %select_n3A_1125 : vector<8x800xi1>, vector<8x800xi32>
    %select_n3A_1127 = arith.select %lt3A_1121, %slice3A_1117, %select_n3A_1115 : vector<8x800xi1>, vector<8x800xf32>
    %select_n3A_1128 = arith.select %lt3A_1121, %add3A_1120, %select_n3A_1116 : vector<8x800xi1>, vector<8x800xi32>
    %slice3A_1129 = vector.extract_strided_slice %dot_general3A_8 {offsets = [944, 0], sizes = [8, 800], strides = [1, 1]} : vector<1024x800xf32> to vector<8x800xf32>
    %add3A_1130 = arith.constant 944 : i32
    %add3A_1131 = vector.broadcast %add3A_1130 : i32 to vector<8x800xi32>
    %add3A_1132 = arith.addi %add3A_11, %add3A_1131 : vector<8x800xi32>
    %lt3A_1133 = arith.cmpf olt, %slice3A_1129, %select_n3A_1127 : vector<8x800xf32>
    %lt3A_1134 = arith.cmpf olt, %slice3A_1129, %select_n3A_1124 : vector<8x800xf32>
    %select_n3A_1135 = arith.select %lt3A_1134, %slice3A_1129, %select_n3A_1124 : vector<8x800xi1>, vector<8x800xf32>
    %select_n3A_1136 = arith.select %lt3A_1133, %select_n3A_1127, %select_n3A_1135 : vector<8x800xi1>, vector<8x800xf32>
    %select_n3A_1137 = arith.select %lt3A_1134, %add3A_1132, %select_n3A_1126 : vector<8x800xi1>, vector<8x800xi32>
    %select_n3A_1138 = arith.select %lt3A_1133, %select_n3A_1128, %select_n3A_1137 : vector<8x800xi1>, vector<8x800xi32>
    %select_n3A_1139 = arith.select %lt3A_1133, %slice3A_1129, %select_n3A_1127 : vector<8x800xi1>, vector<8x800xf32>
    %select_n3A_1140 = arith.select %lt3A_1133, %add3A_1132, %select_n3A_1128 : vector<8x800xi1>, vector<8x800xi32>
    %slice3A_1141 = vector.extract_strided_slice %dot_general3A_8 {offsets = [976, 0], sizes = [8, 800], strides = [1, 1]} : vector<1024x800xf32> to vector<8x800xf32>
    %add3A_1142 = arith.constant 976 : i32
    %add3A_1143 = vector.broadcast %add3A_1142 : i32 to vector<8x800xi32>
    %add3A_1144 = arith.addi %add3A_11, %add3A_1143 : vector<8x800xi32>
    %lt3A_1145 = arith.cmpf olt, %slice3A_1141, %select_n3A_1139 : vector<8x800xf32>
    %lt3A_1146 = arith.cmpf olt, %slice3A_1141, %select_n3A_1136 : vector<8x800xf32>
    %select_n3A_1147 = arith.select %lt3A_1146, %slice3A_1141, %select_n3A_1136 : vector<8x800xi1>, vector<8x800xf32>
    %select_n3A_1148 = arith.select %lt3A_1145, %select_n3A_1139, %select_n3A_1147 : vector<8x800xi1>, vector<8x800xf32>
    %select_n3A_1149 = arith.select %lt3A_1146, %add3A_1144, %select_n3A_1138 : vector<8x800xi1>, vector<8x800xi32>
    %select_n3A_1150 = arith.select %lt3A_1145, %select_n3A_1140, %select_n3A_1149 : vector<8x800xi1>, vector<8x800xi32>
    %select_n3A_1151 = arith.select %lt3A_1145, %slice3A_1141, %select_n3A_1139 : vector<8x800xi1>, vector<8x800xf32>
    %select_n3A_1152 = arith.select %lt3A_1145, %add3A_1144, %select_n3A_1140 : vector<8x800xi1>, vector<8x800xi32>
    %slice3A_1153 = vector.extract_strided_slice %dot_general3A_8 {offsets = [1008, 0], sizes = [8, 800], strides = [1, 1]} : vector<1024x800xf32> to vector<8x800xf32>
    %add3A_1154 = arith.constant 1008 : i32
    %add3A_1155 = vector.broadcast %add3A_1154 : i32 to vector<8x800xi32>
    %add3A_1156 = arith.addi %add3A_11, %add3A_1155 : vector<8x800xi32>
    %lt3A_1157 = arith.cmpf olt, %slice3A_1153, %select_n3A_1151 : vector<8x800xf32>
    %lt3A_1158 = arith.cmpf olt, %slice3A_1153, %select_n3A_1148 : vector<8x800xf32>
    %select_n3A_1159 = arith.select %lt3A_1158, %slice3A_1153, %select_n3A_1148 : vector<8x800xi1>, vector<8x800xf32>
    %select_n3A_1160 = arith.select %lt3A_1157, %select_n3A_1151, %select_n3A_1159 : vector<8x800xi1>, vector<8x800xf32>
    %select_n3A_1161 = arith.select %lt3A_1158, %add3A_1156, %select_n3A_1150 : vector<8x800xi1>, vector<8x800xi32>
    %select_n3A_1162 = arith.select %lt3A_1157, %select_n3A_1152, %select_n3A_1161 : vector<8x800xi1>, vector<8x800xi32>
    %select_n3A_1163 = arith.select %lt3A_1157, %slice3A_1153, %select_n3A_1151 : vector<8x800xi1>, vector<8x800xf32>
    %select_n3A_1164 = arith.select %lt3A_1157, %add3A_1156, %select_n3A_1152 : vector<8x800xi1>, vector<8x800xi32>
    %slice3A_1165 = vector.extract_strided_slice %dot_general3A_8 {offsets = [24, 0], sizes = [8, 800], strides = [1, 1]} : vector<1024x800xf32> to vector<8x800xf32>
    %add3A_1166 = arith.constant 24 : i32
    %add3A_1167 = vector.broadcast %add3A_1166 : i32 to vector<8x800xi32>
    %add3A_1168 = arith.addi %add3A_11, %add3A_1167 : vector<8x800xi32>
    %lt3A_1169 = arith.cmpf olt, %slice3A_1165, %broadcast_in_dim3A_13 : vector<8x800xf32>
    %lt3A_1170 = arith.cmpf olt, %slice3A_1165, %broadcast_in_dim3A_13 : vector<8x800xf32>
    %select_n3A_1171 = arith.select %lt3A_1170, %slice3A_1165, %broadcast_in_dim3A_13 : vector<8x800xi1>, vector<8x800xf32>
    %select_n3A_1172 = arith.select %lt3A_1169, %broadcast_in_dim3A_13, %select_n3A_1171 : vector<8x800xi1>, vector<8x800xf32>
    %select_n3A_1173 = arith.select %lt3A_1170, %add3A_1168, %broadcast_in_dim3A_15 : vector<8x800xi1>, vector<8x800xi32>
    %select_n3A_1174 = arith.select %lt3A_1169, %broadcast_in_dim3A_15, %select_n3A_1173 : vector<8x800xi1>, vector<8x800xi32>
    %select_n3A_1175 = arith.select %lt3A_1169, %slice3A_1165, %broadcast_in_dim3A_13 : vector<8x800xi1>, vector<8x800xf32>
    %select_n3A_1176 = arith.select %lt3A_1169, %add3A_1168, %broadcast_in_dim3A_15 : vector<8x800xi1>, vector<8x800xi32>
    %slice3A_1177 = vector.extract_strided_slice %dot_general3A_8 {offsets = [56, 0], sizes = [8, 800], strides = [1, 1]} : vector<1024x800xf32> to vector<8x800xf32>
    %add3A_1178 = arith.constant 56 : i32
    %add3A_1179 = vector.broadcast %add3A_1178 : i32 to vector<8x800xi32>
    %add3A_1180 = arith.addi %add3A_11, %add3A_1179 : vector<8x800xi32>
    %lt3A_1181 = arith.cmpf olt, %slice3A_1177, %select_n3A_1175 : vector<8x800xf32>
    %lt3A_1182 = arith.cmpf olt, %slice3A_1177, %select_n3A_1172 : vector<8x800xf32>
    %select_n3A_1183 = arith.select %lt3A_1182, %slice3A_1177, %select_n3A_1172 : vector<8x800xi1>, vector<8x800xf32>
    %select_n3A_1184 = arith.select %lt3A_1181, %select_n3A_1175, %select_n3A_1183 : vector<8x800xi1>, vector<8x800xf32>
    %select_n3A_1185 = arith.select %lt3A_1182, %add3A_1180, %select_n3A_1174 : vector<8x800xi1>, vector<8x800xi32>
    %select_n3A_1186 = arith.select %lt3A_1181, %select_n3A_1176, %select_n3A_1185 : vector<8x800xi1>, vector<8x800xi32>
    %select_n3A_1187 = arith.select %lt3A_1181, %slice3A_1177, %select_n3A_1175 : vector<8x800xi1>, vector<8x800xf32>
    %select_n3A_1188 = arith.select %lt3A_1181, %add3A_1180, %select_n3A_1176 : vector<8x800xi1>, vector<8x800xi32>
    %slice3A_1189 = vector.extract_strided_slice %dot_general3A_8 {offsets = [88, 0], sizes = [8, 800], strides = [1, 1]} : vector<1024x800xf32> to vector<8x800xf32>
    %add3A_1190 = arith.constant 88 : i32
    %add3A_1191 = vector.broadcast %add3A_1190 : i32 to vector<8x800xi32>
    %add3A_1192 = arith.addi %add3A_11, %add3A_1191 : vector<8x800xi32>
    %lt3A_1193 = arith.cmpf olt, %slice3A_1189, %select_n3A_1187 : vector<8x800xf32>
    %lt3A_1194 = arith.cmpf olt, %slice3A_1189, %select_n3A_1184 : vector<8x800xf32>
    %select_n3A_1195 = arith.select %lt3A_1194, %slice3A_1189, %select_n3A_1184 : vector<8x800xi1>, vector<8x800xf32>
    %select_n3A_1196 = arith.select %lt3A_1193, %select_n3A_1187, %select_n3A_1195 : vector<8x800xi1>, vector<8x800xf32>
    %select_n3A_1197 = arith.select %lt3A_1194, %add3A_1192, %select_n3A_1186 : vector<8x800xi1>, vector<8x800xi32>
    %select_n3A_1198 = arith.select %lt3A_1193, %select_n3A_1188, %select_n3A_1197 : vector<8x800xi1>, vector<8x800xi32>
    %select_n3A_1199 = arith.select %lt3A_1193, %slice3A_1189, %select_n3A_1187 : vector<8x800xi1>, vector<8x800xf32>
    %select_n3A_1200 = arith.select %lt3A_1193, %add3A_1192, %select_n3A_1188 : vector<8x800xi1>, vector<8x800xi32>
    %slice3A_1201 = vector.extract_strided_slice %dot_general3A_8 {offsets = [120, 0], sizes = [8, 800], strides = [1, 1]} : vector<1024x800xf32> to vector<8x800xf32>
    %add3A_1202 = arith.constant 120 : i32
    %add3A_1203 = vector.broadcast %add3A_1202 : i32 to vector<8x800xi32>
    %add3A_1204 = arith.addi %add3A_11, %add3A_1203 : vector<8x800xi32>
    %lt3A_1205 = arith.cmpf olt, %slice3A_1201, %select_n3A_1199 : vector<8x800xf32>
    %lt3A_1206 = arith.cmpf olt, %slice3A_1201, %select_n3A_1196 : vector<8x800xf32>
    %select_n3A_1207 = arith.select %lt3A_1206, %slice3A_1201, %select_n3A_1196 : vector<8x800xi1>, vector<8x800xf32>
    %select_n3A_1208 = arith.select %lt3A_1205, %select_n3A_1199, %select_n3A_1207 : vector<8x800xi1>, vector<8x800xf32>
    %select_n3A_1209 = arith.select %lt3A_1206, %add3A_1204, %select_n3A_1198 : vector<8x800xi1>, vector<8x800xi32>
    %select_n3A_1210 = arith.select %lt3A_1205, %select_n3A_1200, %select_n3A_1209 : vector<8x800xi1>, vector<8x800xi32>
    %select_n3A_1211 = arith.select %lt3A_1205, %slice3A_1201, %select_n3A_1199 : vector<8x800xi1>, vector<8x800xf32>
    %select_n3A_1212 = arith.select %lt3A_1205, %add3A_1204, %select_n3A_1200 : vector<8x800xi1>, vector<8x800xi32>
    %slice3A_1213 = vector.extract_strided_slice %dot_general3A_8 {offsets = [152, 0], sizes = [8, 800], strides = [1, 1]} : vector<1024x800xf32> to vector<8x800xf32>
    %add3A_1214 = arith.constant 152 : i32
    %add3A_1215 = vector.broadcast %add3A_1214 : i32 to vector<8x800xi32>
    %add3A_1216 = arith.addi %add3A_11, %add3A_1215 : vector<8x800xi32>
    %lt3A_1217 = arith.cmpf olt, %slice3A_1213, %select_n3A_1211 : vector<8x800xf32>
    %lt3A_1218 = arith.cmpf olt, %slice3A_1213, %select_n3A_1208 : vector<8x800xf32>
    %select_n3A_1219 = arith.select %lt3A_1218, %slice3A_1213, %select_n3A_1208 : vector<8x800xi1>, vector<8x800xf32>
    %select_n3A_1220 = arith.select %lt3A_1217, %select_n3A_1211, %select_n3A_1219 : vector<8x800xi1>, vector<8x800xf32>
    %select_n3A_1221 = arith.select %lt3A_1218, %add3A_1216, %select_n3A_1210 : vector<8x800xi1>, vector<8x800xi32>
    %select_n3A_1222 = arith.select %lt3A_1217, %select_n3A_1212, %select_n3A_1221 : vector<8x800xi1>, vector<8x800xi32>
    %select_n3A_1223 = arith.select %lt3A_1217, %slice3A_1213, %select_n3A_1211 : vector<8x800xi1>, vector<8x800xf32>
    %select_n3A_1224 = arith.select %lt3A_1217, %add3A_1216, %select_n3A_1212 : vector<8x800xi1>, vector<8x800xi32>
    %slice3A_1225 = vector.extract_strided_slice %dot_general3A_8 {offsets = [184, 0], sizes = [8, 800], strides = [1, 1]} : vector<1024x800xf32> to vector<8x800xf32>
    %add3A_1226 = arith.constant 184 : i32
    %add3A_1227 = vector.broadcast %add3A_1226 : i32 to vector<8x800xi32>
    %add3A_1228 = arith.addi %add3A_11, %add3A_1227 : vector<8x800xi32>
    %lt3A_1229 = arith.cmpf olt, %slice3A_1225, %select_n3A_1223 : vector<8x800xf32>
    %lt3A_1230 = arith.cmpf olt, %slice3A_1225, %select_n3A_1220 : vector<8x800xf32>
    %select_n3A_1231 = arith.select %lt3A_1230, %slice3A_1225, %select_n3A_1220 : vector<8x800xi1>, vector<8x800xf32>
    %select_n3A_1232 = arith.select %lt3A_1229, %select_n3A_1223, %select_n3A_1231 : vector<8x800xi1>, vector<8x800xf32>
    %select_n3A_1233 = arith.select %lt3A_1230, %add3A_1228, %select_n3A_1222 : vector<8x800xi1>, vector<8x800xi32>
    %select_n3A_1234 = arith.select %lt3A_1229, %select_n3A_1224, %select_n3A_1233 : vector<8x800xi1>, vector<8x800xi32>
    %select_n3A_1235 = arith.select %lt3A_1229, %slice3A_1225, %select_n3A_1223 : vector<8x800xi1>, vector<8x800xf32>
    %select_n3A_1236 = arith.select %lt3A_1229, %add3A_1228, %select_n3A_1224 : vector<8x800xi1>, vector<8x800xi32>
    %slice3A_1237 = vector.extract_strided_slice %dot_general3A_8 {offsets = [216, 0], sizes = [8, 800], strides = [1, 1]} : vector<1024x800xf32> to vector<8x800xf32>
    %add3A_1238 = arith.constant 216 : i32
    %add3A_1239 = vector.broadcast %add3A_1238 : i32 to vector<8x800xi32>
    %add3A_1240 = arith.addi %add3A_11, %add3A_1239 : vector<8x800xi32>
    %lt3A_1241 = arith.cmpf olt, %slice3A_1237, %select_n3A_1235 : vector<8x800xf32>
    %lt3A_1242 = arith.cmpf olt, %slice3A_1237, %select_n3A_1232 : vector<8x800xf32>
    %select_n3A_1243 = arith.select %lt3A_1242, %slice3A_1237, %select_n3A_1232 : vector<8x800xi1>, vector<8x800xf32>
    %select_n3A_1244 = arith.select %lt3A_1241, %select_n3A_1235, %select_n3A_1243 : vector<8x800xi1>, vector<8x800xf32>
    %select_n3A_1245 = arith.select %lt3A_1242, %add3A_1240, %select_n3A_1234 : vector<8x800xi1>, vector<8x800xi32>
    %select_n3A_1246 = arith.select %lt3A_1241, %select_n3A_1236, %select_n3A_1245 : vector<8x800xi1>, vector<8x800xi32>
    %select_n3A_1247 = arith.select %lt3A_1241, %slice3A_1237, %select_n3A_1235 : vector<8x800xi1>, vector<8x800xf32>
    %select_n3A_1248 = arith.select %lt3A_1241, %add3A_1240, %select_n3A_1236 : vector<8x800xi1>, vector<8x800xi32>
    %slice3A_1249 = vector.extract_strided_slice %dot_general3A_8 {offsets = [248, 0], sizes = [8, 800], strides = [1, 1]} : vector<1024x800xf32> to vector<8x800xf32>
    %add3A_1250 = arith.constant 248 : i32
    %add3A_1251 = vector.broadcast %add3A_1250 : i32 to vector<8x800xi32>
    %add3A_1252 = arith.addi %add3A_11, %add3A_1251 : vector<8x800xi32>
    %lt3A_1253 = arith.cmpf olt, %slice3A_1249, %select_n3A_1247 : vector<8x800xf32>
    %lt3A_1254 = arith.cmpf olt, %slice3A_1249, %select_n3A_1244 : vector<8x800xf32>
    %select_n3A_1255 = arith.select %lt3A_1254, %slice3A_1249, %select_n3A_1244 : vector<8x800xi1>, vector<8x800xf32>
    %select_n3A_1256 = arith.select %lt3A_1253, %select_n3A_1247, %select_n3A_1255 : vector<8x800xi1>, vector<8x800xf32>
    %select_n3A_1257 = arith.select %lt3A_1254, %add3A_1252, %select_n3A_1246 : vector<8x800xi1>, vector<8x800xi32>
    %select_n3A_1258 = arith.select %lt3A_1253, %select_n3A_1248, %select_n3A_1257 : vector<8x800xi1>, vector<8x800xi32>
    %select_n3A_1259 = arith.select %lt3A_1253, %slice3A_1249, %select_n3A_1247 : vector<8x800xi1>, vector<8x800xf32>
    %select_n3A_1260 = arith.select %lt3A_1253, %add3A_1252, %select_n3A_1248 : vector<8x800xi1>, vector<8x800xi32>
    %slice3A_1261 = vector.extract_strided_slice %dot_general3A_8 {offsets = [280, 0], sizes = [8, 800], strides = [1, 1]} : vector<1024x800xf32> to vector<8x800xf32>
    %add3A_1262 = arith.constant 280 : i32
    %add3A_1263 = vector.broadcast %add3A_1262 : i32 to vector<8x800xi32>
    %add3A_1264 = arith.addi %add3A_11, %add3A_1263 : vector<8x800xi32>
    %lt3A_1265 = arith.cmpf olt, %slice3A_1261, %select_n3A_1259 : vector<8x800xf32>
    %lt3A_1266 = arith.cmpf olt, %slice3A_1261, %select_n3A_1256 : vector<8x800xf32>
    %select_n3A_1267 = arith.select %lt3A_1266, %slice3A_1261, %select_n3A_1256 : vector<8x800xi1>, vector<8x800xf32>
    %select_n3A_1268 = arith.select %lt3A_1265, %select_n3A_1259, %select_n3A_1267 : vector<8x800xi1>, vector<8x800xf32>
    %select_n3A_1269 = arith.select %lt3A_1266, %add3A_1264, %select_n3A_1258 : vector<8x800xi1>, vector<8x800xi32>
    %select_n3A_1270 = arith.select %lt3A_1265, %select_n3A_1260, %select_n3A_1269 : vector<8x800xi1>, vector<8x800xi32>
    %select_n3A_1271 = arith.select %lt3A_1265, %slice3A_1261, %select_n3A_1259 : vector<8x800xi1>, vector<8x800xf32>
    %select_n3A_1272 = arith.select %lt3A_1265, %add3A_1264, %select_n3A_1260 : vector<8x800xi1>, vector<8x800xi32>
    %slice3A_1273 = vector.extract_strided_slice %dot_general3A_8 {offsets = [312, 0], sizes = [8, 800], strides = [1, 1]} : vector<1024x800xf32> to vector<8x800xf32>
    %add3A_1274 = arith.constant 312 : i32
    %add3A_1275 = vector.broadcast %add3A_1274 : i32 to vector<8x800xi32>
    %add3A_1276 = arith.addi %add3A_11, %add3A_1275 : vector<8x800xi32>
    %lt3A_1277 = arith.cmpf olt, %slice3A_1273, %select_n3A_1271 : vector<8x800xf32>
    %lt3A_1278 = arith.cmpf olt, %slice3A_1273, %select_n3A_1268 : vector<8x800xf32>
    %select_n3A_1279 = arith.select %lt3A_1278, %slice3A_1273, %select_n3A_1268 : vector<8x800xi1>, vector<8x800xf32>
    %select_n3A_1280 = arith.select %lt3A_1277, %select_n3A_1271, %select_n3A_1279 : vector<8x800xi1>, vector<8x800xf32>
    %select_n3A_1281 = arith.select %lt3A_1278, %add3A_1276, %select_n3A_1270 : vector<8x800xi1>, vector<8x800xi32>
    %select_n3A_1282 = arith.select %lt3A_1277, %select_n3A_1272, %select_n3A_1281 : vector<8x800xi1>, vector<8x800xi32>
    %select_n3A_1283 = arith.select %lt3A_1277, %slice3A_1273, %select_n3A_1271 : vector<8x800xi1>, vector<8x800xf32>
    %select_n3A_1284 = arith.select %lt3A_1277, %add3A_1276, %select_n3A_1272 : vector<8x800xi1>, vector<8x800xi32>
    %slice3A_1285 = vector.extract_strided_slice %dot_general3A_8 {offsets = [344, 0], sizes = [8, 800], strides = [1, 1]} : vector<1024x800xf32> to vector<8x800xf32>
    %add3A_1286 = arith.constant 344 : i32
    %add3A_1287 = vector.broadcast %add3A_1286 : i32 to vector<8x800xi32>
    %add3A_1288 = arith.addi %add3A_11, %add3A_1287 : vector<8x800xi32>
    %lt3A_1289 = arith.cmpf olt, %slice3A_1285, %select_n3A_1283 : vector<8x800xf32>
    %lt3A_1290 = arith.cmpf olt, %slice3A_1285, %select_n3A_1280 : vector<8x800xf32>
    %select_n3A_1291 = arith.select %lt3A_1290, %slice3A_1285, %select_n3A_1280 : vector<8x800xi1>, vector<8x800xf32>
    %select_n3A_1292 = arith.select %lt3A_1289, %select_n3A_1283, %select_n3A_1291 : vector<8x800xi1>, vector<8x800xf32>
    %select_n3A_1293 = arith.select %lt3A_1290, %add3A_1288, %select_n3A_1282 : vector<8x800xi1>, vector<8x800xi32>
    %select_n3A_1294 = arith.select %lt3A_1289, %select_n3A_1284, %select_n3A_1293 : vector<8x800xi1>, vector<8x800xi32>
    %select_n3A_1295 = arith.select %lt3A_1289, %slice3A_1285, %select_n3A_1283 : vector<8x800xi1>, vector<8x800xf32>
    %select_n3A_1296 = arith.select %lt3A_1289, %add3A_1288, %select_n3A_1284 : vector<8x800xi1>, vector<8x800xi32>
    %slice3A_1297 = vector.extract_strided_slice %dot_general3A_8 {offsets = [376, 0], sizes = [8, 800], strides = [1, 1]} : vector<1024x800xf32> to vector<8x800xf32>
    %add3A_1298 = arith.constant 376 : i32
    %add3A_1299 = vector.broadcast %add3A_1298 : i32 to vector<8x800xi32>
    %add3A_1300 = arith.addi %add3A_11, %add3A_1299 : vector<8x800xi32>
    %lt3A_1301 = arith.cmpf olt, %slice3A_1297, %select_n3A_1295 : vector<8x800xf32>
    %lt3A_1302 = arith.cmpf olt, %slice3A_1297, %select_n3A_1292 : vector<8x800xf32>
    %select_n3A_1303 = arith.select %lt3A_1302, %slice3A_1297, %select_n3A_1292 : vector<8x800xi1>, vector<8x800xf32>
    %select_n3A_1304 = arith.select %lt3A_1301, %select_n3A_1295, %select_n3A_1303 : vector<8x800xi1>, vector<8x800xf32>
    %select_n3A_1305 = arith.select %lt3A_1302, %add3A_1300, %select_n3A_1294 : vector<8x800xi1>, vector<8x800xi32>
    %select_n3A_1306 = arith.select %lt3A_1301, %select_n3A_1296, %select_n3A_1305 : vector<8x800xi1>, vector<8x800xi32>
    %select_n3A_1307 = arith.select %lt3A_1301, %slice3A_1297, %select_n3A_1295 : vector<8x800xi1>, vector<8x800xf32>
    %select_n3A_1308 = arith.select %lt3A_1301, %add3A_1300, %select_n3A_1296 : vector<8x800xi1>, vector<8x800xi32>
    %slice3A_1309 = vector.extract_strided_slice %dot_general3A_8 {offsets = [408, 0], sizes = [8, 800], strides = [1, 1]} : vector<1024x800xf32> to vector<8x800xf32>
    %add3A_1310 = arith.constant 408 : i32
    %add3A_1311 = vector.broadcast %add3A_1310 : i32 to vector<8x800xi32>
    %add3A_1312 = arith.addi %add3A_11, %add3A_1311 : vector<8x800xi32>
    %lt3A_1313 = arith.cmpf olt, %slice3A_1309, %select_n3A_1307 : vector<8x800xf32>
    %lt3A_1314 = arith.cmpf olt, %slice3A_1309, %select_n3A_1304 : vector<8x800xf32>
    %select_n3A_1315 = arith.select %lt3A_1314, %slice3A_1309, %select_n3A_1304 : vector<8x800xi1>, vector<8x800xf32>
    %select_n3A_1316 = arith.select %lt3A_1313, %select_n3A_1307, %select_n3A_1315 : vector<8x800xi1>, vector<8x800xf32>
    %select_n3A_1317 = arith.select %lt3A_1314, %add3A_1312, %select_n3A_1306 : vector<8x800xi1>, vector<8x800xi32>
    %select_n3A_1318 = arith.select %lt3A_1313, %select_n3A_1308, %select_n3A_1317 : vector<8x800xi1>, vector<8x800xi32>
    %select_n3A_1319 = arith.select %lt3A_1313, %slice3A_1309, %select_n3A_1307 : vector<8x800xi1>, vector<8x800xf32>
    %select_n3A_1320 = arith.select %lt3A_1313, %add3A_1312, %select_n3A_1308 : vector<8x800xi1>, vector<8x800xi32>
    %slice3A_1321 = vector.extract_strided_slice %dot_general3A_8 {offsets = [440, 0], sizes = [8, 800], strides = [1, 1]} : vector<1024x800xf32> to vector<8x800xf32>
    %add3A_1322 = arith.constant 440 : i32
    %add3A_1323 = vector.broadcast %add3A_1322 : i32 to vector<8x800xi32>
    %add3A_1324 = arith.addi %add3A_11, %add3A_1323 : vector<8x800xi32>
    %lt3A_1325 = arith.cmpf olt, %slice3A_1321, %select_n3A_1319 : vector<8x800xf32>
    %lt3A_1326 = arith.cmpf olt, %slice3A_1321, %select_n3A_1316 : vector<8x800xf32>
    %select_n3A_1327 = arith.select %lt3A_1326, %slice3A_1321, %select_n3A_1316 : vector<8x800xi1>, vector<8x800xf32>
    %select_n3A_1328 = arith.select %lt3A_1325, %select_n3A_1319, %select_n3A_1327 : vector<8x800xi1>, vector<8x800xf32>
    %select_n3A_1329 = arith.select %lt3A_1326, %add3A_1324, %select_n3A_1318 : vector<8x800xi1>, vector<8x800xi32>
    %select_n3A_1330 = arith.select %lt3A_1325, %select_n3A_1320, %select_n3A_1329 : vector<8x800xi1>, vector<8x800xi32>
    %select_n3A_1331 = arith.select %lt3A_1325, %slice3A_1321, %select_n3A_1319 : vector<8x800xi1>, vector<8x800xf32>
    %select_n3A_1332 = arith.select %lt3A_1325, %add3A_1324, %select_n3A_1320 : vector<8x800xi1>, vector<8x800xi32>
    %slice3A_1333 = vector.extract_strided_slice %dot_general3A_8 {offsets = [472, 0], sizes = [8, 800], strides = [1, 1]} : vector<1024x800xf32> to vector<8x800xf32>
    %add3A_1334 = arith.constant 472 : i32
    %add3A_1335 = vector.broadcast %add3A_1334 : i32 to vector<8x800xi32>
    %add3A_1336 = arith.addi %add3A_11, %add3A_1335 : vector<8x800xi32>
    %lt3A_1337 = arith.cmpf olt, %slice3A_1333, %select_n3A_1331 : vector<8x800xf32>
    %lt3A_1338 = arith.cmpf olt, %slice3A_1333, %select_n3A_1328 : vector<8x800xf32>
    %select_n3A_1339 = arith.select %lt3A_1338, %slice3A_1333, %select_n3A_1328 : vector<8x800xi1>, vector<8x800xf32>
    %select_n3A_1340 = arith.select %lt3A_1337, %select_n3A_1331, %select_n3A_1339 : vector<8x800xi1>, vector<8x800xf32>
    %select_n3A_1341 = arith.select %lt3A_1338, %add3A_1336, %select_n3A_1330 : vector<8x800xi1>, vector<8x800xi32>
    %select_n3A_1342 = arith.select %lt3A_1337, %select_n3A_1332, %select_n3A_1341 : vector<8x800xi1>, vector<8x800xi32>
    %select_n3A_1343 = arith.select %lt3A_1337, %slice3A_1333, %select_n3A_1331 : vector<8x800xi1>, vector<8x800xf32>
    %select_n3A_1344 = arith.select %lt3A_1337, %add3A_1336, %select_n3A_1332 : vector<8x800xi1>, vector<8x800xi32>
    %slice3A_1345 = vector.extract_strided_slice %dot_general3A_8 {offsets = [504, 0], sizes = [8, 800], strides = [1, 1]} : vector<1024x800xf32> to vector<8x800xf32>
    %add3A_1346 = arith.constant 504 : i32
    %add3A_1347 = vector.broadcast %add3A_1346 : i32 to vector<8x800xi32>
    %add3A_1348 = arith.addi %add3A_11, %add3A_1347 : vector<8x800xi32>
    %lt3A_1349 = arith.cmpf olt, %slice3A_1345, %select_n3A_1343 : vector<8x800xf32>
    %lt3A_1350 = arith.cmpf olt, %slice3A_1345, %select_n3A_1340 : vector<8x800xf32>
    %select_n3A_1351 = arith.select %lt3A_1350, %slice3A_1345, %select_n3A_1340 : vector<8x800xi1>, vector<8x800xf32>
    %select_n3A_1352 = arith.select %lt3A_1349, %select_n3A_1343, %select_n3A_1351 : vector<8x800xi1>, vector<8x800xf32>
    %select_n3A_1353 = arith.select %lt3A_1350, %add3A_1348, %select_n3A_1342 : vector<8x800xi1>, vector<8x800xi32>
    %select_n3A_1354 = arith.select %lt3A_1349, %select_n3A_1344, %select_n3A_1353 : vector<8x800xi1>, vector<8x800xi32>
    %select_n3A_1355 = arith.select %lt3A_1349, %slice3A_1345, %select_n3A_1343 : vector<8x800xi1>, vector<8x800xf32>
    %select_n3A_1356 = arith.select %lt3A_1349, %add3A_1348, %select_n3A_1344 : vector<8x800xi1>, vector<8x800xi32>
    %slice3A_1357 = vector.extract_strided_slice %dot_general3A_8 {offsets = [536, 0], sizes = [8, 800], strides = [1, 1]} : vector<1024x800xf32> to vector<8x800xf32>
    %add3A_1358 = arith.constant 536 : i32
    %add3A_1359 = vector.broadcast %add3A_1358 : i32 to vector<8x800xi32>
    %add3A_1360 = arith.addi %add3A_11, %add3A_1359 : vector<8x800xi32>
    %lt3A_1361 = arith.cmpf olt, %slice3A_1357, %select_n3A_1355 : vector<8x800xf32>
    %lt3A_1362 = arith.cmpf olt, %slice3A_1357, %select_n3A_1352 : vector<8x800xf32>
    %select_n3A_1363 = arith.select %lt3A_1362, %slice3A_1357, %select_n3A_1352 : vector<8x800xi1>, vector<8x800xf32>
    %select_n3A_1364 = arith.select %lt3A_1361, %select_n3A_1355, %select_n3A_1363 : vector<8x800xi1>, vector<8x800xf32>
    %select_n3A_1365 = arith.select %lt3A_1362, %add3A_1360, %select_n3A_1354 : vector<8x800xi1>, vector<8x800xi32>
    %select_n3A_1366 = arith.select %lt3A_1361, %select_n3A_1356, %select_n3A_1365 : vector<8x800xi1>, vector<8x800xi32>
    %select_n3A_1367 = arith.select %lt3A_1361, %slice3A_1357, %select_n3A_1355 : vector<8x800xi1>, vector<8x800xf32>
    %select_n3A_1368 = arith.select %lt3A_1361, %add3A_1360, %select_n3A_1356 : vector<8x800xi1>, vector<8x800xi32>
    %slice3A_1369 = vector.extract_strided_slice %dot_general3A_8 {offsets = [568, 0], sizes = [8, 800], strides = [1, 1]} : vector<1024x800xf32> to vector<8x800xf32>
    %add3A_1370 = arith.constant 568 : i32
    %add3A_1371 = vector.broadcast %add3A_1370 : i32 to vector<8x800xi32>
    %add3A_1372 = arith.addi %add3A_11, %add3A_1371 : vector<8x800xi32>
    %lt3A_1373 = arith.cmpf olt, %slice3A_1369, %select_n3A_1367 : vector<8x800xf32>
    %lt3A_1374 = arith.cmpf olt, %slice3A_1369, %select_n3A_1364 : vector<8x800xf32>
    %select_n3A_1375 = arith.select %lt3A_1374, %slice3A_1369, %select_n3A_1364 : vector<8x800xi1>, vector<8x800xf32>
    %select_n3A_1376 = arith.select %lt3A_1373, %select_n3A_1367, %select_n3A_1375 : vector<8x800xi1>, vector<8x800xf32>
    %select_n3A_1377 = arith.select %lt3A_1374, %add3A_1372, %select_n3A_1366 : vector<8x800xi1>, vector<8x800xi32>
    %select_n3A_1378 = arith.select %lt3A_1373, %select_n3A_1368, %select_n3A_1377 : vector<8x800xi1>, vector<8x800xi32>
    %select_n3A_1379 = arith.select %lt3A_1373, %slice3A_1369, %select_n3A_1367 : vector<8x800xi1>, vector<8x800xf32>
    %select_n3A_1380 = arith.select %lt3A_1373, %add3A_1372, %select_n3A_1368 : vector<8x800xi1>, vector<8x800xi32>
    %slice3A_1381 = vector.extract_strided_slice %dot_general3A_8 {offsets = [600, 0], sizes = [8, 800], strides = [1, 1]} : vector<1024x800xf32> to vector<8x800xf32>
    %add3A_1382 = arith.constant 600 : i32
    %add3A_1383 = vector.broadcast %add3A_1382 : i32 to vector<8x800xi32>
    %add3A_1384 = arith.addi %add3A_11, %add3A_1383 : vector<8x800xi32>
    %lt3A_1385 = arith.cmpf olt, %slice3A_1381, %select_n3A_1379 : vector<8x800xf32>
    %lt3A_1386 = arith.cmpf olt, %slice3A_1381, %select_n3A_1376 : vector<8x800xf32>
    %select_n3A_1387 = arith.select %lt3A_1386, %slice3A_1381, %select_n3A_1376 : vector<8x800xi1>, vector<8x800xf32>
    %select_n3A_1388 = arith.select %lt3A_1385, %select_n3A_1379, %select_n3A_1387 : vector<8x800xi1>, vector<8x800xf32>
    %select_n3A_1389 = arith.select %lt3A_1386, %add3A_1384, %select_n3A_1378 : vector<8x800xi1>, vector<8x800xi32>
    %select_n3A_1390 = arith.select %lt3A_1385, %select_n3A_1380, %select_n3A_1389 : vector<8x800xi1>, vector<8x800xi32>
    %select_n3A_1391 = arith.select %lt3A_1385, %slice3A_1381, %select_n3A_1379 : vector<8x800xi1>, vector<8x800xf32>
    %select_n3A_1392 = arith.select %lt3A_1385, %add3A_1384, %select_n3A_1380 : vector<8x800xi1>, vector<8x800xi32>
    %slice3A_1393 = vector.extract_strided_slice %dot_general3A_8 {offsets = [632, 0], sizes = [8, 800], strides = [1, 1]} : vector<1024x800xf32> to vector<8x800xf32>
    %add3A_1394 = arith.constant 632 : i32
    %add3A_1395 = vector.broadcast %add3A_1394 : i32 to vector<8x800xi32>
    %add3A_1396 = arith.addi %add3A_11, %add3A_1395 : vector<8x800xi32>
    %lt3A_1397 = arith.cmpf olt, %slice3A_1393, %select_n3A_1391 : vector<8x800xf32>
    %lt3A_1398 = arith.cmpf olt, %slice3A_1393, %select_n3A_1388 : vector<8x800xf32>
    %select_n3A_1399 = arith.select %lt3A_1398, %slice3A_1393, %select_n3A_1388 : vector<8x800xi1>, vector<8x800xf32>
    %select_n3A_1400 = arith.select %lt3A_1397, %select_n3A_1391, %select_n3A_1399 : vector<8x800xi1>, vector<8x800xf32>
    %select_n3A_1401 = arith.select %lt3A_1398, %add3A_1396, %select_n3A_1390 : vector<8x800xi1>, vector<8x800xi32>
    %select_n3A_1402 = arith.select %lt3A_1397, %select_n3A_1392, %select_n3A_1401 : vector<8x800xi1>, vector<8x800xi32>
    %select_n3A_1403 = arith.select %lt3A_1397, %slice3A_1393, %select_n3A_1391 : vector<8x800xi1>, vector<8x800xf32>
    %select_n3A_1404 = arith.select %lt3A_1397, %add3A_1396, %select_n3A_1392 : vector<8x800xi1>, vector<8x800xi32>
    %slice3A_1405 = vector.extract_strided_slice %dot_general3A_8 {offsets = [664, 0], sizes = [8, 800], strides = [1, 1]} : vector<1024x800xf32> to vector<8x800xf32>
    %add3A_1406 = arith.constant 664 : i32
    %add3A_1407 = vector.broadcast %add3A_1406 : i32 to vector<8x800xi32>
    %add3A_1408 = arith.addi %add3A_11, %add3A_1407 : vector<8x800xi32>
    %lt3A_1409 = arith.cmpf olt, %slice3A_1405, %select_n3A_1403 : vector<8x800xf32>
    %lt3A_1410 = arith.cmpf olt, %slice3A_1405, %select_n3A_1400 : vector<8x800xf32>
    %select_n3A_1411 = arith.select %lt3A_1410, %slice3A_1405, %select_n3A_1400 : vector<8x800xi1>, vector<8x800xf32>
    %select_n3A_1412 = arith.select %lt3A_1409, %select_n3A_1403, %select_n3A_1411 : vector<8x800xi1>, vector<8x800xf32>
    %select_n3A_1413 = arith.select %lt3A_1410, %add3A_1408, %select_n3A_1402 : vector<8x800xi1>, vector<8x800xi32>
    %select_n3A_1414 = arith.select %lt3A_1409, %select_n3A_1404, %select_n3A_1413 : vector<8x800xi1>, vector<8x800xi32>
    %select_n3A_1415 = arith.select %lt3A_1409, %slice3A_1405, %select_n3A_1403 : vector<8x800xi1>, vector<8x800xf32>
    %select_n3A_1416 = arith.select %lt3A_1409, %add3A_1408, %select_n3A_1404 : vector<8x800xi1>, vector<8x800xi32>
    %slice3A_1417 = vector.extract_strided_slice %dot_general3A_8 {offsets = [696, 0], sizes = [8, 800], strides = [1, 1]} : vector<1024x800xf32> to vector<8x800xf32>
    %add3A_1418 = arith.constant 696 : i32
    %add3A_1419 = vector.broadcast %add3A_1418 : i32 to vector<8x800xi32>
    %add3A_1420 = arith.addi %add3A_11, %add3A_1419 : vector<8x800xi32>
    %lt3A_1421 = arith.cmpf olt, %slice3A_1417, %select_n3A_1415 : vector<8x800xf32>
    %lt3A_1422 = arith.cmpf olt, %slice3A_1417, %select_n3A_1412 : vector<8x800xf32>
    %select_n3A_1423 = arith.select %lt3A_1422, %slice3A_1417, %select_n3A_1412 : vector<8x800xi1>, vector<8x800xf32>
    %select_n3A_1424 = arith.select %lt3A_1421, %select_n3A_1415, %select_n3A_1423 : vector<8x800xi1>, vector<8x800xf32>
    %select_n3A_1425 = arith.select %lt3A_1422, %add3A_1420, %select_n3A_1414 : vector<8x800xi1>, vector<8x800xi32>
    %select_n3A_1426 = arith.select %lt3A_1421, %select_n3A_1416, %select_n3A_1425 : vector<8x800xi1>, vector<8x800xi32>
    %select_n3A_1427 = arith.select %lt3A_1421, %slice3A_1417, %select_n3A_1415 : vector<8x800xi1>, vector<8x800xf32>
    %select_n3A_1428 = arith.select %lt3A_1421, %add3A_1420, %select_n3A_1416 : vector<8x800xi1>, vector<8x800xi32>
    %slice3A_1429 = vector.extract_strided_slice %dot_general3A_8 {offsets = [728, 0], sizes = [8, 800], strides = [1, 1]} : vector<1024x800xf32> to vector<8x800xf32>
    %add3A_1430 = arith.constant 728 : i32
    %add3A_1431 = vector.broadcast %add3A_1430 : i32 to vector<8x800xi32>
    %add3A_1432 = arith.addi %add3A_11, %add3A_1431 : vector<8x800xi32>
    %lt3A_1433 = arith.cmpf olt, %slice3A_1429, %select_n3A_1427 : vector<8x800xf32>
    %lt3A_1434 = arith.cmpf olt, %slice3A_1429, %select_n3A_1424 : vector<8x800xf32>
    %select_n3A_1435 = arith.select %lt3A_1434, %slice3A_1429, %select_n3A_1424 : vector<8x800xi1>, vector<8x800xf32>
    %select_n3A_1436 = arith.select %lt3A_1433, %select_n3A_1427, %select_n3A_1435 : vector<8x800xi1>, vector<8x800xf32>
    %select_n3A_1437 = arith.select %lt3A_1434, %add3A_1432, %select_n3A_1426 : vector<8x800xi1>, vector<8x800xi32>
    %select_n3A_1438 = arith.select %lt3A_1433, %select_n3A_1428, %select_n3A_1437 : vector<8x800xi1>, vector<8x800xi32>
    %select_n3A_1439 = arith.select %lt3A_1433, %slice3A_1429, %select_n3A_1427 : vector<8x800xi1>, vector<8x800xf32>
    %select_n3A_1440 = arith.select %lt3A_1433, %add3A_1432, %select_n3A_1428 : vector<8x800xi1>, vector<8x800xi32>
    %slice3A_1441 = vector.extract_strided_slice %dot_general3A_8 {offsets = [760, 0], sizes = [8, 800], strides = [1, 1]} : vector<1024x800xf32> to vector<8x800xf32>
    %add3A_1442 = arith.constant 760 : i32
    %add3A_1443 = vector.broadcast %add3A_1442 : i32 to vector<8x800xi32>
    %add3A_1444 = arith.addi %add3A_11, %add3A_1443 : vector<8x800xi32>
    %lt3A_1445 = arith.cmpf olt, %slice3A_1441, %select_n3A_1439 : vector<8x800xf32>
    %lt3A_1446 = arith.cmpf olt, %slice3A_1441, %select_n3A_1436 : vector<8x800xf32>
    %select_n3A_1447 = arith.select %lt3A_1446, %slice3A_1441, %select_n3A_1436 : vector<8x800xi1>, vector<8x800xf32>
    %select_n3A_1448 = arith.select %lt3A_1445, %select_n3A_1439, %select_n3A_1447 : vector<8x800xi1>, vector<8x800xf32>
    %select_n3A_1449 = arith.select %lt3A_1446, %add3A_1444, %select_n3A_1438 : vector<8x800xi1>, vector<8x800xi32>
    %select_n3A_1450 = arith.select %lt3A_1445, %select_n3A_1440, %select_n3A_1449 : vector<8x800xi1>, vector<8x800xi32>
    %select_n3A_1451 = arith.select %lt3A_1445, %slice3A_1441, %select_n3A_1439 : vector<8x800xi1>, vector<8x800xf32>
    %select_n3A_1452 = arith.select %lt3A_1445, %add3A_1444, %select_n3A_1440 : vector<8x800xi1>, vector<8x800xi32>
    %slice3A_1453 = vector.extract_strided_slice %dot_general3A_8 {offsets = [792, 0], sizes = [8, 800], strides = [1, 1]} : vector<1024x800xf32> to vector<8x800xf32>
    %add3A_1454 = arith.constant 792 : i32
    %add3A_1455 = vector.broadcast %add3A_1454 : i32 to vector<8x800xi32>
    %add3A_1456 = arith.addi %add3A_11, %add3A_1455 : vector<8x800xi32>
    %lt3A_1457 = arith.cmpf olt, %slice3A_1453, %select_n3A_1451 : vector<8x800xf32>
    %lt3A_1458 = arith.cmpf olt, %slice3A_1453, %select_n3A_1448 : vector<8x800xf32>
    %select_n3A_1459 = arith.select %lt3A_1458, %slice3A_1453, %select_n3A_1448 : vector<8x800xi1>, vector<8x800xf32>
    %select_n3A_1460 = arith.select %lt3A_1457, %select_n3A_1451, %select_n3A_1459 : vector<8x800xi1>, vector<8x800xf32>
    %select_n3A_1461 = arith.select %lt3A_1458, %add3A_1456, %select_n3A_1450 : vector<8x800xi1>, vector<8x800xi32>
    %select_n3A_1462 = arith.select %lt3A_1457, %select_n3A_1452, %select_n3A_1461 : vector<8x800xi1>, vector<8x800xi32>
    %select_n3A_1463 = arith.select %lt3A_1457, %slice3A_1453, %select_n3A_1451 : vector<8x800xi1>, vector<8x800xf32>
    %select_n3A_1464 = arith.select %lt3A_1457, %add3A_1456, %select_n3A_1452 : vector<8x800xi1>, vector<8x800xi32>
    %slice3A_1465 = vector.extract_strided_slice %dot_general3A_8 {offsets = [824, 0], sizes = [8, 800], strides = [1, 1]} : vector<1024x800xf32> to vector<8x800xf32>
    %add3A_1466 = arith.constant 824 : i32
    %add3A_1467 = vector.broadcast %add3A_1466 : i32 to vector<8x800xi32>
    %add3A_1468 = arith.addi %add3A_11, %add3A_1467 : vector<8x800xi32>
    %lt3A_1469 = arith.cmpf olt, %slice3A_1465, %select_n3A_1463 : vector<8x800xf32>
    %lt3A_1470 = arith.cmpf olt, %slice3A_1465, %select_n3A_1460 : vector<8x800xf32>
    %select_n3A_1471 = arith.select %lt3A_1470, %slice3A_1465, %select_n3A_1460 : vector<8x800xi1>, vector<8x800xf32>
    %select_n3A_1472 = arith.select %lt3A_1469, %select_n3A_1463, %select_n3A_1471 : vector<8x800xi1>, vector<8x800xf32>
    %select_n3A_1473 = arith.select %lt3A_1470, %add3A_1468, %select_n3A_1462 : vector<8x800xi1>, vector<8x800xi32>
    %select_n3A_1474 = arith.select %lt3A_1469, %select_n3A_1464, %select_n3A_1473 : vector<8x800xi1>, vector<8x800xi32>
    %select_n3A_1475 = arith.select %lt3A_1469, %slice3A_1465, %select_n3A_1463 : vector<8x800xi1>, vector<8x800xf32>
    %select_n3A_1476 = arith.select %lt3A_1469, %add3A_1468, %select_n3A_1464 : vector<8x800xi1>, vector<8x800xi32>
    %slice3A_1477 = vector.extract_strided_slice %dot_general3A_8 {offsets = [856, 0], sizes = [8, 800], strides = [1, 1]} : vector<1024x800xf32> to vector<8x800xf32>
    %add3A_1478 = arith.constant 856 : i32
    %add3A_1479 = vector.broadcast %add3A_1478 : i32 to vector<8x800xi32>
    %add3A_1480 = arith.addi %add3A_11, %add3A_1479 : vector<8x800xi32>
    %lt3A_1481 = arith.cmpf olt, %slice3A_1477, %select_n3A_1475 : vector<8x800xf32>
    %lt3A_1482 = arith.cmpf olt, %slice3A_1477, %select_n3A_1472 : vector<8x800xf32>
    %select_n3A_1483 = arith.select %lt3A_1482, %slice3A_1477, %select_n3A_1472 : vector<8x800xi1>, vector<8x800xf32>
    %select_n3A_1484 = arith.select %lt3A_1481, %select_n3A_1475, %select_n3A_1483 : vector<8x800xi1>, vector<8x800xf32>
    %select_n3A_1485 = arith.select %lt3A_1482, %add3A_1480, %select_n3A_1474 : vector<8x800xi1>, vector<8x800xi32>
    %select_n3A_1486 = arith.select %lt3A_1481, %select_n3A_1476, %select_n3A_1485 : vector<8x800xi1>, vector<8x800xi32>
    %select_n3A_1487 = arith.select %lt3A_1481, %slice3A_1477, %select_n3A_1475 : vector<8x800xi1>, vector<8x800xf32>
    %select_n3A_1488 = arith.select %lt3A_1481, %add3A_1480, %select_n3A_1476 : vector<8x800xi1>, vector<8x800xi32>
    %slice3A_1489 = vector.extract_strided_slice %dot_general3A_8 {offsets = [888, 0], sizes = [8, 800], strides = [1, 1]} : vector<1024x800xf32> to vector<8x800xf32>
    %add3A_1490 = arith.constant 888 : i32
    %add3A_1491 = vector.broadcast %add3A_1490 : i32 to vector<8x800xi32>
    %add3A_1492 = arith.addi %add3A_11, %add3A_1491 : vector<8x800xi32>
    %lt3A_1493 = arith.cmpf olt, %slice3A_1489, %select_n3A_1487 : vector<8x800xf32>
    %lt3A_1494 = arith.cmpf olt, %slice3A_1489, %select_n3A_1484 : vector<8x800xf32>
    %select_n3A_1495 = arith.select %lt3A_1494, %slice3A_1489, %select_n3A_1484 : vector<8x800xi1>, vector<8x800xf32>
    %select_n3A_1496 = arith.select %lt3A_1493, %select_n3A_1487, %select_n3A_1495 : vector<8x800xi1>, vector<8x800xf32>
    %select_n3A_1497 = arith.select %lt3A_1494, %add3A_1492, %select_n3A_1486 : vector<8x800xi1>, vector<8x800xi32>
    %select_n3A_1498 = arith.select %lt3A_1493, %select_n3A_1488, %select_n3A_1497 : vector<8x800xi1>, vector<8x800xi32>
    %select_n3A_1499 = arith.select %lt3A_1493, %slice3A_1489, %select_n3A_1487 : vector<8x800xi1>, vector<8x800xf32>
    %select_n3A_1500 = arith.select %lt3A_1493, %add3A_1492, %select_n3A_1488 : vector<8x800xi1>, vector<8x800xi32>
    %slice3A_1501 = vector.extract_strided_slice %dot_general3A_8 {offsets = [920, 0], sizes = [8, 800], strides = [1, 1]} : vector<1024x800xf32> to vector<8x800xf32>
    %add3A_1502 = arith.constant 920 : i32
    %add3A_1503 = vector.broadcast %add3A_1502 : i32 to vector<8x800xi32>
    %add3A_1504 = arith.addi %add3A_11, %add3A_1503 : vector<8x800xi32>
    %lt3A_1505 = arith.cmpf olt, %slice3A_1501, %select_n3A_1499 : vector<8x800xf32>
    %lt3A_1506 = arith.cmpf olt, %slice3A_1501, %select_n3A_1496 : vector<8x800xf32>
    %select_n3A_1507 = arith.select %lt3A_1506, %slice3A_1501, %select_n3A_1496 : vector<8x800xi1>, vector<8x800xf32>
    %select_n3A_1508 = arith.select %lt3A_1505, %select_n3A_1499, %select_n3A_1507 : vector<8x800xi1>, vector<8x800xf32>
    %select_n3A_1509 = arith.select %lt3A_1506, %add3A_1504, %select_n3A_1498 : vector<8x800xi1>, vector<8x800xi32>
    %select_n3A_1510 = arith.select %lt3A_1505, %select_n3A_1500, %select_n3A_1509 : vector<8x800xi1>, vector<8x800xi32>
    %select_n3A_1511 = arith.select %lt3A_1505, %slice3A_1501, %select_n3A_1499 : vector<8x800xi1>, vector<8x800xf32>
    %select_n3A_1512 = arith.select %lt3A_1505, %add3A_1504, %select_n3A_1500 : vector<8x800xi1>, vector<8x800xi32>
    %slice3A_1513 = vector.extract_strided_slice %dot_general3A_8 {offsets = [952, 0], sizes = [8, 800], strides = [1, 1]} : vector<1024x800xf32> to vector<8x800xf32>
    %add3A_1514 = arith.constant 952 : i32
    %add3A_1515 = vector.broadcast %add3A_1514 : i32 to vector<8x800xi32>
    %add3A_1516 = arith.addi %add3A_11, %add3A_1515 : vector<8x800xi32>
    %lt3A_1517 = arith.cmpf olt, %slice3A_1513, %select_n3A_1511 : vector<8x800xf32>
    %lt3A_1518 = arith.cmpf olt, %slice3A_1513, %select_n3A_1508 : vector<8x800xf32>
    %select_n3A_1519 = arith.select %lt3A_1518, %slice3A_1513, %select_n3A_1508 : vector<8x800xi1>, vector<8x800xf32>
    %select_n3A_1520 = arith.select %lt3A_1517, %select_n3A_1511, %select_n3A_1519 : vector<8x800xi1>, vector<8x800xf32>
    %select_n3A_1521 = arith.select %lt3A_1518, %add3A_1516, %select_n3A_1510 : vector<8x800xi1>, vector<8x800xi32>
    %select_n3A_1522 = arith.select %lt3A_1517, %select_n3A_1512, %select_n3A_1521 : vector<8x800xi1>, vector<8x800xi32>
    %select_n3A_1523 = arith.select %lt3A_1517, %slice3A_1513, %select_n3A_1511 : vector<8x800xi1>, vector<8x800xf32>
    %select_n3A_1524 = arith.select %lt3A_1517, %add3A_1516, %select_n3A_1512 : vector<8x800xi1>, vector<8x800xi32>
    %slice3A_1525 = vector.extract_strided_slice %dot_general3A_8 {offsets = [984, 0], sizes = [8, 800], strides = [1, 1]} : vector<1024x800xf32> to vector<8x800xf32>
    %add3A_1526 = arith.constant 984 : i32
    %add3A_1527 = vector.broadcast %add3A_1526 : i32 to vector<8x800xi32>
    %add3A_1528 = arith.addi %add3A_11, %add3A_1527 : vector<8x800xi32>
    %lt3A_1529 = arith.cmpf olt, %slice3A_1525, %select_n3A_1523 : vector<8x800xf32>
    %lt3A_1530 = arith.cmpf olt, %slice3A_1525, %select_n3A_1520 : vector<8x800xf32>
    %select_n3A_1531 = arith.select %lt3A_1530, %slice3A_1525, %select_n3A_1520 : vector<8x800xi1>, vector<8x800xf32>
    %select_n3A_1532 = arith.select %lt3A_1529, %select_n3A_1523, %select_n3A_1531 : vector<8x800xi1>, vector<8x800xf32>
    %select_n3A_1533 = arith.select %lt3A_1530, %add3A_1528, %select_n3A_1522 : vector<8x800xi1>, vector<8x800xi32>
    %select_n3A_1534 = arith.select %lt3A_1529, %select_n3A_1524, %select_n3A_1533 : vector<8x800xi1>, vector<8x800xi32>
    %select_n3A_1535 = arith.select %lt3A_1529, %slice3A_1525, %select_n3A_1523 : vector<8x800xi1>, vector<8x800xf32>
    %select_n3A_1536 = arith.select %lt3A_1529, %add3A_1528, %select_n3A_1524 : vector<8x800xi1>, vector<8x800xi32>
    %slice3A_1537 = vector.extract_strided_slice %dot_general3A_8 {offsets = [1016, 0], sizes = [8, 800], strides = [1, 1]} : vector<1024x800xf32> to vector<8x800xf32>
    %add3A_1538 = arith.constant 1016 : i32
    %add3A_1539 = vector.broadcast %add3A_1538 : i32 to vector<8x800xi32>
    %add3A_1540 = arith.addi %add3A_11, %add3A_1539 : vector<8x800xi32>
    %lt3A_1541 = arith.cmpf olt, %slice3A_1537, %select_n3A_1535 : vector<8x800xf32>
    %lt3A_1542 = arith.cmpf olt, %slice3A_1537, %select_n3A_1532 : vector<8x800xf32>
    %select_n3A_1543 = arith.select %lt3A_1542, %slice3A_1537, %select_n3A_1532 : vector<8x800xi1>, vector<8x800xf32>
    %select_n3A_1544 = arith.select %lt3A_1541, %select_n3A_1535, %select_n3A_1543 : vector<8x800xi1>, vector<8x800xf32>
    %select_n3A_1545 = arith.select %lt3A_1542, %add3A_1540, %select_n3A_1534 : vector<8x800xi1>, vector<8x800xi32>
    %select_n3A_1546 = arith.select %lt3A_1541, %select_n3A_1536, %select_n3A_1545 : vector<8x800xi1>, vector<8x800xi32>
    %select_n3A_1547 = arith.select %lt3A_1541, %slice3A_1537, %select_n3A_1535 : vector<8x800xi1>, vector<8x800xf32>
    %select_n3A_1548 = arith.select %lt3A_1541, %add3A_1540, %select_n3A_1536 : vector<8x800xi1>, vector<8x800xi32>
    %lt3A_1549 = arith.cmpf olt, %select_n3A_779, %select_n3A_395 : vector<8x800xf32>
    %eq3A = arith.cmpf oeq, %select_n3A_779, %select_n3A_395 : vector<8x800xf32>
    %lt3A_1550 = arith.cmpi slt, %select_n3A_780, %select_n3A_396 : vector<8x800xi32>
    %and3A = arith.andi %eq3A, %lt3A_1550 : vector<8x800xi1>
    %or3A = arith.ori %lt3A_1549, %and3A : vector<8x800xi1>
    %select_n3A_1551 = arith.select %or3A, %select_n3A_779, %select_n3A_395 : vector<8x800xi1>, vector<8x800xf32>
    %select_n3A_1552 = arith.select %or3A, %select_n3A_780, %select_n3A_396 : vector<8x800xi1>, vector<8x800xi32>
    %select_n3A_1553 = arith.select %or3A, %select_n3A_395, %select_n3A_779 : vector<8x800xi1>, vector<8x800xf32>
    %select_n3A_1554 = arith.select %or3A, %select_n3A_396, %select_n3A_780 : vector<8x800xi1>, vector<8x800xi32>
    %select_n3A_1555 = arith.select %or3A, %select_n3A_776, %select_n3A_392 : vector<8x800xi1>, vector<8x800xf32>
    %select_n3A_1556 = arith.select %or3A, %select_n3A_778, %select_n3A_394 : vector<8x800xi1>, vector<8x800xi32>
    %lt3A_1557 = arith.cmpf olt, %select_n3A_1555, %select_n3A_1553 : vector<8x800xf32>
    %eq3A_1558 = arith.cmpf oeq, %select_n3A_1555, %select_n3A_1553 : vector<8x800xf32>
    %lt3A_1559 = arith.cmpi slt, %select_n3A_1556, %select_n3A_1554 : vector<8x800xi32>
    %and3A_1560 = arith.andi %eq3A_1558, %lt3A_1559 : vector<8x800xi1>
    %or3A_1561 = arith.ori %lt3A_1557, %and3A_1560 : vector<8x800xi1>
    %select_n3A_1562 = arith.select %or3A_1561, %select_n3A_1555, %select_n3A_1553 : vector<8x800xi1>, vector<8x800xf32>
    %select_n3A_1563 = arith.select %or3A_1561, %select_n3A_1556, %select_n3A_1554 : vector<8x800xi1>, vector<8x800xi32>
    %lt3A_1564 = arith.cmpf olt, %select_n3A_1547, %select_n3A_1163 : vector<8x800xf32>
    %eq3A_1565 = arith.cmpf oeq, %select_n3A_1547, %select_n3A_1163 : vector<8x800xf32>
    %lt3A_1566 = arith.cmpi slt, %select_n3A_1548, %select_n3A_1164 : vector<8x800xi32>
    %and3A_1567 = arith.andi %eq3A_1565, %lt3A_1566 : vector<8x800xi1>
    %or3A_1568 = arith.ori %lt3A_1564, %and3A_1567 : vector<8x800xi1>
    %select_n3A_1569 = arith.select %or3A_1568, %select_n3A_1547, %select_n3A_1163 : vector<8x800xi1>, vector<8x800xf32>
    %select_n3A_1570 = arith.select %or3A_1568, %select_n3A_1548, %select_n3A_1164 : vector<8x800xi1>, vector<8x800xi32>
    %select_n3A_1571 = arith.select %or3A_1568, %select_n3A_1163, %select_n3A_1547 : vector<8x800xi1>, vector<8x800xf32>
    %select_n3A_1572 = arith.select %or3A_1568, %select_n3A_1164, %select_n3A_1548 : vector<8x800xi1>, vector<8x800xi32>
    %select_n3A_1573 = arith.select %or3A_1568, %select_n3A_1544, %select_n3A_1160 : vector<8x800xi1>, vector<8x800xf32>
    %select_n3A_1574 = arith.select %or3A_1568, %select_n3A_1546, %select_n3A_1162 : vector<8x800xi1>, vector<8x800xi32>
    %lt3A_1575 = arith.cmpf olt, %select_n3A_1573, %select_n3A_1571 : vector<8x800xf32>
    %eq3A_1576 = arith.cmpf oeq, %select_n3A_1573, %select_n3A_1571 : vector<8x800xf32>
    %lt3A_1577 = arith.cmpi slt, %select_n3A_1574, %select_n3A_1572 : vector<8x800xi32>
    %and3A_1578 = arith.andi %eq3A_1576, %lt3A_1577 : vector<8x800xi1>
    %or3A_1579 = arith.ori %lt3A_1575, %and3A_1578 : vector<8x800xi1>
    %select_n3A_1580 = arith.select %or3A_1579, %select_n3A_1573, %select_n3A_1571 : vector<8x800xi1>, vector<8x800xf32>
    %select_n3A_1581 = arith.select %or3A_1579, %select_n3A_1574, %select_n3A_1572 : vector<8x800xi1>, vector<8x800xi32>
    %lt3A_1582 = arith.cmpf olt, %select_n3A_1569, %select_n3A_1551 : vector<8x800xf32>
    %eq3A_1583 = arith.cmpf oeq, %select_n3A_1569, %select_n3A_1551 : vector<8x800xf32>
    %lt3A_1584 = arith.cmpi slt, %select_n3A_1570, %select_n3A_1552 : vector<8x800xi32>
    %and3A_1585 = arith.andi %eq3A_1583, %lt3A_1584 : vector<8x800xi1>
    %or3A_1586 = arith.ori %lt3A_1582, %and3A_1585 : vector<8x800xi1>
    %select_n3A_1587 = arith.select %or3A_1586, %select_n3A_1569, %select_n3A_1551 : vector<8x800xi1>, vector<8x800xf32>
    %select_n3A_1588 = arith.select %or3A_1586, %select_n3A_1570, %select_n3A_1552 : vector<8x800xi1>, vector<8x800xi32>
    %select_n3A_1589 = arith.select %or3A_1586, %select_n3A_1551, %select_n3A_1569 : vector<8x800xi1>, vector<8x800xf32>
    %select_n3A_1590 = arith.select %or3A_1586, %select_n3A_1552, %select_n3A_1570 : vector<8x800xi1>, vector<8x800xi32>
    %select_n3A_1591 = arith.select %or3A_1586, %select_n3A_1580, %select_n3A_1562 : vector<8x800xi1>, vector<8x800xf32>
    %select_n3A_1592 = arith.select %or3A_1586, %select_n3A_1581, %select_n3A_1563 : vector<8x800xi1>, vector<8x800xi32>
    %lt3A_1593 = arith.cmpf olt, %select_n3A_1591, %select_n3A_1589 : vector<8x800xf32>
    %eq3A_1594 = arith.cmpf oeq, %select_n3A_1591, %select_n3A_1589 : vector<8x800xf32>
    %lt3A_1595 = arith.cmpi slt, %select_n3A_1592, %select_n3A_1590 : vector<8x800xi32>
    %and3A_1596 = arith.andi %eq3A_1594, %lt3A_1595 : vector<8x800xi1>
    %or3A_1597 = arith.ori %lt3A_1593, %and3A_1596 : vector<8x800xi1>
    %select_n3A_1598 = arith.select %or3A_1597, %select_n3A_1591, %select_n3A_1589 : vector<8x800xi1>, vector<8x800xf32>
    %select_n3A_1599 = arith.select %or3A_1597, %select_n3A_1592, %select_n3A_1590 : vector<8x800xi1>, vector<8x800xi32>
    %slice3A_1600 = vector.extract_strided_slice %select_n3A_1587 {offsets = [0, 0], sizes = [1, 800], strides = [1, 1]} : vector<8x800xf32> to vector<1x800xf32>
    %slice3A_1601 = vector.extract_strided_slice %select_n3A_1588 {offsets = [0, 0], sizes = [1, 800], strides = [1, 1]} : vector<8x800xi32> to vector<1x800xi32>
    %slice3A_1602 = vector.extract_strided_slice %select_n3A_1598 {offsets = [0, 0], sizes = [1, 800], strides = [1, 1]} : vector<8x800xf32> to vector<1x800xf32>
    %slice3A_1603 = vector.extract_strided_slice %select_n3A_1599 {offsets = [0, 0], sizes = [1, 800], strides = [1, 1]} : vector<8x800xi32> to vector<1x800xi32>
    %slice3A_1604 = vector.extract_strided_slice %select_n3A_1587 {offsets = [1, 0], sizes = [1, 800], strides = [1, 1]} : vector<8x800xf32> to vector<1x800xf32>
    %slice3A_1605 = vector.extract_strided_slice %select_n3A_1588 {offsets = [1, 0], sizes = [1, 800], strides = [1, 1]} : vector<8x800xi32> to vector<1x800xi32>
    %slice3A_1606 = vector.extract_strided_slice %select_n3A_1598 {offsets = [1, 0], sizes = [1, 800], strides = [1, 1]} : vector<8x800xf32> to vector<1x800xf32>
    %slice3A_1607 = vector.extract_strided_slice %select_n3A_1599 {offsets = [1, 0], sizes = [1, 800], strides = [1, 1]} : vector<8x800xi32> to vector<1x800xi32>
    %lt3A_1608 = arith.cmpf olt, %slice3A_1604, %slice3A_1600 : vector<1x800xf32>
    %eq3A_1609 = arith.cmpf oeq, %slice3A_1604, %slice3A_1600 : vector<1x800xf32>
    %lt3A_1610 = arith.cmpi slt, %slice3A_1605, %slice3A_1601 : vector<1x800xi32>
    %and3A_1611 = arith.andi %eq3A_1609, %lt3A_1610 : vector<1x800xi1>
    %or3A_1612 = arith.ori %lt3A_1608, %and3A_1611 : vector<1x800xi1>
    %select_n3A_1613 = arith.select %or3A_1612, %slice3A_1604, %slice3A_1600 : vector<1x800xi1>, vector<1x800xf32>
    %select_n3A_1614 = arith.select %or3A_1612, %slice3A_1605, %slice3A_1601 : vector<1x800xi1>, vector<1x800xi32>
    %select_n3A_1615 = arith.select %or3A_1612, %slice3A_1600, %slice3A_1604 : vector<1x800xi1>, vector<1x800xf32>
    %select_n3A_1616 = arith.select %or3A_1612, %slice3A_1601, %slice3A_1605 : vector<1x800xi1>, vector<1x800xi32>
    %select_n3A_1617 = arith.select %or3A_1612, %slice3A_1606, %slice3A_1602 : vector<1x800xi1>, vector<1x800xf32>
    %select_n3A_1618 = arith.select %or3A_1612, %slice3A_1607, %slice3A_1603 : vector<1x800xi1>, vector<1x800xi32>
    %lt3A_1619 = arith.cmpf olt, %select_n3A_1617, %select_n3A_1615 : vector<1x800xf32>
    %eq3A_1620 = arith.cmpf oeq, %select_n3A_1617, %select_n3A_1615 : vector<1x800xf32>
    %lt3A_1621 = arith.cmpi slt, %select_n3A_1618, %select_n3A_1616 : vector<1x800xi32>
    %and3A_1622 = arith.andi %eq3A_1620, %lt3A_1621 : vector<1x800xi1>
    %or3A_1623 = arith.ori %lt3A_1619, %and3A_1622 : vector<1x800xi1>
    %select_n3A_1624 = arith.select %or3A_1623, %select_n3A_1617, %select_n3A_1615 : vector<1x800xi1>, vector<1x800xf32>
    %select_n3A_1625 = arith.select %or3A_1623, %select_n3A_1618, %select_n3A_1616 : vector<1x800xi1>, vector<1x800xi32>
    %slice3A_1626 = vector.extract_strided_slice %select_n3A_1587 {offsets = [2, 0], sizes = [1, 800], strides = [1, 1]} : vector<8x800xf32> to vector<1x800xf32>
    %slice3A_1627 = vector.extract_strided_slice %select_n3A_1588 {offsets = [2, 0], sizes = [1, 800], strides = [1, 1]} : vector<8x800xi32> to vector<1x800xi32>
    %slice3A_1628 = vector.extract_strided_slice %select_n3A_1598 {offsets = [2, 0], sizes = [1, 800], strides = [1, 1]} : vector<8x800xf32> to vector<1x800xf32>
    %slice3A_1629 = vector.extract_strided_slice %select_n3A_1599 {offsets = [2, 0], sizes = [1, 800], strides = [1, 1]} : vector<8x800xi32> to vector<1x800xi32>
    %lt3A_1630 = arith.cmpf olt, %slice3A_1626, %select_n3A_1613 : vector<1x800xf32>
    %eq3A_1631 = arith.cmpf oeq, %slice3A_1626, %select_n3A_1613 : vector<1x800xf32>
    %lt3A_1632 = arith.cmpi slt, %slice3A_1627, %select_n3A_1614 : vector<1x800xi32>
    %and3A_1633 = arith.andi %eq3A_1631, %lt3A_1632 : vector<1x800xi1>
    %or3A_1634 = arith.ori %lt3A_1630, %and3A_1633 : vector<1x800xi1>
    %select_n3A_1635 = arith.select %or3A_1634, %slice3A_1626, %select_n3A_1613 : vector<1x800xi1>, vector<1x800xf32>
    %select_n3A_1636 = arith.select %or3A_1634, %slice3A_1627, %select_n3A_1614 : vector<1x800xi1>, vector<1x800xi32>
    %select_n3A_1637 = arith.select %or3A_1634, %select_n3A_1613, %slice3A_1626 : vector<1x800xi1>, vector<1x800xf32>
    %select_n3A_1638 = arith.select %or3A_1634, %select_n3A_1614, %slice3A_1627 : vector<1x800xi1>, vector<1x800xi32>
    %select_n3A_1639 = arith.select %or3A_1634, %slice3A_1628, %select_n3A_1624 : vector<1x800xi1>, vector<1x800xf32>
    %select_n3A_1640 = arith.select %or3A_1634, %slice3A_1629, %select_n3A_1625 : vector<1x800xi1>, vector<1x800xi32>
    %lt3A_1641 = arith.cmpf olt, %select_n3A_1639, %select_n3A_1637 : vector<1x800xf32>
    %eq3A_1642 = arith.cmpf oeq, %select_n3A_1639, %select_n3A_1637 : vector<1x800xf32>
    %lt3A_1643 = arith.cmpi slt, %select_n3A_1640, %select_n3A_1638 : vector<1x800xi32>
    %and3A_1644 = arith.andi %eq3A_1642, %lt3A_1643 : vector<1x800xi1>
    %or3A_1645 = arith.ori %lt3A_1641, %and3A_1644 : vector<1x800xi1>
    %select_n3A_1646 = arith.select %or3A_1645, %select_n3A_1639, %select_n3A_1637 : vector<1x800xi1>, vector<1x800xf32>
    %select_n3A_1647 = arith.select %or3A_1645, %select_n3A_1640, %select_n3A_1638 : vector<1x800xi1>, vector<1x800xi32>
    %slice3A_1648 = vector.extract_strided_slice %select_n3A_1587 {offsets = [3, 0], sizes = [1, 800], strides = [1, 1]} : vector<8x800xf32> to vector<1x800xf32>
    %slice3A_1649 = vector.extract_strided_slice %select_n3A_1588 {offsets = [3, 0], sizes = [1, 800], strides = [1, 1]} : vector<8x800xi32> to vector<1x800xi32>
    %slice3A_1650 = vector.extract_strided_slice %select_n3A_1598 {offsets = [3, 0], sizes = [1, 800], strides = [1, 1]} : vector<8x800xf32> to vector<1x800xf32>
    %slice3A_1651 = vector.extract_strided_slice %select_n3A_1599 {offsets = [3, 0], sizes = [1, 800], strides = [1, 1]} : vector<8x800xi32> to vector<1x800xi32>
    %lt3A_1652 = arith.cmpf olt, %slice3A_1648, %select_n3A_1635 : vector<1x800xf32>
    %eq3A_1653 = arith.cmpf oeq, %slice3A_1648, %select_n3A_1635 : vector<1x800xf32>
    %lt3A_1654 = arith.cmpi slt, %slice3A_1649, %select_n3A_1636 : vector<1x800xi32>
    %and3A_1655 = arith.andi %eq3A_1653, %lt3A_1654 : vector<1x800xi1>
    %or3A_1656 = arith.ori %lt3A_1652, %and3A_1655 : vector<1x800xi1>
    %select_n3A_1657 = arith.select %or3A_1656, %slice3A_1648, %select_n3A_1635 : vector<1x800xi1>, vector<1x800xf32>
    %select_n3A_1658 = arith.select %or3A_1656, %slice3A_1649, %select_n3A_1636 : vector<1x800xi1>, vector<1x800xi32>
    %select_n3A_1659 = arith.select %or3A_1656, %select_n3A_1635, %slice3A_1648 : vector<1x800xi1>, vector<1x800xf32>
    %select_n3A_1660 = arith.select %or3A_1656, %select_n3A_1636, %slice3A_1649 : vector<1x800xi1>, vector<1x800xi32>
    %select_n3A_1661 = arith.select %or3A_1656, %slice3A_1650, %select_n3A_1646 : vector<1x800xi1>, vector<1x800xf32>
    %select_n3A_1662 = arith.select %or3A_1656, %slice3A_1651, %select_n3A_1647 : vector<1x800xi1>, vector<1x800xi32>
    %lt3A_1663 = arith.cmpf olt, %select_n3A_1661, %select_n3A_1659 : vector<1x800xf32>
    %eq3A_1664 = arith.cmpf oeq, %select_n3A_1661, %select_n3A_1659 : vector<1x800xf32>
    %lt3A_1665 = arith.cmpi slt, %select_n3A_1662, %select_n3A_1660 : vector<1x800xi32>
    %and3A_1666 = arith.andi %eq3A_1664, %lt3A_1665 : vector<1x800xi1>
    %or3A_1667 = arith.ori %lt3A_1663, %and3A_1666 : vector<1x800xi1>
    %select_n3A_1668 = arith.select %or3A_1667, %select_n3A_1661, %select_n3A_1659 : vector<1x800xi1>, vector<1x800xf32>
    %select_n3A_1669 = arith.select %or3A_1667, %select_n3A_1662, %select_n3A_1660 : vector<1x800xi1>, vector<1x800xi32>
    %slice3A_1670 = vector.extract_strided_slice %select_n3A_1587 {offsets = [4, 0], sizes = [1, 800], strides = [1, 1]} : vector<8x800xf32> to vector<1x800xf32>
    %slice3A_1671 = vector.extract_strided_slice %select_n3A_1588 {offsets = [4, 0], sizes = [1, 800], strides = [1, 1]} : vector<8x800xi32> to vector<1x800xi32>
    %slice3A_1672 = vector.extract_strided_slice %select_n3A_1598 {offsets = [4, 0], sizes = [1, 800], strides = [1, 1]} : vector<8x800xf32> to vector<1x800xf32>
    %slice3A_1673 = vector.extract_strided_slice %select_n3A_1599 {offsets = [4, 0], sizes = [1, 800], strides = [1, 1]} : vector<8x800xi32> to vector<1x800xi32>
    %lt3A_1674 = arith.cmpf olt, %slice3A_1670, %select_n3A_1657 : vector<1x800xf32>
    %eq3A_1675 = arith.cmpf oeq, %slice3A_1670, %select_n3A_1657 : vector<1x800xf32>
    %lt3A_1676 = arith.cmpi slt, %slice3A_1671, %select_n3A_1658 : vector<1x800xi32>
    %and3A_1677 = arith.andi %eq3A_1675, %lt3A_1676 : vector<1x800xi1>
    %or3A_1678 = arith.ori %lt3A_1674, %and3A_1677 : vector<1x800xi1>
    %select_n3A_1679 = arith.select %or3A_1678, %slice3A_1670, %select_n3A_1657 : vector<1x800xi1>, vector<1x800xf32>
    %select_n3A_1680 = arith.select %or3A_1678, %slice3A_1671, %select_n3A_1658 : vector<1x800xi1>, vector<1x800xi32>
    %select_n3A_1681 = arith.select %or3A_1678, %select_n3A_1657, %slice3A_1670 : vector<1x800xi1>, vector<1x800xf32>
    %select_n3A_1682 = arith.select %or3A_1678, %select_n3A_1658, %slice3A_1671 : vector<1x800xi1>, vector<1x800xi32>
    %select_n3A_1683 = arith.select %or3A_1678, %slice3A_1672, %select_n3A_1668 : vector<1x800xi1>, vector<1x800xf32>
    %select_n3A_1684 = arith.select %or3A_1678, %slice3A_1673, %select_n3A_1669 : vector<1x800xi1>, vector<1x800xi32>
    %lt3A_1685 = arith.cmpf olt, %select_n3A_1683, %select_n3A_1681 : vector<1x800xf32>
    %eq3A_1686 = arith.cmpf oeq, %select_n3A_1683, %select_n3A_1681 : vector<1x800xf32>
    %lt3A_1687 = arith.cmpi slt, %select_n3A_1684, %select_n3A_1682 : vector<1x800xi32>
    %and3A_1688 = arith.andi %eq3A_1686, %lt3A_1687 : vector<1x800xi1>
    %or3A_1689 = arith.ori %lt3A_1685, %and3A_1688 : vector<1x800xi1>
    %select_n3A_1690 = arith.select %or3A_1689, %select_n3A_1683, %select_n3A_1681 : vector<1x800xi1>, vector<1x800xf32>
    %select_n3A_1691 = arith.select %or3A_1689, %select_n3A_1684, %select_n3A_1682 : vector<1x800xi1>, vector<1x800xi32>
    %slice3A_1692 = vector.extract_strided_slice %select_n3A_1587 {offsets = [5, 0], sizes = [1, 800], strides = [1, 1]} : vector<8x800xf32> to vector<1x800xf32>
    %slice3A_1693 = vector.extract_strided_slice %select_n3A_1588 {offsets = [5, 0], sizes = [1, 800], strides = [1, 1]} : vector<8x800xi32> to vector<1x800xi32>
    %slice3A_1694 = vector.extract_strided_slice %select_n3A_1598 {offsets = [5, 0], sizes = [1, 800], strides = [1, 1]} : vector<8x800xf32> to vector<1x800xf32>
    %slice3A_1695 = vector.extract_strided_slice %select_n3A_1599 {offsets = [5, 0], sizes = [1, 800], strides = [1, 1]} : vector<8x800xi32> to vector<1x800xi32>
    %lt3A_1696 = arith.cmpf olt, %slice3A_1692, %select_n3A_1679 : vector<1x800xf32>
    %eq3A_1697 = arith.cmpf oeq, %slice3A_1692, %select_n3A_1679 : vector<1x800xf32>
    %lt3A_1698 = arith.cmpi slt, %slice3A_1693, %select_n3A_1680 : vector<1x800xi32>
    %and3A_1699 = arith.andi %eq3A_1697, %lt3A_1698 : vector<1x800xi1>
    %or3A_1700 = arith.ori %lt3A_1696, %and3A_1699 : vector<1x800xi1>
    %select_n3A_1701 = arith.select %or3A_1700, %slice3A_1692, %select_n3A_1679 : vector<1x800xi1>, vector<1x800xf32>
    %select_n3A_1702 = arith.select %or3A_1700, %slice3A_1693, %select_n3A_1680 : vector<1x800xi1>, vector<1x800xi32>
    %select_n3A_1703 = arith.select %or3A_1700, %select_n3A_1679, %slice3A_1692 : vector<1x800xi1>, vector<1x800xf32>
    %select_n3A_1704 = arith.select %or3A_1700, %select_n3A_1680, %slice3A_1693 : vector<1x800xi1>, vector<1x800xi32>
    %select_n3A_1705 = arith.select %or3A_1700, %slice3A_1694, %select_n3A_1690 : vector<1x800xi1>, vector<1x800xf32>
    %select_n3A_1706 = arith.select %or3A_1700, %slice3A_1695, %select_n3A_1691 : vector<1x800xi1>, vector<1x800xi32>
    %lt3A_1707 = arith.cmpf olt, %select_n3A_1705, %select_n3A_1703 : vector<1x800xf32>
    %eq3A_1708 = arith.cmpf oeq, %select_n3A_1705, %select_n3A_1703 : vector<1x800xf32>
    %lt3A_1709 = arith.cmpi slt, %select_n3A_1706, %select_n3A_1704 : vector<1x800xi32>
    %and3A_1710 = arith.andi %eq3A_1708, %lt3A_1709 : vector<1x800xi1>
    %or3A_1711 = arith.ori %lt3A_1707, %and3A_1710 : vector<1x800xi1>
    %select_n3A_1712 = arith.select %or3A_1711, %select_n3A_1705, %select_n3A_1703 : vector<1x800xi1>, vector<1x800xf32>
    %select_n3A_1713 = arith.select %or3A_1711, %select_n3A_1706, %select_n3A_1704 : vector<1x800xi1>, vector<1x800xi32>
    %slice3A_1714 = vector.extract_strided_slice %select_n3A_1587 {offsets = [6, 0], sizes = [1, 800], strides = [1, 1]} : vector<8x800xf32> to vector<1x800xf32>
    %slice3A_1715 = vector.extract_strided_slice %select_n3A_1588 {offsets = [6, 0], sizes = [1, 800], strides = [1, 1]} : vector<8x800xi32> to vector<1x800xi32>
    %slice3A_1716 = vector.extract_strided_slice %select_n3A_1598 {offsets = [6, 0], sizes = [1, 800], strides = [1, 1]} : vector<8x800xf32> to vector<1x800xf32>
    %slice3A_1717 = vector.extract_strided_slice %select_n3A_1599 {offsets = [6, 0], sizes = [1, 800], strides = [1, 1]} : vector<8x800xi32> to vector<1x800xi32>
    %lt3A_1718 = arith.cmpf olt, %slice3A_1714, %select_n3A_1701 : vector<1x800xf32>
    %eq3A_1719 = arith.cmpf oeq, %slice3A_1714, %select_n3A_1701 : vector<1x800xf32>
    %lt3A_1720 = arith.cmpi slt, %slice3A_1715, %select_n3A_1702 : vector<1x800xi32>
    %and3A_1721 = arith.andi %eq3A_1719, %lt3A_1720 : vector<1x800xi1>
    %or3A_1722 = arith.ori %lt3A_1718, %and3A_1721 : vector<1x800xi1>
    %select_n3A_1723 = arith.select %or3A_1722, %slice3A_1714, %select_n3A_1701 : vector<1x800xi1>, vector<1x800xf32>
    %select_n3A_1724 = arith.select %or3A_1722, %slice3A_1715, %select_n3A_1702 : vector<1x800xi1>, vector<1x800xi32>
    %select_n3A_1725 = arith.select %or3A_1722, %select_n3A_1701, %slice3A_1714 : vector<1x800xi1>, vector<1x800xf32>
    %select_n3A_1726 = arith.select %or3A_1722, %select_n3A_1702, %slice3A_1715 : vector<1x800xi1>, vector<1x800xi32>
    %select_n3A_1727 = arith.select %or3A_1722, %slice3A_1716, %select_n3A_1712 : vector<1x800xi1>, vector<1x800xf32>
    %select_n3A_1728 = arith.select %or3A_1722, %slice3A_1717, %select_n3A_1713 : vector<1x800xi1>, vector<1x800xi32>
    %lt3A_1729 = arith.cmpf olt, %select_n3A_1727, %select_n3A_1725 : vector<1x800xf32>
    %eq3A_1730 = arith.cmpf oeq, %select_n3A_1727, %select_n3A_1725 : vector<1x800xf32>
    %lt3A_1731 = arith.cmpi slt, %select_n3A_1728, %select_n3A_1726 : vector<1x800xi32>
    %and3A_1732 = arith.andi %eq3A_1730, %lt3A_1731 : vector<1x800xi1>
    %or3A_1733 = arith.ori %lt3A_1729, %and3A_1732 : vector<1x800xi1>
    %select_n3A_1734 = arith.select %or3A_1733, %select_n3A_1727, %select_n3A_1725 : vector<1x800xi1>, vector<1x800xf32>
    %select_n3A_1735 = arith.select %or3A_1733, %select_n3A_1728, %select_n3A_1726 : vector<1x800xi1>, vector<1x800xi32>
    %slice3A_1736 = vector.extract_strided_slice %select_n3A_1587 {offsets = [7, 0], sizes = [1, 800], strides = [1, 1]} : vector<8x800xf32> to vector<1x800xf32>
    %slice3A_1737 = vector.extract_strided_slice %select_n3A_1588 {offsets = [7, 0], sizes = [1, 800], strides = [1, 1]} : vector<8x800xi32> to vector<1x800xi32>
    %slice3A_1738 = vector.extract_strided_slice %select_n3A_1598 {offsets = [7, 0], sizes = [1, 800], strides = [1, 1]} : vector<8x800xf32> to vector<1x800xf32>
    %slice3A_1739 = vector.extract_strided_slice %select_n3A_1599 {offsets = [7, 0], sizes = [1, 800], strides = [1, 1]} : vector<8x800xi32> to vector<1x800xi32>
    %lt3A_1740 = arith.cmpf olt, %slice3A_1736, %select_n3A_1723 : vector<1x800xf32>
    %eq3A_1741 = arith.cmpf oeq, %slice3A_1736, %select_n3A_1723 : vector<1x800xf32>
    %lt3A_1742 = arith.cmpi slt, %slice3A_1737, %select_n3A_1724 : vector<1x800xi32>
    %and3A_1743 = arith.andi %eq3A_1741, %lt3A_1742 : vector<1x800xi1>
    %or3A_1744 = arith.ori %lt3A_1740, %and3A_1743 : vector<1x800xi1>
    %select_n3A_1745 = arith.select %or3A_1744, %slice3A_1737, %select_n3A_1724 : vector<1x800xi1>, vector<1x800xi32>
    %select_n3A_1746 = arith.select %or3A_1744, %select_n3A_1723, %slice3A_1736 : vector<1x800xi1>, vector<1x800xf32>
    %select_n3A_1747 = arith.select %or3A_1744, %select_n3A_1724, %slice3A_1737 : vector<1x800xi1>, vector<1x800xi32>
    %select_n3A_1748 = arith.select %or3A_1744, %slice3A_1738, %select_n3A_1734 : vector<1x800xi1>, vector<1x800xf32>
    %select_n3A_1749 = arith.select %or3A_1744, %slice3A_1739, %select_n3A_1735 : vector<1x800xi1>, vector<1x800xi32>
    %lt3A_1750 = arith.cmpf olt, %select_n3A_1748, %select_n3A_1746 : vector<1x800xf32>
    %eq3A_1751 = arith.cmpf oeq, %select_n3A_1748, %select_n3A_1746 : vector<1x800xf32>
    %lt3A_1752 = arith.cmpi slt, %select_n3A_1749, %select_n3A_1747 : vector<1x800xi32>
    %and3A_1753 = arith.andi %eq3A_1751, %lt3A_1752 : vector<1x800xi1>
    %or3A_1754 = arith.ori %lt3A_1750, %and3A_1753 : vector<1x800xi1>
    %select_n3A_1755 = arith.select %or3A_1754, %select_n3A_1749, %select_n3A_1747 : vector<1x800xi1>, vector<1x800xi32>
    %broadcast_in_dim3A_1756 = vector.shape_cast %select_n3A_1745 : vector<1x800xi32> to vector<1x1x800xi32>
    %swap3A_1757 = arith.constant 0 : index
    %swap3A_1758 = arith.constant 0 : index
    %swap3A_1759 = arith.constant 0 : index
    %swap3A_1760 = vector.load %arg3[%swap3A_1757, %swap3A_1758, %swap3A_1759] : memref<1x1x800xi32, #tpu.memory_space<vmem>>, vector<1x1x800xi32>
    tpu.vector_store %arg3[%swap3A_1757, %swap3A_1758, %swap3A_1759], %broadcast_in_dim3A_1756 {strides = array<i32>} : memref<1x1x800xi32, #tpu.memory_space<vmem>>, vector<1x1x800xi32>,
    %broadcast_in_dim3A_1761 = vector.shape_cast %select_n3A_1755 : vector<1x800xi32> to vector<1x1x800xi32>
    %swap3A_1762 = arith.constant 0 : index
    %swap3A_1763 = arith.constant 0 : index
    %swap3A_1764 = arith.constant 0 : index
    %swap3A_1765 = vector.load %arg4[%swap3A_1762, %swap3A_1763, %swap3A_1764] : memref<1x1x800xi32, #tpu.memory_space<vmem>>, vector<1x1x800xi32>
    tpu.vector_store %arg4[%swap3A_1762, %swap3A_1763, %swap3A_1764], %broadcast_in_dim3A_1761 {strides = array<i32>} : memref<1x1x800xi32, #tpu.memory_space<vmem>>, vector<1x1x800xi32>,
    return
  }
  func.func @transform_0(%arg0: i32) -> (i32, i32) {
    %c0_i32 = arith.constant 0 : i32
    %c0_i32_0 = arith.constant 0 : i32
    %c0_i32_1 = arith.constant 0 : i32
    return %c0_i32, %c0_i32_0 : i32, i32
  }
  func.func @transform_1(%arg0: i32) -> (i32, i32) {
    %c0_i32 = arith.constant 0 : i32
    %c0_i32_0 = arith.constant 0 : i32
    return %arg0, %c0_i32 : i32, i32
  }
  func.func @transform_2(%arg0: i32) -> (i32, i32, i32) {
    %c0_i32 = arith.constant 0 : i32
    %c0_i32_0 = arith.constant 0 : i32
    %c0_i32_1 = arith.constant 0 : i32
    return %arg0, %c0_i32, %c0_i32_0 : i32, i32, i32
  }
  func.func @transform_3(%arg0: i32) -> (i32, i32, i32) {
    %c0_i32 = arith.constant 0 : i32
    %c0_i32_0 = arith.constant 0 : i32
    %c0_i32_1 = arith.constant 0 : i32
    return %arg0, %c0_i32, %c0_i32_0 : i32, i32, i32
  }
  func.func @transform_4(%arg0: i32) -> (i32, i32) {
    %c0_i32 = arith.constant 0 : i32
    %c0_i32_0 = arith.constant 0 : i32
    return %arg0, %c0_i32 : i32, i32
  }
}

</mosaic_0001>

<sc_bundles>
// kernel: kernel.4.cloned.1.call-start
scs
__scs_entry_jumppad:
0x0: {  	(pc) =	sbr.rel $0x88, $3  }
0x1: {  	(tag) =	ssettag $0x0;
	lr =	simm.s32 $0x1  }
0x2: {  	[smem:$0x3F9F] =	sst lr;
	_ =	strace $0xD0000000  }
0x3: {  	_ = 	snop  }
0x4: {  	_ = 	snop  }
0x5: {  	_ = 	snop  }
0x6: {  	_ = 	snop  }
0x7: {  	_ = 	snop  }
__scs_overlays_trampoline_lowered:
0x8: {  	[smem:$0x3FAE] =	sst s0  }
0x9: {  	[smem:$0x3FAF] =	sst s1  }
0xa: {  	[smem:$0x3FB0] =	sst s2  }
0xb: {  	[smem:$0x3FB1] =	sst s3  }
0xc: {  	[smem:$0x3FB2] =	sst s4  }
0xd: {  	[smem:$0x3FB3] =	sst s5  }
0xe: {  	[smem:$0x3FB4] =	sst s6  }
0xf: {  	[smem:$0x3FB5] =	sst s7  }
0x10: {  	[smem:$0x3FB6] =	sst s8  }
0x11: {  	[smem:$0x3FB7] =	sst s9;
	s0 =	simm.s32 @!p0 $0x0  }
0x12: {  	s1 =	sld [smem:$0x3F9D];
	s0 =	simm.s32 @p0 $0x1  }
0x13: {  	[smem:$0x3FB8] =	sst s0;
	s0 =	simm.s32 @!p1 $0x0  }
0x14: {  	s2 =	sld [smem:$0x3F9C];
	s0 =	simm.s32 @p1 $0x1  }
0x15: {  	[smem:$0x3FB9] =	sst s0;
	s0 =	simm.s32 @!p2 $0x0  }
0x16: {  	s3 =	sld [smem:$0x3FDB];
	s0 =	simm.s32 @p2 $0x1  }
0x17: {  	s4 =	simm.s32 $0x1BF5;
	[smem:$0x3FBB] =	sst s0  }
0x18: {  	s0 =	sld [smem:$0x3F9E];
	_ =	swait.ge [sflag:s4], $0x0  }
0x19: {  	s7 =	sld [smem:$0x3F9F]  }
0x1a: {  	s8 =	sadd.s32 $0xFFFFE003, lr  }
0x1b: {  	s9 =	sadd.s32 $0xFFFFFEF7, lr;
	s5 =	simm.s32 $0xFFFFFFFF;
	p2 =	slt.u32 s8, $0xFFFFF086  }
0x1c: {  	p1 =	slt.u32 s9, $0xF7A;
	s5 =	simm.s32 @!p2 $0x0  }
0x1d: {  	s5 =	simm.s32 @p1 $0x1;
	p0 =	seq.s32 s7, s2  }
0x1e: {  	s7 =	smul.u32 @!p0 $0xF7A, s2;
	p2 =	seq.s32 @!p0 s5, $0x0  }
0x1f: {  	s9 =	smul.u32 $0xF7A, s1;
	s8 =	simm.s32 @!p0 $0x1BF5;
	p2 =	por !p2, p0  }
0x20: {  	[sflag:s8] =	ssyncset.s32 @!p0 $0xFFFFF086;
	s6 =	sadd.s32 @!p0 s3, s7;
	s7 =	simm.s32 @!p0 $0x108  }
0x21: {  	s3 =	sadd.s32 s3, s9;
	s6 =	sadd.s32 @!p0 $0x88, s6;
	s7 =	simm.s32 @p2 $0x1082  }
0x22: {  	[simem:s7], [sflag:s8] =	dma.local @!p0 [hbm:s6], $0xF7A  }
0x23: {  	s9 =	sor.u32 $0xD0000000, s2;
	s6 =	simm.s32 $0x108;
	_ =	swait.ge @!p0 [sflag:s8], $0x0  }
0x24: {  	s3 =	sadd.s32 $0x88, s3;
	s6 =	simm.s32 @!p1 $0x1082;
	[sflag:s4] =	ssyncset.s32 $0xFFFFF086  }
0x25: {  	[simem:s6], [sflag:s4] =	dma.local [hbm:s3], $0xF7A  }
0x26: {  	[smem:$0x3F9F] =	sst s1;
	(tag) =	ssettag s2;
	_ =	strace s9  }
0x27: {  	s1 =	sld [smem:$0x3FAF]  }
0x28: {  	s2 =	sld [smem:$0x3FB0]  }
0x29: {  	s4 =	sld [smem:$0x3FB2]  }
0x2a: {  	p0 =	seq.s32 s5, $0x0;
	s5 =	sld [smem:$0x3FB3]  }
0x2b: {  	s6 =	sld [smem:$0x3FB4]  }
0x2c: {  	s7 =	sld [smem:$0x3FB5]  }
0x2d: {  	s3 =	simm.s32 $0x108;
	s8 =	sld [smem:$0x3FB6]  }
0x2e: {  	s3 =	simm.s32 @!p0 $0x1082;
	s9 =	sld [smem:$0x3FB7]  }
0x2f: {  	lr =	sadd.s32 s0, s3;
	s0 =	sld [smem:$0x3FAE]  }
0x30: {  	s3 =	sld [smem:$0x3FB1]  }
0x31: {  	[smem:$0x3FBA] =	sst s10  }
0x32: {  	s10 =	sld [smem:$0x3FB8];
	_ =	sdelay $0x3  }
0x33: {  	p0 =	seq.s32 s10, $0x1;
	s10 =	sld [smem:$0x3FBA];
	_ =	sdelay $0x3  }
0x34: {  	[smem:$0x3FBA] =	sst s10  }
0x35: {  	s10 =	sld [smem:$0x3FB9];
	_ =	sdelay $0x3  }
0x36: {  	p1 =	seq.s32 s10, $0x1;
	s10 =	sld [smem:$0x3FBA];
	_ =	sdelay $0x3  }
0x37: {  	[smem:$0x3FBA] =	sst s10  }
0x38: {  	s10 =	sld [smem:$0x3FBB]  }
0x39: {  	_ = 	snop;
	(pc) =	sbr.ind lr, $3  }
0x3a: {  	_ = 	snop  }
0x3b: {  	_ = 	snop  }
0x3c: {  	p2 =	seq.s32 s10, $0x1;
	s10 =	sld [smem:$0x3FBA]  }
0x3d: {  	_ =	shalt  }
0x3e: {  	_ =	shalt  }
0x3f: {  	_ =	shalt  }
0x40: {  	_ =	shalt  }
0x41: {  	_ =	shalt  }
0x42: {  	_ =	shalt  }
0x43: {  	_ =	shalt  }
0x44: {  	_ =	shalt  }
0x45: {  	_ =	shalt  }
0x46: {  	_ =	shalt  }
0x47: {  	_ =	shalt  }
0x48: {  	_ =	shalt  }
0x49: {  	_ =	shalt  }
0x4a: {  	_ =	shalt  }
0x4b: {  	_ =	shalt  }
0x4c: {  	_ =	shalt  }
0x4d: {  	_ =	shalt  }
0x4e: {  	_ =	shalt  }
0x4f: {  	_ =	shalt  }
0x50: {  	_ =	shalt  }
0x51: {  	_ =	shalt  }
0x52: {  	_ =	shalt  }
0x53: {  	_ =	shalt  }
0x54: {  	_ =	shalt  }
0x55: {  	_ =	shalt  }
0x56: {  	_ =	shalt  }
0x57: {  	_ =	shalt  }
0x58: {  	_ =	shalt  }
0x59: {  	_ =	shalt  }
0x5a: {  	_ =	shalt  }
0x5b: {  	_ =	shalt  }
0x5c: {  	_ =	shalt  }
0x5d: {  	_ =	shalt  }
0x5e: {  	_ =	shalt  }
0x5f: {  	_ =	shalt  }
0x60: {  	_ =	shalt  }
0x61: {  	_ =	shalt  }
0x62: {  	_ =	shalt  }
0x63: {  	_ =	shalt  }
0x64: {  	_ =	shalt  }
0x65: {  	_ =	shalt  }
0x66: {  	_ =	shalt  }
0x67: {  	_ =	shalt  }
0x68: {  	_ =	shalt  }
0x69: {  	_ =	shalt  }
0x6a: {  	_ =	shalt  }
0x6b: {  	_ =	shalt  }
0x6c: {  	_ =	shalt  }
0x6d: {  	_ =	shalt  }
0x6e: {  	_ =	shalt  }
0x6f: {  	_ =	shalt  }
0x70: {  	_ =	shalt  }
0x71: {  	_ =	shalt  }
0x72: {  	_ =	shalt  }
0x73: {  	_ =	shalt  }
0x74: {  	_ =	shalt  }
0x75: {  	_ =	shalt  }
0x76: {  	_ =	shalt  }
0x77: {  	_ =	shalt  }
0x78: {  	_ =	shalt  }
0x79: {  	_ =	shalt  }
0x7a: {  	_ =	shalt  }
0x7b: {  	_ =	shalt  }
0x7c: {  	_ =	shalt  }
0x7d: {  	_ =	shalt  }
0x7e: {  	_ =	shalt  }
0x7f: {  	_ =	shalt  }
0x80: {  	_ =	shalt  }
0x81: {  	_ =	shalt  }
0x82: {  	_ =	shalt  }
0x83: {  	_ =	shalt  }
0x84: {  	_ =	shalt  }
0x85: {  	_ =	shalt  }
0x86: {  	_ =	shalt  }
0x87: {  	_ =	shalt  }
.Lfunc_end0:
.L_simem_size_0:
called_computation_lowered:
.L_overlay_start_0:
0x88: {  	s2 =	sld [smem:$0x3FD9]  }
0x89: {  	s3 =	sld [smem:$0x3FFE];
	_ =	sdelay $0x1  }
0x8a: {  	s1 =	srdreg.scid  }
0x8b: {  	s0 =	sand.u32 $0x1, s1  }
0x8c: {  	s16 =	sshll.u32 s0, $0xA;
	s2 =	sadd.s32 s3, s2  }
0x8d: {  	s2 =	sadd.s32 s2, s16  }
0x8e: {  	[smem:$0x3FC6] =	sst s2  }
0x8f: {  	_ = 	snop  }
0x90: {  	(tm) =	ssettm $0x1  }
0x91: {  	s17 =	sld [smem:$0x3FFB];
	_ =	sdelay $0x3  }
0x92: {  	_ =	strace s17  }
0x93: {  	s2 =	sld [smem:$0x3FFC];
	_ =	sdelay $0x3  }
0x94: {  	_ =	strace s2  }
0x95: {  	s2 =	sld [smem:$0x3FFD];
	_ =	sdelay $0x3  }
0x96: {  	_ =	strace s2  }
0x97: {  	_ =	strace $0x8FFFFFFF  }
0x98: {  	s18 =	sld [smem:$0x3FDB];
	_ =	sdelay $0x1  }
0x99: {  	s19 =	simm.s32 $_scs_section_size  }
0x9a: {  	s4 =	simm.s32 $_size__tile_overlayer_lowered;
	s5 =	simm.s32 $_tile_overlayer_lowered  }
0x9b: {  	s22 =	simm.s32 $0x1BFF;
	s21 =	sshll.u32 s5, $0x1;
	s2 =	sadd.s32 s19, s18  }
0x9c: {  	s6 =	simm.s32 $0x0;
	s20 =	sshll.u32 s4, $0x1;
	s4 =	sadd.s32 s21, s2  }
0x9d: {  	[timem:s6], [sflag:s22] =	dma.local [hbm:s4], s20  }
0x9e: {  	_ =	swait.ge [sflag:s22], s20  }
0x9f: {  	s3 =	ssub.s32 $0x0, s20;
	[sflag:s22] =	ssyncset.done $0x0  }
0xa0: {  	[sflag:s22] =	ssyncadd.s32 s3;
	_ =	sdelay $0x1  }
0xa1: {  	s23 =	simm.s32 $0x1B8B  }
0xa2: {  	_ =	swait.ge [sflag:s23], $0x1  }
0xa3: {  	[sflag:s23] =	ssyncset.done $0x0  }
0xa4: {  	s25 =	simm.s32 $0x1B8E;
	s24 =	sld [smem:$0x3FFE];
	[sflag:s23] =	ssyncadd.s32 $0xFFFFFFFF  }
0xa5: {  	s26 =	simm.s32 $execute0_lowered;
	[smem:$0x3FD2] =	sst s25  }
0xa6: {  	s4 =	sshll.u32 s26, $0x1;
	_ =	strace $0x80000046;
	[dreg:$0x1] =	wrdreg $0xFFFFFFFF  }
0xa7: {  	s28 =	simm.s32 $_size_execute0_lowered;
	s2 =	sadd.s32 s2, s4;
	[dreg:$0x0] =	wrdreg $0x0  }
0xa8: {  	s4 =	sshll.u32 s28, $0x1;
	[dreg:$0x2] =	wrdreg s2  }
0xa9: {  	[dreg:$0x3] =	wrdreg s4  }
0xaa: {  	[dreg:$0x4] =	wrdreg $0xC0  }
0xab: {  	_ =	task [dreg:s6], $0x5FFFF  }
0xac: {  	[dreg:$0x1] =	wrdreg $0xFFFFFFFF  }
0xad: {  	[dreg:$0x0] =	wrdreg $0x60  }
0xae: {  	[dreg:$0x2] =	wrdreg s24  }
0xaf: {  	[dreg:$0x3] =	wrdreg $0x9  }
0xb0: {  	_ =	task.clear_ibuf [dreg:s6], $0x4FFFF;
	_ =	strace $0x90000046  }
0xb1: {  	s29 =	simm.s32 $0x9;
	_ =	strace $0x80000048  }
0xb2: {  	_ =	swait.ge [sflag:s29], $0x1  }
0xb3: {  	[sflag:s29] =	ssyncadd.s32 $0xFFFFFFFF  }
0xb4: {  	_ =	strace $0x90000048  }
0xb5: {  	_ =	sfence  }
0xb6: {  	s30 =	sld [smem:$0x0];
	_ =	sdelay $0x2  }
0xb7: {  	s31 =	sshll.u32 s1, $0xD;
	s1 =	sshrl.u32 s1, $0x2  }
0xb8: {  	s3 =	sand.u32 $0x4000, s31;
	s1 =	sadd.s32 s1, s30  }
0xb9: {  	s0 =	sor.u32 s3, s0;
	s1 =	sshll.u32 s1, $0x11  }
0xba: {  	s0 =	sor.u32 s1, s0  }
0xbb: {  	s0 =	sadd.s32 $0x8F2B, s0  }
0xbc: {  	[sflag:s0] =	ssyncadd.remote.s32 $0x1  }
0xbd: {  	_ =	sfence.sel $0xFFFF  }
0xbe: {  	[dreg:$0x0] =	wrdreg $0xFFFFFFFF;
	(pc) =	sbr.abs _section_cstart, $3  }
0xbf: {  	[dreg:$0x1] =	wrdreg $0xFFFFFFFF  }
0xc0: {  	_ =	task.clear_ibuf [dreg:s6], $0x2FFFF;
	_ =	strace $0x9FFFFFFF  }
0xc1: {  	(tm) =	ssettm $0x7FFFFFFF  }
tec
execute0_lowered:
.L_overlay_start_1:
0x0: {  	(tag) =	ssettag $0x1  }
0x1: {  	v0 =	vimm.s32 $0x76543210;
	v1 =	vimm.s32 $0xFEDCBA98;
	v2 =	vimm.s32 $0x3210FEDC  }
0x2: {  	v3 =	vimm.s32 $0xBA987654;
	v4 =	vimm.s32 $0x10FEDCBA;
	v5 =	vimm.s32 $0x98765432  }
0x3: {  	s4 =	rddreg [dreg:$0x0];
	s1 =	srdreg.scid;
	v6 =	vimm.s32 $0xFEDCBA9;
	v7 =	vimm.s32 $0x87654321;
	vm0 =	vmmov $0x1  }
0x4: {  	s0 =	stileid.u32;
	s2 =	simm.s32 $0x0;
	s11 =	simm.s32 $0x50;
	vm4 =	vmmov $0x1f;
	vm5 =	vmmov $0x3f;
	vm6 =	vmmov $0x7f  }
0x5: {  	s12 =	simm.s32 $0x580;
	s13 =	simm.s32 $0x3D0;
	s14 =	simm.s32 $0x2D80;
	vm7 =	vmmov $0xff;
	vm8 =	vmmov $0x1ff;
	vm9 =	vmmov $0x3ff  }
0x6: {  	s15 =	simm.s32 $0x420;
	s16 =	simm.s32 $0x5580;
	s17 =	simm.s32 $0x470;
	vm10 =	vmmov $0x7ff;
	vm11 =	vmmov $0xfff;
	v2 =	vunpack.c.l.s4.s8 v2  }
0x7: {  	s18 =	simm.s32 $0x7D80;
	s19 =	simm.s32 $0x4C0;
	s20 =	simm.s32 $0xA580;
	v3 =	vunpack.c.l.s4.s8 v3;
	v4 =	vunpack.c.l.s4.s8 v4;
	v5 =	vunpack.c.l.s4.s8 v5  }
0x8: {  	s21 =	simm.s32 $0x2;
	vm12 =	vmmov $0x1fff;
	vm13 =	vmmov $0x3fff;
	s22 =	simm.s32 $0xCD80;
	s23 =	simm.s32 $0x3;
	v2 =	vunpack.c.0.s8.s32 v2  }
0x9: {  	s24 =	simm.s32 $0x0;
	s3 =	sand.u32 $0x1, s1;
	s1 =	rddreg [dreg:$0x1];
	v3 =	vunpack.c.0.s8.s32 v3;
	v4 =	vunpack.c.0.s8.s32 v4;
	v5 =	vunpack.c.0.s8.s32 v5  }
0xa: {  	vm14 =	vmmov $0x7fff;
	s5 =	sshrl.u32 s0, $0x2;
	s29 =	sshll.u32 s0, $0x8;
	v0 =	vunpack.c.l.s4.s8 v0;
	v1 =	vunpack.c.l.s4.s8 v1;
	[smem:$0x7FF] =	sst s2  }
0xb: {  	s6 =	sshll.u32 s3, $0x7;
	s7 =	sand.u32 $0x300, s29;
	s8 =	smul.u32 $0x1C00, s5;
	v2 =	vcombine.low v3, v2;
	v3 =	vcombine.low v5, v4;
	v5 =	vimm.s32 $0x0  }
0xc: {  	v6 =	vunpack.c.l.s4.s8 v6;
	v7 =	vunpack.c.l.s4.s8 v7;
	_ =	strace $0x80000047;
	s30 =	sshll.u32 s5, $0xC;
	s5 =	sshll.u32 s5, $0xA;
	v5 =	vsel vm0, $0xFFFFFFFF, v5  }
0xd: {  	s31 =	ssub.s32 $0x2, s3;
	s3 =	sadd.s32 $0x1800, s4;
	s6 =	sor.u32 s6, s7;
	v1 =	vunpack.c.0.s8.s32 v1;
	vm0 =	vmmov $0x3;
	[tilespmem:$0x1FFC0] =	vst v5;
	v5 =	vimm.s32 $0x0  }
0xe: {  	v6 =	vunpack.c.0.s8.s32 v6;
	v7 =	vunpack.c.0.s8.s32 v7;
	s9 =	sshrl.u32 s31, $0x1;
	s7 =	sor.u32 s8, s6;
	s8 =	sor.u32 s30, s6;
	v5 =	vsel vm0, $0xFFFFFFFF, v5  }
0xf: {  	v0 =	vunpack.c.0.s8.s32 v0;
	s5 =	sor.u32 s5, s6;
	s9 =	ssub.s32 s31, s9;
	s7 =	sshrl.u32 s7, $0x3;
	vm0 =	vmmov $0x7;
	[tilespmem:$0x1FFD0] =	vst v5;
	v5 =	vimm.s32 $0x0  }
0x10: {  	s8 =	sshrl.u32 s8, $0x3;
	s5 =	sshrl.u32 s5, $0x3;
	v1 =	vand.u32 $0xF, v1;
	v4 =	vcombine.low v7, v6;
	s7 =	sadd.s32 s7, s4;
	v5 =	vsel vm0, $0xFFFFFFFF, v5  }
0x11: {  	s8 =	sadd.s32 s8, s4;
	s10 =	sadd.s32 s5, s4;
	v0 =	vcombine.low v1, v0;
	s4 =	sadd.s32 $0xA00, s7;
	vm0 =	vmmov $0xf;
	[tilespmem:$0x1FFE0] =	vst v5;
	v5 =	vimm.s32 $0x0  }
0x12: {  	s5 =	sadd.s32 $0x21800, s8;
	s6 =	sadd.s32 $0x22000, s10;
	v1 =	vand.u32 $0xF, v2;
	v2 =	vand.u32 $0xF, v3;
	s7 =	smax.u32 s9, $0x1;
	v5 =	vsel vm0, $0xFFFFFFFF, v5  }
0x13: {  	s8 =	simm.s32 $0x80;
	s9 =	simm.s32 $0x400;
	v3 =	vand.u32 $0xF, v4;
	v4 =	vimm.s32 $0x0;
	s10 =	simm.s32 $0x1;
	[tilespmem:$0x1FFF0] =	vst v5;
	v5 =	vlaneseq.u32  }
.LBB2_1:
0x14: {  	[tilespmem:s2], [sflag:$0x1] =	stream.strided.gather [hbm4b:s4+s8], $0x380, s9, s8, $0x38;
	[tilespmem:$0xCE00] =	vst v63  }
0x15: {  	s25 =	simm.s32 $0x380  }
0x16: {  	[tilespmem:s25], [sflag:$0x1] =	stream.strided.gather [hbm4b:s5+s8], $0x200, s9, s8, $0x38;
	[tilespmem:$0xCE00] =	vst v63  }
0x17: {  	_ =	swait.ge [sflag:s10], $0x380  }
0x18: {  	[sflag:s10] =	ssyncset.done $0x0  }
0x19: {  	[sflag:s10] =	ssyncadd.s32 $0xFFFFFC80  }
0x1a: {  	_ =	swait.ge [sflag:s10], $0x200  }
0x1b: {  	[sflag:s10] =	ssyncset.done $0x0  }
0x1c: {  	[sflag:s10] =	ssyncadd.s32 $0xFFFFFE00  }
0x1d: {  	[tilespmem:s12], [sflag:$0x2] =	stream.indirect.gather [hbm4b:s3+s11], $0x80, s25, s11, $0xb8;
	[tilespmem:$0xCE00] =	vst v63  }
0x1e: {  	_ = 	snop  }
0x1f: {  	[tilespmem:s14], [sflag:$0x2] =	stream.indirect.gather [hbm4b:s3+s11], $0x80, s13, s11, $0xb8;
	[tilespmem:$0xCE00] =	vst v63  }
0x20: {  	_ = 	snop  }
0x21: {  	[tilespmem:s16], [sflag:$0x2] =	stream.indirect.gather [hbm4b:s3+s11], $0x80, s15, s11, $0xb8;
	[tilespmem:$0xCE00] =	vst v63  }
0x22: {  	_ = 	snop  }
0x23: {  	[tilespmem:s18], [sflag:$0x2] =	stream.indirect.gather [hbm4b:s3+s11], $0x80, s17, s11, $0xb8;
	[tilespmem:$0xCE00] =	vst v63  }
0x24: {  	_ = 	snop  }
0x25: {  	[tilespmem:s20], [sflag:$0x2] =	stream.indirect.gather [hbm4b:s3+s11], $0x80, s19, s11, $0xb8;
	[tilespmem:$0xCE00] =	vst v63  }
0x26: {  	_ =	swait.ge [sflag:s21], $0x2800  }
0x27: {  	[sflag:s21] =	ssyncset.done $0x0  }
0x28: {  	[sflag:s21] =	ssyncadd.s32 $0xFFFFD800  }
0x29: {  	_ =	swait.ge [sflag:s21], $0x2800  }
0x2a: {  	[sflag:s21] =	ssyncset.done $0x0  }
0x2b: {  	[sflag:s21] =	ssyncadd.s32 $0xFFFFD800  }
0x2c: {  	_ =	swait.ge [sflag:s21], $0x2800  }
0x2d: {  	[sflag:s21] =	ssyncset.done $0x0  }
0x2e: {  	[sflag:s21] =	ssyncadd.s32 $0xFFFFD800  }
0x2f: {  	_ =	swait.ge [sflag:s21], $0x2800  }
0x30: {  	[sflag:s21] =	ssyncset.done $0x0  }
0x31: {  	[sflag:s21] =	ssyncadd.s32 $0xFFFFD800  }
0x32: {  	_ =	swait.ge [sflag:s21], $0x2800  }
0x33: {  	[sflag:s21] =	ssyncset.done $0x0  }
0x34: {  	s26 =	simm.s32 $0x980;
	[sflag:s21] =	ssyncadd.s32 $0xFFFFD800  }
0x35: {  	v6 =	vld [tilespmem:s26+$0x380]  }
0x36: {  	v7 =	vld [tilespmem:s26+$0x390]  }
0x37: {  	v8 =	vld [tilespmem:s26+$0x300]  }
0x38: {  	v9 =	vld [tilespmem:s26+$0x310]  }
0x39: {  	v10 =	vld [tilespmem:s26+$0x280]  }
0x3a: {  	v11 =	vld [tilespmem:s26+$0x290]  }
0x3b: {  	v12 =	vld [tilespmem:s26+$0x200]  }
0x3c: {  	s28 =	simm.s32 $0x10;
	v13 =	vld [tilespmem:s26+$0x210]  }
0x3d: {  	v14 =	vld [tilespmem:s28+$0xFFFFFFF0]  }
0x3e: {  	v15 =	vld [tilespmem:s28+$0x0]  }
0x3f: {  	v16 =	vld [tilespmem:s26+$0x180]  }
0x40: {  	v17 =	vld [tilespmem:s26+$0x190]  }
0x41: {  	v18 =	vld [tilespmem:s26+$0x100]  }
0x42: {  	v19 =	vld [tilespmem:s26+$0x110]  }
0x43: {  	v20 =	vld [tilespmem:s26+$0x80]  }
0x44: {  	v21 =	vld [tilespmem:s26+$0x90]  }
0x45: {  	v22 =	vld [tilespmem:s26+$0x0]  }
0x46: {  	v23 =	vld [tilespmem:s26+$0x10];
	v6 =	vsub.f32 v14, v6;
	v7 =	vsub.f32 v15, v7  }
0x47: {  	v24 =	vld [tilespmem:s26+$0xFFFFFF80];
	v8 =	vsub.f32 v14, v8;
	v9 =	vsub.f32 v15, v9  }
0x48: {  	v25 =	vld [tilespmem:s26+$0xFFFFFF90];
	v10 =	vsub.f32 v14, v10;
	v11 =	vsub.f32 v15, v11  }
0x49: {  	v26 =	vld [tilespmem:s26+$0xFFFFFF00];
	v12 =	vsub.f32 v14, v12;
	v13 =	vsub.f32 v15, v13  }
0x4a: {  	v27 =	vld [tilespmem:s26+$0xFFFFFF10];
	v16 =	vsub.f32 v14, v16;
	v17 =	vsub.f32 v15, v17  }
0x4b: {  	v28 =	vld [tilespmem:s26+$0xFFFFFE80];
	v18 =	vsub.f32 v14, v18;
	v19 =	vsub.f32 v15, v19  }
0x4c: {  	v29 =	vld [tilespmem:s26+$0xFFFFFE90];
	v20 =	vsub.f32 v14, v20;
	v21 =	vsub.f32 v15, v21  }
0x4d: {  	v30 =	vld [tilespmem:s26+$0xFFFFFE00];
	v22 =	vsub.f32 v14, v22;
	v23 =	vsub.f32 v15, v23  }
0x4e: {  	v31 =	vld [tilespmem:s26+$0xFFFFFE10];
	v24 =	vsub.f32 v14, v24;
	v25 =	vsub.f32 v15, v25  }
0x4f: {  	v32 =	vld [tilespmem:s26+$0xFFFFFD80];
	v26 =	vsub.f32 v14, v26;
	v27 =	vsub.f32 v15, v27;
	v6 =	vmul.f32 v6, v6  }
0x50: {  	v33 =	vld [tilespmem:s26+$0xFFFFFD90];
	v28 =	vsub.f32 v14, v28;
	v8 =	vmul.f32 v8, v8;
	v7 =	vmul.f32 v7, v7  }
0x51: {  	v34 =	vld [tilespmem:s26+$0xFFFFFD00];
	v29 =	vsub.f32 v15, v29;
	v9 =	vmul.f32 v9, v9;
	v10 =	vmul.f32 v10, v10  }
0x52: {  	v35 =	vld [tilespmem:s26+$0xFFFFFD10];
	v30 =	vsub.f32 v14, v30;
	v11 =	vmul.f32 v11, v11;
	v12 =	vmul.f32 v12, v12  }
0x53: {  	v36 =	vld [tilespmem:s26+$0xFFFFFC00];
	v31 =	vsub.f32 v15, v31;
	v13 =	vmul.f32 v13, v13;
	v16 =	vmul.f32 v16, v16  }
0x54: {  	v37 =	vld [tilespmem:s26+$0xFFFFFC10];
	v32 =	vsub.f32 v14, v32;
	v17 =	vmul.f32 v17, v17;
	v18 =	vmul.f32 v18, v18  }
0x55: {  	v38 =	vld [tilespmem:s26+$0xFFFFFC80];
	v33 =	vsub.f32 v15, v33;
	v19 =	vmul.f32 v19, v19;
	v20 =	vmul.f32 v20, v20  }
0x56: {  	v39 =	vld [tilespmem:s26+$0xFFFFFC90];
	v34 =	vsub.f32 v14, v34;
	v22 =	vmul.f32 v22, v22;
	v21 =	vmul.f32 v21, v21  }
0x57: {  	v35 =	vsub.f32 v15, v35;
	v24 =	vmul.f32 v24, v24;
	v23 =	vmul.f32 v23, v23  }
0x58: {  	v36 =	vsub.f32 v14, v36;
	v26 =	vmul.f32 v26, v26;
	v25 =	vmul.f32 v25, v25  }
0x59: {  	v37 =	vsub.f32 v15, v37;
	v28 =	vmul.f32 v28, v28;
	v27 =	vmul.f32 v27, v27  }
0x5a: {  	v14 =	vsub.f32 v14, v38;
	v30 =	vmul.f32 v30, v30;
	v29 =	vmul.f32 v29, v29  }
0x5b: {  	v15 =	vsub.f32 v15, v39;
	v32 =	vmul.f32 v32, v32;
	v31 =	vmul.f32 v31, v31  }
0x5c: {  	v34 =	vmul.f32 v34, v34;
	v33 =	vmul.f32 v33, v33;
	v8 =	vadd.f32 v9, v8  }
0x5d: {  	v35 =	vmul.f32 v35, v35;
	v6 =	vadd.f32 v7, v6;
	v9 =	vadd.f32 v13, v12  }
0x5e: {  	v14 =	vmul.f32 v14, v14;
	v10 =	vadd.f32 v11, v10;
	v12 =	vadd.f32 v19, v18  }
0x5f: {  	v15 =	vmul.f32 v15, v15;
	v13 =	vadd.f32 v17, v16;
	v16 =	vadd.f32 v23, v22  }
0x60: {  	v7 =	vmul.f32 v36, v36;
	v17 =	vadd.f32 v21, v20;
	v18 =	vadd.f32 v27, v26  }
0x61: {  	v11 =	vmul.f32 v37, v37;
	v19 =	vadd.f32 v25, v24;
	v20 =	vadd.f32 v31, v30  }
0x62: {  	v21 =	vadd.f32 v29, v28;
	v22 =	vperm.xlane v6, v0;
	v24 =	vperm.xlane v10, v0  }
0x63: {  	v23 =	vadd.f32 v33, v32;
	v25 =	vperm.xlane v8, v0;
	v27 =	vperm.xlane v13, v0  }
0x64: {  	v28 =	vperm.xlane v9, v0;
	v7 =	vadd.f32 v11, v7;
	v11 =	vperm.xlane v17, v0  }
0x65: {  	v14 =	vadd.f32 v15, v14;
	v29 =	vperm.xlane v12, v0;
	v15 =	vperm.xlane v19, v0  }
0x66: {  	v26 =	vadd.f32 v35, v34;
	v30 =	vperm.xlane v16, v0;
	v31 =	vperm.xlane v21, v0  }
0x67: {  	v40 =	vperm.xlane v18, v0;
	v6 =	vadd.f32 v6, v22;
	v10 =	vadd.f32 v10, v24  }
0x68: {  	v22 =	vperm.xlane v20, v0;
	v8 =	vadd.f32 v8, v25;
	v13 =	vadd.f32 v13, v27  }
0x69: {  	v24 =	vperm.xlane v23, v0;
	v9 =	vadd.f32 v9, v28;
	v11 =	vadd.f32 v17, v11  }
0x6a: {  	v25 =	vperm.xlane v26, v0;
	v12 =	vadd.f32 v12, v29;
	v15 =	vadd.f32 v19, v15  }
0x6b: {  	v17 =	vperm.xlane v7, v0;
	v16 =	vadd.f32 v16, v30;
	v21 =	vadd.f32 v21, v31  }
0x6c: {  	v19 =	vperm.xlane v14, v0;
	v18 =	vadd.f32 v18, v40;
	v20 =	vadd.f32 v20, v22  }
0x6d: {  	v22 =	vperm.xlane v8, v1;
	v27 =	vperm.xlane v6, v1;
	v23 =	vadd.f32 v23, v24  }
0x6e: {  	v24 =	vperm.xlane v9, v1;
	v25 =	vadd.f32 v26, v25;
	v26 =	vperm.xlane v12, v1  }
0x6f: {  	v29 =	vperm.xlane v13, v1;
	v7 =	vadd.f32 v7, v17;
	v17 =	vperm.xlane v16, v1  }
0x70: {  	v30 =	vperm.xlane v11, v1;
	v14 =	vadd.f32 v14, v19;
	v19 =	vperm.xlane v18, v1  }
0x71: {  	v31 =	vperm.xlane v15, v1;
	v6 =	vadd.f32 v6, v27;
	v27 =	vperm.xlane v23, v1  }
0x72: {  	v8 =	vadd.f32 v8, v22;
	v22 =	vperm.xlane v25, v1;
	v13 =	vadd.f32 v13, v29  }
0x73: {  	v9 =	vadd.f32 v9, v24;
	v24 =	vperm.xlane v7, v1;
	v11 =	vadd.f32 v11, v30  }
0x74: {  	v12 =	vadd.f32 v12, v26;
	v26 =	vperm.xlane v14, v1;
	v15 =	vadd.f32 v15, v31  }
0x75: {  	v23 =	vadd.f32 v23, v27;
	v27 =	vperm.xlane v13, v2;
	v7 =	vadd.f32 v7, v24  }
0x76: {  	v16 =	vadd.f32 v16, v17;
	v18 =	vadd.f32 v18, v19;
	v19 =	vperm.xlane v6, v2  }
0x77: {  	v22 =	vadd.f32 v25, v22;
	v13 =	vadd.f32 v13, v27;
	v27 =	vperm.xlane v7, v2  }
0x78: {  	v25 =	vperm.xlane v11, v2;
	v31 =	vperm.xlane v16, v2;
	v14 =	vadd.f32 v14, v26  }
0x79: {  	v6 =	vadd.f32 v6, v19;
	v19 =	vperm.xlane v23, v2;
	v7 =	vadd.f32 v7, v27  }
0x7a: {  	v28 =	vperm.xlane v10, v1;
	v16 =	vadd.f32 v16, v31;
	v11 =	vadd.f32 v11, v25  }
0x7b: {  	v25 =	vperm.xlane v14, v2;
	v19 =	vadd.f32 v23, v19;
	v31 =	vperm.xlane v7, v3  }
0x7c: {  	v42 =	vperm.xlane v21, v1;
	v10 =	vadd.f32 v10, v28  }
0x7d: {  	v14 =	vadd.f32 v14, v25;
	v7 =	vadd.f32 v7, v31;
	v31 =	vperm.xlane v19, v3  }
0x7e: {  	v41 =	vperm.xlane v20, v1;
	v17 =	vadd.f32 v21, v42;
	v21 =	vperm.xlane v10, v2  }
0x7f: {  	v45 =	vperm.xlane v14, v3;
	v19 =	vadd.f32 v19, v31;
	v31 =	vld [tilespmem:$0x1FFC0]  }
0x80: {  	v20 =	vadd.f32 v20, v41;
	v10 =	vadd.f32 v10, v21;
	v21 =	vperm.xlane v22, v2  }
0x81: {  	v14 =	vadd.f32 v14, v45  }
0x82: {  	v44 =	vperm.xlane v20, v2;
	v21 =	vadd.f32 v22, v21  }
0x83: {  	v7 =	vperm.xlane v7, v4;
	v14 =	vperm.xlane v14, v4  }
0x84: {  	v20 =	vadd.f32 v20, v44;
	v23 =	vperm.xlane v21, v3;
	vm0 =	vnez.u8 v31  }
0x85: {  	v7 =	vsel vm0, v7, v14;
	v14 =	vperm.xlane v19, v4;
	v19 =	vld [tilespmem:$0x1FFD0]  }
0x86: {  	v21 =	vadd.f32 v21, v23;
	v23 =	vperm.xlane v20, v3;
	_ =	sdelay $0x1  }
0x87: {  	v26 =	vperm.xlane v17, v2;
	v20 =	vadd.f32 v20, v23  }
0x88: {  	v28 =	vperm.xlane v8, v2  }
0x89: {  	v17 =	vadd.f32 v17, v26;
	vm0 =	vnez.u8 v19;
	v19 =	vperm.xlane v20, v4;
	v20 =	vld [tilespmem:$0x1FFE0]  }
0x8a: {  	v29 =	vperm.xlane v9, v2;
	v24 =	vperm.xlane v15, v2  }
0x8b: {  	v43 =	vperm.xlane v18, v2;
	v47 =	vperm.xlane v17, v3  }
0x8c: {  	v8 =	vadd.f32 v8, v28;
	v9 =	vadd.f32 v9, v29;
	v21 =	vperm.xlane v21, v4  }
0x8d: {  	v30 =	vperm.xlane v12, v2;
	v18 =	vadd.f32 v18, v43;
	v17 =	vadd.f32 v17, v47  }
0x8e: {  	v15 =	vadd.f32 v15, v24;
	v7 =	vsel vm0, v7, v21;
	vm0 =	vnez.u8 v20  }
0x8f: {  	v24 =	vperm.xlane v8, v3;
	v7 =	vsel vm0, v7, v14;
	v14 =	vperm.xlane v17, v4;
	v17 =	vld [tilespmem:$0x1FFF0]  }
0x90: {  	v12 =	vadd.f32 v12, v30;
	v26 =	vperm.xlane v6, v3;
	v27 =	vperm.xlane v9, v3  }
0x91: {  	v28 =	vperm.xlane v10, v3;
	v23 =	vperm.xlane v18, v3  }
0x92: {  	v25 =	vperm.xlane v12, v3;
	v46 =	vperm.xlane v15, v3  }
0x93: {  	v29 =	vperm.xlane v13, v3;
	v22 =	vperm.xlane v16, v3;
	v18 =	vadd.f32 v18, v23  }
0x94: {  	v30 =	vperm.xlane v11, v3;
	v15 =	vadd.f32 v15, v46;
	vm0 =	vnez.u8 v17  }
0x95: {  	v16 =	vadd.f32 v16, v22;
	v17 =	vperm.xlane v18, v4;
	v7 =	vsel vm0, v7, v19  }
0x96: {  	v11 =	vadd.f32 v11, v30;
	v7 =	vsel vm4, v7, v14;
	v14 =	vperm.xlane v15, v4  }
0x97: {  	v12 =	vadd.f32 v12, v25;
	v15 =	vperm.xlane v16, v4;
	v7 =	vsel vm5, v7, v17  }
0x98: {  	s26 =	simm.s32 $0x1180;
	v13 =	vadd.f32 v13, v29;
	v11 =	vperm.xlane v11, v4;
	v7 =	vsel vm6, v7, v14  }
0x99: {  	v50 =	vld [tilespmem:s26+$0xFFFFFD80];
	v9 =	vadd.f32 v9, v27;
	v12 =	vperm.xlane v12, v4;
	v7 =	vsel vm7, v7, v15  }
0x9a: {  	v10 =	vadd.f32 v10, v28;
	v22 =	vld [tilespmem:s26+$0x100];
	v7 =	vsel vm8, v7, v11;
	v11 =	vperm.xlane v13, v4  }
0x9b: {  	v8 =	vadd.f32 v8, v24;
	v9 =	vperm.xlane v9, v4;
	v20 =	vld [tilespmem:s26+$0x180];
	v7 =	vsel vm9, v7, v12  }
0x9c: {  	s28 =	simm.s32 $0x30;
	v6 =	vadd.f32 v6, v26;
	v10 =	vperm.xlane v10, v4;
	v12 =	vld [tilespmem:s25+$0x0];
	v7 =	vsel vm10, v7, v11  }
0x9d: {  	v8 =	vperm.xlane v8, v4;
	v18 =	vld [tilespmem:s28+$0xFFFFFFF0];
	v7 =	vsel vm11, v7, v9  }
0x9e: {  	v24 =	vld [tilespmem:s26+$0x80];
	v6 =	vperm.xlane v6, v4;
	v7 =	vsel vm12, v7, v10  }
0x9f: {  	v29 =	vld [tilespmem:s26+$0xFFFFFF80];
	v7 =	vsel vm13, v7, v8  }
0xa0: {  	v31 =	vld [tilespmem:s26+$0xFFFFFF00];
	v6 =	vsel vm14, v7, v6  }
0xa1: {  	v52 =	vld [tilespmem:s26+$0xFFFFFD00];
	v7 =	vperm.xlane v12, v0;
	v8 =	vperm.xlane v6, v0  }
0xa2: {  	v54 =	vld [tilespmem:s26+$0xFFFFFC00];
	v30 =	vmov s2;
	v20 =	vsub.f32 v18, v20;
	v22 =	vsub.f32 v18, v22  }
0xa3: {  	v16 =	vld [tilespmem:s26+$0x200];
	v24 =	vsub.f32 v18, v24;
	vm15 =	vlt.s32 v7, v12;
	vm0 =	veq.f32 v8, v6  }
0xa4: {  	v29 =	vsub.f32 v18, v29;
	vm0 =	vmand vm0, vm15;
	vm15 =	vlt.f32 v8, v6  }
0xa5: {  	v28 =	vld [tilespmem:s26+$0x10];
	v31 =	vsub.f32 v18, v31;
	v34 =	vsub.f32 v18, v50;
	vm0 =	vmor vm15, vm0  }
0xa6: {  	v17 =	vld [tilespmem:s26+$0x210];
	v36 =	vsub.f32 v18, v52;
	v6 =	vsel vm0, v8, v6;
	v7 =	vsel vm0, v7, v12  }
0xa7: {  	v14 =	vld [tilespmem:s26+$0x280];
	v38 =	vsub.f32 v18, v54;
	v12 =	vperm.xlane v6, v1;
	v13 =	vperm.xlane v7, v1  }
0xa8: {  	v16 =	vsub.f32 v18, v16;
	v20 =	vmul.f32 v20, v20;
	v22 =	vmul.f32 v22, v22;
	v11 =	vld [tilespmem:s26+$0x300]  }
0xa9: {  	v24 =	vmul.f32 v24, v24;
	v9 =	vld [tilespmem:s26+$0x380];
	vm0 =	veq.f32 v12, v6;
	vm15 =	vlt.s32 v13, v7  }
0xaa: {  	v29 =	vmul.f32 v29, v29;
	v10 =	vld [tilespmem:s26+$0x390];
	vm0 =	vmand vm0, vm15;
	vm15 =	vlt.f32 v12, v6  }
0xab: {  	v31 =	vmul.f32 v31, v31;
	v34 =	vmul.f32 v34, v34;
	v8 =	vld [tilespmem:s26+$0x310];
	vm0 =	vmor vm15, vm0  }
0xac: {  	v36 =	vmul.f32 v36, v36;
	v6 =	vsel vm0, v12, v6;
	v7 =	vsel vm0, v13, v7;
	v12 =	vld [tilespmem:s28+$0x0]  }
0xad: {  	v15 =	vld [tilespmem:s26+$0x290];
	v14 =	vsub.f32 v18, v14;
	v13 =	vperm.xlane v6, v2;
	v19 =	vperm.xlane v7, v2  }
0xae: {  	v21 =	vld [tilespmem:s26+$0x190];
	v16 =	vmul.f32 v16, v16;
	v11 =	vsub.f32 v18, v11;
	v9 =	vsub.f32 v18, v9  }
0xaf: {  	v48 =	vld [tilespmem:s26+$0xFFFFFF10];
	v14 =	vmul.f32 v14, v14;
	vm0 =	veq.f32 v13, v6;
	vm15 =	vlt.s32 v19, v7  }
0xb0: {  	v49 =	vld [tilespmem:s26+$0xFFFFFE90];
	v11 =	vmul.f32 v11, v11;
	v9 =	vmul.f32 v9, v9;
	vm0 =	vmand vm0, vm15  }
0xb1: {  	v51 =	vld [tilespmem:s26+$0xFFFFFD90];
	vm15 =	vlt.f32 v13, v6;
	v10 =	vsub.f32 v12, v10;
	v27 =	vsub.f32 v12, v8  }
0xb2: {  	v53 =	vld [tilespmem:s26+$0xFFFFFD10];
	vm0 =	vmor vm15, vm0;
	v15 =	vsub.f32 v12, v15;
	v17 =	vsub.f32 v12, v17  }
0xb3: {  	v55 =	vld [tilespmem:s26+$0xFFFFFC10];
	v21 =	vsub.f32 v12, v21;
	v28 =	vsub.f32 v12, v28;
	v6 =	vsel vm0, v13, v6  }
0xb4: {  	v32 =	vsub.f32 v12, v48;
	v7 =	vsel vm0, v19, v7;
	v19 =	vperm.xlane v6, v3  }
0xb5: {  	v33 =	vsub.f32 v12, v49;
	v25 =	vperm.xlane v7, v3;
	v10 =	vmul.f32 v10, v10  }
0xb6: {  	v35 =	vsub.f32 v12, v51;
	v27 =	vmul.f32 v27, v27;
	v15 =	vmul.f32 v15, v15  }
0xb7: {  	v37 =	vsub.f32 v12, v53;
	v17 =	vmul.f32 v17, v17;
	v21 =	vmul.f32 v21, v21  }
0xb8: {  	v39 =	vsub.f32 v12, v55;
	v28 =	vmul.f32 v28, v28;
	v32 =	vmul.f32 v32, v32  }
0xb9: {  	v13 =	vld [tilespmem:s26+$0x90];
	v33 =	vmul.f32 v33, v33;
	v35 =	vmul.f32 v35, v35;
	vm0 =	veq.f32 v19, v6  }
0xba: {  	vm15 =	vlt.s32 v25, v7;
	v27 =	vadd.f32 v27, v11;
	v11 =	vmul.f32 v37, v37  }
0xbb: {  	v23 =	vld [tilespmem:s26+$0x110];
	v9 =	vadd.f32 v10, v9;
	v10 =	vadd.f32 v17, v16;
	v16 =	vmul.f32 v38, v38  }
0xbc: {  	v26 =	vld [tilespmem:s26+$0x0];
	v14 =	vadd.f32 v15, v14;
	vm0 =	vmand vm0, vm15;
	vm15 =	vlt.f32 v19, v6  }
0xbd: {  	v15 =	vmul.f32 v39, v39;
	v20 =	vadd.f32 v21, v20;
	v19 =	vld [tilespmem:s26+$0xFFFFFF90];
	vm0 =	vmor vm15, vm0  }
0xbe: {  	v13 =	vsub.f32 v12, v13;
	vm15 =	veq.s32 v30, v5;
	v30 =	vld [tilespmem:s26+$0xFFFFFE10];
	v56 =	vadd.f32 v11, v36  }
0xbf: {  	s29 =	simm.s32 $0xFFFFFFF0;
	v41 =	vld [tilespmem:s26+$0xFFFFFC90];
	v57 =	vperm.xlane v10, v0;
	v21 =	vadd.f32 v15, v16;
	v6 =	vsel vm0, v25, v7  }
0xc0: {  	v7 =	vsub.f32 v12, v23;
	v23 =	vld [tilespmem:s26+$0xFFFFFE80];
	v25 =	vmov s29;
	v8 =	vperm.xlane v6, v4  }
0xc1: {  	vm0 =	veq.s32 v25, v5;
	v25 =	vsub.f32 v18, v26;
	v26 =	vld [tilespmem:s26+$0xFFFFFE00];
	v13 =	vmul.f32 v13, v13  }
0xc2: {  	v40 =	vld [tilespmem:s26+$0xFFFFFC80];
	v63 =	vperm.xlane v56, v0;
	v7 =	vmul.f32 v7, v7;
	v19 =	vsub.f32 v12, v19  }
0xc3: {  	v25 =	vmul.f32 v25, v25;
	v13 =	vadd.f32 v13, v24;
	v30 =	vsub.f32 v12, v30  }
0xc4: {  	v6 =	vsel vm0, v8, v4;
	v12 =	vsub.f32 v12, v41;
	v7 =	vadd.f32 v7, v22  }
0xc5: {  	v23 =	vsub.f32 v18, v23;
	v19 =	vmul.f32 v19, v19;
	v25 =	vadd.f32 v28, v25  }
0xc6: {  	v28 =	vperm.xlane v14, v0;
	v58 =	vperm.xlane v13, v0;
	v26 =	vsub.f32 v18, v26  }
0xc7: {  	v18 =	vsub.f32 v18, v40;
	v30 =	vmul.f32 v30, v30;
	v12 =	vmul.f32 v12, v12  }
0xc8: {  	v16 =	vperm.xlane v7, v0;
	v23 =	vmul.f32 v23, v23;
	v24 =	vadd.f32 v19, v29  }
0xc9: {  	v19 =	vperm.xlane v9, v0;
	v60 =	vperm.xlane v25, v0;
	v11 =	vadd.f32 v14, v28  }
0xca: {  	v17 =	vmul.f32 v18, v18;
	v18 =	vadd.f32 v32, v31;
	v31 =	vadd.f32 v35, v34  }
0xcb: {  	v26 =	vmul.f32 v26, v26;
	v23 =	vadd.f32 v33, v23;
	v15 =	vadd.f32 v9, v19  }
0xcc: {  	v29 =	vperm.xlane v27, v0;
	v19 =	vadd.f32 v10, v57;
	v9 =	vadd.f32 v13, v58  }
0xcd: {  	v59 =	vperm.xlane v24, v0;
	v13 =	vadd.f32 v25, v60;
	v26 =	vadd.f32 v30, v26  }
0xce: {  	v30 =	vperm.xlane v20, v0;
	v22 =	vadd.f32 v12, v17;
	v62 =	vperm.xlane v18, v0  }
0xcf: {  	v17 =	vadd.f32 v27, v29;
	v27 =	vperm.xlane v31, v0;
	v29 =	vperm.xlane v21, v0  }
0xd0: {  	v61 =	vperm.xlane v23, v0;
	v10 =	vadd.f32 v24, v59;
	v28 =	vperm.xlane v15, v1  }
0xd1: {  	v14 =	vperm.xlane v26, v0;
	v12 =	vadd.f32 v20, v30;
	v20 =	vadd.f32 v7, v16  }
0xd2: {  	v30 =	vperm.xlane v22, v0;
	v24 =	vadd.f32 v18, v62;
	v25 =	vperm.xlane v17, v1  }
0xd3: {  	v16 =	vadd.f32 v31, v27;
	v31 =	vperm.xlane v11, v1;
	v18 =	vadd.f32 v56, v63  }
0xd4: {  	v7 =	vimm.s32 $0x0;
	v14 =	vadd.f32 v26, v14;
	v26 =	vperm.xlane v19, v1  }
0xd5: {  	s30 =	simm.s32 $0x2;
	s29 =	simm.s32 $0x1;
	v23 =	vadd.f32 v23, v61;
	v27 =	vperm.xlane v20, v1;
	v32 =	vperm.xlane v12, v1  }
.LBB2_2:
0xd6: {  	v21 =	vadd.f32 v21, v29;
	v29 =	vperm.xlane v13, v1;
	v33 =	vperm.xlane v9, v1  }
0xd7: {  	v22 =	vadd.f32 v22, v30;
	v30 =	vperm.xlane v24, v1;
	v34 =	vperm.xlane v10, v1  }
0xd8: {  	v35 =	vperm.xlane v14, v1;
	v15 =	vadd.f32 v15, v28;
	v11 =	vadd.f32 v11, v31  }
0xd9: {  	v28 =	vperm.xlane v16, v1;
	v17 =	vadd.f32 v17, v25;
	v12 =	vadd.f32 v12, v32  }
0xda: {  	v25 =	vperm.xlane v18, v1;
	v19 =	vadd.f32 v19, v26;
	v20 =	vadd.f32 v20, v27  }
0xdb: {  	v26 =	vperm.xlane v21, v1;
	v9 =	vadd.f32 v9, v33;
	v27 =	vperm.xlane v22, v1  }
0xdc: {  	v13 =	vadd.f32 v13, v29;
	v24 =	vadd.f32 v24, v30;
	v29 =	vperm.xlane v15, v2  }
0xdd: {  	v16 =	vadd.f32 v16, v28;
	v28 =	vperm.xlane v12, v2;
	v18 =	vadd.f32 v18, v25  }
0xde: {  	v25 =	vperm.xlane v9, v2;
	v21 =	vadd.f32 v21, v26;
	v22 =	vadd.f32 v22, v27  }
0xdf: {  	v14 =	vadd.f32 v14, v35;
	v30 =	vperm.xlane v11, v2;
	v12 =	vadd.f32 v12, v28  }
0xe0: {  	v28 =	vperm.xlane v21, v2;
	v9 =	vadd.f32 v9, v25;
	v25 =	vperm.xlane v22, v2  }
0xe1: {  	v54 =	vperm.xlane v24, v2;
	v11 =	vadd.f32 v11, v30;
	v30 =	vperm.xlane v18, v2  }
0xe2: {  	v55 =	vperm.xlane v14, v2;
	v21 =	vadd.f32 v21, v28;
	v22 =	vadd.f32 v22, v25  }
0xe3: {  	v38 =	vld [tilespmem:$0x1FFC0];
	v15 =	vadd.f32 v15, v29;
	v29 =	vperm.xlane v16, v2;
	v18 =	vadd.f32 v18, v30  }
0xe4: {  	v10 =	vadd.f32 v10, v34;
	v58 =	vperm.xlane v21, v3;
	v59 =	vperm.xlane v22, v3  }
0xe5: {  	v39 =	vld [tilespmem:$0x1FFD0];
	v16 =	vadd.f32 v16, v29;
	v14 =	vadd.f32 v14, v55;
	v29 =	vperm.xlane v18, v3  }
0xe6: {  	v36 =	vperm.xlane v23, v1;
	v21 =	vadd.f32 v21, v58;
	v22 =	vadd.f32 v22, v59  }
0xe7: {  	v24 =	vadd.f32 v24, v54;
	v18 =	vadd.f32 v18, v29;
	v29 =	vperm.xlane v14, v3  }
0xe8: {  	vm0 =	vnez.u8 v38;
	v21 =	vperm.xlane v21, v4;
	v22 =	vperm.xlane v22, v4  }
0xe9: {  	v18 =	vperm.xlane v18, v4;
	v14 =	vadd.f32 v14, v29;
	v29 =	vperm.xlane v24, v3  }
0xea: {  	v23 =	vadd.f32 v23, v36;
	v21 =	vsel vm0, v21, v22;
	vm0 =	vnez.u8 v39  }
0xeb: {  	v31 =	vperm.xlane v17, v2;
	v18 =	vsel vm0, v21, v18;
	v21 =	vadd.f32 v24, v29;
	v29 =	vld [tilespmem:$0x1FFE0]  }
0xec: {  	v7 =	vsel vm15, v8, v7;
	v52 =	vperm.xlane v20, v2;
	v53 =	vperm.xlane v13, v2  }
0xed: {  	v26 =	vperm.xlane v10, v2;
	v27 =	vperm.xlane v23, v2;
	v17 =	vadd.f32 v17, v31  }
0xee: {  	v51 =	vperm.xlane v19, v2;
	v20 =	vadd.f32 v20, v52;
	v13 =	vadd.f32 v13, v53  }
0xef: {  	v10 =	vadd.f32 v10, v26;
	v23 =	vadd.f32 v23, v27;
	v61 =	vperm.xlane v16, v3  }
0xf0: {  	s25 =	sadd.s32 $0x10, s25;
	v31 =	vperm.xlane v11, v3;
	v56 =	vperm.xlane v12, v3;
	vm0 =	vnez.u8 v29;
	v29 =	vld [tilespmem:$0x1FFF0]  }
0xf1: {  	s26 =	sadd.s32 $0x800, s26;
	v63 =	vld [tilespmem:s25+$0x0];
	v25 =	vperm.xlane v20, v3;
	v62 =	vperm.xlane v23, v3;
	v16 =	vadd.f32 v16, v61  }
0xf2: {  	v37 =	vld [tilespmem:s26+$0x380];
	v19 =	vadd.f32 v19, v51;
	v30 =	vperm.xlane v13, v3;
	v60 =	vperm.xlane v10, v3  }
0xf3: {  	v8 =	vld [tilespmem:s26+$0x100];
	v57 =	vperm.xlane v9, v3;
	v16 =	vperm.xlane v16, v4;
	v22 =	vadd.f32 v23, v62  }
0xf4: {  	v42 =	vld [tilespmem:s26+$0xFFFFFE80];
	v11 =	vadd.f32 v11, v31;
	v10 =	vadd.f32 v10, v60;
	v14 =	vperm.xlane v14, v4  }
0xf5: {  	v45 =	vld [tilespmem:s26+$0xFFFFFE00];
	v16 =	vsel vm0, v18, v16;
	v18 =	vperm.xlane v22, v4;
	vm0 =	vnez.u8 v29  }
0xf6: {  	v47 =	vld [tilespmem:s26+$0xFFFFFD80];
	v13 =	vadd.f32 v13, v30;
	v14 =	vsel vm0, v16, v14;
	v16 =	vperm.xlane v21, v4  }
0xf7: {  	v31 =	vld [tilespmem:s26+$0xFFFFFF00];
	v9 =	vadd.f32 v9, v57;
	v10 =	vperm.xlane v10, v4;
	v14 =	vsel vm4, v14, v18  }
0xf8: {  	s28 =	sadd.s32 $0x20, s28;
	v28 =	vperm.xlane v19, v3;
	v13 =	vperm.xlane v13, v4;
	v24 =	vld [tilespmem:s26+$0x300];
	v14 =	vsel vm5, v14, v16  }
0xf9: {  	s31 =	sadd.s32 $0xFFFFFFF0, s29;
	v16 =	vadd.f32 v20, v25;
	v10 =	vsel vm6, v14, v10;
	v14 =	vperm.xlane v9, v4;
	v9 =	vld [tilespmem:s28+$0xFFFFFFF0]  }
0xfa: {  	v43 =	vmov s31;
	v26 =	vperm.xlane v17, v3;
	v12 =	vadd.f32 v12, v56;
	v21 =	vld [tilespmem:s26+$0x280]  }
0xfb: {  	v20 =	vld [tilespmem:s26+$0x200];
	v10 =	vsel vm7, v10, v13;
	v13 =	vperm.xlane v16, v4;
	v16 =	vadd.f32 v19, v28  }
0xfc: {  	v27 =	vperm.xlane v15, v3;
	v12 =	vperm.xlane v12, v4;
	v29 =	vld [tilespmem:s26+$0xFFFFFF80];
	v14 =	vsel vm8, v10, v14  }
0xfd: {  	v23 =	vld [tilespmem:s26+$0x390];
	v13 =	vsel vm9, v14, v13;
	v14 =	vperm.xlane v16, v4;
	v16 =	vadd.f32 v17, v26  }
0xfe: {  	v19 =	vld [tilespmem:s26+$0x80];
	v12 =	vsel vm10, v13, v12;
	v13 =	vadd.f32 v15, v27;
	v26 =	vsub.f32 v9, v37  }
0xff: {  	v11 =	vperm.xlane v11, v4;
	v28 =	vld [tilespmem:s26+$0x0];
	v24 =	vsub.f32 v9, v24;
	v21 =	vsub.f32 v9, v21  }
0x100: {  	v10 =	vld [tilespmem:s28+$0x0];
	v12 =	vsel vm11, v12, v14;
	v20 =	vsub.f32 v9, v20;
	v8 =	vsub.f32 v9, v8  }
0x101: {  	v22 =	vld [tilespmem:s26+$0x310];
	v14 =	vperm.xlane v16, v4;
	v29 =	vsub.f32 v9, v29;
	v31 =	vsub.f32 v9, v31  }
0x102: {  	v18 =	vld [tilespmem:s26+$0x290];
	v16 =	vmov s29;
	v34 =	vsub.f32 v9, v42;
	v37 =	vsub.f32 v9, v45  }
0x103: {  	v25 =	vld [tilespmem:s26+$0x210];
	v35 =	vsub.f32 v9, v47;
	v11 =	vsel vm12, v12, v11;
	v12 =	vperm.xlane v13, v4  }
0x104: {  	v30 =	vld [tilespmem:s26+$0xFFFFFF90];
	vm15 =	veq.s32 v16, v5;
	v19 =	vsub.f32 v9, v19;
	v28 =	vsub.f32 v9, v28  }
0x105: {  	v11 =	vsel vm13, v11, v14;
	v14 =	vperm.xlane v63, v0;
	v23 =	vsub.f32 v10, v23  }
0x106: {  	v44 =	vld [tilespmem:s26+$0xFFFFFE90];
	v22 =	vsub.f32 v10, v22;
	v26 =	vmul.f32 v26, v26;
	v24 =	vmul.f32 v24, v24  }
0x107: {  	v39 =	vld [tilespmem:s26+$0xFFFFFD90];
	v18 =	vsub.f32 v10, v18;
	v21 =	vmul.f32 v21, v21;
	v20 =	vmul.f32 v20, v20  }
0x108: {  	v17 =	vld [tilespmem:s26+$0x180];
	v25 =	vsub.f32 v10, v25;
	v29 =	vmul.f32 v29, v29;
	v31 =	vmul.f32 v31, v31  }
0x109: {  	v30 =	vsub.f32 v10, v30;
	v34 =	vmul.f32 v34, v34;
	v37 =	vmul.f32 v37, v37  }
0x10a: {  	v15 =	vld [tilespmem:s26+$0x190];
	v35 =	vmul.f32 v35, v35;
	v11 =	vsel vm14, v11, v12;
	v19 =	vmul.f32 v19, v19  }
0x10b: {  	v13 =	vld [tilespmem:s26+$0x110];
	v36 =	vsub.f32 v10, v44;
	v28 =	vmul.f32 v28, v28;
	v27 =	vperm.xlane v11, v0  }
0x10c: {  	v16 =	vld [tilespmem:s26+$0x10];
	v52 =	vsub.f32 v10, v39;
	v23 =	vmul.f32 v23, v23;
	v22 =	vmul.f32 v22, v22  }
0x10d: {  	v17 =	vsub.f32 v9, v17;
	v18 =	vmul.f32 v18, v18;
	v25 =	vmul.f32 v25, v25  }
0x10e: {  	vm1 =	vlt.s32 v14, v63;
	v30 =	vmul.f32 v30, v30;
	v36 =	vmul.f32 v36, v36  }
0x10f: {  	v15 =	vsub.f32 v10, v15;
	v38 =	vmul.f32 v52, v52;
	v17 =	vmul.f32 v17, v17  }
0x110: {  	v12 =	vld [tilespmem:s26+$0x90];
	vm0 =	veq.f32 v27, v11;
	vm2 =	vlt.f32 v27, v11;
	v13 =	vsub.f32 v10, v13  }
0x111: {  	v16 =	vsub.f32 v10, v16;
	v15 =	vmul.f32 v15, v15;
	vm0 =	vmand vm0, vm1  }
0x112: {  	v24 =	vadd.f32 v22, v24;
	v23 =	vadd.f32 v23, v26;
	vm0 =	vmor vm2, vm0  }
0x113: {  	v20 =	vadd.f32 v25, v20;
	v11 =	vsel vm0, v27, v11;
	v14 =	vsel vm0, v14, v63  }
0x114: {  	v18 =	vadd.f32 v18, v21;
	v40 =	vperm.xlane v11, v1;
	v41 =	vperm.xlane v14, v1  }
0x115: {  	v55 =	vadd.f32 v36, v34;
	v12 =	vsub.f32 v10, v12;
	v13 =	vmul.f32 v13, v13  }
0x116: {  	v16 =	vmul.f32 v16, v16;
	vm0 =	veq.f32 v40, v11;
	vm1 =	vlt.s32 v41, v14  }
0x117: {  	v25 =	vadd.f32 v15, v17;
	vm2 =	vlt.f32 v40, v11;
	vm0 =	vmand vm0, vm1  }
0x118: {  	v17 =	vperm.xlane v18, v0;
	v60 =	vperm.xlane v55, v0;
	vm0 =	vmor vm2, vm0  }
0x119: {  	v12 =	vmul.f32 v12, v12;
	v11 =	vsel vm0, v40, v11;
	v14 =	vsel vm0, v41, v14  }
0x11a: {  	v27 =	vld [tilespmem:s26+$0xFFFFFF10];
	v16 =	vadd.f32 v16, v28;
	v32 =	vperm.xlane v11, v2;
	v33 =	vperm.xlane v14, v2  }
0x11b: {  	v46 =	vld [tilespmem:s26+$0xFFFFFE10];
	v28 =	vadd.f32 v30, v29;
	v29 =	vperm.xlane v25, v0;
	v30 =	vperm.xlane v20, v0  }
0x11c: {  	v26 =	vadd.f32 v12, v19;
	vm1 =	veq.f32 v32, v11;
	vm2 =	vlt.s32 v33, v14  }
0x11d: {  	v12 =	vperm.xlane v23, v0;
	vm3 =	vlt.f32 v32, v11;
	vm1 =	vmand vm1, vm2  }
0x11e: {  	v19 =	vperm.xlane v24, v0;
	v59 =	vperm.xlane v16, v0;
	vm1 =	vmor vm3, vm1  }
0x11f: {  	v51 =	vld [tilespmem:s26+$0xFFFFFC00];
	v27 =	vsub.f32 v10, v27;
	v11 =	vsel vm1, v32, v11;
	v14 =	vsel vm1, v33, v14  }
0x120: {  	v53 =	vld [tilespmem:s26+$0xFFFFFC80];
	v48 =	vsub.f32 v10, v46;
	v49 =	vperm.xlane v11, v3;
	v50 =	vperm.xlane v14, v3  }
0x121: {  	v56 =	vadd.f32 v38, v35;
	v40 =	vld [tilespmem:s26+$0xFFFFFD00];
	v41 =	vmul.f32 v8, v8;
	v27 =	vmul.f32 v27, v27  }
0x122: {  	vm1 =	veq.f32 v49, v11;
	vm2 =	vlt.s32 v50, v14;
	vm3 =	vlt.f32 v49, v11;
	v11 =	vld [tilespmem:s26+$0xFFFFFD10]  }
0x123: {  	v15 =	vadd.f32 v23, v12;
	v13 =	vadd.f32 v13, v41;
	vm1 =	vmand vm1, vm2  }
0x124: {  	v12 =	vadd.f32 v25, v29;
	v27 =	vadd.f32 v27, v31;
	vm1 =	vmor vm3, vm1  }
0x125: {  	v23 =	vadd.f32 v55, v60;
	v58 =	vperm.xlane v13, v0;
	v8 =	vsel vm1, v50, v14;
	v14 =	vld [tilespmem:s26+$0xFFFFFC10]  }
0x126: {  	v42 =	vld [tilespmem:s26+$0xFFFFFC90];
	v40 =	vsub.f32 v9, v40;
	v61 =	vperm.xlane v27, v0;
	v33 =	vsub.f32 v9, v51  }
0x127: {  	v9 =	vsub.f32 v9, v53;
	v32 =	vmul.f32 v48, v48;
	v11 =	vsub.f32 v10, v11  }
0x128: {  	vm0 =	veq.s32 v43, v5;
	v54 =	vmul.f32 v40, v40;
	v22 =	vmul.f32 v33, v33  }
0x129: {  	v9 =	vmul.f32 v9, v9;
	v31 =	vadd.f32 v32, v37;
	v11 =	vmul.f32 v11, v11  }
0x12a: {  	v32 =	vperm.xlane v12, v1;
	v8 =	vperm.xlane v8, v4;
	v14 =	vsub.f32 v10, v14  }
0x12b: {  	v62 =	vperm.xlane v31, v0;
	v10 =	vsub.f32 v10, v42;
	v57 =	vadd.f32 v11, v54  }
0x12c: {  	v6 =	vsel vm0, v8, v6;
	v11 =	vadd.f32 v18, v17;
	v17 =	vadd.f32 v24, v19  }
0x12d: {  	v18 =	vperm.xlane v56, v0;
	v19 =	vadd.f32 v20, v30;
	v20 =	vadd.f32 v13, v58  }
0x12e: {  	v13 =	vadd.f32 v16, v59;
	v14 =	vmul.f32 v14, v14;
	v10 =	vmul.f32 v10, v10  }
0x12f: {  	p0 =	sne.s32 s30, $0x18;
	v24 =	vadd.f32 v27, v61;
	v63 =	vperm.xlane v57, v0;
	v25 =	vperm.xlane v17, v1  }
.Ltmp0:
0x130: {  	v16 =	vadd.f32 v56, v18;
	v21 =	vadd.f32 v14, v22;
	v14 =	vperm.xlane v26, v0;
	(pc) =	sbr.rel @p0 .LBB2_2-.Ltmp0, $4  }
0x131: {  	v27 =	vperm.xlane v20, v1;
	v22 =	vadd.f32 v10, v9;
	v10 =	vperm.xlane v28, v0  }
0x132: {  	v18 =	vadd.f32 v57, v63;
	v9 =	vadd.f32 v26, v14;
	v29 =	vperm.xlane v21, v0  }
0x133: {  	v10 =	vadd.f32 v28, v10;
	v30 =	vperm.xlane v22, v0;
	v28 =	vperm.xlane v15, v1  }
0x134: {  	s29 =	smov.u32 s30;
	s30 =	sadd.s32 $0x1, s30;
	v14 =	vadd.f32 v31, v62;
	v26 =	vperm.xlane v19, v1;
	v31 =	vperm.xlane v11, v1  }
0x135: {  	v54 =	vperm.xlane v13, v1  }
0x136: {  	v21 =	vadd.f32 v21, v29;
	v33 =	vperm.xlane v9, v1;
	v55 =	vperm.xlane v24, v1  }
0x137: {  	v22 =	vadd.f32 v22, v30;
	v34 =	vperm.xlane v10, v1;
	v36 =	vperm.xlane v23, v1  }
0x138: {  	v15 =	vadd.f32 v15, v28;
	v56 =	vperm.xlane v16, v1;
	v17 =	vadd.f32 v17, v25  }
0x139: {  	v57 =	vperm.xlane v18, v1;
	v12 =	vadd.f32 v12, v32;
	v20 =	vadd.f32 v20, v27  }
0x13a: {  	v35 =	vperm.xlane v14, v1;
	v11 =	vadd.f32 v11, v31;
	v19 =	vadd.f32 v19, v26  }
0x13b: {  	v58 =	vperm.xlane v21, v1;
	v9 =	vadd.f32 v9, v33;
	v10 =	vadd.f32 v10, v34  }
0x13c: {  	v59 =	vperm.xlane v22, v1;
	v13 =	vadd.f32 v13, v54;
	v23 =	vadd.f32 v23, v36  }
0x13d: {  	v24 =	vadd.f32 v24, v55;
	v60 =	vperm.xlane v15, v2;
	v62 =	vperm.xlane v17, v2  }
0x13e: {  	v16 =	vadd.f32 v16, v56;
	v63 =	vperm.xlane v12, v2;
	v18 =	vadd.f32 v18, v57  }
0x13f: {  	v42 =	vperm.xlane v20, v2;
	v14 =	vadd.f32 v14, v35;
	v61 =	vperm.xlane v11, v2  }
0x140: {  	v39 =	vld [tilespmem:$0x1FFC0];
	v40 =	vperm.xlane v19, v2;
	v41 =	vperm.xlane v9, v2;
	v21 =	vadd.f32 v21, v58  }
0x141: {  	v43 =	vperm.xlane v10, v2;
	v44 =	vperm.xlane v13, v2;
	v22 =	vadd.f32 v22, v59  }
0x142: {  	v45 =	vperm.xlane v23, v2;
	v46 =	vperm.xlane v24, v2;
	v17 =	vadd.f32 v17, v62  }
0x143: {  	v15 =	vadd.f32 v15, v60;
	v48 =	vperm.xlane v16, v2;
	v49 =	vperm.xlane v18, v2  }
0x144: {  	v20 =	vadd.f32 v20, v42;
	v12 =	vadd.f32 v12, v63;
	v47 =	vperm.xlane v14, v2  }
0x145: {  	v19 =	vadd.f32 v19, v40;
	v11 =	vadd.f32 v11, v61;
	vm0 =	vnez.u8 v39  }
0x146: {  	v50 =	vperm.xlane v21, v2;
	v13 =	vadd.f32 v13, v44;
	v9 =	vadd.f32 v9, v41  }
0x147: {  	v51 =	vperm.xlane v22, v2;
	v24 =	vadd.f32 v24, v46;
	v10 =	vadd.f32 v10, v43  }
0x148: {  	v23 =	vadd.f32 v23, v45;
	v26 =	vperm.xlane v17, v3;
	v27 =	vperm.xlane v15, v3  }
0x149: {  	v54 =	vperm.xlane v20, v3;
	v55 =	vperm.xlane v12, v3;
	v18 =	vadd.f32 v18, v49  }
0x14a: {  	v52 =	vperm.xlane v19, v3;
	v53 =	vperm.xlane v11, v3;
	v21 =	vadd.f32 v21, v50  }
0x14b: {  	v22 =	vadd.f32 v22, v51;
	v56 =	vperm.xlane v13, v3;
	v57 =	vperm.xlane v9, v3  }
0x14c: {  	v16 =	vadd.f32 v16, v48;
	v60 =	vperm.xlane v18, v3;
	v61 =	vperm.xlane v10, v3  }
0x14d: {  	v14 =	vadd.f32 v14, v47;
	v58 =	vperm.xlane v21, v3;
	v59 =	vperm.xlane v22, v3  }
0x14e: {  	v41 =	vld [tilespmem:$0x1FFD0];
	v62 =	vperm.xlane v16, v3;
	v37 =	vperm.xlane v23, v3;
	v18 =	vadd.f32 v18, v60  }
0x14f: {  	v43 =	vld [tilespmem:$0x1FFE0];
	v38 =	vperm.xlane v24, v3;
	v21 =	vadd.f32 v21, v58;
	v22 =	vadd.f32 v22, v59  }
0x150: {  	v45 =	vld [tilespmem:$0x1FFF0];
	v63 =	vperm.xlane v14, v3;
	v16 =	vadd.f32 v16, v62;
	v40 =	vadd.f32 v23, v37  }
0x151: {  	v42 =	vadd.f32 v24, v38;
	v21 =	vperm.xlane v21, v4;
	v22 =	vperm.xlane v22, v4  }
0x152: {  	v10 =	vadd.f32 v10, v61;
	v14 =	vadd.f32 v14, v63;
	v18 =	vperm.xlane v18, v4  }
0x153: {  	v16 =	vperm.xlane v16, v4;
	v21 =	vsel vm0, v21, v22;
	vm0 =	vnez.u8 v41  }
0x154: {  	v14 =	vperm.xlane v14, v4;
	v18 =	vsel vm0, v21, v18;
	vm0 =	vnez.u8 v43  }
0x155: {  	v44 =	vperm.xlane v40, v4;
	v16 =	vsel vm0, v18, v16;
	vm0 =	vnez.u8 v45  }
0x156: {  	v13 =	vadd.f32 v13, v56;
	v46 =	vperm.xlane v42, v4;
	v14 =	vsel vm0, v16, v14  }
0x157: {  	v9 =	vadd.f32 v9, v57;
	v10 =	vperm.xlane v10, v4;
	v14 =	vsel vm4, v14, v44  }
0x158: {  	v47 =	vadd.f32 v20, v54;
	v13 =	vperm.xlane v13, v4;
	v14 =	vsel vm5, v14, v46  }
0x159: {  	v12 =	vadd.f32 v12, v55;
	v9 =	vperm.xlane v9, v4;
	v10 =	vsel vm6, v14, v10  }
0x15a: {  	v49 =	vadd.f32 v19, v52;
	v48 =	vperm.xlane v47, v4;
	v10 =	vsel vm7, v10, v13  }
0x15b: {  	v11 =	vadd.f32 v11, v53;
	v50 =	vperm.xlane v12, v4;
	v9 =	vsel vm8, v10, v9  }
0x15c: {  	s25 =	sadd.s32 $0x10, s25;
	v52 =	vadd.f32 v17, v26;
	v51 =	vperm.xlane v49, v4;
	v9 =	vsel vm9, v9, v48  }
0x15d: {  	v55 =	vadd.f32 v15, v27;
	v53 =	vld [tilespmem:s25+$0x0];
	v54 =	vperm.xlane v11, v4;
	v9 =	vsel vm10, v9, v50  }
0x15e: {  	v56 =	vperm.xlane v52, v4;
	v9 =	vsel vm11, v9, v51  }
0x15f: {  	v57 =	vperm.xlane v55, v4;
	v9 =	vsel vm12, v9, v54  }
0x160: {  	v9 =	vsel vm13, v9, v56  }
0x161: {  	v9 =	vsel vm14, v9, v57  }
0x162: {  	v58 =	vperm.xlane v53, v0;
	v59 =	vperm.xlane v9, v0;
	_ =	sdelay $0x1  }
0x163: {  	vm1 =	vlt.s32 v58, v53;
	vm0 =	veq.f32 v59, v9  }
0x164: {  	vm0 =	vmand vm0, vm1;
	vm1 =	vlt.f32 v59, v9  }
0x165: {  	vm0 =	vmor vm1, vm0  }
0x166: {  	v9 =	vsel vm0, v59, v9;
	v10 =	vsel vm0, v58, v53  }
0x167: {  	v11 =	vperm.xlane v9, v1;
	v60 =	vperm.xlane v10, v1;
	_ =	sdelay $0x1  }
0x168: {  	vm0 =	veq.f32 v11, v9;
	vm1 =	vlt.s32 v60, v10  }
0x169: {  	vm0 =	vmand vm0, vm1;
	vm1 =	vlt.f32 v11, v9  }
0x16a: {  	vm0 =	vmor vm1, vm0  }
0x16b: {  	v9 =	vsel vm0, v11, v9;
	v10 =	vsel vm0, v60, v10  }
0x16c: {  	v11 =	vperm.xlane v9, v2;
	v12 =	vperm.xlane v10, v2;
	_ =	sdelay $0x1  }
0x16d: {  	vm0 =	veq.f32 v11, v9;
	vm1 =	vlt.s32 v12, v10  }
0x16e: {  	vm0 =	vmand vm0, vm1;
	vm1 =	vlt.f32 v11, v9  }
0x16f: {  	vm0 =	vmor vm1, vm0  }
0x170: {  	v9 =	vsel vm0, v11, v9;
	v10 =	vsel vm0, v12, v10  }
0x171: {  	v11 =	vperm.xlane v9, v3;
	v12 =	vperm.xlane v10, v3;
	_ =	sdelay $0x1  }
0x172: {  	vm0 =	veq.f32 v11, v9;
	vm1 =	vlt.s32 v12, v10  }
0x173: {  	vm0 =	vmand vm0, vm1;
	vm1 =	vlt.f32 v11, v9  }
0x174: {  	vm0 =	vmor vm1, vm0  }
0x175: {  	v61 =	vsel vm0, v12, v10  }
0x176: {  	s31 =	sadd.s32 $0xFFFFFFF0, s29;
	v62 =	vmov s29;
	v9 =	vperm.xlane v61, v4  }
0x177: {  	v7 =	vsel vm15, v8, v7;
	v63 =	vmov s31;
	vm0 =	veq.s32 v62, v5  }
0x178: {  	s24 =	sadd.s32 $0x1, s24;
	v7 =	vsel vm0, v9, v7;
	vm0 =	veq.s32 v63, v5  }
0x179: {  	p0 =	sne.s32 s24, s7;
	v6 =	vsel vm0, v9, v6;
	[tilespmem:$0xCD80] =	vst v7  }
.Ltmp1:
0x17a: {  	[tilespmem:$0xCD90] =	vst v6;
	(pc) =	sbr.rel @p0 .LBB2_1-.Ltmp1, $4  }
0x17b: {  	[hbm4b:s6+s2] =	stream.linear.scatter [tilespmem:s22], [sflag:$0x3], $0x80, $0x38;
	[tilespmem:$0xCE00] =	vst v63  }
0x17c: {  	_ =	swait.ge [sflag:s23], $0x80  }
0x17d: {  	[sflag:s23] =	ssyncset.done $0x0  }
0x17e: {  	[sflag:s23] =	ssyncadd.s32 $0xFFFFFF80  }
0x17f: {  	_ =	sfence.sel $0x180000  }
0x180: {  	[bflag:$0x0] =	sbarrier.arrive $0xFFFF  }
0x181: {  	p0 =	sne.s32 s0, $0x0;
	_ =	strace $0x90000047  }
0x182: {  	s0 =	sadd.s32 @!p0 $0x100000, s1;
	[bflag:$0x2] =	sbarrier.arrive $0xFFFF  }
0x183: {  	[sflag:s0] =	ssyncadd.tile.s32 @!p0 $0x1;
	_ =	shalt  }
.Lfunc_end2:
_tile_overlayer_lowered:
.L_overlay_start_2:
0x184: {  	(tag) =	ssettag $0x2  }
0x185: {  	s0 =	rddreg [dreg:$0x0];
	s2 =	stileid.u32  }
0x186: {  	s1 =	rddreg [dreg:$0x1];
	p0 =	sne.s32 s2, $0x0  }
0x187: {  	s3 =	rddreg [dreg:$0x2];
	[bflag:$0x3] =	sbarrier.arrive $0xFFFF;
	s2 =	simm.s32 @!p0 $0x1C03  }
0x188: {  	[timem:s3], [sflag:s2] =	dma.local @!p0 [hbm:s0], s1  }
0x189: {  	s0 =	simm.s32 @!p0 $0x3  }
0x18a: {  	_ =	swait.ge @!p0 [sflag:s0], s1  }
0x18b: {  	s1 =	ssub.s32 @!p0 $0x0, s1;
	[sflag:s0] =	ssyncset.done @!p0 $0x0  }
0x18c: {  	[sflag:s0] =	ssyncadd.s32 @!p0 s1  }
0x18d: {  	[bflag:$0x3] =	sbarrier.arrive $0xFFFF  }
0x18e: {  	_ =	shalt  }

</sc_bundles>
